<compile_context>
chip_gen: v7x
topology: tpu7x:2x2x1
jax: 0.10.2.dev20260603
libtpu: 0.0.44.dev20260713+nightly
codegen_flags: <defaults>
</compile_context>

<pallas_src>
import jax
import jax.numpy as jnp
from jax import lax
from jax.experimental import pallas as pl
from jax.experimental.pallas import tpu as pltpu
from jax.experimental.pallas import tpu_sc as plsc

BATCH = 16384
DIM = 16
_NC = 2
_NS = 16
_NW = _NC * _NS
_RPW = BATCH // _NW
_CH = 128
_NCHUNK = _RPW // _CH


def _mirt_body(stu_ref, exer_ref, thetas_ref, alphas_ref, betas_ref, out_ref,
               sidx, eidx, th, al, be, ov, sem_t, sem_a, sem_b):
    wid = lax.axis_index("s") * _NC + lax.axis_index("c")
    base = wid * _RPW
    pltpu.sync_copy(stu_ref.at[pl.ds(base, _RPW)], sidx)
    pltpu.sync_copy(exer_ref.at[pl.ds(base, _RPW)], eidx)

    c_be = pltpu.async_copy(betas_ref.at[eidx], be, sem_b)

    lane = lax.iota(jnp.int32, 16)

    for s in range(_NCHUNK):
        def fire(k, carry):
            o = pl.multiple_of(s * _CH + k * 16, 16)
            sv = sidx[pl.ds(o, 16)]
            ev = eidx[pl.ds(o, 16)]
            for l in range(16):
                dst = pl.ds(k * 16 + l, 1)
                pltpu.async_copy(thetas_ref.at[pl.ds(sv[l], 1), :],
                                 th.at[dst, :], sem_t)
                pltpu.async_copy(alphas_ref.at[pl.ds(ev[l], 1), :],
                                 al.at[dst, :], sem_a)
            return carry

        lax.fori_loop(0, _CH // 16, fire, 0)
        pltpu.make_async_copy(thetas_ref.at[pl.ds(0, _CH), :], th,
                              sem_t).wait()
        pltpu.make_async_copy(alphas_ref.at[pl.ds(0, _CH), :], al,
                              sem_a).wait()
        if s == 0:
            c_be.wait()

        def chunk_body(k, carry):
            o = pl.multiple_of(s * _CH + k * 16, 16)
            rows = k * 16 + lane
            acc = jnp.zeros((16,), jnp.float32)
            for c in range(DIM):
                cv = jnp.full((16,), c, jnp.int32)
                acc = acc + plsc.load_gather(th, [rows, cv]) * \
                    plsc.load_gather(al, [rows, cv])
            x = acc - be[pl.ds(o, 16)]
            ov[pl.ds(o, 16)] = 1.0 / (1.0 + jnp.exp(-x))
            return carry

        lax.fori_loop(0, _CH // 16, chunk_body, 0)

    pltpu.sync_copy(ov, out_ref.at[pl.ds(base, _RPW)])


def kernel(stu_id, exer_id, kn_emb, thetas, alphas, betas):
    del kn_emb
    mesh = plsc.VectorSubcoreMesh(core_axis_name="c", subcore_axis_name="s",
                                  num_cores=_NC, num_subcores=_NS)
    return pl.kernel(
        _mirt_body,
        out_type=jax.ShapeDtypeStruct((BATCH,), jnp.float32),
        mesh=mesh,
        compiler_params=pltpu.CompilerParams(needs_layout_passes=False),
        scratch_types=[
            pltpu.VMEM((_RPW,), jnp.int32),
            pltpu.VMEM((_RPW,), jnp.int32),
            pltpu.VMEM((_CH, DIM), jnp.float32),
            pltpu.VMEM((_CH, DIM), jnp.float32),
            pltpu.VMEM((_RPW,), jnp.float32),
            pltpu.VMEM((_RPW,), jnp.float32),
            pltpu.SemaphoreType.DMA,
            pltpu.SemaphoreType.DMA,
            pltpu.SemaphoreType.DMA,
        ],
    )(stu_id, exer_id, thetas, alphas, betas.reshape(-1))

# --- scband reference (transcript-rebuilt; emitter-appended) ---
"""Pipeline reference for scband-mirt-1958505087545 (READ-ONLY COPY).

The authoritative reference and input builder live on the scoring server;
editing this copy changes nothing except your own understanding.
"""

import jax, jax.numpy as jnp
import numpy as np

NUM_USERS = 1000000
EXER_N = 100000
KNOWLEDGE_N = 128
DIM = 16
BATCH = 16384

def setup_inputs(seed: int = 0) -> dict:
    key = jax.random.key(seed)
    k1, k2, k3, k4, k5, k6 = jax.random.split(key, 6)
    stu_id = jax.random.randint(k1, (BATCH,), 0, NUM_USERS, dtype=jnp.int64 if jax.config.jax_enable_x64 else jnp.int32)
    exer_id = jax.random.randint(k2, (BATCH,), 0, EXER_N, dtype=jnp.int64 if jax.config.jax_enable_x64 else jnp.int32)
    kn_emb = jax.random.uniform(k3, (BATCH, KNOWLEDGE_N), dtype=jnp.float32)
    # learned parameters (xavier-normal-ish init)
    thetas = jax.random.normal(k4, (NUM_USERS, DIM), dtype=jnp.float32) * (2.0 / (NUM_USERS + DIM)) ** 0.5
    alphas = jax.random.normal(k5, (EXER_N, DIM), dtype=jnp.float32) * (2.0 / (EXER_N + DIM)) ** 0.5
    betas = jax.random.normal(k6, (EXER_N, 1), dtype=jnp.float32) * (2.0 / (EXER_N + 1)) ** 0.5
    return {"stu_id": stu_id, "exer_id": exer_id, "kn_emb": kn_emb,
            "thetas": thetas, "alphas": alphas, "betas": betas}

def reference(stu_id, exer_id, kn_emb, thetas, alphas, betas):
    theta = jnp.take(thetas, stu_id, axis=0)      # [B, dim]
    alpha = jnp.take(alphas, exer_id, axis=0)     # [B, dim]
    beta = jnp.take(betas, exer_id, axis=0)       # [B, 1]
    pred = jax.nn.sigmoid(jnp.sum(alpha * theta, axis=1, keepdims=True) - beta)
    return pred.reshape(-1)

if __name__ == "__main__":
    import jax
    _d = setup_inputs()
    print(jax.jit(kernel)(*tuple(_d.values())))

</pallas_src>

<mosaic_0001>
#map = affine_map<(d0, d1) -> (0)>
#map1 = affine_map<(d0, d1) -> (0, 0)>
module attributes {stable_mosaic.version = 14 : i64} {
  func.func @_mirt_body(%arg0: i32, %arg1: i32, %arg2: memref<16384xi32, #tpu.memory_space<hbm>>, %arg3: memref<16384xi32, #tpu.memory_space<hbm>>, %arg4: memref<1000000x16xf32, #tpu.memory_space<hbm>>, %arg5: memref<100000x16xf32, #tpu.memory_space<hbm>>, %arg6: memref<100000xf32, #tpu.memory_space<hbm>>, %arg7: memref<16384xf32, #tpu.memory_space<hbm>>, %arg8: memref<512xi32, #tpu.memory_space<vmem>>, %arg9: memref<512xi32, #tpu.memory_space<vmem>>, %arg10: memref<128x16xf32, #tpu.memory_space<vmem>>, %arg11: memref<128x16xf32, #tpu.memory_space<vmem>>, %arg12: memref<512xf32, #tpu.memory_space<vmem>>, %arg13: memref<512xf32, #tpu.memory_space<vmem>>, %arg14: memref<!tpu.dma_semaphore, #tpu.memory_space<semaphore_mem>>, %arg15: memref<!tpu.dma_semaphore, #tpu.memory_space<semaphore_mem>>, %arg16: memref<!tpu.dma_semaphore, #tpu.memory_space<semaphore_mem>>) attributes {dimension_semantics = [#tpu.dimension_semantics<core_parallel>, #tpu.dimension_semantics<subcore_parallel>], iteration_bounds = array<i64: 2, 16>, scalar_prefetch = 0 : i64, scratch_operands = 9 : i64, tpu.core_type = #tpu.core_type<sc_vector_subcore>, window_params = [{transform_indices = #map}, {transform_indices = #map}, {transform_indices = #map1}, {transform_indices = #map1}, {transform_indices = #map}, {transform_indices = #map}]} {
    %mul3A = arith.constant 2 : i32
    %mul3A_0 = arith.muli %arg1, %mul3A : i32
    %add3A = arith.addi %mul3A_0, %arg0 : i32
    %mul3A_1 = arith.constant 512 : i32
    %mul3A_2 = arith.muli %add3A, %mul3A_1 : i32
    "tpu.region"() ({
      %run_scoped3A = tpu.sem_alloc : memref<!tpu.dma_semaphore, #tpu.memory_space<semaphore_mem>>
      %dma_start3A_100 = tpu.memref_slice %arg2[%mul3A_2] : memref<16384xi32, #tpu.memory_space<hbm>> -> memref<512xi32, #tpu.memory_space<hbm>>
      %dma_start3A_101 = tpu.memref_slice %arg2[%mul3A_2] : memref<16384xi32, #tpu.memory_space<hbm>> -> memref<512xi32, #tpu.memory_space<hbm>>
      tpu.enqueue_dma source(%dma_start3A_101 : memref<512xi32, #tpu.memory_space<hbm>>) target(%arg8 : memref<512xi32, #tpu.memory_space<vmem>>) target_semaphore(%run_scoped3A : memref<!tpu.dma_semaphore, #tpu.memory_space<semaphore_mem>>)
      %dma_wait3A_102 = tpu.memref_slice %arg2[%mul3A_2] : memref<16384xi32, #tpu.memory_space<hbm>> -> memref<512xi32, #tpu.memory_space<hbm>>
      %dma_wait3A_103 = tpu.memref_slice %arg2[%mul3A_2] : memref<16384xi32, #tpu.memory_space<hbm>> -> memref<512xi32, #tpu.memory_space<hbm>>
      tpu.wait_dma2 semaphore(%run_scoped3A : memref<!tpu.dma_semaphore, #tpu.memory_space<semaphore_mem>>) src(%dma_wait3A_103 : memref<512xi32, #tpu.memory_space<hbm>>) dst(%arg8 : memref<512xi32, #tpu.memory_space<vmem>>)
      tpu.yield
    }) : () -> ()
    "tpu.region"() ({
      %run_scoped3A = tpu.sem_alloc : memref<!tpu.dma_semaphore, #tpu.memory_space<semaphore_mem>>
      %dma_start3A_100 = tpu.memref_slice %arg3[%mul3A_2] : memref<16384xi32, #tpu.memory_space<hbm>> -> memref<512xi32, #tpu.memory_space<hbm>>
      %dma_start3A_101 = tpu.memref_slice %arg3[%mul3A_2] : memref<16384xi32, #tpu.memory_space<hbm>> -> memref<512xi32, #tpu.memory_space<hbm>>
      tpu.enqueue_dma source(%dma_start3A_101 : memref<512xi32, #tpu.memory_space<hbm>>) target(%arg9 : memref<512xi32, #tpu.memory_space<vmem>>) target_semaphore(%run_scoped3A : memref<!tpu.dma_semaphore, #tpu.memory_space<semaphore_mem>>)
      %dma_wait3A_102 = tpu.memref_slice %arg3[%mul3A_2] : memref<16384xi32, #tpu.memory_space<hbm>> -> memref<512xi32, #tpu.memory_space<hbm>>
      %dma_wait3A_103 = tpu.memref_slice %arg3[%mul3A_2] : memref<16384xi32, #tpu.memory_space<hbm>> -> memref<512xi32, #tpu.memory_space<hbm>>
      tpu.wait_dma2 semaphore(%run_scoped3A : memref<!tpu.dma_semaphore, #tpu.memory_space<semaphore_mem>>) src(%dma_wait3A_103 : memref<512xi32, #tpu.memory_space<hbm>>) dst(%arg9 : memref<512xi32, #tpu.memory_space<vmem>>)
      tpu.yield
    }) : () -> ()
    %dma_start3A = arith.constant 0 : i32
    %dma_start3A_3 = tpu.memref_slice %arg6[%dma_start3A] : memref<100000xf32, #tpu.memory_space<hbm>> -> memref<100000xf32, #tpu.memory_space<hbm>>
    tpu.enqueue_indirect_dma source(%dma_start3A_3 : memref<100000xf32, #tpu.memory_space<hbm>>) target(%arg12 : memref<512xf32, #tpu.memory_space<vmem>>) offsets(%arg9 : memref<512xi32, #tpu.memory_space<vmem>>) semaphore(%arg16 : memref<!tpu.dma_semaphore, #tpu.memory_space<semaphore_mem>>)
    %iota3A = tpu.iota {dimensions = array<i32: 0>} : vector<16xi32>
    %scan3A = arith.constant 0 : i32
    %scan3A_4 = arith.constant 0 : i32
    %scan3A_5 = arith.constant 8 : i32
    %scan3A_6 = arith.addi %scan3A_4, %scan3A_5 : i32
    %scan3A_7 = arith.constant 1 : i32
    scf.for %scan3A_100 = %scan3A_4 to %scan3A_6 step %scan3A_7  : i32 {
      %mul3A_101 = arith.constant 16 : i32
      %mul3A_102 = arith.muli %scan3A_100, %mul3A_101 : i32
      %add3A_103 = arith.constant 0 : i32
      %add3A_104 = arith.addi %add3A_103, %mul3A_102 : i32
      %multiple_of3A = tpu.assume_multiple %add3A_104, 16 : i32
      %get3A = arith.index_cast %multiple_of3A : i32 to index
      %get3A_105 = tpu.vector_load %arg8[%get3A] {strides = array<i32>} : memref<512xi32, #tpu.memory_space<vmem>>, vector<16xi32>,
      %get3A_106 = arith.index_cast %multiple_of3A : i32 to index
      %get3A_107 = tpu.vector_load %arg9[%get3A_106] {strides = array<i32>} : memref<512xi32, #tpu.memory_space<vmem>>, vector<16xi32>,
      %mul3A_108 = arith.constant 16 : i32
      %mul3A_109 = arith.muli %scan3A_100, %mul3A_108 : i32
      %add3A_110 = arith.constant 0 : i32
      %add3A_111 = arith.addi %mul3A_109, %add3A_110 : i32
      %slice3A = vector.extract_strided_slice %get3A_105 {offsets = [0], sizes = [1], strides = [1]} : vector<16xi32> to vector<1xi32>
      %squeeze3A = vector.extract %slice3A[0] : i32 from vector<1xi32>
      %dma_start3A_112 = arith.constant 0 : i32
      %dma_start3A_113 = tpu.memref_slice %arg10[%add3A_111, %dma_start3A_112] : memref<128x16xf32, #tpu.memory_space<vmem>> -> memref<1x16xf32, #tpu.memory_space<vmem>>
      %dma_start3A_114 = arith.constant 0 : i32
      %dma_start3A_115 = tpu.memref_slice %arg4[%squeeze3A, %dma_start3A_114] : memref<1000000x16xf32, #tpu.memory_space<hbm>> -> memref<1x16xf32, #tpu.memory_space<hbm>>
      %dma_start3A_116 = arith.constant 0 : i32
      %dma_start3A_117 = tpu.memref_slice %arg10[%add3A_111, %dma_start3A_116] : memref<128x16xf32, #tpu.memory_space<vmem>> -> memref<1x16xf32, #tpu.memory_space<vmem>>
      %dma_start3A_118 = arith.constant 0 : i32
      %dma_start3A_119 = tpu.memref_slice %arg4[%squeeze3A, %dma_start3A_118] : memref<1000000x16xf32, #tpu.memory_space<hbm>> -> memref<1x16xf32, #tpu.memory_space<hbm>>
      tpu.enqueue_dma source(%dma_start3A_119 : memref<1x16xf32, #tpu.memory_space<hbm>>) target(%dma_start3A_117 : memref<1x16xf32, #tpu.memory_space<vmem>>) target_semaphore(%arg14 : memref<!tpu.dma_semaphore, #tpu.memory_space<semaphore_mem>>)
      %slice3A_120 = vector.extract_strided_slice %get3A_107 {offsets = [0], sizes = [1], strides = [1]} : vector<16xi32> to vector<1xi32>
      %squeeze3A_121 = vector.extract %slice3A_120[0] : i32 from vector<1xi32>
      %dma_start3A_122 = arith.constant 0 : i32
      %dma_start3A_123 = tpu.memref_slice %arg11[%add3A_111, %dma_start3A_122] : memref<128x16xf32, #tpu.memory_space<vmem>> -> memref<1x16xf32, #tpu.memory_space<vmem>>
      %dma_start3A_124 = arith.constant 0 : i32
      %dma_start3A_125 = tpu.memref_slice %arg5[%squeeze3A_121, %dma_start3A_124] : memref<100000x16xf32, #tpu.memory_space<hbm>> -> memref<1x16xf32, #tpu.memory_space<hbm>>
      %dma_start3A_126 = arith.constant 0 : i32
      %dma_start3A_127 = tpu.memref_slice %arg11[%add3A_111, %dma_start3A_126] : memref<128x16xf32, #tpu.memory_space<vmem>> -> memref<1x16xf32, #tpu.memory_space<vmem>>
      %dma_start3A_128 = arith.constant 0 : i32
      %dma_start3A_129 = tpu.memref_slice %arg5[%squeeze3A_121, %dma_start3A_128] : memref<100000x16xf32, #tpu.memory_space<hbm>> -> memref<1x16xf32, #tpu.memory_space<hbm>>
      tpu.enqueue_dma source(%dma_start3A_129 : memref<1x16xf32, #tpu.memory_space<hbm>>) target(%dma_start3A_127 : memref<1x16xf32, #tpu.memory_space<vmem>>) target_semaphore(%arg15 : memref<!tpu.dma_semaphore, #tpu.memory_space<semaphore_mem>>)
      %mul3A_130 = arith.constant 16 : i32
      %mul3A_131 = arith.muli %scan3A_100, %mul3A_130 : i32
      %add3A_132 = arith.constant 1 : i32
      %add3A_133 = arith.addi %mul3A_131, %add3A_132 : i32
      %slice3A_134 = vector.extract_strided_slice %get3A_105 {offsets = [1], sizes = [1], strides = [1]} : vector<16xi32> to vector<1xi32>
      %squeeze3A_135 = vector.extract %slice3A_134[0] : i32 from vector<1xi32>
      %dma_start3A_136 = arith.constant 0 : i32
      %dma_start3A_137 = tpu.memref_slice %arg10[%add3A_133, %dma_start3A_136] : memref<128x16xf32, #tpu.memory_space<vmem>> -> memref<1x16xf32, #tpu.memory_space<vmem>>
      %dma_start3A_138 = arith.constant 0 : i32
      %dma_start3A_139 = tpu.memref_slice %arg4[%squeeze3A_135, %dma_start3A_138] : memref<1000000x16xf32, #tpu.memory_space<hbm>> -> memref<1x16xf32, #tpu.memory_space<hbm>>
      %dma_start3A_140 = arith.constant 0 : i32
      %dma_start3A_141 = tpu.memref_slice %arg10[%add3A_133, %dma_start3A_140] : memref<128x16xf32, #tpu.memory_space<vmem>> -> memref<1x16xf32, #tpu.memory_space<vmem>>
      %dma_start3A_142 = arith.constant 0 : i32
      %dma_start3A_143 = tpu.memref_slice %arg4[%squeeze3A_135, %dma_start3A_142] : memref<1000000x16xf32, #tpu.memory_space<hbm>> -> memref<1x16xf32, #tpu.memory_space<hbm>>
      tpu.enqueue_dma source(%dma_start3A_143 : memref<1x16xf32, #tpu.memory_space<hbm>>) target(%dma_start3A_141 : memref<1x16xf32, #tpu.memory_space<vmem>>) target_semaphore(%arg14 : memref<!tpu.dma_semaphore, #tpu.memory_space<semaphore_mem>>)
      %slice3A_144 = vector.extract_strided_slice %get3A_107 {offsets = [1], sizes = [1], strides = [1]} : vector<16xi32> to vector<1xi32>
      %squeeze3A_145 = vector.extract %slice3A_144[0] : i32 from vector<1xi32>
      %dma_start3A_146 = arith.constant 0 : i32
      %dma_start3A_147 = tpu.memref_slice %arg11[%add3A_133, %dma_start3A_146] : memref<128x16xf32, #tpu.memory_space<vmem>> -> memref<1x16xf32, #tpu.memory_space<vmem>>
      %dma_start3A_148 = arith.constant 0 : i32
      %dma_start3A_149 = tpu.memref_slice %arg5[%squeeze3A_145, %dma_start3A_148] : memref<100000x16xf32, #tpu.memory_space<hbm>> -> memref<1x16xf32, #tpu.memory_space<hbm>>
      %dma_start3A_150 = arith.constant 0 : i32
      %dma_start3A_151 = tpu.memref_slice %arg11[%add3A_133, %dma_start3A_150] : memref<128x16xf32, #tpu.memory_space<vmem>> -> memref<1x16xf32, #tpu.memory_space<vmem>>
      %dma_start3A_152 = arith.constant 0 : i32
      %dma_start3A_153 = tpu.memref_slice %arg5[%squeeze3A_145, %dma_start3A_152] : memref<100000x16xf32, #tpu.memory_space<hbm>> -> memref<1x16xf32, #tpu.memory_space<hbm>>
      tpu.enqueue_dma source(%dma_start3A_153 : memref<1x16xf32, #tpu.memory_space<hbm>>) target(%dma_start3A_151 : memref<1x16xf32, #tpu.memory_space<vmem>>) target_semaphore(%arg15 : memref<!tpu.dma_semaphore, #tpu.memory_space<semaphore_mem>>)
      %mul3A_154 = arith.constant 16 : i32
      %mul3A_155 = arith.muli %scan3A_100, %mul3A_154 : i32
      %add3A_156 = arith.constant 2 : i32
      %add3A_157 = arith.addi %mul3A_155, %add3A_156 : i32
      %slice3A_158 = vector.extract_strided_slice %get3A_105 {offsets = [2], sizes = [1], strides = [1]} : vector<16xi32> to vector<1xi32>
      %squeeze3A_159 = vector.extract %slice3A_158[0] : i32 from vector<1xi32>
      %dma_start3A_160 = arith.constant 0 : i32
      %dma_start3A_161 = tpu.memref_slice %arg10[%add3A_157, %dma_start3A_160] : memref<128x16xf32, #tpu.memory_space<vmem>> -> memref<1x16xf32, #tpu.memory_space<vmem>>
      %dma_start3A_162 = arith.constant 0 : i32
      %dma_start3A_163 = tpu.memref_slice %arg4[%squeeze3A_159, %dma_start3A_162] : memref<1000000x16xf32, #tpu.memory_space<hbm>> -> memref<1x16xf32, #tpu.memory_space<hbm>>
      %dma_start3A_164 = arith.constant 0 : i32
      %dma_start3A_165 = tpu.memref_slice %arg10[%add3A_157, %dma_start3A_164] : memref<128x16xf32, #tpu.memory_space<vmem>> -> memref<1x16xf32, #tpu.memory_space<vmem>>
      %dma_start3A_166 = arith.constant 0 : i32
      %dma_start3A_167 = tpu.memref_slice %arg4[%squeeze3A_159, %dma_start3A_166] : memref<1000000x16xf32, #tpu.memory_space<hbm>> -> memref<1x16xf32, #tpu.memory_space<hbm>>
      tpu.enqueue_dma source(%dma_start3A_167 : memref<1x16xf32, #tpu.memory_space<hbm>>) target(%dma_start3A_165 : memref<1x16xf32, #tpu.memory_space<vmem>>) target_semaphore(%arg14 : memref<!tpu.dma_semaphore, #tpu.memory_space<semaphore_mem>>)
      %slice3A_168 = vector.extract_strided_slice %get3A_107 {offsets = [2], sizes = [1], strides = [1]} : vector<16xi32> to vector<1xi32>
      %squeeze3A_169 = vector.extract %slice3A_168[0] : i32 from vector<1xi32>
      %dma_start3A_170 = arith.constant 0 : i32
      %dma_start3A_171 = tpu.memref_slice %arg11[%add3A_157, %dma_start3A_170] : memref<128x16xf32, #tpu.memory_space<vmem>> -> memref<1x16xf32, #tpu.memory_space<vmem>>
      %dma_start3A_172 = arith.constant 0 : i32
      %dma_start3A_173 = tpu.memref_slice %arg5[%squeeze3A_169, %dma_start3A_172] : memref<100000x16xf32, #tpu.memory_space<hbm>> -> memref<1x16xf32, #tpu.memory_space<hbm>>
      %dma_start3A_174 = arith.constant 0 : i32
      %dma_start3A_175 = tpu.memref_slice %arg11[%add3A_157, %dma_start3A_174] : memref<128x16xf32, #tpu.memory_space<vmem>> -> memref<1x16xf32, #tpu.memory_space<vmem>>
      %dma_start3A_176 = arith.constant 0 : i32
      %dma_start3A_177 = tpu.memref_slice %arg5[%squeeze3A_169, %dma_start3A_176] : memref<100000x16xf32, #tpu.memory_space<hbm>> -> memref<1x16xf32, #tpu.memory_space<hbm>>
      tpu.enqueue_dma source(%dma_start3A_177 : memref<1x16xf32, #tpu.memory_space<hbm>>) target(%dma_start3A_175 : memref<1x16xf32, #tpu.memory_space<vmem>>) target_semaphore(%arg15 : memref<!tpu.dma_semaphore, #tpu.memory_space<semaphore_mem>>)
      %mul3A_178 = arith.constant 16 : i32
      %mul3A_179 = arith.muli %scan3A_100, %mul3A_178 : i32
      %add3A_180 = arith.constant 3 : i32
      %add3A_181 = arith.addi %mul3A_179, %add3A_180 : i32
      %slice3A_182 = vector.extract_strided_slice %get3A_105 {offsets = [3], sizes = [1], strides = [1]} : vector<16xi32> to vector<1xi32>
      %squeeze3A_183 = vector.extract %slice3A_182[0] : i32 from vector<1xi32>
      %dma_start3A_184 = arith.constant 0 : i32
      %dma_start3A_185 = tpu.memref_slice %arg10[%add3A_181, %dma_start3A_184] : memref<128x16xf32, #tpu.memory_space<vmem>> -> memref<1x16xf32, #tpu.memory_space<vmem>>
      %dma_start3A_186 = arith.constant 0 : i32
      %dma_start3A_187 = tpu.memref_slice %arg4[%squeeze3A_183, %dma_start3A_186] : memref<1000000x16xf32, #tpu.memory_space<hbm>> -> memref<1x16xf32, #tpu.memory_space<hbm>>
      %dma_start3A_188 = arith.constant 0 : i32
      %dma_start3A_189 = tpu.memref_slice %arg10[%add3A_181, %dma_start3A_188] : memref<128x16xf32, #tpu.memory_space<vmem>> -> memref<1x16xf32, #tpu.memory_space<vmem>>
      %dma_start3A_190 = arith.constant 0 : i32
      %dma_start3A_191 = tpu.memref_slice %arg4[%squeeze3A_183, %dma_start3A_190] : memref<1000000x16xf32, #tpu.memory_space<hbm>> -> memref<1x16xf32, #tpu.memory_space<hbm>>
      tpu.enqueue_dma source(%dma_start3A_191 : memref<1x16xf32, #tpu.memory_space<hbm>>) target(%dma_start3A_189 : memref<1x16xf32, #tpu.memory_space<vmem>>) target_semaphore(%arg14 : memref<!tpu.dma_semaphore, #tpu.memory_space<semaphore_mem>>)
      %slice3A_192 = vector.extract_strided_slice %get3A_107 {offsets = [3], sizes = [1], strides = [1]} : vector<16xi32> to vector<1xi32>
      %squeeze3A_193 = vector.extract %slice3A_192[0] : i32 from vector<1xi32>
      %dma_start3A_194 = arith.constant 0 : i32
      %dma_start3A_195 = tpu.memref_slice %arg11[%add3A_181, %dma_start3A_194] : memref<128x16xf32, #tpu.memory_space<vmem>> -> memref<1x16xf32, #tpu.memory_space<vmem>>
      %dma_start3A_196 = arith.constant 0 : i32
      %dma_start3A_197 = tpu.memref_slice %arg5[%squeeze3A_193, %dma_start3A_196] : memref<100000x16xf32, #tpu.memory_space<hbm>> -> memref<1x16xf32, #tpu.memory_space<hbm>>
      %dma_start3A_198 = arith.constant 0 : i32
      %dma_start3A_199 = tpu.memref_slice %arg11[%add3A_181, %dma_start3A_198] : memref<128x16xf32, #tpu.memory_space<vmem>> -> memref<1x16xf32, #tpu.memory_space<vmem>>
      %dma_start3A_200 = arith.constant 0 : i32
      %dma_start3A_201 = tpu.memref_slice %arg5[%squeeze3A_193, %dma_start3A_200] : memref<100000x16xf32, #tpu.memory_space<hbm>> -> memref<1x16xf32, #tpu.memory_space<hbm>>
      tpu.enqueue_dma source(%dma_start3A_201 : memref<1x16xf32, #tpu.memory_space<hbm>>) target(%dma_start3A_199 : memref<1x16xf32, #tpu.memory_space<vmem>>) target_semaphore(%arg15 : memref<!tpu.dma_semaphore, #tpu.memory_space<semaphore_mem>>)
      %mul3A_202 = arith.constant 16 : i32
      %mul3A_203 = arith.muli %scan3A_100, %mul3A_202 : i32
      %add3A_204 = arith.constant 4 : i32
      %add3A_205 = arith.addi %mul3A_203, %add3A_204 : i32
      %slice3A_206 = vector.extract_strided_slice %get3A_105 {offsets = [4], sizes = [1], strides = [1]} : vector<16xi32> to vector<1xi32>
      %squeeze3A_207 = vector.extract %slice3A_206[0] : i32 from vector<1xi32>
      %dma_start3A_208 = arith.constant 0 : i32
      %dma_start3A_209 = tpu.memref_slice %arg10[%add3A_205, %dma_start3A_208] : memref<128x16xf32, #tpu.memory_space<vmem>> -> memref<1x16xf32, #tpu.memory_space<vmem>>
      %dma_start3A_210 = arith.constant 0 : i32
      %dma_start3A_211 = tpu.memref_slice %arg4[%squeeze3A_207, %dma_start3A_210] : memref<1000000x16xf32, #tpu.memory_space<hbm>> -> memref<1x16xf32, #tpu.memory_space<hbm>>
      %dma_start3A_212 = arith.constant 0 : i32
      %dma_start3A_213 = tpu.memref_slice %arg10[%add3A_205, %dma_start3A_212] : memref<128x16xf32, #tpu.memory_space<vmem>> -> memref<1x16xf32, #tpu.memory_space<vmem>>
      %dma_start3A_214 = arith.constant 0 : i32
      %dma_start3A_215 = tpu.memref_slice %arg4[%squeeze3A_207, %dma_start3A_214] : memref<1000000x16xf32, #tpu.memory_space<hbm>> -> memref<1x16xf32, #tpu.memory_space<hbm>>
      tpu.enqueue_dma source(%dma_start3A_215 : memref<1x16xf32, #tpu.memory_space<hbm>>) target(%dma_start3A_213 : memref<1x16xf32, #tpu.memory_space<vmem>>) target_semaphore(%arg14 : memref<!tpu.dma_semaphore, #tpu.memory_space<semaphore_mem>>)
      %slice3A_216 = vector.extract_strided_slice %get3A_107 {offsets = [4], sizes = [1], strides = [1]} : vector<16xi32> to vector<1xi32>
      %squeeze3A_217 = vector.extract %slice3A_216[0] : i32 from vector<1xi32>
      %dma_start3A_218 = arith.constant 0 : i32
      %dma_start3A_219 = tpu.memref_slice %arg11[%add3A_205, %dma_start3A_218] : memref<128x16xf32, #tpu.memory_space<vmem>> -> memref<1x16xf32, #tpu.memory_space<vmem>>
      %dma_start3A_220 = arith.constant 0 : i32
      %dma_start3A_221 = tpu.memref_slice %arg5[%squeeze3A_217, %dma_start3A_220] : memref<100000x16xf32, #tpu.memory_space<hbm>> -> memref<1x16xf32, #tpu.memory_space<hbm>>
      %dma_start3A_222 = arith.constant 0 : i32
      %dma_start3A_223 = tpu.memref_slice %arg11[%add3A_205, %dma_start3A_222] : memref<128x16xf32, #tpu.memory_space<vmem>> -> memref<1x16xf32, #tpu.memory_space<vmem>>
      %dma_start3A_224 = arith.constant 0 : i32
      %dma_start3A_225 = tpu.memref_slice %arg5[%squeeze3A_217, %dma_start3A_224] : memref<100000x16xf32, #tpu.memory_space<hbm>> -> memref<1x16xf32, #tpu.memory_space<hbm>>
      tpu.enqueue_dma source(%dma_start3A_225 : memref<1x16xf32, #tpu.memory_space<hbm>>) target(%dma_start3A_223 : memref<1x16xf32, #tpu.memory_space<vmem>>) target_semaphore(%arg15 : memref<!tpu.dma_semaphore, #tpu.memory_space<semaphore_mem>>)
      %mul3A_226 = arith.constant 16 : i32
      %mul3A_227 = arith.muli %scan3A_100, %mul3A_226 : i32
      %add3A_228 = arith.constant 5 : i32
      %add3A_229 = arith.addi %mul3A_227, %add3A_228 : i32
      %slice3A_230 = vector.extract_strided_slice %get3A_105 {offsets = [5], sizes = [1], strides = [1]} : vector<16xi32> to vector<1xi32>
      %squeeze3A_231 = vector.extract %slice3A_230[0] : i32 from vector<1xi32>
      %dma_start3A_232 = arith.constant 0 : i32
      %dma_start3A_233 = tpu.memref_slice %arg10[%add3A_229, %dma_start3A_232] : memref<128x16xf32, #tpu.memory_space<vmem>> -> memref<1x16xf32, #tpu.memory_space<vmem>>
      %dma_start3A_234 = arith.constant 0 : i32
      %dma_start3A_235 = tpu.memref_slice %arg4[%squeeze3A_231, %dma_start3A_234] : memref<1000000x16xf32, #tpu.memory_space<hbm>> -> memref<1x16xf32, #tpu.memory_space<hbm>>
      %dma_start3A_236 = arith.constant 0 : i32
      %dma_start3A_237 = tpu.memref_slice %arg10[%add3A_229, %dma_start3A_236] : memref<128x16xf32, #tpu.memory_space<vmem>> -> memref<1x16xf32, #tpu.memory_space<vmem>>
      %dma_start3A_238 = arith.constant 0 : i32
      %dma_start3A_239 = tpu.memref_slice %arg4[%squeeze3A_231, %dma_start3A_238] : memref<1000000x16xf32, #tpu.memory_space<hbm>> -> memref<1x16xf32, #tpu.memory_space<hbm>>
      tpu.enqueue_dma source(%dma_start3A_239 : memref<1x16xf32, #tpu.memory_space<hbm>>) target(%dma_start3A_237 : memref<1x16xf32, #tpu.memory_space<vmem>>) target_semaphore(%arg14 : memref<!tpu.dma_semaphore, #tpu.memory_space<semaphore_mem>>)
      %slice3A_240 = vector.extract_strided_slice %get3A_107 {offsets = [5], sizes = [1], strides = [1]} : vector<16xi32> to vector<1xi32>
      %squeeze3A_241 = vector.extract %slice3A_240[0] : i32 from vector<1xi32>
      %dma_start3A_242 = arith.constant 0 : i32
      %dma_start3A_243 = tpu.memref_slice %arg11[%add3A_229, %dma_start3A_242] : memref<128x16xf32, #tpu.memory_space<vmem>> -> memref<1x16xf32, #tpu.memory_space<vmem>>
      %dma_start3A_244 = arith.constant 0 : i32
      %dma_start3A_245 = tpu.memref_slice %arg5[%squeeze3A_241, %dma_start3A_244] : memref<100000x16xf32, #tpu.memory_space<hbm>> -> memref<1x16xf32, #tpu.memory_space<hbm>>
      %dma_start3A_246 = arith.constant 0 : i32
      %dma_start3A_247 = tpu.memref_slice %arg11[%add3A_229, %dma_start3A_246] : memref<128x16xf32, #tpu.memory_space<vmem>> -> memref<1x16xf32, #tpu.memory_space<vmem>>
      %dma_start3A_248 = arith.constant 0 : i32
      %dma_start3A_249 = tpu.memref_slice %arg5[%squeeze3A_241, %dma_start3A_248] : memref<100000x16xf32, #tpu.memory_space<hbm>> -> memref<1x16xf32, #tpu.memory_space<hbm>>
      tpu.enqueue_dma source(%dma_start3A_249 : memref<1x16xf32, #tpu.memory_space<hbm>>) target(%dma_start3A_247 : memref<1x16xf32, #tpu.memory_space<vmem>>) target_semaphore(%arg15 : memref<!tpu.dma_semaphore, #tpu.memory_space<semaphore_mem>>)
      %mul3A_250 = arith.constant 16 : i32
      %mul3A_251 = arith.muli %scan3A_100, %mul3A_250 : i32
      %add3A_252 = arith.constant 6 : i32
      %add3A_253 = arith.addi %mul3A_251, %add3A_252 : i32
      %slice3A_254 = vector.extract_strided_slice %get3A_105 {offsets = [6], sizes = [1], strides = [1]} : vector<16xi32> to vector<1xi32>
      %squeeze3A_255 = vector.extract %slice3A_254[0] : i32 from vector<1xi32>
      %dma_start3A_256 = arith.constant 0 : i32
      %dma_start3A_257 = tpu.memref_slice %arg10[%add3A_253, %dma_start3A_256] : memref<128x16xf32, #tpu.memory_space<vmem>> -> memref<1x16xf32, #tpu.memory_space<vmem>>
      %dma_start3A_258 = arith.constant 0 : i32
      %dma_start3A_259 = tpu.memref_slice %arg4[%squeeze3A_255, %dma_start3A_258] : memref<1000000x16xf32, #tpu.memory_space<hbm>> -> memref<1x16xf32, #tpu.memory_space<hbm>>
      %dma_start3A_260 = arith.constant 0 : i32
      %dma_start3A_261 = tpu.memref_slice %arg10[%add3A_253, %dma_start3A_260] : memref<128x16xf32, #tpu.memory_space<vmem>> -> memref<1x16xf32, #tpu.memory_space<vmem>>
      %dma_start3A_262 = arith.constant 0 : i32
      %dma_start3A_263 = tpu.memref_slice %arg4[%squeeze3A_255, %dma_start3A_262] : memref<1000000x16xf32, #tpu.memory_space<hbm>> -> memref<1x16xf32, #tpu.memory_space<hbm>>
      tpu.enqueue_dma source(%dma_start3A_263 : memref<1x16xf32, #tpu.memory_space<hbm>>) target(%dma_start3A_261 : memref<1x16xf32, #tpu.memory_space<vmem>>) target_semaphore(%arg14 : memref<!tpu.dma_semaphore, #tpu.memory_space<semaphore_mem>>)
      %slice3A_264 = vector.extract_strided_slice %get3A_107 {offsets = [6], sizes = [1], strides = [1]} : vector<16xi32> to vector<1xi32>
      %squeeze3A_265 = vector.extract %slice3A_264[0] : i32 from vector<1xi32>
      %dma_start3A_266 = arith.constant 0 : i32
      %dma_start3A_267 = tpu.memref_slice %arg11[%add3A_253, %dma_start3A_266] : memref<128x16xf32, #tpu.memory_space<vmem>> -> memref<1x16xf32, #tpu.memory_space<vmem>>
      %dma_start3A_268 = arith.constant 0 : i32
      %dma_start3A_269 = tpu.memref_slice %arg5[%squeeze3A_265, %dma_start3A_268] : memref<100000x16xf32, #tpu.memory_space<hbm>> -> memref<1x16xf32, #tpu.memory_space<hbm>>
      %dma_start3A_270 = arith.constant 0 : i32
      %dma_start3A_271 = tpu.memref_slice %arg11[%add3A_253, %dma_start3A_270] : memref<128x16xf32, #tpu.memory_space<vmem>> -> memref<1x16xf32, #tpu.memory_space<vmem>>
      %dma_start3A_272 = arith.constant 0 : i32
      %dma_start3A_273 = tpu.memref_slice %arg5[%squeeze3A_265, %dma_start3A_272] : memref<100000x16xf32, #tpu.memory_space<hbm>> -> memref<1x16xf32, #tpu.memory_space<hbm>>
      tpu.enqueue_dma source(%dma_start3A_273 : memref<1x16xf32, #tpu.memory_space<hbm>>) target(%dma_start3A_271 : memref<1x16xf32, #tpu.memory_space<vmem>>) target_semaphore(%arg15 : memref<!tpu.dma_semaphore, #tpu.memory_space<semaphore_mem>>)
      %mul3A_274 = arith.constant 16 : i32
      %mul3A_275 = arith.muli %scan3A_100, %mul3A_274 : i32
      %add3A_276 = arith.constant 7 : i32
      %add3A_277 = arith.addi %mul3A_275, %add3A_276 : i32
      %slice3A_278 = vector.extract_strided_slice %get3A_105 {offsets = [7], sizes = [1], strides = [1]} : vector<16xi32> to vector<1xi32>
      %squeeze3A_279 = vector.extract %slice3A_278[0] : i32 from vector<1xi32>
      %dma_start3A_280 = arith.constant 0 : i32
      %dma_start3A_281 = tpu.memref_slice %arg10[%add3A_277, %dma_start3A_280] : memref<128x16xf32, #tpu.memory_space<vmem>> -> memref<1x16xf32, #tpu.memory_space<vmem>>
      %dma_start3A_282 = arith.constant 0 : i32
      %dma_start3A_283 = tpu.memref_slice %arg4[%squeeze3A_279, %dma_start3A_282] : memref<1000000x16xf32, #tpu.memory_space<hbm>> -> memref<1x16xf32, #tpu.memory_space<hbm>>
      %dma_start3A_284 = arith.constant 0 : i32
      %dma_start3A_285 = tpu.memref_slice %arg10[%add3A_277, %dma_start3A_284] : memref<128x16xf32, #tpu.memory_space<vmem>> -> memref<1x16xf32, #tpu.memory_space<vmem>>
      %dma_start3A_286 = arith.constant 0 : i32
      %dma_start3A_287 = tpu.memref_slice %arg4[%squeeze3A_279, %dma_start3A_286] : memref<1000000x16xf32, #tpu.memory_space<hbm>> -> memref<1x16xf32, #tpu.memory_space<hbm>>
      tpu.enqueue_dma source(%dma_start3A_287 : memref<1x16xf32, #tpu.memory_space<hbm>>) target(%dma_start3A_285 : memref<1x16xf32, #tpu.memory_space<vmem>>) target_semaphore(%arg14 : memref<!tpu.dma_semaphore, #tpu.memory_space<semaphore_mem>>)
      %slice3A_288 = vector.extract_strided_slice %get3A_107 {offsets = [7], sizes = [1], strides = [1]} : vector<16xi32> to vector<1xi32>
      %squeeze3A_289 = vector.extract %slice3A_288[0] : i32 from vector<1xi32>
      %dma_start3A_290 = arith.constant 0 : i32
      %dma_start3A_291 = tpu.memref_slice %arg11[%add3A_277, %dma_start3A_290] : memref<128x16xf32, #tpu.memory_space<vmem>> -> memref<1x16xf32, #tpu.memory_space<vmem>>
      %dma_start3A_292 = arith.constant 0 : i32
      %dma_start3A_293 = tpu.memref_slice %arg5[%squeeze3A_289, %dma_start3A_292] : memref<100000x16xf32, #tpu.memory_space<hbm>> -> memref<1x16xf32, #tpu.memory_space<hbm>>
      %dma_start3A_294 = arith.constant 0 : i32
      %dma_start3A_295 = tpu.memref_slice %arg11[%add3A_277, %dma_start3A_294] : memref<128x16xf32, #tpu.memory_space<vmem>> -> memref<1x16xf32, #tpu.memory_space<vmem>>
      %dma_start3A_296 = arith.constant 0 : i32
      %dma_start3A_297 = tpu.memref_slice %arg5[%squeeze3A_289, %dma_start3A_296] : memref<100000x16xf32, #tpu.memory_space<hbm>> -> memref<1x16xf32, #tpu.memory_space<hbm>>
      tpu.enqueue_dma source(%dma_start3A_297 : memref<1x16xf32, #tpu.memory_space<hbm>>) target(%dma_start3A_295 : memref<1x16xf32, #tpu.memory_space<vmem>>) target_semaphore(%arg15 : memref<!tpu.dma_semaphore, #tpu.memory_space<semaphore_mem>>)
      %mul3A_298 = arith.constant 16 : i32
      %mul3A_299 = arith.muli %scan3A_100, %mul3A_298 : i32
      %add3A_300 = arith.constant 8 : i32
      %add3A_301 = arith.addi %mul3A_299, %add3A_300 : i32
      %slice3A_302 = vector.extract_strided_slice %get3A_105 {offsets = [8], sizes = [1], strides = [1]} : vector<16xi32> to vector<1xi32>
      %squeeze3A_303 = vector.extract %slice3A_302[0] : i32 from vector<1xi32>
      %dma_start3A_304 = arith.constant 0 : i32
      %dma_start3A_305 = tpu.memref_slice %arg10[%add3A_301, %dma_start3A_304] : memref<128x16xf32, #tpu.memory_space<vmem>> -> memref<1x16xf32, #tpu.memory_space<vmem>>
      %dma_start3A_306 = arith.constant 0 : i32
      %dma_start3A_307 = tpu.memref_slice %arg4[%squeeze3A_303, %dma_start3A_306] : memref<1000000x16xf32, #tpu.memory_space<hbm>> -> memref<1x16xf32, #tpu.memory_space<hbm>>
      %dma_start3A_308 = arith.constant 0 : i32
      %dma_start3A_309 = tpu.memref_slice %arg10[%add3A_301, %dma_start3A_308] : memref<128x16xf32, #tpu.memory_space<vmem>> -> memref<1x16xf32, #tpu.memory_space<vmem>>
      %dma_start3A_310 = arith.constant 0 : i32
      %dma_start3A_311 = tpu.memref_slice %arg4[%squeeze3A_303, %dma_start3A_310] : memref<1000000x16xf32, #tpu.memory_space<hbm>> -> memref<1x16xf32, #tpu.memory_space<hbm>>
      tpu.enqueue_dma source(%dma_start3A_311 : memref<1x16xf32, #tpu.memory_space<hbm>>) target(%dma_start3A_309 : memref<1x16xf32, #tpu.memory_space<vmem>>) target_semaphore(%arg14 : memref<!tpu.dma_semaphore, #tpu.memory_space<semaphore_mem>>)
      %slice3A_312 = vector.extract_strided_slice %get3A_107 {offsets = [8], sizes = [1], strides = [1]} : vector<16xi32> to vector<1xi32>
      %squeeze3A_313 = vector.extract %slice3A_312[0] : i32 from vector<1xi32>
      %dma_start3A_314 = arith.constant 0 : i32
      %dma_start3A_315 = tpu.memref_slice %arg11[%add3A_301, %dma_start3A_314] : memref<128x16xf32, #tpu.memory_space<vmem>> -> memref<1x16xf32, #tpu.memory_space<vmem>>
      %dma_start3A_316 = arith.constant 0 : i32
      %dma_start3A_317 = tpu.memref_slice %arg5[%squeeze3A_313, %dma_start3A_316] : memref<100000x16xf32, #tpu.memory_space<hbm>> -> memref<1x16xf32, #tpu.memory_space<hbm>>
      %dma_start3A_318 = arith.constant 0 : i32
      %dma_start3A_319 = tpu.memref_slice %arg11[%add3A_301, %dma_start3A_318] : memref<128x16xf32, #tpu.memory_space<vmem>> -> memref<1x16xf32, #tpu.memory_space<vmem>>
      %dma_start3A_320 = arith.constant 0 : i32
      %dma_start3A_321 = tpu.memref_slice %arg5[%squeeze3A_313, %dma_start3A_320] : memref<100000x16xf32, #tpu.memory_space<hbm>> -> memref<1x16xf32, #tpu.memory_space<hbm>>
      tpu.enqueue_dma source(%dma_start3A_321 : memref<1x16xf32, #tpu.memory_space<hbm>>) target(%dma_start3A_319 : memref<1x16xf32, #tpu.memory_space<vmem>>) target_semaphore(%arg15 : memref<!tpu.dma_semaphore, #tpu.memory_space<semaphore_mem>>)
      %mul3A_322 = arith.constant 16 : i32
      %mul3A_323 = arith.muli %scan3A_100, %mul3A_322 : i32
      %add3A_324 = arith.constant 9 : i32
      %add3A_325 = arith.addi %mul3A_323, %add3A_324 : i32
      %slice3A_326 = vector.extract_strided_slice %get3A_105 {offsets = [9], sizes = [1], strides = [1]} : vector<16xi32> to vector<1xi32>
      %squeeze3A_327 = vector.extract %slice3A_326[0] : i32 from vector<1xi32>
      %dma_start3A_328 = arith.constant 0 : i32
      %dma_start3A_329 = tpu.memref_slice %arg10[%add3A_325, %dma_start3A_328] : memref<128x16xf32, #tpu.memory_space<vmem>> -> memref<1x16xf32, #tpu.memory_space<vmem>>
      %dma_start3A_330 = arith.constant 0 : i32
      %dma_start3A_331 = tpu.memref_slice %arg4[%squeeze3A_327, %dma_start3A_330] : memref<1000000x16xf32, #tpu.memory_space<hbm>> -> memref<1x16xf32, #tpu.memory_space<hbm>>
      %dma_start3A_332 = arith.constant 0 : i32
      %dma_start3A_333 = tpu.memref_slice %arg10[%add3A_325, %dma_start3A_332] : memref<128x16xf32, #tpu.memory_space<vmem>> -> memref<1x16xf32, #tpu.memory_space<vmem>>
      %dma_start3A_334 = arith.constant 0 : i32
      %dma_start3A_335 = tpu.memref_slice %arg4[%squeeze3A_327, %dma_start3A_334] : memref<1000000x16xf32, #tpu.memory_space<hbm>> -> memref<1x16xf32, #tpu.memory_space<hbm>>
      tpu.enqueue_dma source(%dma_start3A_335 : memref<1x16xf32, #tpu.memory_space<hbm>>) target(%dma_start3A_333 : memref<1x16xf32, #tpu.memory_space<vmem>>) target_semaphore(%arg14 : memref<!tpu.dma_semaphore, #tpu.memory_space<semaphore_mem>>)
      %slice3A_336 = vector.extract_strided_slice %get3A_107 {offsets = [9], sizes = [1], strides = [1]} : vector<16xi32> to vector<1xi32>
      %squeeze3A_337 = vector.extract %slice3A_336[0] : i32 from vector<1xi32>
      %dma_start3A_338 = arith.constant 0 : i32
      %dma_start3A_339 = tpu.memref_slice %arg11[%add3A_325, %dma_start3A_338] : memref<128x16xf32, #tpu.memory_space<vmem>> -> memref<1x16xf32, #tpu.memory_space<vmem>>
      %dma_start3A_340 = arith.constant 0 : i32
      %dma_start3A_341 = tpu.memref_slice %arg5[%squeeze3A_337, %dma_start3A_340] : memref<100000x16xf32, #tpu.memory_space<hbm>> -> memref<1x16xf32, #tpu.memory_space<hbm>>
      %dma_start3A_342 = arith.constant 0 : i32
      %dma_start3A_343 = tpu.memref_slice %arg11[%add3A_325, %dma_start3A_342] : memref<128x16xf32, #tpu.memory_space<vmem>> -> memref<1x16xf32, #tpu.memory_space<vmem>>
      %dma_start3A_344 = arith.constant 0 : i32
      %dma_start3A_345 = tpu.memref_slice %arg5[%squeeze3A_337, %dma_start3A_344] : memref<100000x16xf32, #tpu.memory_space<hbm>> -> memref<1x16xf32, #tpu.memory_space<hbm>>
      tpu.enqueue_dma source(%dma_start3A_345 : memref<1x16xf32, #tpu.memory_space<hbm>>) target(%dma_start3A_343 : memref<1x16xf32, #tpu.memory_space<vmem>>) target_semaphore(%arg15 : memref<!tpu.dma_semaphore, #tpu.memory_space<semaphore_mem>>)
      %mul3A_346 = arith.constant 16 : i32
      %mul3A_347 = arith.muli %scan3A_100, %mul3A_346 : i32
      %add3A_348 = arith.constant 10 : i32
      %add3A_349 = arith.addi %mul3A_347, %add3A_348 : i32
      %slice3A_350 = vector.extract_strided_slice %get3A_105 {offsets = [10], sizes = [1], strides = [1]} : vector<16xi32> to vector<1xi32>
      %squeeze3A_351 = vector.extract %slice3A_350[0] : i32 from vector<1xi32>
      %dma_start3A_352 = arith.constant 0 : i32
      %dma_start3A_353 = tpu.memref_slice %arg10[%add3A_349, %dma_start3A_352] : memref<128x16xf32, #tpu.memory_space<vmem>> -> memref<1x16xf32, #tpu.memory_space<vmem>>
      %dma_start3A_354 = arith.constant 0 : i32
      %dma_start3A_355 = tpu.memref_slice %arg4[%squeeze3A_351, %dma_start3A_354] : memref<1000000x16xf32, #tpu.memory_space<hbm>> -> memref<1x16xf32, #tpu.memory_space<hbm>>
      %dma_start3A_356 = arith.constant 0 : i32
      %dma_start3A_357 = tpu.memref_slice %arg10[%add3A_349, %dma_start3A_356] : memref<128x16xf32, #tpu.memory_space<vmem>> -> memref<1x16xf32, #tpu.memory_space<vmem>>
      %dma_start3A_358 = arith.constant 0 : i32
      %dma_start3A_359 = tpu.memref_slice %arg4[%squeeze3A_351, %dma_start3A_358] : memref<1000000x16xf32, #tpu.memory_space<hbm>> -> memref<1x16xf32, #tpu.memory_space<hbm>>
      tpu.enqueue_dma source(%dma_start3A_359 : memref<1x16xf32, #tpu.memory_space<hbm>>) target(%dma_start3A_357 : memref<1x16xf32, #tpu.memory_space<vmem>>) target_semaphore(%arg14 : memref<!tpu.dma_semaphore, #tpu.memory_space<semaphore_mem>>)
      %slice3A_360 = vector.extract_strided_slice %get3A_107 {offsets = [10], sizes = [1], strides = [1]} : vector<16xi32> to vector<1xi32>
      %squeeze3A_361 = vector.extract %slice3A_360[0] : i32 from vector<1xi32>
      %dma_start3A_362 = arith.constant 0 : i32
      %dma_start3A_363 = tpu.memref_slice %arg11[%add3A_349, %dma_start3A_362] : memref<128x16xf32, #tpu.memory_space<vmem>> -> memref<1x16xf32, #tpu.memory_space<vmem>>
      %dma_start3A_364 = arith.constant 0 : i32
      %dma_start3A_365 = tpu.memref_slice %arg5[%squeeze3A_361, %dma_start3A_364] : memref<100000x16xf32, #tpu.memory_space<hbm>> -> memref<1x16xf32, #tpu.memory_space<hbm>>
      %dma_start3A_366 = arith.constant 0 : i32
      %dma_start3A_367 = tpu.memref_slice %arg11[%add3A_349, %dma_start3A_366] : memref<128x16xf32, #tpu.memory_space<vmem>> -> memref<1x16xf32, #tpu.memory_space<vmem>>
      %dma_start3A_368 = arith.constant 0 : i32
      %dma_start3A_369 = tpu.memref_slice %arg5[%squeeze3A_361, %dma_start3A_368] : memref<100000x16xf32, #tpu.memory_space<hbm>> -> memref<1x16xf32, #tpu.memory_space<hbm>>
      tpu.enqueue_dma source(%dma_start3A_369 : memref<1x16xf32, #tpu.memory_space<hbm>>) target(%dma_start3A_367 : memref<1x16xf32, #tpu.memory_space<vmem>>) target_semaphore(%arg15 : memref<!tpu.dma_semaphore, #tpu.memory_space<semaphore_mem>>)
      %mul3A_370 = arith.constant 16 : i32
      %mul3A_371 = arith.muli %scan3A_100, %mul3A_370 : i32
      %add3A_372 = arith.constant 11 : i32
      %add3A_373 = arith.addi %mul3A_371, %add3A_372 : i32
      %slice3A_374 = vector.extract_strided_slice %get3A_105 {offsets = [11], sizes = [1], strides = [1]} : vector<16xi32> to vector<1xi32>
      %squeeze3A_375 = vector.extract %slice3A_374[0] : i32 from vector<1xi32>
      %dma_start3A_376 = arith.constant 0 : i32
      %dma_start3A_377 = tpu.memref_slice %arg10[%add3A_373, %dma_start3A_376] : memref<128x16xf32, #tpu.memory_space<vmem>> -> memref<1x16xf32, #tpu.memory_space<vmem>>
      %dma_start3A_378 = arith.constant 0 : i32
      %dma_start3A_379 = tpu.memref_slice %arg4[%squeeze3A_375, %dma_start3A_378] : memref<1000000x16xf32, #tpu.memory_space<hbm>> -> memref<1x16xf32, #tpu.memory_space<hbm>>
      %dma_start3A_380 = arith.constant 0 : i32
      %dma_start3A_381 = tpu.memref_slice %arg10[%add3A_373, %dma_start3A_380] : memref<128x16xf32, #tpu.memory_space<vmem>> -> memref<1x16xf32, #tpu.memory_space<vmem>>
      %dma_start3A_382 = arith.constant 0 : i32
      %dma_start3A_383 = tpu.memref_slice %arg4[%squeeze3A_375, %dma_start3A_382] : memref<1000000x16xf32, #tpu.memory_space<hbm>> -> memref<1x16xf32, #tpu.memory_space<hbm>>
      tpu.enqueue_dma source(%dma_start3A_383 : memref<1x16xf32, #tpu.memory_space<hbm>>) target(%dma_start3A_381 : memref<1x16xf32, #tpu.memory_space<vmem>>) target_semaphore(%arg14 : memref<!tpu.dma_semaphore, #tpu.memory_space<semaphore_mem>>)
      %slice3A_384 = vector.extract_strided_slice %get3A_107 {offsets = [11], sizes = [1], strides = [1]} : vector<16xi32> to vector<1xi32>
      %squeeze3A_385 = vector.extract %slice3A_384[0] : i32 from vector<1xi32>
      %dma_start3A_386 = arith.constant 0 : i32
      %dma_start3A_387 = tpu.memref_slice %arg11[%add3A_373, %dma_start3A_386] : memref<128x16xf32, #tpu.memory_space<vmem>> -> memref<1x16xf32, #tpu.memory_space<vmem>>
      %dma_start3A_388 = arith.constant 0 : i32
      %dma_start3A_389 = tpu.memref_slice %arg5[%squeeze3A_385, %dma_start3A_388] : memref<100000x16xf32, #tpu.memory_space<hbm>> -> memref<1x16xf32, #tpu.memory_space<hbm>>
      %dma_start3A_390 = arith.constant 0 : i32
      %dma_start3A_391 = tpu.memref_slice %arg11[%add3A_373, %dma_start3A_390] : memref<128x16xf32, #tpu.memory_space<vmem>> -> memref<1x16xf32, #tpu.memory_space<vmem>>
      %dma_start3A_392 = arith.constant 0 : i32
      %dma_start3A_393 = tpu.memref_slice %arg5[%squeeze3A_385, %dma_start3A_392] : memref<100000x16xf32, #tpu.memory_space<hbm>> -> memref<1x16xf32, #tpu.memory_space<hbm>>
      tpu.enqueue_dma source(%dma_start3A_393 : memref<1x16xf32, #tpu.memory_space<hbm>>) target(%dma_start3A_391 : memref<1x16xf32, #tpu.memory_space<vmem>>) target_semaphore(%arg15 : memref<!tpu.dma_semaphore, #tpu.memory_space<semaphore_mem>>)
      %mul3A_394 = arith.constant 16 : i32
      %mul3A_395 = arith.muli %scan3A_100, %mul3A_394 : i32
      %add3A_396 = arith.constant 12 : i32
      %add3A_397 = arith.addi %mul3A_395, %add3A_396 : i32
      %slice3A_398 = vector.extract_strided_slice %get3A_105 {offsets = [12], sizes = [1], strides = [1]} : vector<16xi32> to vector<1xi32>
      %squeeze3A_399 = vector.extract %slice3A_398[0] : i32 from vector<1xi32>
      %dma_start3A_400 = arith.constant 0 : i32
      %dma_start3A_401 = tpu.memref_slice %arg10[%add3A_397, %dma_start3A_400] : memref<128x16xf32, #tpu.memory_space<vmem>> -> memref<1x16xf32, #tpu.memory_space<vmem>>
      %dma_start3A_402 = arith.constant 0 : i32
      %dma_start3A_403 = tpu.memref_slice %arg4[%squeeze3A_399, %dma_start3A_402] : memref<1000000x16xf32, #tpu.memory_space<hbm>> -> memref<1x16xf32, #tpu.memory_space<hbm>>
      %dma_start3A_404 = arith.constant 0 : i32
      %dma_start3A_405 = tpu.memref_slice %arg10[%add3A_397, %dma_start3A_404] : memref<128x16xf32, #tpu.memory_space<vmem>> -> memref<1x16xf32, #tpu.memory_space<vmem>>
      %dma_start3A_406 = arith.constant 0 : i32
      %dma_start3A_407 = tpu.memref_slice %arg4[%squeeze3A_399, %dma_start3A_406] : memref<1000000x16xf32, #tpu.memory_space<hbm>> -> memref<1x16xf32, #tpu.memory_space<hbm>>
      tpu.enqueue_dma source(%dma_start3A_407 : memref<1x16xf32, #tpu.memory_space<hbm>>) target(%dma_start3A_405 : memref<1x16xf32, #tpu.memory_space<vmem>>) target_semaphore(%arg14 : memref<!tpu.dma_semaphore, #tpu.memory_space<semaphore_mem>>)
      %slice3A_408 = vector.extract_strided_slice %get3A_107 {offsets = [12], sizes = [1], strides = [1]} : vector<16xi32> to vector<1xi32>
      %squeeze3A_409 = vector.extract %slice3A_408[0] : i32 from vector<1xi32>
      %dma_start3A_410 = arith.constant 0 : i32
      %dma_start3A_411 = tpu.memref_slice %arg11[%add3A_397, %dma_start3A_410] : memref<128x16xf32, #tpu.memory_space<vmem>> -> memref<1x16xf32, #tpu.memory_space<vmem>>
      %dma_start3A_412 = arith.constant 0 : i32
      %dma_start3A_413 = tpu.memref_slice %arg5[%squeeze3A_409, %dma_start3A_412] : memref<100000x16xf32, #tpu.memory_space<hbm>> -> memref<1x16xf32, #tpu.memory_space<hbm>>
      %dma_start3A_414 = arith.constant 0 : i32
      %dma_start3A_415 = tpu.memref_slice %arg11[%add3A_397, %dma_start3A_414] : memref<128x16xf32, #tpu.memory_space<vmem>> -> memref<1x16xf32, #tpu.memory_space<vmem>>
      %dma_start3A_416 = arith.constant 0 : i32
      %dma_start3A_417 = tpu.memref_slice %arg5[%squeeze3A_409, %dma_start3A_416] : memref<100000x16xf32, #tpu.memory_space<hbm>> -> memref<1x16xf32, #tpu.memory_space<hbm>>
      tpu.enqueue_dma source(%dma_start3A_417 : memref<1x16xf32, #tpu.memory_space<hbm>>) target(%dma_start3A_415 : memref<1x16xf32, #tpu.memory_space<vmem>>) target_semaphore(%arg15 : memref<!tpu.dma_semaphore, #tpu.memory_space<semaphore_mem>>)
      %mul3A_418 = arith.constant 16 : i32
      %mul3A_419 = arith.muli %scan3A_100, %mul3A_418 : i32
      %add3A_420 = arith.constant 13 : i32
      %add3A_421 = arith.addi %mul3A_419, %add3A_420 : i32
      %slice3A_422 = vector.extract_strided_slice %get3A_105 {offsets = [13], sizes = [1], strides = [1]} : vector<16xi32> to vector<1xi32>
      %squeeze3A_423 = vector.extract %slice3A_422[0] : i32 from vector<1xi32>
      %dma_start3A_424 = arith.constant 0 : i32
      %dma_start3A_425 = tpu.memref_slice %arg10[%add3A_421, %dma_start3A_424] : memref<128x16xf32, #tpu.memory_space<vmem>> -> memref<1x16xf32, #tpu.memory_space<vmem>>
      %dma_start3A_426 = arith.constant 0 : i32
      %dma_start3A_427 = tpu.memref_slice %arg4[%squeeze3A_423, %dma_start3A_426] : memref<1000000x16xf32, #tpu.memory_space<hbm>> -> memref<1x16xf32, #tpu.memory_space<hbm>>
      %dma_start3A_428 = arith.constant 0 : i32
      %dma_start3A_429 = tpu.memref_slice %arg10[%add3A_421, %dma_start3A_428] : memref<128x16xf32, #tpu.memory_space<vmem>> -> memref<1x16xf32, #tpu.memory_space<vmem>>
      %dma_start3A_430 = arith.constant 0 : i32
      %dma_start3A_431 = tpu.memref_slice %arg4[%squeeze3A_423, %dma_start3A_430] : memref<1000000x16xf32, #tpu.memory_space<hbm>> -> memref<1x16xf32, #tpu.memory_space<hbm>>
      tpu.enqueue_dma source(%dma_start3A_431 : memref<1x16xf32, #tpu.memory_space<hbm>>) target(%dma_start3A_429 : memref<1x16xf32, #tpu.memory_space<vmem>>) target_semaphore(%arg14 : memref<!tpu.dma_semaphore, #tpu.memory_space<semaphore_mem>>)
      %slice3A_432 = vector.extract_strided_slice %get3A_107 {offsets = [13], sizes = [1], strides = [1]} : vector<16xi32> to vector<1xi32>
      %squeeze3A_433 = vector.extract %slice3A_432[0] : i32 from vector<1xi32>
      %dma_start3A_434 = arith.constant 0 : i32
      %dma_start3A_435 = tpu.memref_slice %arg11[%add3A_421, %dma_start3A_434] : memref<128x16xf32, #tpu.memory_space<vmem>> -> memref<1x16xf32, #tpu.memory_space<vmem>>
      %dma_start3A_436 = arith.constant 0 : i32
      %dma_start3A_437 = tpu.memref_slice %arg5[%squeeze3A_433, %dma_start3A_436] : memref<100000x16xf32, #tpu.memory_space<hbm>> -> memref<1x16xf32, #tpu.memory_space<hbm>>
      %dma_start3A_438 = arith.constant 0 : i32
      %dma_start3A_439 = tpu.memref_slice %arg11[%add3A_421, %dma_start3A_438] : memref<128x16xf32, #tpu.memory_space<vmem>> -> memref<1x16xf32, #tpu.memory_space<vmem>>
      %dma_start3A_440 = arith.constant 0 : i32
      %dma_start3A_441 = tpu.memref_slice %arg5[%squeeze3A_433, %dma_start3A_440] : memref<100000x16xf32, #tpu.memory_space<hbm>> -> memref<1x16xf32, #tpu.memory_space<hbm>>
      tpu.enqueue_dma source(%dma_start3A_441 : memref<1x16xf32, #tpu.memory_space<hbm>>) target(%dma_start3A_439 : memref<1x16xf32, #tpu.memory_space<vmem>>) target_semaphore(%arg15 : memref<!tpu.dma_semaphore, #tpu.memory_space<semaphore_mem>>)
      %mul3A_442 = arith.constant 16 : i32
      %mul3A_443 = arith.muli %scan3A_100, %mul3A_442 : i32
      %add3A_444 = arith.constant 14 : i32
      %add3A_445 = arith.addi %mul3A_443, %add3A_444 : i32
      %slice3A_446 = vector.extract_strided_slice %get3A_105 {offsets = [14], sizes = [1], strides = [1]} : vector<16xi32> to vector<1xi32>
      %squeeze3A_447 = vector.extract %slice3A_446[0] : i32 from vector<1xi32>
      %dma_start3A_448 = arith.constant 0 : i32
      %dma_start3A_449 = tpu.memref_slice %arg10[%add3A_445, %dma_start3A_448] : memref<128x16xf32, #tpu.memory_space<vmem>> -> memref<1x16xf32, #tpu.memory_space<vmem>>
      %dma_start3A_450 = arith.constant 0 : i32
      %dma_start3A_451 = tpu.memref_slice %arg4[%squeeze3A_447, %dma_start3A_450] : memref<1000000x16xf32, #tpu.memory_space<hbm>> -> memref<1x16xf32, #tpu.memory_space<hbm>>
      %dma_start3A_452 = arith.constant 0 : i32
      %dma_start3A_453 = tpu.memref_slice %arg10[%add3A_445, %dma_start3A_452] : memref<128x16xf32, #tpu.memory_space<vmem>> -> memref<1x16xf32, #tpu.memory_space<vmem>>
      %dma_start3A_454 = arith.constant 0 : i32
      %dma_start3A_455 = tpu.memref_slice %arg4[%squeeze3A_447, %dma_start3A_454] : memref<1000000x16xf32, #tpu.memory_space<hbm>> -> memref<1x16xf32, #tpu.memory_space<hbm>>
      tpu.enqueue_dma source(%dma_start3A_455 : memref<1x16xf32, #tpu.memory_space<hbm>>) target(%dma_start3A_453 : memref<1x16xf32, #tpu.memory_space<vmem>>) target_semaphore(%arg14 : memref<!tpu.dma_semaphore, #tpu.memory_space<semaphore_mem>>)
      %slice3A_456 = vector.extract_strided_slice %get3A_107 {offsets = [14], sizes = [1], strides = [1]} : vector<16xi32> to vector<1xi32>
      %squeeze3A_457 = vector.extract %slice3A_456[0] : i32 from vector<1xi32>
      %dma_start3A_458 = arith.constant 0 : i32
      %dma_start3A_459 = tpu.memref_slice %arg11[%add3A_445, %dma_start3A_458] : memref<128x16xf32, #tpu.memory_space<vmem>> -> memref<1x16xf32, #tpu.memory_space<vmem>>
      %dma_start3A_460 = arith.constant 0 : i32
      %dma_start3A_461 = tpu.memref_slice %arg5[%squeeze3A_457, %dma_start3A_460] : memref<100000x16xf32, #tpu.memory_space<hbm>> -> memref<1x16xf32, #tpu.memory_space<hbm>>
      %dma_start3A_462 = arith.constant 0 : i32
      %dma_start3A_463 = tpu.memref_slice %arg11[%add3A_445, %dma_start3A_462] : memref<128x16xf32, #tpu.memory_space<vmem>> -> memref<1x16xf32, #tpu.memory_space<vmem>>
      %dma_start3A_464 = arith.constant 0 : i32
      %dma_start3A_465 = tpu.memref_slice %arg5[%squeeze3A_457, %dma_start3A_464] : memref<100000x16xf32, #tpu.memory_space<hbm>> -> memref<1x16xf32, #tpu.memory_space<hbm>>
      tpu.enqueue_dma source(%dma_start3A_465 : memref<1x16xf32, #tpu.memory_space<hbm>>) target(%dma_start3A_463 : memref<1x16xf32, #tpu.memory_space<vmem>>) target_semaphore(%arg15 : memref<!tpu.dma_semaphore, #tpu.memory_space<semaphore_mem>>)
      %mul3A_466 = arith.constant 16 : i32
      %mul3A_467 = arith.muli %scan3A_100, %mul3A_466 : i32
      %add3A_468 = arith.constant 15 : i32
      %add3A_469 = arith.addi %mul3A_467, %add3A_468 : i32
      %slice3A_470 = vector.extract_strided_slice %get3A_105 {offsets = [15], sizes = [1], strides = [1]} : vector<16xi32> to vector<1xi32>
      %squeeze3A_471 = vector.extract %slice3A_470[0] : i32 from vector<1xi32>
      %dma_start3A_472 = arith.constant 0 : i32
      %dma_start3A_473 = tpu.memref_slice %arg10[%add3A_469, %dma_start3A_472] : memref<128x16xf32, #tpu.memory_space<vmem>> -> memref<1x16xf32, #tpu.memory_space<vmem>>
      %dma_start3A_474 = arith.constant 0 : i32
      %dma_start3A_475 = tpu.memref_slice %arg4[%squeeze3A_471, %dma_start3A_474] : memref<1000000x16xf32, #tpu.memory_space<hbm>> -> memref<1x16xf32, #tpu.memory_space<hbm>>
      %dma_start3A_476 = arith.constant 0 : i32
      %dma_start3A_477 = tpu.memref_slice %arg10[%add3A_469, %dma_start3A_476] : memref<128x16xf32, #tpu.memory_space<vmem>> -> memref<1x16xf32, #tpu.memory_space<vmem>>
      %dma_start3A_478 = arith.constant 0 : i32
      %dma_start3A_479 = tpu.memref_slice %arg4[%squeeze3A_471, %dma_start3A_478] : memref<1000000x16xf32, #tpu.memory_space<hbm>> -> memref<1x16xf32, #tpu.memory_space<hbm>>
      tpu.enqueue_dma source(%dma_start3A_479 : memref<1x16xf32, #tpu.memory_space<hbm>>) target(%dma_start3A_477 : memref<1x16xf32, #tpu.memory_space<vmem>>) target_semaphore(%arg14 : memref<!tpu.dma_semaphore, #tpu.memory_space<semaphore_mem>>)
      %slice3A_480 = vector.extract_strided_slice %get3A_107 {offsets = [15], sizes = [1], strides = [1]} : vector<16xi32> to vector<1xi32>
      %squeeze3A_481 = vector.extract %slice3A_480[0] : i32 from vector<1xi32>
      %dma_start3A_482 = arith.constant 0 : i32
      %dma_start3A_483 = tpu.memref_slice %arg11[%add3A_469, %dma_start3A_482] : memref<128x16xf32, #tpu.memory_space<vmem>> -> memref<1x16xf32, #tpu.memory_space<vmem>>
      %dma_start3A_484 = arith.constant 0 : i32
      %dma_start3A_485 = tpu.memref_slice %arg5[%squeeze3A_481, %dma_start3A_484] : memref<100000x16xf32, #tpu.memory_space<hbm>> -> memref<1x16xf32, #tpu.memory_space<hbm>>
      %dma_start3A_486 = arith.constant 0 : i32
      %dma_start3A_487 = tpu.memref_slice %arg11[%add3A_469, %dma_start3A_486] : memref<128x16xf32, #tpu.memory_space<vmem>> -> memref<1x16xf32, #tpu.memory_space<vmem>>
      %dma_start3A_488 = arith.constant 0 : i32
      %dma_start3A_489 = tpu.memref_slice %arg5[%squeeze3A_481, %dma_start3A_488] : memref<100000x16xf32, #tpu.memory_space<hbm>> -> memref<1x16xf32, #tpu.memory_space<hbm>>
      tpu.enqueue_dma source(%dma_start3A_489 : memref<1x16xf32, #tpu.memory_space<hbm>>) target(%dma_start3A_487 : memref<1x16xf32, #tpu.memory_space<vmem>>) target_semaphore(%arg15 : memref<!tpu.dma_semaphore, #tpu.memory_space<semaphore_mem>>)
    }
    %scan3A_8 = arith.constant 8 : i32
    %dma_wait3A = arith.constant 0 : i32
    %dma_wait3A_9 = arith.constant 0 : i32
    %dma_wait3A_10 = tpu.memref_slice %arg4[%dma_wait3A, %dma_wait3A_9] : memref<1000000x16xf32, #tpu.memory_space<hbm>> -> memref<128x16xf32, #tpu.memory_space<hbm>>
    %dma_wait3A_11 = arith.constant 0 : i32
    %dma_wait3A_12 = arith.constant 0 : i32
    %dma_wait3A_13 = tpu.memref_slice %arg4[%dma_wait3A_11, %dma_wait3A_12] : memref<1000000x16xf32, #tpu.memory_space<hbm>> -> memref<128x16xf32, #tpu.memory_space<hbm>>
    tpu.wait_dma2 semaphore(%arg14 : memref<!tpu.dma_semaphore, #tpu.memory_space<semaphore_mem>>) src(%dma_wait3A_13 : memref<128x16xf32, #tpu.memory_space<hbm>>) dst(%arg10 : memref<128x16xf32, #tpu.memory_space<vmem>>)
    %dma_wait3A_14 = arith.constant 0 : i32
    %dma_wait3A_15 = arith.constant 0 : i32
    %dma_wait3A_16 = tpu.memref_slice %arg5[%dma_wait3A_14, %dma_wait3A_15] : memref<100000x16xf32, #tpu.memory_space<hbm>> -> memref<128x16xf32, #tpu.memory_space<hbm>>
    %dma_wait3A_17 = arith.constant 0 : i32
    %dma_wait3A_18 = arith.constant 0 : i32
    %dma_wait3A_19 = tpu.memref_slice %arg5[%dma_wait3A_17, %dma_wait3A_18] : memref<100000x16xf32, #tpu.memory_space<hbm>> -> memref<128x16xf32, #tpu.memory_space<hbm>>
    tpu.wait_dma2 semaphore(%arg15 : memref<!tpu.dma_semaphore, #tpu.memory_space<semaphore_mem>>) src(%dma_wait3A_19 : memref<128x16xf32, #tpu.memory_space<hbm>>) dst(%arg11 : memref<128x16xf32, #tpu.memory_space<vmem>>)
    %dma_wait3A_20 = arith.constant 0 : i32
    %dma_wait3A_21 = tpu.memref_slice %arg6[%dma_wait3A_20] : memref<100000xf32, #tpu.memory_space<hbm>> -> memref<100000xf32, #tpu.memory_space<hbm>>
    tpu.wait_indirect_dma semaphore(%arg16 : memref<!tpu.dma_semaphore, #tpu.memory_space<semaphore_mem>>) src(%dma_wait3A_21 : memref<100000xf32, #tpu.memory_space<hbm>>) dst(%arg12 : memref<512xf32, #tpu.memory_space<vmem>>)
    %scan3A_22 = arith.constant 0 : i32
    %scan3A_23 = arith.constant 0 : i32
    %scan3A_24 = arith.constant 8 : i32
    %scan3A_25 = arith.addi %scan3A_23, %scan3A_24 : i32
    %scan3A_26 = arith.constant 1 : i32
    scf.for %scan3A_100 = %scan3A_23 to %scan3A_25 step %scan3A_26  : i32 {
      %mul3A_101 = arith.constant 16 : i32
      %mul3A_102 = arith.muli %scan3A_100, %mul3A_101 : i32
      %add3A_103 = arith.constant 0 : i32
      %add3A_104 = arith.addi %add3A_103, %mul3A_102 : i32
      %multiple_of3A = tpu.assume_multiple %add3A_104, 16 : i32
      %mul3A_105 = arith.constant 16 : i32
      %mul3A_106 = arith.muli %scan3A_100, %mul3A_105 : i32
      %add3A_107 = vector.broadcast %mul3A_106 : i32 to vector<16xi32>
      %add3A_108 = arith.addi %add3A_107, %iota3A : vector<16xi32>
      %broadcast_in_dim3A = arith.constant 0.000000e+00 : f32
      %broadcast_in_dim3A_109 = vector.broadcast %broadcast_in_dim3A : f32 to vector<16xf32>
      %broadcast_in_dim3A_110 = arith.constant 0 : i32
      %broadcast_in_dim3A_111 = vector.broadcast %broadcast_in_dim3A_110 : i32 to vector<16xi32>
      %gather3A = tpu.vector_load_idx %arg10[%add3A_108, %broadcast_in_dim3A_111] : memref<128x16xf32, #tpu.memory_space<vmem>>[vector<16xi32>, vector<16xi32>], vector<16xf32>,
      %gather3A_112 = tpu.vector_load_idx %arg11[%add3A_108, %broadcast_in_dim3A_111] : memref<128x16xf32, #tpu.memory_space<vmem>>[vector<16xi32>, vector<16xi32>], vector<16xf32>,
      %mul3A_113 = arith.mulf %gather3A, %gather3A_112 : vector<16xf32>
      %add3A_114 = arith.addf %broadcast_in_dim3A_109, %mul3A_113 : vector<16xf32>
      %broadcast_in_dim3A_115 = arith.constant 1 : i32
      %broadcast_in_dim3A_116 = vector.broadcast %broadcast_in_dim3A_115 : i32 to vector<16xi32>
      %gather3A_117 = tpu.vector_load_idx %arg10[%add3A_108, %broadcast_in_dim3A_116] : memref<128x16xf32, #tpu.memory_space<vmem>>[vector<16xi32>, vector<16xi32>], vector<16xf32>,
      %gather3A_118 = tpu.vector_load_idx %arg11[%add3A_108, %broadcast_in_dim3A_116] : memref<128x16xf32, #tpu.memory_space<vmem>>[vector<16xi32>, vector<16xi32>], vector<16xf32>,
      %mul3A_119 = arith.mulf %gather3A_117, %gather3A_118 : vector<16xf32>
      %add3A_120 = arith.addf %add3A_114, %mul3A_119 : vector<16xf32>
      %broadcast_in_dim3A_121 = arith.constant 2 : i32
      %broadcast_in_dim3A_122 = vector.broadcast %broadcast_in_dim3A_121 : i32 to vector<16xi32>
      %gather3A_123 = tpu.vector_load_idx %arg10[%add3A_108, %broadcast_in_dim3A_122] : memref<128x16xf32, #tpu.memory_space<vmem>>[vector<16xi32>, vector<16xi32>], vector<16xf32>,
      %gather3A_124 = tpu.vector_load_idx %arg11[%add3A_108, %broadcast_in_dim3A_122] : memref<128x16xf32, #tpu.memory_space<vmem>>[vector<16xi32>, vector<16xi32>], vector<16xf32>,
      %mul3A_125 = arith.mulf %gather3A_123, %gather3A_124 : vector<16xf32>
      %add3A_126 = arith.addf %add3A_120, %mul3A_125 : vector<16xf32>
      %broadcast_in_dim3A_127 = arith.constant 3 : i32
      %broadcast_in_dim3A_128 = vector.broadcast %broadcast_in_dim3A_127 : i32 to vector<16xi32>
      %gather3A_129 = tpu.vector_load_idx %arg10[%add3A_108, %broadcast_in_dim3A_128] : memref<128x16xf32, #tpu.memory_space<vmem>>[vector<16xi32>, vector<16xi32>], vector<16xf32>,
      %gather3A_130 = tpu.vector_load_idx %arg11[%add3A_108, %broadcast_in_dim3A_128] : memref<128x16xf32, #tpu.memory_space<vmem>>[vector<16xi32>, vector<16xi32>], vector<16xf32>,
      %mul3A_131 = arith.mulf %gather3A_129, %gather3A_130 : vector<16xf32>
      %add3A_132 = arith.addf %add3A_126, %mul3A_131 : vector<16xf32>
      %broadcast_in_dim3A_133 = arith.constant 4 : i32
      %broadcast_in_dim3A_134 = vector.broadcast %broadcast_in_dim3A_133 : i32 to vector<16xi32>
      %gather3A_135 = tpu.vector_load_idx %arg10[%add3A_108, %broadcast_in_dim3A_134] : memref<128x16xf32, #tpu.memory_space<vmem>>[vector<16xi32>, vector<16xi32>], vector<16xf32>,
      %gather3A_136 = tpu.vector_load_idx %arg11[%add3A_108, %broadcast_in_dim3A_134] : memref<128x16xf32, #tpu.memory_space<vmem>>[vector<16xi32>, vector<16xi32>], vector<16xf32>,
      %mul3A_137 = arith.mulf %gather3A_135, %gather3A_136 : vector<16xf32>
      %add3A_138 = arith.addf %add3A_132, %mul3A_137 : vector<16xf32>
      %broadcast_in_dim3A_139 = arith.constant 5 : i32
      %broadcast_in_dim3A_140 = vector.broadcast %broadcast_in_dim3A_139 : i32 to vector<16xi32>
      %gather3A_141 = tpu.vector_load_idx %arg10[%add3A_108, %broadcast_in_dim3A_140] : memref<128x16xf32, #tpu.memory_space<vmem>>[vector<16xi32>, vector<16xi32>], vector<16xf32>,
      %gather3A_142 = tpu.vector_load_idx %arg11[%add3A_108, %broadcast_in_dim3A_140] : memref<128x16xf32, #tpu.memory_space<vmem>>[vector<16xi32>, vector<16xi32>], vector<16xf32>,
      %mul3A_143 = arith.mulf %gather3A_141, %gather3A_142 : vector<16xf32>
      %add3A_144 = arith.addf %add3A_138, %mul3A_143 : vector<16xf32>
      %broadcast_in_dim3A_145 = arith.constant 6 : i32
      %broadcast_in_dim3A_146 = vector.broadcast %broadcast_in_dim3A_145 : i32 to vector<16xi32>
      %gather3A_147 = tpu.vector_load_idx %arg10[%add3A_108, %broadcast_in_dim3A_146] : memref<128x16xf32, #tpu.memory_space<vmem>>[vector<16xi32>, vector<16xi32>], vector<16xf32>,
      %gather3A_148 = tpu.vector_load_idx %arg11[%add3A_108, %broadcast_in_dim3A_146] : memref<128x16xf32, #tpu.memory_space<vmem>>[vector<16xi32>, vector<16xi32>], vector<16xf32>,
      %mul3A_149 = arith.mulf %gather3A_147, %gather3A_148 : vector<16xf32>
      %add3A_150 = arith.addf %add3A_144, %mul3A_149 : vector<16xf32>
      %broadcast_in_dim3A_151 = arith.constant 7 : i32
      %broadcast_in_dim3A_152 = vector.broadcast %broadcast_in_dim3A_151 : i32 to vector<16xi32>
      %gather3A_153 = tpu.vector_load_idx %arg10[%add3A_108, %broadcast_in_dim3A_152] : memref<128x16xf32, #tpu.memory_space<vmem>>[vector<16xi32>, vector<16xi32>], vector<16xf32>,
      %gather3A_154 = tpu.vector_load_idx %arg11[%add3A_108, %broadcast_in_dim3A_152] : memref<128x16xf32, #tpu.memory_space<vmem>>[vector<16xi32>, vector<16xi32>], vector<16xf32>,
      %mul3A_155 = arith.mulf %gather3A_153, %gather3A_154 : vector<16xf32>
      %add3A_156 = arith.addf %add3A_150, %mul3A_155 : vector<16xf32>
      %broadcast_in_dim3A_157 = arith.constant 8 : i32
      %broadcast_in_dim3A_158 = vector.broadcast %broadcast_in_dim3A_157 : i32 to vector<16xi32>
      %gather3A_159 = tpu.vector_load_idx %arg10[%add3A_108, %broadcast_in_dim3A_158] : memref<128x16xf32, #tpu.memory_space<vmem>>[vector<16xi32>, vector<16xi32>], vector<16xf32>,
      %gather3A_160 = tpu.vector_load_idx %arg11[%add3A_108, %broadcast_in_dim3A_158] : memref<128x16xf32, #tpu.memory_space<vmem>>[vector<16xi32>, vector<16xi32>], vector<16xf32>,
      %mul3A_161 = arith.mulf %gather3A_159, %gather3A_160 : vector<16xf32>
      %add3A_162 = arith.addf %add3A_156, %mul3A_161 : vector<16xf32>
      %broadcast_in_dim3A_163 = arith.constant 9 : i32
      %broadcast_in_dim3A_164 = vector.broadcast %broadcast_in_dim3A_163 : i32 to vector<16xi32>
      %gather3A_165 = tpu.vector_load_idx %arg10[%add3A_108, %broadcast_in_dim3A_164] : memref<128x16xf32, #tpu.memory_space<vmem>>[vector<16xi32>, vector<16xi32>], vector<16xf32>,
      %gather3A_166 = tpu.vector_load_idx %arg11[%add3A_108, %broadcast_in_dim3A_164] : memref<128x16xf32, #tpu.memory_space<vmem>>[vector<16xi32>, vector<16xi32>], vector<16xf32>,
      %mul3A_167 = arith.mulf %gather3A_165, %gather3A_166 : vector<16xf32>
      %add3A_168 = arith.addf %add3A_162, %mul3A_167 : vector<16xf32>
      %broadcast_in_dim3A_169 = arith.constant 10 : i32
      %broadcast_in_dim3A_170 = vector.broadcast %broadcast_in_dim3A_169 : i32 to vector<16xi32>
      %gather3A_171 = tpu.vector_load_idx %arg10[%add3A_108, %broadcast_in_dim3A_170] : memref<128x16xf32, #tpu.memory_space<vmem>>[vector<16xi32>, vector<16xi32>], vector<16xf32>,
      %gather3A_172 = tpu.vector_load_idx %arg11[%add3A_108, %broadcast_in_dim3A_170] : memref<128x16xf32, #tpu.memory_space<vmem>>[vector<16xi32>, vector<16xi32>], vector<16xf32>,
      %mul3A_173 = arith.mulf %gather3A_171, %gather3A_172 : vector<16xf32>
      %add3A_174 = arith.addf %add3A_168, %mul3A_173 : vector<16xf32>
      %broadcast_in_dim3A_175 = arith.constant 11 : i32
      %broadcast_in_dim3A_176 = vector.broadcast %broadcast_in_dim3A_175 : i32 to vector<16xi32>
      %gather3A_177 = tpu.vector_load_idx %arg10[%add3A_108, %broadcast_in_dim3A_176] : memref<128x16xf32, #tpu.memory_space<vmem>>[vector<16xi32>, vector<16xi32>], vector<16xf32>,
      %gather3A_178 = tpu.vector_load_idx %arg11[%add3A_108, %broadcast_in_dim3A_176] : memref<128x16xf32, #tpu.memory_space<vmem>>[vector<16xi32>, vector<16xi32>], vector<16xf32>,
      %mul3A_179 = arith.mulf %gather3A_177, %gather3A_178 : vector<16xf32>
      %add3A_180 = arith.addf %add3A_174, %mul3A_179 : vector<16xf32>
      %broadcast_in_dim3A_181 = arith.constant 12 : i32
      %broadcast_in_dim3A_182 = vector.broadcast %broadcast_in_dim3A_181 : i32 to vector<16xi32>
      %gather3A_183 = tpu.vector_load_idx %arg10[%add3A_108, %broadcast_in_dim3A_182] : memref<128x16xf32, #tpu.memory_space<vmem>>[vector<16xi32>, vector<16xi32>], vector<16xf32>,
      %gather3A_184 = tpu.vector_load_idx %arg11[%add3A_108, %broadcast_in_dim3A_182] : memref<128x16xf32, #tpu.memory_space<vmem>>[vector<16xi32>, vector<16xi32>], vector<16xf32>,
      %mul3A_185 = arith.mulf %gather3A_183, %gather3A_184 : vector<16xf32>
      %add3A_186 = arith.addf %add3A_180, %mul3A_185 : vector<16xf32>
      %broadcast_in_dim3A_187 = arith.constant 13 : i32
      %broadcast_in_dim3A_188 = vector.broadcast %broadcast_in_dim3A_187 : i32 to vector<16xi32>
      %gather3A_189 = tpu.vector_load_idx %arg10[%add3A_108, %broadcast_in_dim3A_188] : memref<128x16xf32, #tpu.memory_space<vmem>>[vector<16xi32>, vector<16xi32>], vector<16xf32>,
      %gather3A_190 = tpu.vector_load_idx %arg11[%add3A_108, %broadcast_in_dim3A_188] : memref<128x16xf32, #tpu.memory_space<vmem>>[vector<16xi32>, vector<16xi32>], vector<16xf32>,
      %mul3A_191 = arith.mulf %gather3A_189, %gather3A_190 : vector<16xf32>
      %add3A_192 = arith.addf %add3A_186, %mul3A_191 : vector<16xf32>
      %broadcast_in_dim3A_193 = arith.constant 14 : i32
      %broadcast_in_dim3A_194 = vector.broadcast %broadcast_in_dim3A_193 : i32 to vector<16xi32>
      %gather3A_195 = tpu.vector_load_idx %arg10[%add3A_108, %broadcast_in_dim3A_194] : memref<128x16xf32, #tpu.memory_space<vmem>>[vector<16xi32>, vector<16xi32>], vector<16xf32>,
      %gather3A_196 = tpu.vector_load_idx %arg11[%add3A_108, %broadcast_in_dim3A_194] : memref<128x16xf32, #tpu.memory_space<vmem>>[vector<16xi32>, vector<16xi32>], vector<16xf32>,
      %mul3A_197 = arith.mulf %gather3A_195, %gather3A_196 : vector<16xf32>
      %add3A_198 = arith.addf %add3A_192, %mul3A_197 : vector<16xf32>
      %broadcast_in_dim3A_199 = arith.constant 15 : i32
      %broadcast_in_dim3A_200 = vector.broadcast %broadcast_in_dim3A_199 : i32 to vector<16xi32>
      %gather3A_201 = tpu.vector_load_idx %arg10[%add3A_108, %broadcast_in_dim3A_200] : memref<128x16xf32, #tpu.memory_space<vmem>>[vector<16xi32>, vector<16xi32>], vector<16xf32>,
      %gather3A_202 = tpu.vector_load_idx %arg11[%add3A_108, %broadcast_in_dim3A_200] : memref<128x16xf32, #tpu.memory_space<vmem>>[vector<16xi32>, vector<16xi32>], vector<16xf32>,
      %mul3A_203 = arith.mulf %gather3A_201, %gather3A_202 : vector<16xf32>
      %add3A_204 = arith.addf %add3A_198, %mul3A_203 : vector<16xf32>
      %get3A = arith.index_cast %multiple_of3A : i32 to index
      %get3A_205 = tpu.vector_load %arg12[%get3A] {strides = array<i32>} : memref<512xf32, #tpu.memory_space<vmem>>, vector<16xf32>,
      %sub3A = arith.subf %add3A_204, %get3A_205 : vector<16xf32>
      %neg3A = arith.constant 0.000000e+00 : f32
      %neg3A_206 = vector.broadcast %neg3A : f32 to vector<16xf32>
      %neg3A_207 = arith.subf %neg3A_206, %sub3A : vector<16xf32>
      %exp3A = math.exp %neg3A_207 : vector<16xf32>
      %add3A_208 = arith.constant 1.000000e+00 : f32
      %add3A_209 = vector.broadcast %add3A_208 : f32 to vector<16xf32>
      %add3A_210 = arith.addf %add3A_209, %exp3A : vector<16xf32>
      %div3A = arith.constant 1.000000e+00 : f32
      %div3A_211 = vector.broadcast %div3A : f32 to vector<16xf32>
      %div3A_212 = arith.divf %div3A_211, %add3A_210 : vector<16xf32>
      %swap3A = arith.index_cast %multiple_of3A : i32 to index
      %swap3A_213 = tpu.vector_load %arg13[%swap3A] {strides = array<i32>} : memref<512xf32, #tpu.memory_space<vmem>>, vector<16xf32>,
      tpu.vector_store %arg13[%swap3A], %div3A_212 {strides = array<i32>} : memref<512xf32, #tpu.memory_space<vmem>>, vector<16xf32>,
    }
    %scan3A_27 = arith.constant 8 : i32
    %scan3A_28 = arith.constant 0 : i32
    %scan3A_29 = arith.constant 0 : i32
    %scan3A_30 = arith.constant 8 : i32
    %scan3A_31 = arith.addi %scan3A_29, %scan3A_30 : i32
    %scan3A_32 = arith.constant 1 : i32
    scf.for %scan3A_100 = %scan3A_29 to %scan3A_31 step %scan3A_32  : i32 {
      %mul3A_101 = arith.constant 16 : i32
      %mul3A_102 = arith.muli %scan3A_100, %mul3A_101 : i32
      %add3A_103 = arith.constant 128 : i32
      %add3A_104 = arith.addi %add3A_103, %mul3A_102 : i32
      %multiple_of3A = tpu.assume_multiple %add3A_104, 16 : i32
      %get3A = arith.index_cast %multiple_of3A : i32 to index
      %get3A_105 = tpu.vector_load %arg8[%get3A] {strides = array<i32>} : memref<512xi32, #tpu.memory_space<vmem>>, vector<16xi32>,
      %get3A_106 = arith.index_cast %multiple_of3A : i32 to index
      %get3A_107 = tpu.vector_load %arg9[%get3A_106] {strides = array<i32>} : memref<512xi32, #tpu.memory_space<vmem>>, vector<16xi32>,
      %mul3A_108 = arith.constant 16 : i32
      %mul3A_109 = arith.muli %scan3A_100, %mul3A_108 : i32
      %add3A_110 = arith.constant 0 : i32
      %add3A_111 = arith.addi %mul3A_109, %add3A_110 : i32
      %slice3A = vector.extract_strided_slice %get3A_105 {offsets = [0], sizes = [1], strides = [1]} : vector<16xi32> to vector<1xi32>
      %squeeze3A = vector.extract %slice3A[0] : i32 from vector<1xi32>
      %dma_start3A_112 = arith.constant 0 : i32
      %dma_start3A_113 = tpu.memref_slice %arg10[%add3A_111, %dma_start3A_112] : memref<128x16xf32, #tpu.memory_space<vmem>> -> memref<1x16xf32, #tpu.memory_space<vmem>>
      %dma_start3A_114 = arith.constant 0 : i32
      %dma_start3A_115 = tpu.memref_slice %arg4[%squeeze3A, %dma_start3A_114] : memref<1000000x16xf32, #tpu.memory_space<hbm>> -> memref<1x16xf32, #tpu.memory_space<hbm>>
      %dma_start3A_116 = arith.constant 0 : i32
      %dma_start3A_117 = tpu.memref_slice %arg10[%add3A_111, %dma_start3A_116] : memref<128x16xf32, #tpu.memory_space<vmem>> -> memref<1x16xf32, #tpu.memory_space<vmem>>
      %dma_start3A_118 = arith.constant 0 : i32
      %dma_start3A_119 = tpu.memref_slice %arg4[%squeeze3A, %dma_start3A_118] : memref<1000000x16xf32, #tpu.memory_space<hbm>> -> memref<1x16xf32, #tpu.memory_space<hbm>>
      tpu.enqueue_dma source(%dma_start3A_119 : memref<1x16xf32, #tpu.memory_space<hbm>>) target(%dma_start3A_117 : memref<1x16xf32, #tpu.memory_space<vmem>>) target_semaphore(%arg14 : memref<!tpu.dma_semaphore, #tpu.memory_space<semaphore_mem>>)
      %slice3A_120 = vector.extract_strided_slice %get3A_107 {offsets = [0], sizes = [1], strides = [1]} : vector<16xi32> to vector<1xi32>
      %squeeze3A_121 = vector.extract %slice3A_120[0] : i32 from vector<1xi32>
      %dma_start3A_122 = arith.constant 0 : i32
      %dma_start3A_123 = tpu.memref_slice %arg11[%add3A_111, %dma_start3A_122] : memref<128x16xf32, #tpu.memory_space<vmem>> -> memref<1x16xf32, #tpu.memory_space<vmem>>
      %dma_start3A_124 = arith.constant 0 : i32
      %dma_start3A_125 = tpu.memref_slice %arg5[%squeeze3A_121, %dma_start3A_124] : memref<100000x16xf32, #tpu.memory_space<hbm>> -> memref<1x16xf32, #tpu.memory_space<hbm>>
      %dma_start3A_126 = arith.constant 0 : i32
      %dma_start3A_127 = tpu.memref_slice %arg11[%add3A_111, %dma_start3A_126] : memref<128x16xf32, #tpu.memory_space<vmem>> -> memref<1x16xf32, #tpu.memory_space<vmem>>
      %dma_start3A_128 = arith.constant 0 : i32
      %dma_start3A_129 = tpu.memref_slice %arg5[%squeeze3A_121, %dma_start3A_128] : memref<100000x16xf32, #tpu.memory_space<hbm>> -> memref<1x16xf32, #tpu.memory_space<hbm>>
      tpu.enqueue_dma source(%dma_start3A_129 : memref<1x16xf32, #tpu.memory_space<hbm>>) target(%dma_start3A_127 : memref<1x16xf32, #tpu.memory_space<vmem>>) target_semaphore(%arg15 : memref<!tpu.dma_semaphore, #tpu.memory_space<semaphore_mem>>)
      %mul3A_130 = arith.constant 16 : i32
      %mul3A_131 = arith.muli %scan3A_100, %mul3A_130 : i32
      %add3A_132 = arith.constant 1 : i32
      %add3A_133 = arith.addi %mul3A_131, %add3A_132 : i32
      %slice3A_134 = vector.extract_strided_slice %get3A_105 {offsets = [1], sizes = [1], strides = [1]} : vector<16xi32> to vector<1xi32>
      %squeeze3A_135 = vector.extract %slice3A_134[0] : i32 from vector<1xi32>
      %dma_start3A_136 = arith.constant 0 : i32
      %dma_start3A_137 = tpu.memref_slice %arg10[%add3A_133, %dma_start3A_136] : memref<128x16xf32, #tpu.memory_space<vmem>> -> memref<1x16xf32, #tpu.memory_space<vmem>>
      %dma_start3A_138 = arith.constant 0 : i32
      %dma_start3A_139 = tpu.memref_slice %arg4[%squeeze3A_135, %dma_start3A_138] : memref<1000000x16xf32, #tpu.memory_space<hbm>> -> memref<1x16xf32, #tpu.memory_space<hbm>>
      %dma_start3A_140 = arith.constant 0 : i32
      %dma_start3A_141 = tpu.memref_slice %arg10[%add3A_133, %dma_start3A_140] : memref<128x16xf32, #tpu.memory_space<vmem>> -> memref<1x16xf32, #tpu.memory_space<vmem>>
      %dma_start3A_142 = arith.constant 0 : i32
      %dma_start3A_143 = tpu.memref_slice %arg4[%squeeze3A_135, %dma_start3A_142] : memref<1000000x16xf32, #tpu.memory_space<hbm>> -> memref<1x16xf32, #tpu.memory_space<hbm>>
      tpu.enqueue_dma source(%dma_start3A_143 : memref<1x16xf32, #tpu.memory_space<hbm>>) target(%dma_start3A_141 : memref<1x16xf32, #tpu.memory_space<vmem>>) target_semaphore(%arg14 : memref<!tpu.dma_semaphore, #tpu.memory_space<semaphore_mem>>)
      %slice3A_144 = vector.extract_strided_slice %get3A_107 {offsets = [1], sizes = [1], strides = [1]} : vector<16xi32> to vector<1xi32>
      %squeeze3A_145 = vector.extract %slice3A_144[0] : i32 from vector<1xi32>
      %dma_start3A_146 = arith.constant 0 : i32
      %dma_start3A_147 = tpu.memref_slice %arg11[%add3A_133, %dma_start3A_146] : memref<128x16xf32, #tpu.memory_space<vmem>> -> memref<1x16xf32, #tpu.memory_space<vmem>>
      %dma_start3A_148 = arith.constant 0 : i32
      %dma_start3A_149 = tpu.memref_slice %arg5[%squeeze3A_145, %dma_start3A_148] : memref<100000x16xf32, #tpu.memory_space<hbm>> -> memref<1x16xf32, #tpu.memory_space<hbm>>
      %dma_start3A_150 = arith.constant 0 : i32
      %dma_start3A_151 = tpu.memref_slice %arg11[%add3A_133, %dma_start3A_150] : memref<128x16xf32, #tpu.memory_space<vmem>> -> memref<1x16xf32, #tpu.memory_space<vmem>>
      %dma_start3A_152 = arith.constant 0 : i32
      %dma_start3A_153 = tpu.memref_slice %arg5[%squeeze3A_145, %dma_start3A_152] : memref<100000x16xf32, #tpu.memory_space<hbm>> -> memref<1x16xf32, #tpu.memory_space<hbm>>
      tpu.enqueue_dma source(%dma_start3A_153 : memref<1x16xf32, #tpu.memory_space<hbm>>) target(%dma_start3A_151 : memref<1x16xf32, #tpu.memory_space<vmem>>) target_semaphore(%arg15 : memref<!tpu.dma_semaphore, #tpu.memory_space<semaphore_mem>>)
      %mul3A_154 = arith.constant 16 : i32
      %mul3A_155 = arith.muli %scan3A_100, %mul3A_154 : i32
      %add3A_156 = arith.constant 2 : i32
      %add3A_157 = arith.addi %mul3A_155, %add3A_156 : i32
      %slice3A_158 = vector.extract_strided_slice %get3A_105 {offsets = [2], sizes = [1], strides = [1]} : vector<16xi32> to vector<1xi32>
      %squeeze3A_159 = vector.extract %slice3A_158[0] : i32 from vector<1xi32>
      %dma_start3A_160 = arith.constant 0 : i32
      %dma_start3A_161 = tpu.memref_slice %arg10[%add3A_157, %dma_start3A_160] : memref<128x16xf32, #tpu.memory_space<vmem>> -> memref<1x16xf32, #tpu.memory_space<vmem>>
      %dma_start3A_162 = arith.constant 0 : i32
      %dma_start3A_163 = tpu.memref_slice %arg4[%squeeze3A_159, %dma_start3A_162] : memref<1000000x16xf32, #tpu.memory_space<hbm>> -> memref<1x16xf32, #tpu.memory_space<hbm>>
      %dma_start3A_164 = arith.constant 0 : i32
      %dma_start3A_165 = tpu.memref_slice %arg10[%add3A_157, %dma_start3A_164] : memref<128x16xf32, #tpu.memory_space<vmem>> -> memref<1x16xf32, #tpu.memory_space<vmem>>
      %dma_start3A_166 = arith.constant 0 : i32
      %dma_start3A_167 = tpu.memref_slice %arg4[%squeeze3A_159, %dma_start3A_166] : memref<1000000x16xf32, #tpu.memory_space<hbm>> -> memref<1x16xf32, #tpu.memory_space<hbm>>
      tpu.enqueue_dma source(%dma_start3A_167 : memref<1x16xf32, #tpu.memory_space<hbm>>) target(%dma_start3A_165 : memref<1x16xf32, #tpu.memory_space<vmem>>) target_semaphore(%arg14 : memref<!tpu.dma_semaphore, #tpu.memory_space<semaphore_mem>>)
      %slice3A_168 = vector.extract_strided_slice %get3A_107 {offsets = [2], sizes = [1], strides = [1]} : vector<16xi32> to vector<1xi32>
      %squeeze3A_169 = vector.extract %slice3A_168[0] : i32 from vector<1xi32>
      %dma_start3A_170 = arith.constant 0 : i32
      %dma_start3A_171 = tpu.memref_slice %arg11[%add3A_157, %dma_start3A_170] : memref<128x16xf32, #tpu.memory_space<vmem>> -> memref<1x16xf32, #tpu.memory_space<vmem>>
      %dma_start3A_172 = arith.constant 0 : i32
      %dma_start3A_173 = tpu.memref_slice %arg5[%squeeze3A_169, %dma_start3A_172] : memref<100000x16xf32, #tpu.memory_space<hbm>> -> memref<1x16xf32, #tpu.memory_space<hbm>>
      %dma_start3A_174 = arith.constant 0 : i32
      %dma_start3A_175 = tpu.memref_slice %arg11[%add3A_157, %dma_start3A_174] : memref<128x16xf32, #tpu.memory_space<vmem>> -> memref<1x16xf32, #tpu.memory_space<vmem>>
      %dma_start3A_176 = arith.constant 0 : i32
      %dma_start3A_177 = tpu.memref_slice %arg5[%squeeze3A_169, %dma_start3A_176] : memref<100000x16xf32, #tpu.memory_space<hbm>> -> memref<1x16xf32, #tpu.memory_space<hbm>>
      tpu.enqueue_dma source(%dma_start3A_177 : memref<1x16xf32, #tpu.memory_space<hbm>>) target(%dma_start3A_175 : memref<1x16xf32, #tpu.memory_space<vmem>>) target_semaphore(%arg15 : memref<!tpu.dma_semaphore, #tpu.memory_space<semaphore_mem>>)
      %mul3A_178 = arith.constant 16 : i32
      %mul3A_179 = arith.muli %scan3A_100, %mul3A_178 : i32
      %add3A_180 = arith.constant 3 : i32
      %add3A_181 = arith.addi %mul3A_179, %add3A_180 : i32
      %slice3A_182 = vector.extract_strided_slice %get3A_105 {offsets = [3], sizes = [1], strides = [1]} : vector<16xi32> to vector<1xi32>
      %squeeze3A_183 = vector.extract %slice3A_182[0] : i32 from vector<1xi32>
      %dma_start3A_184 = arith.constant 0 : i32
      %dma_start3A_185 = tpu.memref_slice %arg10[%add3A_181, %dma_start3A_184] : memref<128x16xf32, #tpu.memory_space<vmem>> -> memref<1x16xf32, #tpu.memory_space<vmem>>
      %dma_start3A_186 = arith.constant 0 : i32
      %dma_start3A_187 = tpu.memref_slice %arg4[%squeeze3A_183, %dma_start3A_186] : memref<1000000x16xf32, #tpu.memory_space<hbm>> -> memref<1x16xf32, #tpu.memory_space<hbm>>
      %dma_start3A_188 = arith.constant 0 : i32
      %dma_start3A_189 = tpu.memref_slice %arg10[%add3A_181, %dma_start3A_188] : memref<128x16xf32, #tpu.memory_space<vmem>> -> memref<1x16xf32, #tpu.memory_space<vmem>>
      %dma_start3A_190 = arith.constant 0 : i32
      %dma_start3A_191 = tpu.memref_slice %arg4[%squeeze3A_183, %dma_start3A_190] : memref<1000000x16xf32, #tpu.memory_space<hbm>> -> memref<1x16xf32, #tpu.memory_space<hbm>>
      tpu.enqueue_dma source(%dma_start3A_191 : memref<1x16xf32, #tpu.memory_space<hbm>>) target(%dma_start3A_189 : memref<1x16xf32, #tpu.memory_space<vmem>>) target_semaphore(%arg14 : memref<!tpu.dma_semaphore, #tpu.memory_space<semaphore_mem>>)
      %slice3A_192 = vector.extract_strided_slice %get3A_107 {offsets = [3], sizes = [1], strides = [1]} : vector<16xi32> to vector<1xi32>
      %squeeze3A_193 = vector.extract %slice3A_192[0] : i32 from vector<1xi32>
      %dma_start3A_194 = arith.constant 0 : i32
      %dma_start3A_195 = tpu.memref_slice %arg11[%add3A_181, %dma_start3A_194] : memref<128x16xf32, #tpu.memory_space<vmem>> -> memref<1x16xf32, #tpu.memory_space<vmem>>
      %dma_start3A_196 = arith.constant 0 : i32
      %dma_start3A_197 = tpu.memref_slice %arg5[%squeeze3A_193, %dma_start3A_196] : memref<100000x16xf32, #tpu.memory_space<hbm>> -> memref<1x16xf32, #tpu.memory_space<hbm>>
      %dma_start3A_198 = arith.constant 0 : i32
      %dma_start3A_199 = tpu.memref_slice %arg11[%add3A_181, %dma_start3A_198] : memref<128x16xf32, #tpu.memory_space<vmem>> -> memref<1x16xf32, #tpu.memory_space<vmem>>
      %dma_start3A_200 = arith.constant 0 : i32
      %dma_start3A_201 = tpu.memref_slice %arg5[%squeeze3A_193, %dma_start3A_200] : memref<100000x16xf32, #tpu.memory_space<hbm>> -> memref<1x16xf32, #tpu.memory_space<hbm>>
      tpu.enqueue_dma source(%dma_start3A_201 : memref<1x16xf32, #tpu.memory_space<hbm>>) target(%dma_start3A_199 : memref<1x16xf32, #tpu.memory_space<vmem>>) target_semaphore(%arg15 : memref<!tpu.dma_semaphore, #tpu.memory_space<semaphore_mem>>)
      %mul3A_202 = arith.constant 16 : i32
      %mul3A_203 = arith.muli %scan3A_100, %mul3A_202 : i32
      %add3A_204 = arith.constant 4 : i32
      %add3A_205 = arith.addi %mul3A_203, %add3A_204 : i32
      %slice3A_206 = vector.extract_strided_slice %get3A_105 {offsets = [4], sizes = [1], strides = [1]} : vector<16xi32> to vector<1xi32>
      %squeeze3A_207 = vector.extract %slice3A_206[0] : i32 from vector<1xi32>
      %dma_start3A_208 = arith.constant 0 : i32
      %dma_start3A_209 = tpu.memref_slice %arg10[%add3A_205, %dma_start3A_208] : memref<128x16xf32, #tpu.memory_space<vmem>> -> memref<1x16xf32, #tpu.memory_space<vmem>>
      %dma_start3A_210 = arith.constant 0 : i32
      %dma_start3A_211 = tpu.memref_slice %arg4[%squeeze3A_207, %dma_start3A_210] : memref<1000000x16xf32, #tpu.memory_space<hbm>> -> memref<1x16xf32, #tpu.memory_space<hbm>>
      %dma_start3A_212 = arith.constant 0 : i32
      %dma_start3A_213 = tpu.memref_slice %arg10[%add3A_205, %dma_start3A_212] : memref<128x16xf32, #tpu.memory_space<vmem>> -> memref<1x16xf32, #tpu.memory_space<vmem>>
      %dma_start3A_214 = arith.constant 0 : i32
      %dma_start3A_215 = tpu.memref_slice %arg4[%squeeze3A_207, %dma_start3A_214] : memref<1000000x16xf32, #tpu.memory_space<hbm>> -> memref<1x16xf32, #tpu.memory_space<hbm>>
      tpu.enqueue_dma source(%dma_start3A_215 : memref<1x16xf32, #tpu.memory_space<hbm>>) target(%dma_start3A_213 : memref<1x16xf32, #tpu.memory_space<vmem>>) target_semaphore(%arg14 : memref<!tpu.dma_semaphore, #tpu.memory_space<semaphore_mem>>)
      %slice3A_216 = vector.extract_strided_slice %get3A_107 {offsets = [4], sizes = [1], strides = [1]} : vector<16xi32> to vector<1xi32>
      %squeeze3A_217 = vector.extract %slice3A_216[0] : i32 from vector<1xi32>
      %dma_start3A_218 = arith.constant 0 : i32
      %dma_start3A_219 = tpu.memref_slice %arg11[%add3A_205, %dma_start3A_218] : memref<128x16xf32, #tpu.memory_space<vmem>> -> memref<1x16xf32, #tpu.memory_space<vmem>>
      %dma_start3A_220 = arith.constant 0 : i32
      %dma_start3A_221 = tpu.memref_slice %arg5[%squeeze3A_217, %dma_start3A_220] : memref<100000x16xf32, #tpu.memory_space<hbm>> -> memref<1x16xf32, #tpu.memory_space<hbm>>
      %dma_start3A_222 = arith.constant 0 : i32
      %dma_start3A_223 = tpu.memref_slice %arg11[%add3A_205, %dma_start3A_222] : memref<128x16xf32, #tpu.memory_space<vmem>> -> memref<1x16xf32, #tpu.memory_space<vmem>>
      %dma_start3A_224 = arith.constant 0 : i32
      %dma_start3A_225 = tpu.memref_slice %arg5[%squeeze3A_217, %dma_start3A_224] : memref<100000x16xf32, #tpu.memory_space<hbm>> -> memref<1x16xf32, #tpu.memory_space<hbm>>
      tpu.enqueue_dma source(%dma_start3A_225 : memref<1x16xf32, #tpu.memory_space<hbm>>) target(%dma_start3A_223 : memref<1x16xf32, #tpu.memory_space<vmem>>) target_semaphore(%arg15 : memref<!tpu.dma_semaphore, #tpu.memory_space<semaphore_mem>>)
      %mul3A_226 = arith.constant 16 : i32
      %mul3A_227 = arith.muli %scan3A_100, %mul3A_226 : i32
      %add3A_228 = arith.constant 5 : i32
      %add3A_229 = arith.addi %mul3A_227, %add3A_228 : i32
      %slice3A_230 = vector.extract_strided_slice %get3A_105 {offsets = [5], sizes = [1], strides = [1]} : vector<16xi32> to vector<1xi32>
      %squeeze3A_231 = vector.extract %slice3A_230[0] : i32 from vector<1xi32>
      %dma_start3A_232 = arith.constant 0 : i32
      %dma_start3A_233 = tpu.memref_slice %arg10[%add3A_229, %dma_start3A_232] : memref<128x16xf32, #tpu.memory_space<vmem>> -> memref<1x16xf32, #tpu.memory_space<vmem>>
      %dma_start3A_234 = arith.constant 0 : i32
      %dma_start3A_235 = tpu.memref_slice %arg4[%squeeze3A_231, %dma_start3A_234] : memref<1000000x16xf32, #tpu.memory_space<hbm>> -> memref<1x16xf32, #tpu.memory_space<hbm>>
      %dma_start3A_236 = arith.constant 0 : i32
      %dma_start3A_237 = tpu.memref_slice %arg10[%add3A_229, %dma_start3A_236] : memref<128x16xf32, #tpu.memory_space<vmem>> -> memref<1x16xf32, #tpu.memory_space<vmem>>
      %dma_start3A_238 = arith.constant 0 : i32
      %dma_start3A_239 = tpu.memref_slice %arg4[%squeeze3A_231, %dma_start3A_238] : memref<1000000x16xf32, #tpu.memory_space<hbm>> -> memref<1x16xf32, #tpu.memory_space<hbm>>
      tpu.enqueue_dma source(%dma_start3A_239 : memref<1x16xf32, #tpu.memory_space<hbm>>) target(%dma_start3A_237 : memref<1x16xf32, #tpu.memory_space<vmem>>) target_semaphore(%arg14 : memref<!tpu.dma_semaphore, #tpu.memory_space<semaphore_mem>>)
      %slice3A_240 = vector.extract_strided_slice %get3A_107 {offsets = [5], sizes = [1], strides = [1]} : vector<16xi32> to vector<1xi32>
      %squeeze3A_241 = vector.extract %slice3A_240[0] : i32 from vector<1xi32>
      %dma_start3A_242 = arith.constant 0 : i32
      %dma_start3A_243 = tpu.memref_slice %arg11[%add3A_229, %dma_start3A_242] : memref<128x16xf32, #tpu.memory_space<vmem>> -> memref<1x16xf32, #tpu.memory_space<vmem>>
      %dma_start3A_244 = arith.constant 0 : i32
      %dma_start3A_245 = tpu.memref_slice %arg5[%squeeze3A_241, %dma_start3A_244] : memref<100000x16xf32, #tpu.memory_space<hbm>> -> memref<1x16xf32, #tpu.memory_space<hbm>>
      %dma_start3A_246 = arith.constant 0 : i32
      %dma_start3A_247 = tpu.memref_slice %arg11[%add3A_229, %dma_start3A_246] : memref<128x16xf32, #tpu.memory_space<vmem>> -> memref<1x16xf32, #tpu.memory_space<vmem>>
      %dma_start3A_248 = arith.constant 0 : i32
      %dma_start3A_249 = tpu.memref_slice %arg5[%squeeze3A_241, %dma_start3A_248] : memref<100000x16xf32, #tpu.memory_space<hbm>> -> memref<1x16xf32, #tpu.memory_space<hbm>>
      tpu.enqueue_dma source(%dma_start3A_249 : memref<1x16xf32, #tpu.memory_space<hbm>>) target(%dma_start3A_247 : memref<1x16xf32, #tpu.memory_space<vmem>>) target_semaphore(%arg15 : memref<!tpu.dma_semaphore, #tpu.memory_space<semaphore_mem>>)
      %mul3A_250 = arith.constant 16 : i32
      %mul3A_251 = arith.muli %scan3A_100, %mul3A_250 : i32
      %add3A_252 = arith.constant 6 : i32
      %add3A_253 = arith.addi %mul3A_251, %add3A_252 : i32
      %slice3A_254 = vector.extract_strided_slice %get3A_105 {offsets = [6], sizes = [1], strides = [1]} : vector<16xi32> to vector<1xi32>
      %squeeze3A_255 = vector.extract %slice3A_254[0] : i32 from vector<1xi32>
      %dma_start3A_256 = arith.constant 0 : i32
      %dma_start3A_257 = tpu.memref_slice %arg10[%add3A_253, %dma_start3A_256] : memref<128x16xf32, #tpu.memory_space<vmem>> -> memref<1x16xf32, #tpu.memory_space<vmem>>
      %dma_start3A_258 = arith.constant 0 : i32
      %dma_start3A_259 = tpu.memref_slice %arg4[%squeeze3A_255, %dma_start3A_258] : memref<1000000x16xf32, #tpu.memory_space<hbm>> -> memref<1x16xf32, #tpu.memory_space<hbm>>
      %dma_start3A_260 = arith.constant 0 : i32
      %dma_start3A_261 = tpu.memref_slice %arg10[%add3A_253, %dma_start3A_260] : memref<128x16xf32, #tpu.memory_space<vmem>> -> memref<1x16xf32, #tpu.memory_space<vmem>>
      %dma_start3A_262 = arith.constant 0 : i32
      %dma_start3A_263 = tpu.memref_slice %arg4[%squeeze3A_255, %dma_start3A_262] : memref<1000000x16xf32, #tpu.memory_space<hbm>> -> memref<1x16xf32, #tpu.memory_space<hbm>>
      tpu.enqueue_dma source(%dma_start3A_263 : memref<1x16xf32, #tpu.memory_space<hbm>>) target(%dma_start3A_261 : memref<1x16xf32, #tpu.memory_space<vmem>>) target_semaphore(%arg14 : memref<!tpu.dma_semaphore, #tpu.memory_space<semaphore_mem>>)
      %slice3A_264 = vector.extract_strided_slice %get3A_107 {offsets = [6], sizes = [1], strides = [1]} : vector<16xi32> to vector<1xi32>
      %squeeze3A_265 = vector.extract %slice3A_264[0] : i32 from vector<1xi32>
      %dma_start3A_266 = arith.constant 0 : i32
      %dma_start3A_267 = tpu.memref_slice %arg11[%add3A_253, %dma_start3A_266] : memref<128x16xf32, #tpu.memory_space<vmem>> -> memref<1x16xf32, #tpu.memory_space<vmem>>
      %dma_start3A_268 = arith.constant 0 : i32
      %dma_start3A_269 = tpu.memref_slice %arg5[%squeeze3A_265, %dma_start3A_268] : memref<100000x16xf32, #tpu.memory_space<hbm>> -> memref<1x16xf32, #tpu.memory_space<hbm>>
      %dma_start3A_270 = arith.constant 0 : i32
      %dma_start3A_271 = tpu.memref_slice %arg11[%add3A_253, %dma_start3A_270] : memref<128x16xf32, #tpu.memory_space<vmem>> -> memref<1x16xf32, #tpu.memory_space<vmem>>
      %dma_start3A_272 = arith.constant 0 : i32
      %dma_start3A_273 = tpu.memref_slice %arg5[%squeeze3A_265, %dma_start3A_272] : memref<100000x16xf32, #tpu.memory_space<hbm>> -> memref<1x16xf32, #tpu.memory_space<hbm>>
      tpu.enqueue_dma source(%dma_start3A_273 : memref<1x16xf32, #tpu.memory_space<hbm>>) target(%dma_start3A_271 : memref<1x16xf32, #tpu.memory_space<vmem>>) target_semaphore(%arg15 : memref<!tpu.dma_semaphore, #tpu.memory_space<semaphore_mem>>)
      %mul3A_274 = arith.constant 16 : i32
      %mul3A_275 = arith.muli %scan3A_100, %mul3A_274 : i32
      %add3A_276 = arith.constant 7 : i32
      %add3A_277 = arith.addi %mul3A_275, %add3A_276 : i32
      %slice3A_278 = vector.extract_strided_slice %get3A_105 {offsets = [7], sizes = [1], strides = [1]} : vector<16xi32> to vector<1xi32>
      %squeeze3A_279 = vector.extract %slice3A_278[0] : i32 from vector<1xi32>
      %dma_start3A_280 = arith.constant 0 : i32
      %dma_start3A_281 = tpu.memref_slice %arg10[%add3A_277, %dma_start3A_280] : memref<128x16xf32, #tpu.memory_space<vmem>> -> memref<1x16xf32, #tpu.memory_space<vmem>>
      %dma_start3A_282 = arith.constant 0 : i32
      %dma_start3A_283 = tpu.memref_slice %arg4[%squeeze3A_279, %dma_start3A_282] : memref<1000000x16xf32, #tpu.memory_space<hbm>> -> memref<1x16xf32, #tpu.memory_space<hbm>>
      %dma_start3A_284 = arith.constant 0 : i32
      %dma_start3A_285 = tpu.memref_slice %arg10[%add3A_277, %dma_start3A_284] : memref<128x16xf32, #tpu.memory_space<vmem>> -> memref<1x16xf32, #tpu.memory_space<vmem>>
      %dma_start3A_286 = arith.constant 0 : i32
      %dma_start3A_287 = tpu.memref_slice %arg4[%squeeze3A_279, %dma_start3A_286] : memref<1000000x16xf32, #tpu.memory_space<hbm>> -> memref<1x16xf32, #tpu.memory_space<hbm>>
      tpu.enqueue_dma source(%dma_start3A_287 : memref<1x16xf32, #tpu.memory_space<hbm>>) target(%dma_start3A_285 : memref<1x16xf32, #tpu.memory_space<vmem>>) target_semaphore(%arg14 : memref<!tpu.dma_semaphore, #tpu.memory_space<semaphore_mem>>)
      %slice3A_288 = vector.extract_strided_slice %get3A_107 {offsets = [7], sizes = [1], strides = [1]} : vector<16xi32> to vector<1xi32>
      %squeeze3A_289 = vector.extract %slice3A_288[0] : i32 from vector<1xi32>
      %dma_start3A_290 = arith.constant 0 : i32
      %dma_start3A_291 = tpu.memref_slice %arg11[%add3A_277, %dma_start3A_290] : memref<128x16xf32, #tpu.memory_space<vmem>> -> memref<1x16xf32, #tpu.memory_space<vmem>>
      %dma_start3A_292 = arith.constant 0 : i32
      %dma_start3A_293 = tpu.memref_slice %arg5[%squeeze3A_289, %dma_start3A_292] : memref<100000x16xf32, #tpu.memory_space<hbm>> -> memref<1x16xf32, #tpu.memory_space<hbm>>
      %dma_start3A_294 = arith.constant 0 : i32
      %dma_start3A_295 = tpu.memref_slice %arg11[%add3A_277, %dma_start3A_294] : memref<128x16xf32, #tpu.memory_space<vmem>> -> memref<1x16xf32, #tpu.memory_space<vmem>>
      %dma_start3A_296 = arith.constant 0 : i32
      %dma_start3A_297 = tpu.memref_slice %arg5[%squeeze3A_289, %dma_start3A_296] : memref<100000x16xf32, #tpu.memory_space<hbm>> -> memref<1x16xf32, #tpu.memory_space<hbm>>
      tpu.enqueue_dma source(%dma_start3A_297 : memref<1x16xf32, #tpu.memory_space<hbm>>) target(%dma_start3A_295 : memref<1x16xf32, #tpu.memory_space<vmem>>) target_semaphore(%arg15 : memref<!tpu.dma_semaphore, #tpu.memory_space<semaphore_mem>>)
      %mul3A_298 = arith.constant 16 : i32
      %mul3A_299 = arith.muli %scan3A_100, %mul3A_298 : i32
      %add3A_300 = arith.constant 8 : i32
      %add3A_301 = arith.addi %mul3A_299, %add3A_300 : i32
      %slice3A_302 = vector.extract_strided_slice %get3A_105 {offsets = [8], sizes = [1], strides = [1]} : vector<16xi32> to vector<1xi32>
      %squeeze3A_303 = vector.extract %slice3A_302[0] : i32 from vector<1xi32>
      %dma_start3A_304 = arith.constant 0 : i32
      %dma_start3A_305 = tpu.memref_slice %arg10[%add3A_301, %dma_start3A_304] : memref<128x16xf32, #tpu.memory_space<vmem>> -> memref<1x16xf32, #tpu.memory_space<vmem>>
      %dma_start3A_306 = arith.constant 0 : i32
      %dma_start3A_307 = tpu.memref_slice %arg4[%squeeze3A_303, %dma_start3A_306] : memref<1000000x16xf32, #tpu.memory_space<hbm>> -> memref<1x16xf32, #tpu.memory_space<hbm>>
      %dma_start3A_308 = arith.constant 0 : i32
      %dma_start3A_309 = tpu.memref_slice %arg10[%add3A_301, %dma_start3A_308] : memref<128x16xf32, #tpu.memory_space<vmem>> -> memref<1x16xf32, #tpu.memory_space<vmem>>
      %dma_start3A_310 = arith.constant 0 : i32
      %dma_start3A_311 = tpu.memref_slice %arg4[%squeeze3A_303, %dma_start3A_310] : memref<1000000x16xf32, #tpu.memory_space<hbm>> -> memref<1x16xf32, #tpu.memory_space<hbm>>
      tpu.enqueue_dma source(%dma_start3A_311 : memref<1x16xf32, #tpu.memory_space<hbm>>) target(%dma_start3A_309 : memref<1x16xf32, #tpu.memory_space<vmem>>) target_semaphore(%arg14 : memref<!tpu.dma_semaphore, #tpu.memory_space<semaphore_mem>>)
      %slice3A_312 = vector.extract_strided_slice %get3A_107 {offsets = [8], sizes = [1], strides = [1]} : vector<16xi32> to vector<1xi32>
      %squeeze3A_313 = vector.extract %slice3A_312[0] : i32 from vector<1xi32>
      %dma_start3A_314 = arith.constant 0 : i32
      %dma_start3A_315 = tpu.memref_slice %arg11[%add3A_301, %dma_start3A_314] : memref<128x16xf32, #tpu.memory_space<vmem>> -> memref<1x16xf32, #tpu.memory_space<vmem>>
      %dma_start3A_316 = arith.constant 0 : i32
      %dma_start3A_317 = tpu.memref_slice %arg5[%squeeze3A_313, %dma_start3A_316] : memref<100000x16xf32, #tpu.memory_space<hbm>> -> memref<1x16xf32, #tpu.memory_space<hbm>>
      %dma_start3A_318 = arith.constant 0 : i32
      %dma_start3A_319 = tpu.memref_slice %arg11[%add3A_301, %dma_start3A_318] : memref<128x16xf32, #tpu.memory_space<vmem>> -> memref<1x16xf32, #tpu.memory_space<vmem>>
      %dma_start3A_320 = arith.constant 0 : i32
      %dma_start3A_321 = tpu.memref_slice %arg5[%squeeze3A_313, %dma_start3A_320] : memref<100000x16xf32, #tpu.memory_space<hbm>> -> memref<1x16xf32, #tpu.memory_space<hbm>>
      tpu.enqueue_dma source(%dma_start3A_321 : memref<1x16xf32, #tpu.memory_space<hbm>>) target(%dma_start3A_319 : memref<1x16xf32, #tpu.memory_space<vmem>>) target_semaphore(%arg15 : memref<!tpu.dma_semaphore, #tpu.memory_space<semaphore_mem>>)
      %mul3A_322 = arith.constant 16 : i32
      %mul3A_323 = arith.muli %scan3A_100, %mul3A_322 : i32
      %add3A_324 = arith.constant 9 : i32
      %add3A_325 = arith.addi %mul3A_323, %add3A_324 : i32
      %slice3A_326 = vector.extract_strided_slice %get3A_105 {offsets = [9], sizes = [1], strides = [1]} : vector<16xi32> to vector<1xi32>
      %squeeze3A_327 = vector.extract %slice3A_326[0] : i32 from vector<1xi32>
      %dma_start3A_328 = arith.constant 0 : i32
      %dma_start3A_329 = tpu.memref_slice %arg10[%add3A_325, %dma_start3A_328] : memref<128x16xf32, #tpu.memory_space<vmem>> -> memref<1x16xf32, #tpu.memory_space<vmem>>
      %dma_start3A_330 = arith.constant 0 : i32
      %dma_start3A_331 = tpu.memref_slice %arg4[%squeeze3A_327, %dma_start3A_330] : memref<1000000x16xf32, #tpu.memory_space<hbm>> -> memref<1x16xf32, #tpu.memory_space<hbm>>
      %dma_start3A_332 = arith.constant 0 : i32
      %dma_start3A_333 = tpu.memref_slice %arg10[%add3A_325, %dma_start3A_332] : memref<128x16xf32, #tpu.memory_space<vmem>> -> memref<1x16xf32, #tpu.memory_space<vmem>>
      %dma_start3A_334 = arith.constant 0 : i32
      %dma_start3A_335 = tpu.memref_slice %arg4[%squeeze3A_327, %dma_start3A_334] : memref<1000000x16xf32, #tpu.memory_space<hbm>> -> memref<1x16xf32, #tpu.memory_space<hbm>>
      tpu.enqueue_dma source(%dma_start3A_335 : memref<1x16xf32, #tpu.memory_space<hbm>>) target(%dma_start3A_333 : memref<1x16xf32, #tpu.memory_space<vmem>>) target_semaphore(%arg14 : memref<!tpu.dma_semaphore, #tpu.memory_space<semaphore_mem>>)
      %slice3A_336 = vector.extract_strided_slice %get3A_107 {offsets = [9], sizes = [1], strides = [1]} : vector<16xi32> to vector<1xi32>
      %squeeze3A_337 = vector.extract %slice3A_336[0] : i32 from vector<1xi32>
      %dma_start3A_338 = arith.constant 0 : i32
      %dma_start3A_339 = tpu.memref_slice %arg11[%add3A_325, %dma_start3A_338] : memref<128x16xf32, #tpu.memory_space<vmem>> -> memref<1x16xf32, #tpu.memory_space<vmem>>
      %dma_start3A_340 = arith.constant 0 : i32
      %dma_start3A_341 = tpu.memref_slice %arg5[%squeeze3A_337, %dma_start3A_340] : memref<100000x16xf32, #tpu.memory_space<hbm>> -> memref<1x16xf32, #tpu.memory_space<hbm>>
      %dma_start3A_342 = arith.constant 0 : i32
      %dma_start3A_343 = tpu.memref_slice %arg11[%add3A_325, %dma_start3A_342] : memref<128x16xf32, #tpu.memory_space<vmem>> -> memref<1x16xf32, #tpu.memory_space<vmem>>
      %dma_start3A_344 = arith.constant 0 : i32
      %dma_start3A_345 = tpu.memref_slice %arg5[%squeeze3A_337, %dma_start3A_344] : memref<100000x16xf32, #tpu.memory_space<hbm>> -> memref<1x16xf32, #tpu.memory_space<hbm>>
      tpu.enqueue_dma source(%dma_start3A_345 : memref<1x16xf32, #tpu.memory_space<hbm>>) target(%dma_start3A_343 : memref<1x16xf32, #tpu.memory_space<vmem>>) target_semaphore(%arg15 : memref<!tpu.dma_semaphore, #tpu.memory_space<semaphore_mem>>)
      %mul3A_346 = arith.constant 16 : i32
      %mul3A_347 = arith.muli %scan3A_100, %mul3A_346 : i32
      %add3A_348 = arith.constant 10 : i32
      %add3A_349 = arith.addi %mul3A_347, %add3A_348 : i32
      %slice3A_350 = vector.extract_strided_slice %get3A_105 {offsets = [10], sizes = [1], strides = [1]} : vector<16xi32> to vector<1xi32>
      %squeeze3A_351 = vector.extract %slice3A_350[0] : i32 from vector<1xi32>
      %dma_start3A_352 = arith.constant 0 : i32
      %dma_start3A_353 = tpu.memref_slice %arg10[%add3A_349, %dma_start3A_352] : memref<128x16xf32, #tpu.memory_space<vmem>> -> memref<1x16xf32, #tpu.memory_space<vmem>>
      %dma_start3A_354 = arith.constant 0 : i32
      %dma_start3A_355 = tpu.memref_slice %arg4[%squeeze3A_351, %dma_start3A_354] : memref<1000000x16xf32, #tpu.memory_space<hbm>> -> memref<1x16xf32, #tpu.memory_space<hbm>>
      %dma_start3A_356 = arith.constant 0 : i32
      %dma_start3A_357 = tpu.memref_slice %arg10[%add3A_349, %dma_start3A_356] : memref<128x16xf32, #tpu.memory_space<vmem>> -> memref<1x16xf32, #tpu.memory_space<vmem>>
      %dma_start3A_358 = arith.constant 0 : i32
      %dma_start3A_359 = tpu.memref_slice %arg4[%squeeze3A_351, %dma_start3A_358] : memref<1000000x16xf32, #tpu.memory_space<hbm>> -> memref<1x16xf32, #tpu.memory_space<hbm>>
      tpu.enqueue_dma source(%dma_start3A_359 : memref<1x16xf32, #tpu.memory_space<hbm>>) target(%dma_start3A_357 : memref<1x16xf32, #tpu.memory_space<vmem>>) target_semaphore(%arg14 : memref<!tpu.dma_semaphore, #tpu.memory_space<semaphore_mem>>)
      %slice3A_360 = vector.extract_strided_slice %get3A_107 {offsets = [10], sizes = [1], strides = [1]} : vector<16xi32> to vector<1xi32>
      %squeeze3A_361 = vector.extract %slice3A_360[0] : i32 from vector<1xi32>
      %dma_start3A_362 = arith.constant 0 : i32
      %dma_start3A_363 = tpu.memref_slice %arg11[%add3A_349, %dma_start3A_362] : memref<128x16xf32, #tpu.memory_space<vmem>> -> memref<1x16xf32, #tpu.memory_space<vmem>>
      %dma_start3A_364 = arith.constant 0 : i32
      %dma_start3A_365 = tpu.memref_slice %arg5[%squeeze3A_361, %dma_start3A_364] : memref<100000x16xf32, #tpu.memory_space<hbm>> -> memref<1x16xf32, #tpu.memory_space<hbm>>
      %dma_start3A_366 = arith.constant 0 : i32
      %dma_start3A_367 = tpu.memref_slice %arg11[%add3A_349, %dma_start3A_366] : memref<128x16xf32, #tpu.memory_space<vmem>> -> memref<1x16xf32, #tpu.memory_space<vmem>>
      %dma_start3A_368 = arith.constant 0 : i32
      %dma_start3A_369 = tpu.memref_slice %arg5[%squeeze3A_361, %dma_start3A_368] : memref<100000x16xf32, #tpu.memory_space<hbm>> -> memref<1x16xf32, #tpu.memory_space<hbm>>
      tpu.enqueue_dma source(%dma_start3A_369 : memref<1x16xf32, #tpu.memory_space<hbm>>) target(%dma_start3A_367 : memref<1x16xf32, #tpu.memory_space<vmem>>) target_semaphore(%arg15 : memref<!tpu.dma_semaphore, #tpu.memory_space<semaphore_mem>>)
      %mul3A_370 = arith.constant 16 : i32
      %mul3A_371 = arith.muli %scan3A_100, %mul3A_370 : i32
      %add3A_372 = arith.constant 11 : i32
      %add3A_373 = arith.addi %mul3A_371, %add3A_372 : i32
      %slice3A_374 = vector.extract_strided_slice %get3A_105 {offsets = [11], sizes = [1], strides = [1]} : vector<16xi32> to vector<1xi32>
      %squeeze3A_375 = vector.extract %slice3A_374[0] : i32 from vector<1xi32>
      %dma_start3A_376 = arith.constant 0 : i32
      %dma_start3A_377 = tpu.memref_slice %arg10[%add3A_373, %dma_start3A_376] : memref<128x16xf32, #tpu.memory_space<vmem>> -> memref<1x16xf32, #tpu.memory_space<vmem>>
      %dma_start3A_378 = arith.constant 0 : i32
      %dma_start3A_379 = tpu.memref_slice %arg4[%squeeze3A_375, %dma_start3A_378] : memref<1000000x16xf32, #tpu.memory_space<hbm>> -> memref<1x16xf32, #tpu.memory_space<hbm>>
      %dma_start3A_380 = arith.constant 0 : i32
      %dma_start3A_381 = tpu.memref_slice %arg10[%add3A_373, %dma_start3A_380] : memref<128x16xf32, #tpu.memory_space<vmem>> -> memref<1x16xf32, #tpu.memory_space<vmem>>
      %dma_start3A_382 = arith.constant 0 : i32
      %dma_start3A_383 = tpu.memref_slice %arg4[%squeeze3A_375, %dma_start3A_382] : memref<1000000x16xf32, #tpu.memory_space<hbm>> -> memref<1x16xf32, #tpu.memory_space<hbm>>
      tpu.enqueue_dma source(%dma_start3A_383 : memref<1x16xf32, #tpu.memory_space<hbm>>) target(%dma_start3A_381 : memref<1x16xf32, #tpu.memory_space<vmem>>) target_semaphore(%arg14 : memref<!tpu.dma_semaphore, #tpu.memory_space<semaphore_mem>>)
      %slice3A_384 = vector.extract_strided_slice %get3A_107 {offsets = [11], sizes = [1], strides = [1]} : vector<16xi32> to vector<1xi32>
      %squeeze3A_385 = vector.extract %slice3A_384[0] : i32 from vector<1xi32>
      %dma_start3A_386 = arith.constant 0 : i32
      %dma_start3A_387 = tpu.memref_slice %arg11[%add3A_373, %dma_start3A_386] : memref<128x16xf32, #tpu.memory_space<vmem>> -> memref<1x16xf32, #tpu.memory_space<vmem>>
      %dma_start3A_388 = arith.constant 0 : i32
      %dma_start3A_389 = tpu.memref_slice %arg5[%squeeze3A_385, %dma_start3A_388] : memref<100000x16xf32, #tpu.memory_space<hbm>> -> memref<1x16xf32, #tpu.memory_space<hbm>>
      %dma_start3A_390 = arith.constant 0 : i32
      %dma_start3A_391 = tpu.memref_slice %arg11[%add3A_373, %dma_start3A_390] : memref<128x16xf32, #tpu.memory_space<vmem>> -> memref<1x16xf32, #tpu.memory_space<vmem>>
      %dma_start3A_392 = arith.constant 0 : i32
      %dma_start3A_393 = tpu.memref_slice %arg5[%squeeze3A_385, %dma_start3A_392] : memref<100000x16xf32, #tpu.memory_space<hbm>> -> memref<1x16xf32, #tpu.memory_space<hbm>>
      tpu.enqueue_dma source(%dma_start3A_393 : memref<1x16xf32, #tpu.memory_space<hbm>>) target(%dma_start3A_391 : memref<1x16xf32, #tpu.memory_space<vmem>>) target_semaphore(%arg15 : memref<!tpu.dma_semaphore, #tpu.memory_space<semaphore_mem>>)
      %mul3A_394 = arith.constant 16 : i32
      %mul3A_395 = arith.muli %scan3A_100, %mul3A_394 : i32
      %add3A_396 = arith.constant 12 : i32
      %add3A_397 = arith.addi %mul3A_395, %add3A_396 : i32
      %slice3A_398 = vector.extract_strided_slice %get3A_105 {offsets = [12], sizes = [1], strides = [1]} : vector<16xi32> to vector<1xi32>
      %squeeze3A_399 = vector.extract %slice3A_398[0] : i32 from vector<1xi32>
      %dma_start3A_400 = arith.constant 0 : i32
      %dma_start3A_401 = tpu.memref_slice %arg10[%add3A_397, %dma_start3A_400] : memref<128x16xf32, #tpu.memory_space<vmem>> -> memref<1x16xf32, #tpu.memory_space<vmem>>
      %dma_start3A_402 = arith.constant 0 : i32
      %dma_start3A_403 = tpu.memref_slice %arg4[%squeeze3A_399, %dma_start3A_402] : memref<1000000x16xf32, #tpu.memory_space<hbm>> -> memref<1x16xf32, #tpu.memory_space<hbm>>
      %dma_start3A_404 = arith.constant 0 : i32
      %dma_start3A_405 = tpu.memref_slice %arg10[%add3A_397, %dma_start3A_404] : memref<128x16xf32, #tpu.memory_space<vmem>> -> memref<1x16xf32, #tpu.memory_space<vmem>>
      %dma_start3A_406 = arith.constant 0 : i32
      %dma_start3A_407 = tpu.memref_slice %arg4[%squeeze3A_399, %dma_start3A_406] : memref<1000000x16xf32, #tpu.memory_space<hbm>> -> memref<1x16xf32, #tpu.memory_space<hbm>>
      tpu.enqueue_dma source(%dma_start3A_407 : memref<1x16xf32, #tpu.memory_space<hbm>>) target(%dma_start3A_405 : memref<1x16xf32, #tpu.memory_space<vmem>>) target_semaphore(%arg14 : memref<!tpu.dma_semaphore, #tpu.memory_space<semaphore_mem>>)
      %slice3A_408 = vector.extract_strided_slice %get3A_107 {offsets = [12], sizes = [1], strides = [1]} : vector<16xi32> to vector<1xi32>
      %squeeze3A_409 = vector.extract %slice3A_408[0] : i32 from vector<1xi32>
      %dma_start3A_410 = arith.constant 0 : i32
      %dma_start3A_411 = tpu.memref_slice %arg11[%add3A_397, %dma_start3A_410] : memref<128x16xf32, #tpu.memory_space<vmem>> -> memref<1x16xf32, #tpu.memory_space<vmem>>
      %dma_start3A_412 = arith.constant 0 : i32
      %dma_start3A_413 = tpu.memref_slice %arg5[%squeeze3A_409, %dma_start3A_412] : memref<100000x16xf32, #tpu.memory_space<hbm>> -> memref<1x16xf32, #tpu.memory_space<hbm>>
      %dma_start3A_414 = arith.constant 0 : i32
      %dma_start3A_415 = tpu.memref_slice %arg11[%add3A_397, %dma_start3A_414] : memref<128x16xf32, #tpu.memory_space<vmem>> -> memref<1x16xf32, #tpu.memory_space<vmem>>
      %dma_start3A_416 = arith.constant 0 : i32
      %dma_start3A_417 = tpu.memref_slice %arg5[%squeeze3A_409, %dma_start3A_416] : memref<100000x16xf32, #tpu.memory_space<hbm>> -> memref<1x16xf32, #tpu.memory_space<hbm>>
      tpu.enqueue_dma source(%dma_start3A_417 : memref<1x16xf32, #tpu.memory_space<hbm>>) target(%dma_start3A_415 : memref<1x16xf32, #tpu.memory_space<vmem>>) target_semaphore(%arg15 : memref<!tpu.dma_semaphore, #tpu.memory_space<semaphore_mem>>)
      %mul3A_418 = arith.constant 16 : i32
      %mul3A_419 = arith.muli %scan3A_100, %mul3A_418 : i32
      %add3A_420 = arith.constant 13 : i32
      %add3A_421 = arith.addi %mul3A_419, %add3A_420 : i32
      %slice3A_422 = vector.extract_strided_slice %get3A_105 {offsets = [13], sizes = [1], strides = [1]} : vector<16xi32> to vector<1xi32>
      %squeeze3A_423 = vector.extract %slice3A_422[0] : i32 from vector<1xi32>
      %dma_start3A_424 = arith.constant 0 : i32
      %dma_start3A_425 = tpu.memref_slice %arg10[%add3A_421, %dma_start3A_424] : memref<128x16xf32, #tpu.memory_space<vmem>> -> memref<1x16xf32, #tpu.memory_space<vmem>>
      %dma_start3A_426 = arith.constant 0 : i32
      %dma_start3A_427 = tpu.memref_slice %arg4[%squeeze3A_423, %dma_start3A_426] : memref<1000000x16xf32, #tpu.memory_space<hbm>> -> memref<1x16xf32, #tpu.memory_space<hbm>>
      %dma_start3A_428 = arith.constant 0 : i32
      %dma_start3A_429 = tpu.memref_slice %arg10[%add3A_421, %dma_start3A_428] : memref<128x16xf32, #tpu.memory_space<vmem>> -> memref<1x16xf32, #tpu.memory_space<vmem>>
      %dma_start3A_430 = arith.constant 0 : i32
      %dma_start3A_431 = tpu.memref_slice %arg4[%squeeze3A_423, %dma_start3A_430] : memref<1000000x16xf32, #tpu.memory_space<hbm>> -> memref<1x16xf32, #tpu.memory_space<hbm>>
      tpu.enqueue_dma source(%dma_start3A_431 : memref<1x16xf32, #tpu.memory_space<hbm>>) target(%dma_start3A_429 : memref<1x16xf32, #tpu.memory_space<vmem>>) target_semaphore(%arg14 : memref<!tpu.dma_semaphore, #tpu.memory_space<semaphore_mem>>)
      %slice3A_432 = vector.extract_strided_slice %get3A_107 {offsets = [13], sizes = [1], strides = [1]} : vector<16xi32> to vector<1xi32>
      %squeeze3A_433 = vector.extract %slice3A_432[0] : i32 from vector<1xi32>
      %dma_start3A_434 = arith.constant 0 : i32
      %dma_start3A_435 = tpu.memref_slice %arg11[%add3A_421, %dma_start3A_434] : memref<128x16xf32, #tpu.memory_space<vmem>> -> memref<1x16xf32, #tpu.memory_space<vmem>>
      %dma_start3A_436 = arith.constant 0 : i32
      %dma_start3A_437 = tpu.memref_slice %arg5[%squeeze3A_433, %dma_start3A_436] : memref<100000x16xf32, #tpu.memory_space<hbm>> -> memref<1x16xf32, #tpu.memory_space<hbm>>
      %dma_start3A_438 = arith.constant 0 : i32
      %dma_start3A_439 = tpu.memref_slice %arg11[%add3A_421, %dma_start3A_438] : memref<128x16xf32, #tpu.memory_space<vmem>> -> memref<1x16xf32, #tpu.memory_space<vmem>>
      %dma_start3A_440 = arith.constant 0 : i32
      %dma_start3A_441 = tpu.memref_slice %arg5[%squeeze3A_433, %dma_start3A_440] : memref<100000x16xf32, #tpu.memory_space<hbm>> -> memref<1x16xf32, #tpu.memory_space<hbm>>
      tpu.enqueue_dma source(%dma_start3A_441 : memref<1x16xf32, #tpu.memory_space<hbm>>) target(%dma_start3A_439 : memref<1x16xf32, #tpu.memory_space<vmem>>) target_semaphore(%arg15 : memref<!tpu.dma_semaphore, #tpu.memory_space<semaphore_mem>>)
      %mul3A_442 = arith.constant 16 : i32
      %mul3A_443 = arith.muli %scan3A_100, %mul3A_442 : i32
      %add3A_444 = arith.constant 14 : i32
      %add3A_445 = arith.addi %mul3A_443, %add3A_444 : i32
      %slice3A_446 = vector.extract_strided_slice %get3A_105 {offsets = [14], sizes = [1], strides = [1]} : vector<16xi32> to vector<1xi32>
      %squeeze3A_447 = vector.extract %slice3A_446[0] : i32 from vector<1xi32>
      %dma_start3A_448 = arith.constant 0 : i32
      %dma_start3A_449 = tpu.memref_slice %arg10[%add3A_445, %dma_start3A_448] : memref<128x16xf32, #tpu.memory_space<vmem>> -> memref<1x16xf32, #tpu.memory_space<vmem>>
      %dma_start3A_450 = arith.constant 0 : i32
      %dma_start3A_451 = tpu.memref_slice %arg4[%squeeze3A_447, %dma_start3A_450] : memref<1000000x16xf32, #tpu.memory_space<hbm>> -> memref<1x16xf32, #tpu.memory_space<hbm>>
      %dma_start3A_452 = arith.constant 0 : i32
      %dma_start3A_453 = tpu.memref_slice %arg10[%add3A_445, %dma_start3A_452] : memref<128x16xf32, #tpu.memory_space<vmem>> -> memref<1x16xf32, #tpu.memory_space<vmem>>
      %dma_start3A_454 = arith.constant 0 : i32
      %dma_start3A_455 = tpu.memref_slice %arg4[%squeeze3A_447, %dma_start3A_454] : memref<1000000x16xf32, #tpu.memory_space<hbm>> -> memref<1x16xf32, #tpu.memory_space<hbm>>
      tpu.enqueue_dma source(%dma_start3A_455 : memref<1x16xf32, #tpu.memory_space<hbm>>) target(%dma_start3A_453 : memref<1x16xf32, #tpu.memory_space<vmem>>) target_semaphore(%arg14 : memref<!tpu.dma_semaphore, #tpu.memory_space<semaphore_mem>>)
      %slice3A_456 = vector.extract_strided_slice %get3A_107 {offsets = [14], sizes = [1], strides = [1]} : vector<16xi32> to vector<1xi32>
      %squeeze3A_457 = vector.extract %slice3A_456[0] : i32 from vector<1xi32>
      %dma_start3A_458 = arith.constant 0 : i32
      %dma_start3A_459 = tpu.memref_slice %arg11[%add3A_445, %dma_start3A_458] : memref<128x16xf32, #tpu.memory_space<vmem>> -> memref<1x16xf32, #tpu.memory_space<vmem>>
      %dma_start3A_460 = arith.constant 0 : i32
      %dma_start3A_461 = tpu.memref_slice %arg5[%squeeze3A_457, %dma_start3A_460] : memref<100000x16xf32, #tpu.memory_space<hbm>> -> memref<1x16xf32, #tpu.memory_space<hbm>>
      %dma_start3A_462 = arith.constant 0 : i32
      %dma_start3A_463 = tpu.memref_slice %arg11[%add3A_445, %dma_start3A_462] : memref<128x16xf32, #tpu.memory_space<vmem>> -> memref<1x16xf32, #tpu.memory_space<vmem>>
      %dma_start3A_464 = arith.constant 0 : i32
      %dma_start3A_465 = tpu.memref_slice %arg5[%squeeze3A_457, %dma_start3A_464] : memref<100000x16xf32, #tpu.memory_space<hbm>> -> memref<1x16xf32, #tpu.memory_space<hbm>>
      tpu.enqueue_dma source(%dma_start3A_465 : memref<1x16xf32, #tpu.memory_space<hbm>>) target(%dma_start3A_463 : memref<1x16xf32, #tpu.memory_space<vmem>>) target_semaphore(%arg15 : memref<!tpu.dma_semaphore, #tpu.memory_space<semaphore_mem>>)
      %mul3A_466 = arith.constant 16 : i32
      %mul3A_467 = arith.muli %scan3A_100, %mul3A_466 : i32
      %add3A_468 = arith.constant 15 : i32
      %add3A_469 = arith.addi %mul3A_467, %add3A_468 : i32
      %slice3A_470 = vector.extract_strided_slice %get3A_105 {offsets = [15], sizes = [1], strides = [1]} : vector<16xi32> to vector<1xi32>
      %squeeze3A_471 = vector.extract %slice3A_470[0] : i32 from vector<1xi32>
      %dma_start3A_472 = arith.constant 0 : i32
      %dma_start3A_473 = tpu.memref_slice %arg10[%add3A_469, %dma_start3A_472] : memref<128x16xf32, #tpu.memory_space<vmem>> -> memref<1x16xf32, #tpu.memory_space<vmem>>
      %dma_start3A_474 = arith.constant 0 : i32
      %dma_start3A_475 = tpu.memref_slice %arg4[%squeeze3A_471, %dma_start3A_474] : memref<1000000x16xf32, #tpu.memory_space<hbm>> -> memref<1x16xf32, #tpu.memory_space<hbm>>
      %dma_start3A_476 = arith.constant 0 : i32
      %dma_start3A_477 = tpu.memref_slice %arg10[%add3A_469, %dma_start3A_476] : memref<128x16xf32, #tpu.memory_space<vmem>> -> memref<1x16xf32, #tpu.memory_space<vmem>>
      %dma_start3A_478 = arith.constant 0 : i32
      %dma_start3A_479 = tpu.memref_slice %arg4[%squeeze3A_471, %dma_start3A_478] : memref<1000000x16xf32, #tpu.memory_space<hbm>> -> memref<1x16xf32, #tpu.memory_space<hbm>>
      tpu.enqueue_dma source(%dma_start3A_479 : memref<1x16xf32, #tpu.memory_space<hbm>>) target(%dma_start3A_477 : memref<1x16xf32, #tpu.memory_space<vmem>>) target_semaphore(%arg14 : memref<!tpu.dma_semaphore, #tpu.memory_space<semaphore_mem>>)
      %slice3A_480 = vector.extract_strided_slice %get3A_107 {offsets = [15], sizes = [1], strides = [1]} : vector<16xi32> to vector<1xi32>
      %squeeze3A_481 = vector.extract %slice3A_480[0] : i32 from vector<1xi32>
      %dma_start3A_482 = arith.constant 0 : i32
      %dma_start3A_483 = tpu.memref_slice %arg11[%add3A_469, %dma_start3A_482] : memref<128x16xf32, #tpu.memory_space<vmem>> -> memref<1x16xf32, #tpu.memory_space<vmem>>
      %dma_start3A_484 = arith.constant 0 : i32
      %dma_start3A_485 = tpu.memref_slice %arg5[%squeeze3A_481, %dma_start3A_484] : memref<100000x16xf32, #tpu.memory_space<hbm>> -> memref<1x16xf32, #tpu.memory_space<hbm>>
      %dma_start3A_486 = arith.constant 0 : i32
      %dma_start3A_487 = tpu.memref_slice %arg11[%add3A_469, %dma_start3A_486] : memref<128x16xf32, #tpu.memory_space<vmem>> -> memref<1x16xf32, #tpu.memory_space<vmem>>
      %dma_start3A_488 = arith.constant 0 : i32
      %dma_start3A_489 = tpu.memref_slice %arg5[%squeeze3A_481, %dma_start3A_488] : memref<100000x16xf32, #tpu.memory_space<hbm>> -> memref<1x16xf32, #tpu.memory_space<hbm>>
      tpu.enqueue_dma source(%dma_start3A_489 : memref<1x16xf32, #tpu.memory_space<hbm>>) target(%dma_start3A_487 : memref<1x16xf32, #tpu.memory_space<vmem>>) target_semaphore(%arg15 : memref<!tpu.dma_semaphore, #tpu.memory_space<semaphore_mem>>)
    }
    %scan3A_33 = arith.constant 8 : i32
    %dma_wait3A_34 = arith.constant 0 : i32
    %dma_wait3A_35 = arith.constant 0 : i32
    %dma_wait3A_36 = tpu.memref_slice %arg4[%dma_wait3A_34, %dma_wait3A_35] : memref<1000000x16xf32, #tpu.memory_space<hbm>> -> memref<128x16xf32, #tpu.memory_space<hbm>>
    %dma_wait3A_37 = arith.constant 0 : i32
    %dma_wait3A_38 = arith.constant 0 : i32
    %dma_wait3A_39 = tpu.memref_slice %arg4[%dma_wait3A_37, %dma_wait3A_38] : memref<1000000x16xf32, #tpu.memory_space<hbm>> -> memref<128x16xf32, #tpu.memory_space<hbm>>
    tpu.wait_dma2 semaphore(%arg14 : memref<!tpu.dma_semaphore, #tpu.memory_space<semaphore_mem>>) src(%dma_wait3A_39 : memref<128x16xf32, #tpu.memory_space<hbm>>) dst(%arg10 : memref<128x16xf32, #tpu.memory_space<vmem>>)
    %dma_wait3A_40 = arith.constant 0 : i32
    %dma_wait3A_41 = arith.constant 0 : i32
    %dma_wait3A_42 = tpu.memref_slice %arg5[%dma_wait3A_40, %dma_wait3A_41] : memref<100000x16xf32, #tpu.memory_space<hbm>> -> memref<128x16xf32, #tpu.memory_space<hbm>>
    %dma_wait3A_43 = arith.constant 0 : i32
    %dma_wait3A_44 = arith.constant 0 : i32
    %dma_wait3A_45 = tpu.memref_slice %arg5[%dma_wait3A_43, %dma_wait3A_44] : memref<100000x16xf32, #tpu.memory_space<hbm>> -> memref<128x16xf32, #tpu.memory_space<hbm>>
    tpu.wait_dma2 semaphore(%arg15 : memref<!tpu.dma_semaphore, #tpu.memory_space<semaphore_mem>>) src(%dma_wait3A_45 : memref<128x16xf32, #tpu.memory_space<hbm>>) dst(%arg11 : memref<128x16xf32, #tpu.memory_space<vmem>>)
    %scan3A_46 = arith.constant 0 : i32
    %scan3A_47 = arith.constant 0 : i32
    %scan3A_48 = arith.constant 8 : i32
    %scan3A_49 = arith.addi %scan3A_47, %scan3A_48 : i32
    %scan3A_50 = arith.constant 1 : i32
    scf.for %scan3A_100 = %scan3A_47 to %scan3A_49 step %scan3A_50  : i32 {
      %mul3A_101 = arith.constant 16 : i32
      %mul3A_102 = arith.muli %scan3A_100, %mul3A_101 : i32
      %add3A_103 = arith.constant 128 : i32
      %add3A_104 = arith.addi %add3A_103, %mul3A_102 : i32
      %multiple_of3A = tpu.assume_multiple %add3A_104, 16 : i32
      %mul3A_105 = arith.constant 16 : i32
      %mul3A_106 = arith.muli %scan3A_100, %mul3A_105 : i32
      %add3A_107 = vector.broadcast %mul3A_106 : i32 to vector<16xi32>
      %add3A_108 = arith.addi %add3A_107, %iota3A : vector<16xi32>
      %broadcast_in_dim3A = arith.constant 0.000000e+00 : f32
      %broadcast_in_dim3A_109 = vector.broadcast %broadcast_in_dim3A : f32 to vector<16xf32>
      %broadcast_in_dim3A_110 = arith.constant 0 : i32
      %broadcast_in_dim3A_111 = vector.broadcast %broadcast_in_dim3A_110 : i32 to vector<16xi32>
      %gather3A = tpu.vector_load_idx %arg10[%add3A_108, %broadcast_in_dim3A_111] : memref<128x16xf32, #tpu.memory_space<vmem>>[vector<16xi32>, vector<16xi32>], vector<16xf32>,
      %gather3A_112 = tpu.vector_load_idx %arg11[%add3A_108, %broadcast_in_dim3A_111] : memref<128x16xf32, #tpu.memory_space<vmem>>[vector<16xi32>, vector<16xi32>], vector<16xf32>,
      %mul3A_113 = arith.mulf %gather3A, %gather3A_112 : vector<16xf32>
      %add3A_114 = arith.addf %broadcast_in_dim3A_109, %mul3A_113 : vector<16xf32>
      %broadcast_in_dim3A_115 = arith.constant 1 : i32
      %broadcast_in_dim3A_116 = vector.broadcast %broadcast_in_dim3A_115 : i32 to vector<16xi32>
      %gather3A_117 = tpu.vector_load_idx %arg10[%add3A_108, %broadcast_in_dim3A_116] : memref<128x16xf32, #tpu.memory_space<vmem>>[vector<16xi32>, vector<16xi32>], vector<16xf32>,
      %gather3A_118 = tpu.vector_load_idx %arg11[%add3A_108, %broadcast_in_dim3A_116] : memref<128x16xf32, #tpu.memory_space<vmem>>[vector<16xi32>, vector<16xi32>], vector<16xf32>,
      %mul3A_119 = arith.mulf %gather3A_117, %gather3A_118 : vector<16xf32>
      %add3A_120 = arith.addf %add3A_114, %mul3A_119 : vector<16xf32>
      %broadcast_in_dim3A_121 = arith.constant 2 : i32
      %broadcast_in_dim3A_122 = vector.broadcast %broadcast_in_dim3A_121 : i32 to vector<16xi32>
      %gather3A_123 = tpu.vector_load_idx %arg10[%add3A_108, %broadcast_in_dim3A_122] : memref<128x16xf32, #tpu.memory_space<vmem>>[vector<16xi32>, vector<16xi32>], vector<16xf32>,
      %gather3A_124 = tpu.vector_load_idx %arg11[%add3A_108, %broadcast_in_dim3A_122] : memref<128x16xf32, #tpu.memory_space<vmem>>[vector<16xi32>, vector<16xi32>], vector<16xf32>,
      %mul3A_125 = arith.mulf %gather3A_123, %gather3A_124 : vector<16xf32>
      %add3A_126 = arith.addf %add3A_120, %mul3A_125 : vector<16xf32>
      %broadcast_in_dim3A_127 = arith.constant 3 : i32
      %broadcast_in_dim3A_128 = vector.broadcast %broadcast_in_dim3A_127 : i32 to vector<16xi32>
      %gather3A_129 = tpu.vector_load_idx %arg10[%add3A_108, %broadcast_in_dim3A_128] : memref<128x16xf32, #tpu.memory_space<vmem>>[vector<16xi32>, vector<16xi32>], vector<16xf32>,
      %gather3A_130 = tpu.vector_load_idx %arg11[%add3A_108, %broadcast_in_dim3A_128] : memref<128x16xf32, #tpu.memory_space<vmem>>[vector<16xi32>, vector<16xi32>], vector<16xf32>,
      %mul3A_131 = arith.mulf %gather3A_129, %gather3A_130 : vector<16xf32>
      %add3A_132 = arith.addf %add3A_126, %mul3A_131 : vector<16xf32>
      %broadcast_in_dim3A_133 = arith.constant 4 : i32
      %broadcast_in_dim3A_134 = vector.broadcast %broadcast_in_dim3A_133 : i32 to vector<16xi32>
      %gather3A_135 = tpu.vector_load_idx %arg10[%add3A_108, %broadcast_in_dim3A_134] : memref<128x16xf32, #tpu.memory_space<vmem>>[vector<16xi32>, vector<16xi32>], vector<16xf32>,
      %gather3A_136 = tpu.vector_load_idx %arg11[%add3A_108, %broadcast_in_dim3A_134] : memref<128x16xf32, #tpu.memory_space<vmem>>[vector<16xi32>, vector<16xi32>], vector<16xf32>,
      %mul3A_137 = arith.mulf %gather3A_135, %gather3A_136 : vector<16xf32>
      %add3A_138 = arith.addf %add3A_132, %mul3A_137 : vector<16xf32>
      %broadcast_in_dim3A_139 = arith.constant 5 : i32
      %broadcast_in_dim3A_140 = vector.broadcast %broadcast_in_dim3A_139 : i32 to vector<16xi32>
      %gather3A_141 = tpu.vector_load_idx %arg10[%add3A_108, %broadcast_in_dim3A_140] : memref<128x16xf32, #tpu.memory_space<vmem>>[vector<16xi32>, vector<16xi32>], vector<16xf32>,
      %gather3A_142 = tpu.vector_load_idx %arg11[%add3A_108, %broadcast_in_dim3A_140] : memref<128x16xf32, #tpu.memory_space<vmem>>[vector<16xi32>, vector<16xi32>], vector<16xf32>,
      %mul3A_143 = arith.mulf %gather3A_141, %gather3A_142 : vector<16xf32>
      %add3A_144 = arith.addf %add3A_138, %mul3A_143 : vector<16xf32>
      %broadcast_in_dim3A_145 = arith.constant 6 : i32
      %broadcast_in_dim3A_146 = vector.broadcast %broadcast_in_dim3A_145 : i32 to vector<16xi32>
      %gather3A_147 = tpu.vector_load_idx %arg10[%add3A_108, %broadcast_in_dim3A_146] : memref<128x16xf32, #tpu.memory_space<vmem>>[vector<16xi32>, vector<16xi32>], vector<16xf32>,
      %gather3A_148 = tpu.vector_load_idx %arg11[%add3A_108, %broadcast_in_dim3A_146] : memref<128x16xf32, #tpu.memory_space<vmem>>[vector<16xi32>, vector<16xi32>], vector<16xf32>,
      %mul3A_149 = arith.mulf %gather3A_147, %gather3A_148 : vector<16xf32>
      %add3A_150 = arith.addf %add3A_144, %mul3A_149 : vector<16xf32>
      %broadcast_in_dim3A_151 = arith.constant 7 : i32
      %broadcast_in_dim3A_152 = vector.broadcast %broadcast_in_dim3A_151 : i32 to vector<16xi32>
      %gather3A_153 = tpu.vector_load_idx %arg10[%add3A_108, %broadcast_in_dim3A_152] : memref<128x16xf32, #tpu.memory_space<vmem>>[vector<16xi32>, vector<16xi32>], vector<16xf32>,
      %gather3A_154 = tpu.vector_load_idx %arg11[%add3A_108, %broadcast_in_dim3A_152] : memref<128x16xf32, #tpu.memory_space<vmem>>[vector<16xi32>, vector<16xi32>], vector<16xf32>,
      %mul3A_155 = arith.mulf %gather3A_153, %gather3A_154 : vector<16xf32>
      %add3A_156 = arith.addf %add3A_150, %mul3A_155 : vector<16xf32>
      %broadcast_in_dim3A_157 = arith.constant 8 : i32
      %broadcast_in_dim3A_158 = vector.broadcast %broadcast_in_dim3A_157 : i32 to vector<16xi32>
      %gather3A_159 = tpu.vector_load_idx %arg10[%add3A_108, %broadcast_in_dim3A_158] : memref<128x16xf32, #tpu.memory_space<vmem>>[vector<16xi32>, vector<16xi32>], vector<16xf32>,
      %gather3A_160 = tpu.vector_load_idx %arg11[%add3A_108, %broadcast_in_dim3A_158] : memref<128x16xf32, #tpu.memory_space<vmem>>[vector<16xi32>, vector<16xi32>], vector<16xf32>,
      %mul3A_161 = arith.mulf %gather3A_159, %gather3A_160 : vector<16xf32>
      %add3A_162 = arith.addf %add3A_156, %mul3A_161 : vector<16xf32>
      %broadcast_in_dim3A_163 = arith.constant 9 : i32
      %broadcast_in_dim3A_164 = vector.broadcast %broadcast_in_dim3A_163 : i32 to vector<16xi32>
      %gather3A_165 = tpu.vector_load_idx %arg10[%add3A_108, %broadcast_in_dim3A_164] : memref<128x16xf32, #tpu.memory_space<vmem>>[vector<16xi32>, vector<16xi32>], vector<16xf32>,
      %gather3A_166 = tpu.vector_load_idx %arg11[%add3A_108, %broadcast_in_dim3A_164] : memref<128x16xf32, #tpu.memory_space<vmem>>[vector<16xi32>, vector<16xi32>], vector<16xf32>,
      %mul3A_167 = arith.mulf %gather3A_165, %gather3A_166 : vector<16xf32>
      %add3A_168 = arith.addf %add3A_162, %mul3A_167 : vector<16xf32>
      %broadcast_in_dim3A_169 = arith.constant 10 : i32
      %broadcast_in_dim3A_170 = vector.broadcast %broadcast_in_dim3A_169 : i32 to vector<16xi32>
      %gather3A_171 = tpu.vector_load_idx %arg10[%add3A_108, %broadcast_in_dim3A_170] : memref<128x16xf32, #tpu.memory_space<vmem>>[vector<16xi32>, vector<16xi32>], vector<16xf32>,
      %gather3A_172 = tpu.vector_load_idx %arg11[%add3A_108, %broadcast_in_dim3A_170] : memref<128x16xf32, #tpu.memory_space<vmem>>[vector<16xi32>, vector<16xi32>], vector<16xf32>,
      %mul3A_173 = arith.mulf %gather3A_171, %gather3A_172 : vector<16xf32>
      %add3A_174 = arith.addf %add3A_168, %mul3A_173 : vector<16xf32>
      %broadcast_in_dim3A_175 = arith.constant 11 : i32
      %broadcast_in_dim3A_176 = vector.broadcast %broadcast_in_dim3A_175 : i32 to vector<16xi32>
      %gather3A_177 = tpu.vector_load_idx %arg10[%add3A_108, %broadcast_in_dim3A_176] : memref<128x16xf32, #tpu.memory_space<vmem>>[vector<16xi32>, vector<16xi32>], vector<16xf32>,
      %gather3A_178 = tpu.vector_load_idx %arg11[%add3A_108, %broadcast_in_dim3A_176] : memref<128x16xf32, #tpu.memory_space<vmem>>[vector<16xi32>, vector<16xi32>], vector<16xf32>,
      %mul3A_179 = arith.mulf %gather3A_177, %gather3A_178 : vector<16xf32>
      %add3A_180 = arith.addf %add3A_174, %mul3A_179 : vector<16xf32>
      %broadcast_in_dim3A_181 = arith.constant 12 : i32
      %broadcast_in_dim3A_182 = vector.broadcast %broadcast_in_dim3A_181 : i32 to vector<16xi32>
      %gather3A_183 = tpu.vector_load_idx %arg10[%add3A_108, %broadcast_in_dim3A_182] : memref<128x16xf32, #tpu.memory_space<vmem>>[vector<16xi32>, vector<16xi32>], vector<16xf32>,
      %gather3A_184 = tpu.vector_load_idx %arg11[%add3A_108, %broadcast_in_dim3A_182] : memref<128x16xf32, #tpu.memory_space<vmem>>[vector<16xi32>, vector<16xi32>], vector<16xf32>,
      %mul3A_185 = arith.mulf %gather3A_183, %gather3A_184 : vector<16xf32>
      %add3A_186 = arith.addf %add3A_180, %mul3A_185 : vector<16xf32>
      %broadcast_in_dim3A_187 = arith.constant 13 : i32
      %broadcast_in_dim3A_188 = vector.broadcast %broadcast_in_dim3A_187 : i32 to vector<16xi32>
      %gather3A_189 = tpu.vector_load_idx %arg10[%add3A_108, %broadcast_in_dim3A_188] : memref<128x16xf32, #tpu.memory_space<vmem>>[vector<16xi32>, vector<16xi32>], vector<16xf32>,
      %gather3A_190 = tpu.vector_load_idx %arg11[%add3A_108, %broadcast_in_dim3A_188] : memref<128x16xf32, #tpu.memory_space<vmem>>[vector<16xi32>, vector<16xi32>], vector<16xf32>,
      %mul3A_191 = arith.mulf %gather3A_189, %gather3A_190 : vector<16xf32>
      %add3A_192 = arith.addf %add3A_186, %mul3A_191 : vector<16xf32>
      %broadcast_in_dim3A_193 = arith.constant 14 : i32
      %broadcast_in_dim3A_194 = vector.broadcast %broadcast_in_dim3A_193 : i32 to vector<16xi32>
      %gather3A_195 = tpu.vector_load_idx %arg10[%add3A_108, %broadcast_in_dim3A_194] : memref<128x16xf32, #tpu.memory_space<vmem>>[vector<16xi32>, vector<16xi32>], vector<16xf32>,
      %gather3A_196 = tpu.vector_load_idx %arg11[%add3A_108, %broadcast_in_dim3A_194] : memref<128x16xf32, #tpu.memory_space<vmem>>[vector<16xi32>, vector<16xi32>], vector<16xf32>,
      %mul3A_197 = arith.mulf %gather3A_195, %gather3A_196 : vector<16xf32>
      %add3A_198 = arith.addf %add3A_192, %mul3A_197 : vector<16xf32>
      %broadcast_in_dim3A_199 = arith.constant 15 : i32
      %broadcast_in_dim3A_200 = vector.broadcast %broadcast_in_dim3A_199 : i32 to vector<16xi32>
      %gather3A_201 = tpu.vector_load_idx %arg10[%add3A_108, %broadcast_in_dim3A_200] : memref<128x16xf32, #tpu.memory_space<vmem>>[vector<16xi32>, vector<16xi32>], vector<16xf32>,
      %gather3A_202 = tpu.vector_load_idx %arg11[%add3A_108, %broadcast_in_dim3A_200] : memref<128x16xf32, #tpu.memory_space<vmem>>[vector<16xi32>, vector<16xi32>], vector<16xf32>,
      %mul3A_203 = arith.mulf %gather3A_201, %gather3A_202 : vector<16xf32>
      %add3A_204 = arith.addf %add3A_198, %mul3A_203 : vector<16xf32>
      %get3A = arith.index_cast %multiple_of3A : i32 to index
      %get3A_205 = tpu.vector_load %arg12[%get3A] {strides = array<i32>} : memref<512xf32, #tpu.memory_space<vmem>>, vector<16xf32>,
      %sub3A = arith.subf %add3A_204, %get3A_205 : vector<16xf32>
      %neg3A = arith.constant 0.000000e+00 : f32
      %neg3A_206 = vector.broadcast %neg3A : f32 to vector<16xf32>
      %neg3A_207 = arith.subf %neg3A_206, %sub3A : vector<16xf32>
      %exp3A = math.exp %neg3A_207 : vector<16xf32>
      %add3A_208 = arith.constant 1.000000e+00 : f32
      %add3A_209 = vector.broadcast %add3A_208 : f32 to vector<16xf32>
      %add3A_210 = arith.addf %add3A_209, %exp3A : vector<16xf32>
      %div3A = arith.constant 1.000000e+00 : f32
      %div3A_211 = vector.broadcast %div3A : f32 to vector<16xf32>
      %div3A_212 = arith.divf %div3A_211, %add3A_210 : vector<16xf32>
      %swap3A = arith.index_cast %multiple_of3A : i32 to index
      %swap3A_213 = tpu.vector_load %arg13[%swap3A] {strides = array<i32>} : memref<512xf32, #tpu.memory_space<vmem>>, vector<16xf32>,
      tpu.vector_store %arg13[%swap3A], %div3A_212 {strides = array<i32>} : memref<512xf32, #tpu.memory_space<vmem>>, vector<16xf32>,
    }
    %scan3A_51 = arith.constant 8 : i32
    %scan3A_52 = arith.constant 0 : i32
    %scan3A_53 = arith.constant 0 : i32
    %scan3A_54 = arith.constant 8 : i32
    %scan3A_55 = arith.addi %scan3A_53, %scan3A_54 : i32
    %scan3A_56 = arith.constant 1 : i32
    scf.for %scan3A_100 = %scan3A_53 to %scan3A_55 step %scan3A_56  : i32 {
      %mul3A_101 = arith.constant 16 : i32
      %mul3A_102 = arith.muli %scan3A_100, %mul3A_101 : i32
      %add3A_103 = arith.constant 256 : i32
      %add3A_104 = arith.addi %add3A_103, %mul3A_102 : i32
      %multiple_of3A = tpu.assume_multiple %add3A_104, 16 : i32
      %get3A = arith.index_cast %multiple_of3A : i32 to index
      %get3A_105 = tpu.vector_load %arg8[%get3A] {strides = array<i32>} : memref<512xi32, #tpu.memory_space<vmem>>, vector<16xi32>,
      %get3A_106 = arith.index_cast %multiple_of3A : i32 to index
      %get3A_107 = tpu.vector_load %arg9[%get3A_106] {strides = array<i32>} : memref<512xi32, #tpu.memory_space<vmem>>, vector<16xi32>,
      %mul3A_108 = arith.constant 16 : i32
      %mul3A_109 = arith.muli %scan3A_100, %mul3A_108 : i32
      %add3A_110 = arith.constant 0 : i32
      %add3A_111 = arith.addi %mul3A_109, %add3A_110 : i32
      %slice3A = vector.extract_strided_slice %get3A_105 {offsets = [0], sizes = [1], strides = [1]} : vector<16xi32> to vector<1xi32>
      %squeeze3A = vector.extract %slice3A[0] : i32 from vector<1xi32>
      %dma_start3A_112 = arith.constant 0 : i32
      %dma_start3A_113 = tpu.memref_slice %arg10[%add3A_111, %dma_start3A_112] : memref<128x16xf32, #tpu.memory_space<vmem>> -> memref<1x16xf32, #tpu.memory_space<vmem>>
      %dma_start3A_114 = arith.constant 0 : i32
      %dma_start3A_115 = tpu.memref_slice %arg4[%squeeze3A, %dma_start3A_114] : memref<1000000x16xf32, #tpu.memory_space<hbm>> -> memref<1x16xf32, #tpu.memory_space<hbm>>
      %dma_start3A_116 = arith.constant 0 : i32
      %dma_start3A_117 = tpu.memref_slice %arg10[%add3A_111, %dma_start3A_116] : memref<128x16xf32, #tpu.memory_space<vmem>> -> memref<1x16xf32, #tpu.memory_space<vmem>>
      %dma_start3A_118 = arith.constant 0 : i32
      %dma_start3A_119 = tpu.memref_slice %arg4[%squeeze3A, %dma_start3A_118] : memref<1000000x16xf32, #tpu.memory_space<hbm>> -> memref<1x16xf32, #tpu.memory_space<hbm>>
      tpu.enqueue_dma source(%dma_start3A_119 : memref<1x16xf32, #tpu.memory_space<hbm>>) target(%dma_start3A_117 : memref<1x16xf32, #tpu.memory_space<vmem>>) target_semaphore(%arg14 : memref<!tpu.dma_semaphore, #tpu.memory_space<semaphore_mem>>)
      %slice3A_120 = vector.extract_strided_slice %get3A_107 {offsets = [0], sizes = [1], strides = [1]} : vector<16xi32> to vector<1xi32>
      %squeeze3A_121 = vector.extract %slice3A_120[0] : i32 from vector<1xi32>
      %dma_start3A_122 = arith.constant 0 : i32
      %dma_start3A_123 = tpu.memref_slice %arg11[%add3A_111, %dma_start3A_122] : memref<128x16xf32, #tpu.memory_space<vmem>> -> memref<1x16xf32, #tpu.memory_space<vmem>>
      %dma_start3A_124 = arith.constant 0 : i32
      %dma_start3A_125 = tpu.memref_slice %arg5[%squeeze3A_121, %dma_start3A_124] : memref<100000x16xf32, #tpu.memory_space<hbm>> -> memref<1x16xf32, #tpu.memory_space<hbm>>
      %dma_start3A_126 = arith.constant 0 : i32
      %dma_start3A_127 = tpu.memref_slice %arg11[%add3A_111, %dma_start3A_126] : memref<128x16xf32, #tpu.memory_space<vmem>> -> memref<1x16xf32, #tpu.memory_space<vmem>>
      %dma_start3A_128 = arith.constant 0 : i32
      %dma_start3A_129 = tpu.memref_slice %arg5[%squeeze3A_121, %dma_start3A_128] : memref<100000x16xf32, #tpu.memory_space<hbm>> -> memref<1x16xf32, #tpu.memory_space<hbm>>
      tpu.enqueue_dma source(%dma_start3A_129 : memref<1x16xf32, #tpu.memory_space<hbm>>) target(%dma_start3A_127 : memref<1x16xf32, #tpu.memory_space<vmem>>) target_semaphore(%arg15 : memref<!tpu.dma_semaphore, #tpu.memory_space<semaphore_mem>>)
      %mul3A_130 = arith.constant 16 : i32
      %mul3A_131 = arith.muli %scan3A_100, %mul3A_130 : i32
      %add3A_132 = arith.constant 1 : i32
      %add3A_133 = arith.addi %mul3A_131, %add3A_132 : i32
      %slice3A_134 = vector.extract_strided_slice %get3A_105 {offsets = [1], sizes = [1], strides = [1]} : vector<16xi32> to vector<1xi32>
      %squeeze3A_135 = vector.extract %slice3A_134[0] : i32 from vector<1xi32>
      %dma_start3A_136 = arith.constant 0 : i32
      %dma_start3A_137 = tpu.memref_slice %arg10[%add3A_133, %dma_start3A_136] : memref<128x16xf32, #tpu.memory_space<vmem>> -> memref<1x16xf32, #tpu.memory_space<vmem>>
      %dma_start3A_138 = arith.constant 0 : i32
      %dma_start3A_139 = tpu.memref_slice %arg4[%squeeze3A_135, %dma_start3A_138] : memref<1000000x16xf32, #tpu.memory_space<hbm>> -> memref<1x16xf32, #tpu.memory_space<hbm>>
      %dma_start3A_140 = arith.constant 0 : i32
      %dma_start3A_141 = tpu.memref_slice %arg10[%add3A_133, %dma_start3A_140] : memref<128x16xf32, #tpu.memory_space<vmem>> -> memref<1x16xf32, #tpu.memory_space<vmem>>
      %dma_start3A_142 = arith.constant 0 : i32
      %dma_start3A_143 = tpu.memref_slice %arg4[%squeeze3A_135, %dma_start3A_142] : memref<1000000x16xf32, #tpu.memory_space<hbm>> -> memref<1x16xf32, #tpu.memory_space<hbm>>
      tpu.enqueue_dma source(%dma_start3A_143 : memref<1x16xf32, #tpu.memory_space<hbm>>) target(%dma_start3A_141 : memref<1x16xf32, #tpu.memory_space<vmem>>) target_semaphore(%arg14 : memref<!tpu.dma_semaphore, #tpu.memory_space<semaphore_mem>>)
      %slice3A_144 = vector.extract_strided_slice %get3A_107 {offsets = [1], sizes = [1], strides = [1]} : vector<16xi32> to vector<1xi32>
      %squeeze3A_145 = vector.extract %slice3A_144[0] : i32 from vector<1xi32>
      %dma_start3A_146 = arith.constant 0 : i32
      %dma_start3A_147 = tpu.memref_slice %arg11[%add3A_133, %dma_start3A_146] : memref<128x16xf32, #tpu.memory_space<vmem>> -> memref<1x16xf32, #tpu.memory_space<vmem>>
      %dma_start3A_148 = arith.constant 0 : i32
      %dma_start3A_149 = tpu.memref_slice %arg5[%squeeze3A_145, %dma_start3A_148] : memref<100000x16xf32, #tpu.memory_space<hbm>> -> memref<1x16xf32, #tpu.memory_space<hbm>>
      %dma_start3A_150 = arith.constant 0 : i32
      %dma_start3A_151 = tpu.memref_slice %arg11[%add3A_133, %dma_start3A_150] : memref<128x16xf32, #tpu.memory_space<vmem>> -> memref<1x16xf32, #tpu.memory_space<vmem>>
      %dma_start3A_152 = arith.constant 0 : i32
      %dma_start3A_153 = tpu.memref_slice %arg5[%squeeze3A_145, %dma_start3A_152] : memref<100000x16xf32, #tpu.memory_space<hbm>> -> memref<1x16xf32, #tpu.memory_space<hbm>>
      tpu.enqueue_dma source(%dma_start3A_153 : memref<1x16xf32, #tpu.memory_space<hbm>>) target(%dma_start3A_151 : memref<1x16xf32, #tpu.memory_space<vmem>>) target_semaphore(%arg15 : memref<!tpu.dma_semaphore, #tpu.memory_space<semaphore_mem>>)
      %mul3A_154 = arith.constant 16 : i32
      %mul3A_155 = arith.muli %scan3A_100, %mul3A_154 : i32
      %add3A_156 = arith.constant 2 : i32
      %add3A_157 = arith.addi %mul3A_155, %add3A_156 : i32
      %slice3A_158 = vector.extract_strided_slice %get3A_105 {offsets = [2], sizes = [1], strides = [1]} : vector<16xi32> to vector<1xi32>
      %squeeze3A_159 = vector.extract %slice3A_158[0] : i32 from vector<1xi32>
      %dma_start3A_160 = arith.constant 0 : i32
      %dma_start3A_161 = tpu.memref_slice %arg10[%add3A_157, %dma_start3A_160] : memref<128x16xf32, #tpu.memory_space<vmem>> -> memref<1x16xf32, #tpu.memory_space<vmem>>
      %dma_start3A_162 = arith.constant 0 : i32
      %dma_start3A_163 = tpu.memref_slice %arg4[%squeeze3A_159, %dma_start3A_162] : memref<1000000x16xf32, #tpu.memory_space<hbm>> -> memref<1x16xf32, #tpu.memory_space<hbm>>
      %dma_start3A_164 = arith.constant 0 : i32
      %dma_start3A_165 = tpu.memref_slice %arg10[%add3A_157, %dma_start3A_164] : memref<128x16xf32, #tpu.memory_space<vmem>> -> memref<1x16xf32, #tpu.memory_space<vmem>>
      %dma_start3A_166 = arith.constant 0 : i32
      %dma_start3A_167 = tpu.memref_slice %arg4[%squeeze3A_159, %dma_start3A_166] : memref<1000000x16xf32, #tpu.memory_space<hbm>> -> memref<1x16xf32, #tpu.memory_space<hbm>>
      tpu.enqueue_dma source(%dma_start3A_167 : memref<1x16xf32, #tpu.memory_space<hbm>>) target(%dma_start3A_165 : memref<1x16xf32, #tpu.memory_space<vmem>>) target_semaphore(%arg14 : memref<!tpu.dma_semaphore, #tpu.memory_space<semaphore_mem>>)
      %slice3A_168 = vector.extract_strided_slice %get3A_107 {offsets = [2], sizes = [1], strides = [1]} : vector<16xi32> to vector<1xi32>
      %squeeze3A_169 = vector.extract %slice3A_168[0] : i32 from vector<1xi32>
      %dma_start3A_170 = arith.constant 0 : i32
      %dma_start3A_171 = tpu.memref_slice %arg11[%add3A_157, %dma_start3A_170] : memref<128x16xf32, #tpu.memory_space<vmem>> -> memref<1x16xf32, #tpu.memory_space<vmem>>
      %dma_start3A_172 = arith.constant 0 : i32
      %dma_start3A_173 = tpu.memref_slice %arg5[%squeeze3A_169, %dma_start3A_172] : memref<100000x16xf32, #tpu.memory_space<hbm>> -> memref<1x16xf32, #tpu.memory_space<hbm>>
      %dma_start3A_174 = arith.constant 0 : i32
      %dma_start3A_175 = tpu.memref_slice %arg11[%add3A_157, %dma_start3A_174] : memref<128x16xf32, #tpu.memory_space<vmem>> -> memref<1x16xf32, #tpu.memory_space<vmem>>
      %dma_start3A_176 = arith.constant 0 : i32
      %dma_start3A_177 = tpu.memref_slice %arg5[%squeeze3A_169, %dma_start3A_176] : memref<100000x16xf32, #tpu.memory_space<hbm>> -> memref<1x16xf32, #tpu.memory_space<hbm>>
      tpu.enqueue_dma source(%dma_start3A_177 : memref<1x16xf32, #tpu.memory_space<hbm>>) target(%dma_start3A_175 : memref<1x16xf32, #tpu.memory_space<vmem>>) target_semaphore(%arg15 : memref<!tpu.dma_semaphore, #tpu.memory_space<semaphore_mem>>)
      %mul3A_178 = arith.constant 16 : i32
      %mul3A_179 = arith.muli %scan3A_100, %mul3A_178 : i32
      %add3A_180 = arith.constant 3 : i32
      %add3A_181 = arith.addi %mul3A_179, %add3A_180 : i32
      %slice3A_182 = vector.extract_strided_slice %get3A_105 {offsets = [3], sizes = [1], strides = [1]} : vector<16xi32> to vector<1xi32>
      %squeeze3A_183 = vector.extract %slice3A_182[0] : i32 from vector<1xi32>
      %dma_start3A_184 = arith.constant 0 : i32
      %dma_start3A_185 = tpu.memref_slice %arg10[%add3A_181, %dma_start3A_184] : memref<128x16xf32, #tpu.memory_space<vmem>> -> memref<1x16xf32, #tpu.memory_space<vmem>>
      %dma_start3A_186 = arith.constant 0 : i32
      %dma_start3A_187 = tpu.memref_slice %arg4[%squeeze3A_183, %dma_start3A_186] : memref<1000000x16xf32, #tpu.memory_space<hbm>> -> memref<1x16xf32, #tpu.memory_space<hbm>>
      %dma_start3A_188 = arith.constant 0 : i32
      %dma_start3A_189 = tpu.memref_slice %arg10[%add3A_181, %dma_start3A_188] : memref<128x16xf32, #tpu.memory_space<vmem>> -> memref<1x16xf32, #tpu.memory_space<vmem>>
      %dma_start3A_190 = arith.constant 0 : i32
      %dma_start3A_191 = tpu.memref_slice %arg4[%squeeze3A_183, %dma_start3A_190] : memref<1000000x16xf32, #tpu.memory_space<hbm>> -> memref<1x16xf32, #tpu.memory_space<hbm>>
      tpu.enqueue_dma source(%dma_start3A_191 : memref<1x16xf32, #tpu.memory_space<hbm>>) target(%dma_start3A_189 : memref<1x16xf32, #tpu.memory_space<vmem>>) target_semaphore(%arg14 : memref<!tpu.dma_semaphore, #tpu.memory_space<semaphore_mem>>)
      %slice3A_192 = vector.extract_strided_slice %get3A_107 {offsets = [3], sizes = [1], strides = [1]} : vector<16xi32> to vector<1xi32>
      %squeeze3A_193 = vector.extract %slice3A_192[0] : i32 from vector<1xi32>
      %dma_start3A_194 = arith.constant 0 : i32
      %dma_start3A_195 = tpu.memref_slice %arg11[%add3A_181, %dma_start3A_194] : memref<128x16xf32, #tpu.memory_space<vmem>> -> memref<1x16xf32, #tpu.memory_space<vmem>>
      %dma_start3A_196 = arith.constant 0 : i32
      %dma_start3A_197 = tpu.memref_slice %arg5[%squeeze3A_193, %dma_start3A_196] : memref<100000x16xf32, #tpu.memory_space<hbm>> -> memref<1x16xf32, #tpu.memory_space<hbm>>
      %dma_start3A_198 = arith.constant 0 : i32
      %dma_start3A_199 = tpu.memref_slice %arg11[%add3A_181, %dma_start3A_198] : memref<128x16xf32, #tpu.memory_space<vmem>> -> memref<1x16xf32, #tpu.memory_space<vmem>>
      %dma_start3A_200 = arith.constant 0 : i32
      %dma_start3A_201 = tpu.memref_slice %arg5[%squeeze3A_193, %dma_start3A_200] : memref<100000x16xf32, #tpu.memory_space<hbm>> -> memref<1x16xf32, #tpu.memory_space<hbm>>
      tpu.enqueue_dma source(%dma_start3A_201 : memref<1x16xf32, #tpu.memory_space<hbm>>) target(%dma_start3A_199 : memref<1x16xf32, #tpu.memory_space<vmem>>) target_semaphore(%arg15 : memref<!tpu.dma_semaphore, #tpu.memory_space<semaphore_mem>>)
      %mul3A_202 = arith.constant 16 : i32
      %mul3A_203 = arith.muli %scan3A_100, %mul3A_202 : i32
      %add3A_204 = arith.constant 4 : i32
      %add3A_205 = arith.addi %mul3A_203, %add3A_204 : i32
      %slice3A_206 = vector.extract_strided_slice %get3A_105 {offsets = [4], sizes = [1], strides = [1]} : vector<16xi32> to vector<1xi32>
      %squeeze3A_207 = vector.extract %slice3A_206[0] : i32 from vector<1xi32>
      %dma_start3A_208 = arith.constant 0 : i32
      %dma_start3A_209 = tpu.memref_slice %arg10[%add3A_205, %dma_start3A_208] : memref<128x16xf32, #tpu.memory_space<vmem>> -> memref<1x16xf32, #tpu.memory_space<vmem>>
      %dma_start3A_210 = arith.constant 0 : i32
      %dma_start3A_211 = tpu.memref_slice %arg4[%squeeze3A_207, %dma_start3A_210] : memref<1000000x16xf32, #tpu.memory_space<hbm>> -> memref<1x16xf32, #tpu.memory_space<hbm>>
      %dma_start3A_212 = arith.constant 0 : i32
      %dma_start3A_213 = tpu.memref_slice %arg10[%add3A_205, %dma_start3A_212] : memref<128x16xf32, #tpu.memory_space<vmem>> -> memref<1x16xf32, #tpu.memory_space<vmem>>
      %dma_start3A_214 = arith.constant 0 : i32
      %dma_start3A_215 = tpu.memref_slice %arg4[%squeeze3A_207, %dma_start3A_214] : memref<1000000x16xf32, #tpu.memory_space<hbm>> -> memref<1x16xf32, #tpu.memory_space<hbm>>
      tpu.enqueue_dma source(%dma_start3A_215 : memref<1x16xf32, #tpu.memory_space<hbm>>) target(%dma_start3A_213 : memref<1x16xf32, #tpu.memory_space<vmem>>) target_semaphore(%arg14 : memref<!tpu.dma_semaphore, #tpu.memory_space<semaphore_mem>>)
      %slice3A_216 = vector.extract_strided_slice %get3A_107 {offsets = [4], sizes = [1], strides = [1]} : vector<16xi32> to vector<1xi32>
      %squeeze3A_217 = vector.extract %slice3A_216[0] : i32 from vector<1xi32>
      %dma_start3A_218 = arith.constant 0 : i32
      %dma_start3A_219 = tpu.memref_slice %arg11[%add3A_205, %dma_start3A_218] : memref<128x16xf32, #tpu.memory_space<vmem>> -> memref<1x16xf32, #tpu.memory_space<vmem>>
      %dma_start3A_220 = arith.constant 0 : i32
      %dma_start3A_221 = tpu.memref_slice %arg5[%squeeze3A_217, %dma_start3A_220] : memref<100000x16xf32, #tpu.memory_space<hbm>> -> memref<1x16xf32, #tpu.memory_space<hbm>>
      %dma_start3A_222 = arith.constant 0 : i32
      %dma_start3A_223 = tpu.memref_slice %arg11[%add3A_205, %dma_start3A_222] : memref<128x16xf32, #tpu.memory_space<vmem>> -> memref<1x16xf32, #tpu.memory_space<vmem>>
      %dma_start3A_224 = arith.constant 0 : i32
      %dma_start3A_225 = tpu.memref_slice %arg5[%squeeze3A_217, %dma_start3A_224] : memref<100000x16xf32, #tpu.memory_space<hbm>> -> memref<1x16xf32, #tpu.memory_space<hbm>>
      tpu.enqueue_dma source(%dma_start3A_225 : memref<1x16xf32, #tpu.memory_space<hbm>>) target(%dma_start3A_223 : memref<1x16xf32, #tpu.memory_space<vmem>>) target_semaphore(%arg15 : memref<!tpu.dma_semaphore, #tpu.memory_space<semaphore_mem>>)
      %mul3A_226 = arith.constant 16 : i32
      %mul3A_227 = arith.muli %scan3A_100, %mul3A_226 : i32
      %add3A_228 = arith.constant 5 : i32
      %add3A_229 = arith.addi %mul3A_227, %add3A_228 : i32
      %slice3A_230 = vector.extract_strided_slice %get3A_105 {offsets = [5], sizes = [1], strides = [1]} : vector<16xi32> to vector<1xi32>
      %squeeze3A_231 = vector.extract %slice3A_230[0] : i32 from vector<1xi32>
      %dma_start3A_232 = arith.constant 0 : i32
      %dma_start3A_233 = tpu.memref_slice %arg10[%add3A_229, %dma_start3A_232] : memref<128x16xf32, #tpu.memory_space<vmem>> -> memref<1x16xf32, #tpu.memory_space<vmem>>
      %dma_start3A_234 = arith.constant 0 : i32
      %dma_start3A_235 = tpu.memref_slice %arg4[%squeeze3A_231, %dma_start3A_234] : memref<1000000x16xf32, #tpu.memory_space<hbm>> -> memref<1x16xf32, #tpu.memory_space<hbm>>
      %dma_start3A_236 = arith.constant 0 : i32
      %dma_start3A_237 = tpu.memref_slice %arg10[%add3A_229, %dma_start3A_236] : memref<128x16xf32, #tpu.memory_space<vmem>> -> memref<1x16xf32, #tpu.memory_space<vmem>>
      %dma_start3A_238 = arith.constant 0 : i32
      %dma_start3A_239 = tpu.memref_slice %arg4[%squeeze3A_231, %dma_start3A_238] : memref<1000000x16xf32, #tpu.memory_space<hbm>> -> memref<1x16xf32, #tpu.memory_space<hbm>>
      tpu.enqueue_dma source(%dma_start3A_239 : memref<1x16xf32, #tpu.memory_space<hbm>>) target(%dma_start3A_237 : memref<1x16xf32, #tpu.memory_space<vmem>>) target_semaphore(%arg14 : memref<!tpu.dma_semaphore, #tpu.memory_space<semaphore_mem>>)
      %slice3A_240 = vector.extract_strided_slice %get3A_107 {offsets = [5], sizes = [1], strides = [1]} : vector<16xi32> to vector<1xi32>
      %squeeze3A_241 = vector.extract %slice3A_240[0] : i32 from vector<1xi32>
      %dma_start3A_242 = arith.constant 0 : i32
      %dma_start3A_243 = tpu.memref_slice %arg11[%add3A_229, %dma_start3A_242] : memref<128x16xf32, #tpu.memory_space<vmem>> -> memref<1x16xf32, #tpu.memory_space<vmem>>
      %dma_start3A_244 = arith.constant 0 : i32
      %dma_start3A_245 = tpu.memref_slice %arg5[%squeeze3A_241, %dma_start3A_244] : memref<100000x16xf32, #tpu.memory_space<hbm>> -> memref<1x16xf32, #tpu.memory_space<hbm>>
      %dma_start3A_246 = arith.constant 0 : i32
      %dma_start3A_247 = tpu.memref_slice %arg11[%add3A_229, %dma_start3A_246] : memref<128x16xf32, #tpu.memory_space<vmem>> -> memref<1x16xf32, #tpu.memory_space<vmem>>
      %dma_start3A_248 = arith.constant 0 : i32
      %dma_start3A_249 = tpu.memref_slice %arg5[%squeeze3A_241, %dma_start3A_248] : memref<100000x16xf32, #tpu.memory_space<hbm>> -> memref<1x16xf32, #tpu.memory_space<hbm>>
      tpu.enqueue_dma source(%dma_start3A_249 : memref<1x16xf32, #tpu.memory_space<hbm>>) target(%dma_start3A_247 : memref<1x16xf32, #tpu.memory_space<vmem>>) target_semaphore(%arg15 : memref<!tpu.dma_semaphore, #tpu.memory_space<semaphore_mem>>)
      %mul3A_250 = arith.constant 16 : i32
      %mul3A_251 = arith.muli %scan3A_100, %mul3A_250 : i32
      %add3A_252 = arith.constant 6 : i32
      %add3A_253 = arith.addi %mul3A_251, %add3A_252 : i32
      %slice3A_254 = vector.extract_strided_slice %get3A_105 {offsets = [6], sizes = [1], strides = [1]} : vector<16xi32> to vector<1xi32>
      %squeeze3A_255 = vector.extract %slice3A_254[0] : i32 from vector<1xi32>
      %dma_start3A_256 = arith.constant 0 : i32
      %dma_start3A_257 = tpu.memref_slice %arg10[%add3A_253, %dma_start3A_256] : memref<128x16xf32, #tpu.memory_space<vmem>> -> memref<1x16xf32, #tpu.memory_space<vmem>>
      %dma_start3A_258 = arith.constant 0 : i32
      %dma_start3A_259 = tpu.memref_slice %arg4[%squeeze3A_255, %dma_start3A_258] : memref<1000000x16xf32, #tpu.memory_space<hbm>> -> memref<1x16xf32, #tpu.memory_space<hbm>>
      %dma_start3A_260 = arith.constant 0 : i32
      %dma_start3A_261 = tpu.memref_slice %arg10[%add3A_253, %dma_start3A_260] : memref<128x16xf32, #tpu.memory_space<vmem>> -> memref<1x16xf32, #tpu.memory_space<vmem>>
      %dma_start3A_262 = arith.constant 0 : i32
      %dma_start3A_263 = tpu.memref_slice %arg4[%squeeze3A_255, %dma_start3A_262] : memref<1000000x16xf32, #tpu.memory_space<hbm>> -> memref<1x16xf32, #tpu.memory_space<hbm>>
      tpu.enqueue_dma source(%dma_start3A_263 : memref<1x16xf32, #tpu.memory_space<hbm>>) target(%dma_start3A_261 : memref<1x16xf32, #tpu.memory_space<vmem>>) target_semaphore(%arg14 : memref<!tpu.dma_semaphore, #tpu.memory_space<semaphore_mem>>)
      %slice3A_264 = vector.extract_strided_slice %get3A_107 {offsets = [6], sizes = [1], strides = [1]} : vector<16xi32> to vector<1xi32>
      %squeeze3A_265 = vector.extract %slice3A_264[0] : i32 from vector<1xi32>
      %dma_start3A_266 = arith.constant 0 : i32
      %dma_start3A_267 = tpu.memref_slice %arg11[%add3A_253, %dma_start3A_266] : memref<128x16xf32, #tpu.memory_space<vmem>> -> memref<1x16xf32, #tpu.memory_space<vmem>>
      %dma_start3A_268 = arith.constant 0 : i32
      %dma_start3A_269 = tpu.memref_slice %arg5[%squeeze3A_265, %dma_start3A_268] : memref<100000x16xf32, #tpu.memory_space<hbm>> -> memref<1x16xf32, #tpu.memory_space<hbm>>
      %dma_start3A_270 = arith.constant 0 : i32
      %dma_start3A_271 = tpu.memref_slice %arg11[%add3A_253, %dma_start3A_270] : memref<128x16xf32, #tpu.memory_space<vmem>> -> memref<1x16xf32, #tpu.memory_space<vmem>>
      %dma_start3A_272 = arith.constant 0 : i32
      %dma_start3A_273 = tpu.memref_slice %arg5[%squeeze3A_265, %dma_start3A_272] : memref<100000x16xf32, #tpu.memory_space<hbm>> -> memref<1x16xf32, #tpu.memory_space<hbm>>
      tpu.enqueue_dma source(%dma_start3A_273 : memref<1x16xf32, #tpu.memory_space<hbm>>) target(%dma_start3A_271 : memref<1x16xf32, #tpu.memory_space<vmem>>) target_semaphore(%arg15 : memref<!tpu.dma_semaphore, #tpu.memory_space<semaphore_mem>>)
      %mul3A_274 = arith.constant 16 : i32
      %mul3A_275 = arith.muli %scan3A_100, %mul3A_274 : i32
      %add3A_276 = arith.constant 7 : i32
      %add3A_277 = arith.addi %mul3A_275, %add3A_276 : i32
      %slice3A_278 = vector.extract_strided_slice %get3A_105 {offsets = [7], sizes = [1], strides = [1]} : vector<16xi32> to vector<1xi32>
      %squeeze3A_279 = vector.extract %slice3A_278[0] : i32 from vector<1xi32>
      %dma_start3A_280 = arith.constant 0 : i32
      %dma_start3A_281 = tpu.memref_slice %arg10[%add3A_277, %dma_start3A_280] : memref<128x16xf32, #tpu.memory_space<vmem>> -> memref<1x16xf32, #tpu.memory_space<vmem>>
      %dma_start3A_282 = arith.constant 0 : i32
      %dma_start3A_283 = tpu.memref_slice %arg4[%squeeze3A_279, %dma_start3A_282] : memref<1000000x16xf32, #tpu.memory_space<hbm>> -> memref<1x16xf32, #tpu.memory_space<hbm>>
      %dma_start3A_284 = arith.constant 0 : i32
      %dma_start3A_285 = tpu.memref_slice %arg10[%add3A_277, %dma_start3A_284] : memref<128x16xf32, #tpu.memory_space<vmem>> -> memref<1x16xf32, #tpu.memory_space<vmem>>
      %dma_start3A_286 = arith.constant 0 : i32
      %dma_start3A_287 = tpu.memref_slice %arg4[%squeeze3A_279, %dma_start3A_286] : memref<1000000x16xf32, #tpu.memory_space<hbm>> -> memref<1x16xf32, #tpu.memory_space<hbm>>
      tpu.enqueue_dma source(%dma_start3A_287 : memref<1x16xf32, #tpu.memory_space<hbm>>) target(%dma_start3A_285 : memref<1x16xf32, #tpu.memory_space<vmem>>) target_semaphore(%arg14 : memref<!tpu.dma_semaphore, #tpu.memory_space<semaphore_mem>>)
      %slice3A_288 = vector.extract_strided_slice %get3A_107 {offsets = [7], sizes = [1], strides = [1]} : vector<16xi32> to vector<1xi32>
      %squeeze3A_289 = vector.extract %slice3A_288[0] : i32 from vector<1xi32>
      %dma_start3A_290 = arith.constant 0 : i32
      %dma_start3A_291 = tpu.memref_slice %arg11[%add3A_277, %dma_start3A_290] : memref<128x16xf32, #tpu.memory_space<vmem>> -> memref<1x16xf32, #tpu.memory_space<vmem>>
      %dma_start3A_292 = arith.constant 0 : i32
      %dma_start3A_293 = tpu.memref_slice %arg5[%squeeze3A_289, %dma_start3A_292] : memref<100000x16xf32, #tpu.memory_space<hbm>> -> memref<1x16xf32, #tpu.memory_space<hbm>>
      %dma_start3A_294 = arith.constant 0 : i32
      %dma_start3A_295 = tpu.memref_slice %arg11[%add3A_277, %dma_start3A_294] : memref<128x16xf32, #tpu.memory_space<vmem>> -> memref<1x16xf32, #tpu.memory_space<vmem>>
      %dma_start3A_296 = arith.constant 0 : i32
      %dma_start3A_297 = tpu.memref_slice %arg5[%squeeze3A_289, %dma_start3A_296] : memref<100000x16xf32, #tpu.memory_space<hbm>> -> memref<1x16xf32, #tpu.memory_space<hbm>>
      tpu.enqueue_dma source(%dma_start3A_297 : memref<1x16xf32, #tpu.memory_space<hbm>>) target(%dma_start3A_295 : memref<1x16xf32, #tpu.memory_space<vmem>>) target_semaphore(%arg15 : memref<!tpu.dma_semaphore, #tpu.memory_space<semaphore_mem>>)
      %mul3A_298 = arith.constant 16 : i32
      %mul3A_299 = arith.muli %scan3A_100, %mul3A_298 : i32
      %add3A_300 = arith.constant 8 : i32
      %add3A_301 = arith.addi %mul3A_299, %add3A_300 : i32
      %slice3A_302 = vector.extract_strided_slice %get3A_105 {offsets = [8], sizes = [1], strides = [1]} : vector<16xi32> to vector<1xi32>
      %squeeze3A_303 = vector.extract %slice3A_302[0] : i32 from vector<1xi32>
      %dma_start3A_304 = arith.constant 0 : i32
      %dma_start3A_305 = tpu.memref_slice %arg10[%add3A_301, %dma_start3A_304] : memref<128x16xf32, #tpu.memory_space<vmem>> -> memref<1x16xf32, #tpu.memory_space<vmem>>
      %dma_start3A_306 = arith.constant 0 : i32
      %dma_start3A_307 = tpu.memref_slice %arg4[%squeeze3A_303, %dma_start3A_306] : memref<1000000x16xf32, #tpu.memory_space<hbm>> -> memref<1x16xf32, #tpu.memory_space<hbm>>
      %dma_start3A_308 = arith.constant 0 : i32
      %dma_start3A_309 = tpu.memref_slice %arg10[%add3A_301, %dma_start3A_308] : memref<128x16xf32, #tpu.memory_space<vmem>> -> memref<1x16xf32, #tpu.memory_space<vmem>>
      %dma_start3A_310 = arith.constant 0 : i32
      %dma_start3A_311 = tpu.memref_slice %arg4[%squeeze3A_303, %dma_start3A_310] : memref<1000000x16xf32, #tpu.memory_space<hbm>> -> memref<1x16xf32, #tpu.memory_space<hbm>>
      tpu.enqueue_dma source(%dma_start3A_311 : memref<1x16xf32, #tpu.memory_space<hbm>>) target(%dma_start3A_309 : memref<1x16xf32, #tpu.memory_space<vmem>>) target_semaphore(%arg14 : memref<!tpu.dma_semaphore, #tpu.memory_space<semaphore_mem>>)
      %slice3A_312 = vector.extract_strided_slice %get3A_107 {offsets = [8], sizes = [1], strides = [1]} : vector<16xi32> to vector<1xi32>
      %squeeze3A_313 = vector.extract %slice3A_312[0] : i32 from vector<1xi32>
      %dma_start3A_314 = arith.constant 0 : i32
      %dma_start3A_315 = tpu.memref_slice %arg11[%add3A_301, %dma_start3A_314] : memref<128x16xf32, #tpu.memory_space<vmem>> -> memref<1x16xf32, #tpu.memory_space<vmem>>
      %dma_start3A_316 = arith.constant 0 : i32
      %dma_start3A_317 = tpu.memref_slice %arg5[%squeeze3A_313, %dma_start3A_316] : memref<100000x16xf32, #tpu.memory_space<hbm>> -> memref<1x16xf32, #tpu.memory_space<hbm>>
      %dma_start3A_318 = arith.constant 0 : i32
      %dma_start3A_319 = tpu.memref_slice %arg11[%add3A_301, %dma_start3A_318] : memref<128x16xf32, #tpu.memory_space<vmem>> -> memref<1x16xf32, #tpu.memory_space<vmem>>
      %dma_start3A_320 = arith.constant 0 : i32
      %dma_start3A_321 = tpu.memref_slice %arg5[%squeeze3A_313, %dma_start3A_320] : memref<100000x16xf32, #tpu.memory_space<hbm>> -> memref<1x16xf32, #tpu.memory_space<hbm>>
      tpu.enqueue_dma source(%dma_start3A_321 : memref<1x16xf32, #tpu.memory_space<hbm>>) target(%dma_start3A_319 : memref<1x16xf32, #tpu.memory_space<vmem>>) target_semaphore(%arg15 : memref<!tpu.dma_semaphore, #tpu.memory_space<semaphore_mem>>)
      %mul3A_322 = arith.constant 16 : i32
      %mul3A_323 = arith.muli %scan3A_100, %mul3A_322 : i32
      %add3A_324 = arith.constant 9 : i32
      %add3A_325 = arith.addi %mul3A_323, %add3A_324 : i32
      %slice3A_326 = vector.extract_strided_slice %get3A_105 {offsets = [9], sizes = [1], strides = [1]} : vector<16xi32> to vector<1xi32>
      %squeeze3A_327 = vector.extract %slice3A_326[0] : i32 from vector<1xi32>
      %dma_start3A_328 = arith.constant 0 : i32
      %dma_start3A_329 = tpu.memref_slice %arg10[%add3A_325, %dma_start3A_328] : memref<128x16xf32, #tpu.memory_space<vmem>> -> memref<1x16xf32, #tpu.memory_space<vmem>>
      %dma_start3A_330 = arith.constant 0 : i32
      %dma_start3A_331 = tpu.memref_slice %arg4[%squeeze3A_327, %dma_start3A_330] : memref<1000000x16xf32, #tpu.memory_space<hbm>> -> memref<1x16xf32, #tpu.memory_space<hbm>>
      %dma_start3A_332 = arith.constant 0 : i32
      %dma_start3A_333 = tpu.memref_slice %arg10[%add3A_325, %dma_start3A_332] : memref<128x16xf32, #tpu.memory_space<vmem>> -> memref<1x16xf32, #tpu.memory_space<vmem>>
      %dma_start3A_334 = arith.constant 0 : i32
      %dma_start3A_335 = tpu.memref_slice %arg4[%squeeze3A_327, %dma_start3A_334] : memref<1000000x16xf32, #tpu.memory_space<hbm>> -> memref<1x16xf32, #tpu.memory_space<hbm>>
      tpu.enqueue_dma source(%dma_start3A_335 : memref<1x16xf32, #tpu.memory_space<hbm>>) target(%dma_start3A_333 : memref<1x16xf32, #tpu.memory_space<vmem>>) target_semaphore(%arg14 : memref<!tpu.dma_semaphore, #tpu.memory_space<semaphore_mem>>)
      %slice3A_336 = vector.extract_strided_slice %get3A_107 {offsets = [9], sizes = [1], strides = [1]} : vector<16xi32> to vector<1xi32>
      %squeeze3A_337 = vector.extract %slice3A_336[0] : i32 from vector<1xi32>
      %dma_start3A_338 = arith.constant 0 : i32
      %dma_start3A_339 = tpu.memref_slice %arg11[%add3A_325, %dma_start3A_338] : memref<128x16xf32, #tpu.memory_space<vmem>> -> memref<1x16xf32, #tpu.memory_space<vmem>>
      %dma_start3A_340 = arith.constant 0 : i32
      %dma_start3A_341 = tpu.memref_slice %arg5[%squeeze3A_337, %dma_start3A_340] : memref<100000x16xf32, #tpu.memory_space<hbm>> -> memref<1x16xf32, #tpu.memory_space<hbm>>
      %dma_start3A_342 = arith.constant 0 : i32
      %dma_start3A_343 = tpu.memref_slice %arg11[%add3A_325, %dma_start3A_342] : memref<128x16xf32, #tpu.memory_space<vmem>> -> memref<1x16xf32, #tpu.memory_space<vmem>>
      %dma_start3A_344 = arith.constant 0 : i32
      %dma_start3A_345 = tpu.memref_slice %arg5[%squeeze3A_337, %dma_start3A_344] : memref<100000x16xf32, #tpu.memory_space<hbm>> -> memref<1x16xf32, #tpu.memory_space<hbm>>
      tpu.enqueue_dma source(%dma_start3A_345 : memref<1x16xf32, #tpu.memory_space<hbm>>) target(%dma_start3A_343 : memref<1x16xf32, #tpu.memory_space<vmem>>) target_semaphore(%arg15 : memref<!tpu.dma_semaphore, #tpu.memory_space<semaphore_mem>>)
      %mul3A_346 = arith.constant 16 : i32
      %mul3A_347 = arith.muli %scan3A_100, %mul3A_346 : i32
      %add3A_348 = arith.constant 10 : i32
      %add3A_349 = arith.addi %mul3A_347, %add3A_348 : i32
      %slice3A_350 = vector.extract_strided_slice %get3A_105 {offsets = [10], sizes = [1], strides = [1]} : vector<16xi32> to vector<1xi32>
      %squeeze3A_351 = vector.extract %slice3A_350[0] : i32 from vector<1xi32>
      %dma_start3A_352 = arith.constant 0 : i32
      %dma_start3A_353 = tpu.memref_slice %arg10[%add3A_349, %dma_start3A_352] : memref<128x16xf32, #tpu.memory_space<vmem>> -> memref<1x16xf32, #tpu.memory_space<vmem>>
      %dma_start3A_354 = arith.constant 0 : i32
      %dma_start3A_355 = tpu.memref_slice %arg4[%squeeze3A_351, %dma_start3A_354] : memref<1000000x16xf32, #tpu.memory_space<hbm>> -> memref<1x16xf32, #tpu.memory_space<hbm>>
      %dma_start3A_356 = arith.constant 0 : i32
      %dma_start3A_357 = tpu.memref_slice %arg10[%add3A_349, %dma_start3A_356] : memref<128x16xf32, #tpu.memory_space<vmem>> -> memref<1x16xf32, #tpu.memory_space<vmem>>
      %dma_start3A_358 = arith.constant 0 : i32
      %dma_start3A_359 = tpu.memref_slice %arg4[%squeeze3A_351, %dma_start3A_358] : memref<1000000x16xf32, #tpu.memory_space<hbm>> -> memref<1x16xf32, #tpu.memory_space<hbm>>
      tpu.enqueue_dma source(%dma_start3A_359 : memref<1x16xf32, #tpu.memory_space<hbm>>) target(%dma_start3A_357 : memref<1x16xf32, #tpu.memory_space<vmem>>) target_semaphore(%arg14 : memref<!tpu.dma_semaphore, #tpu.memory_space<semaphore_mem>>)
      %slice3A_360 = vector.extract_strided_slice %get3A_107 {offsets = [10], sizes = [1], strides = [1]} : vector<16xi32> to vector<1xi32>
      %squeeze3A_361 = vector.extract %slice3A_360[0] : i32 from vector<1xi32>
      %dma_start3A_362 = arith.constant 0 : i32
      %dma_start3A_363 = tpu.memref_slice %arg11[%add3A_349, %dma_start3A_362] : memref<128x16xf32, #tpu.memory_space<vmem>> -> memref<1x16xf32, #tpu.memory_space<vmem>>
      %dma_start3A_364 = arith.constant 0 : i32
      %dma_start3A_365 = tpu.memref_slice %arg5[%squeeze3A_361, %dma_start3A_364] : memref<100000x16xf32, #tpu.memory_space<hbm>> -> memref<1x16xf32, #tpu.memory_space<hbm>>
      %dma_start3A_366 = arith.constant 0 : i32
      %dma_start3A_367 = tpu.memref_slice %arg11[%add3A_349, %dma_start3A_366] : memref<128x16xf32, #tpu.memory_space<vmem>> -> memref<1x16xf32, #tpu.memory_space<vmem>>
      %dma_start3A_368 = arith.constant 0 : i32
      %dma_start3A_369 = tpu.memref_slice %arg5[%squeeze3A_361, %dma_start3A_368] : memref<100000x16xf32, #tpu.memory_space<hbm>> -> memref<1x16xf32, #tpu.memory_space<hbm>>
      tpu.enqueue_dma source(%dma_start3A_369 : memref<1x16xf32, #tpu.memory_space<hbm>>) target(%dma_start3A_367 : memref<1x16xf32, #tpu.memory_space<vmem>>) target_semaphore(%arg15 : memref<!tpu.dma_semaphore, #tpu.memory_space<semaphore_mem>>)
      %mul3A_370 = arith.constant 16 : i32
      %mul3A_371 = arith.muli %scan3A_100, %mul3A_370 : i32
      %add3A_372 = arith.constant 11 : i32
      %add3A_373 = arith.addi %mul3A_371, %add3A_372 : i32
      %slice3A_374 = vector.extract_strided_slice %get3A_105 {offsets = [11], sizes = [1], strides = [1]} : vector<16xi32> to vector<1xi32>
      %squeeze3A_375 = vector.extract %slice3A_374[0] : i32 from vector<1xi32>
      %dma_start3A_376 = arith.constant 0 : i32
      %dma_start3A_377 = tpu.memref_slice %arg10[%add3A_373, %dma_start3A_376] : memref<128x16xf32, #tpu.memory_space<vmem>> -> memref<1x16xf32, #tpu.memory_space<vmem>>
      %dma_start3A_378 = arith.constant 0 : i32
      %dma_start3A_379 = tpu.memref_slice %arg4[%squeeze3A_375, %dma_start3A_378] : memref<1000000x16xf32, #tpu.memory_space<hbm>> -> memref<1x16xf32, #tpu.memory_space<hbm>>
      %dma_start3A_380 = arith.constant 0 : i32
      %dma_start3A_381 = tpu.memref_slice %arg10[%add3A_373, %dma_start3A_380] : memref<128x16xf32, #tpu.memory_space<vmem>> -> memref<1x16xf32, #tpu.memory_space<vmem>>
      %dma_start3A_382 = arith.constant 0 : i32
      %dma_start3A_383 = tpu.memref_slice %arg4[%squeeze3A_375, %dma_start3A_382] : memref<1000000x16xf32, #tpu.memory_space<hbm>> -> memref<1x16xf32, #tpu.memory_space<hbm>>
      tpu.enqueue_dma source(%dma_start3A_383 : memref<1x16xf32, #tpu.memory_space<hbm>>) target(%dma_start3A_381 : memref<1x16xf32, #tpu.memory_space<vmem>>) target_semaphore(%arg14 : memref<!tpu.dma_semaphore, #tpu.memory_space<semaphore_mem>>)
      %slice3A_384 = vector.extract_strided_slice %get3A_107 {offsets = [11], sizes = [1], strides = [1]} : vector<16xi32> to vector<1xi32>
      %squeeze3A_385 = vector.extract %slice3A_384[0] : i32 from vector<1xi32>
      %dma_start3A_386 = arith.constant 0 : i32
      %dma_start3A_387 = tpu.memref_slice %arg11[%add3A_373, %dma_start3A_386] : memref<128x16xf32, #tpu.memory_space<vmem>> -> memref<1x16xf32, #tpu.memory_space<vmem>>
      %dma_start3A_388 = arith.constant 0 : i32
      %dma_start3A_389 = tpu.memref_slice %arg5[%squeeze3A_385, %dma_start3A_388] : memref<100000x16xf32, #tpu.memory_space<hbm>> -> memref<1x16xf32, #tpu.memory_space<hbm>>
      %dma_start3A_390 = arith.constant 0 : i32
      %dma_start3A_391 = tpu.memref_slice %arg11[%add3A_373, %dma_start3A_390] : memref<128x16xf32, #tpu.memory_space<vmem>> -> memref<1x16xf32, #tpu.memory_space<vmem>>
      %dma_start3A_392 = arith.constant 0 : i32
      %dma_start3A_393 = tpu.memref_slice %arg5[%squeeze3A_385, %dma_start3A_392] : memref<100000x16xf32, #tpu.memory_space<hbm>> -> memref<1x16xf32, #tpu.memory_space<hbm>>
      tpu.enqueue_dma source(%dma_start3A_393 : memref<1x16xf32, #tpu.memory_space<hbm>>) target(%dma_start3A_391 : memref<1x16xf32, #tpu.memory_space<vmem>>) target_semaphore(%arg15 : memref<!tpu.dma_semaphore, #tpu.memory_space<semaphore_mem>>)
      %mul3A_394 = arith.constant 16 : i32
      %mul3A_395 = arith.muli %scan3A_100, %mul3A_394 : i32
      %add3A_396 = arith.constant 12 : i32
      %add3A_397 = arith.addi %mul3A_395, %add3A_396 : i32
      %slice3A_398 = vector.extract_strided_slice %get3A_105 {offsets = [12], sizes = [1], strides = [1]} : vector<16xi32> to vector<1xi32>
      %squeeze3A_399 = vector.extract %slice3A_398[0] : i32 from vector<1xi32>
      %dma_start3A_400 = arith.constant 0 : i32
      %dma_start3A_401 = tpu.memref_slice %arg10[%add3A_397, %dma_start3A_400] : memref<128x16xf32, #tpu.memory_space<vmem>> -> memref<1x16xf32, #tpu.memory_space<vmem>>
      %dma_start3A_402 = arith.constant 0 : i32
      %dma_start3A_403 = tpu.memref_slice %arg4[%squeeze3A_399, %dma_start3A_402] : memref<1000000x16xf32, #tpu.memory_space<hbm>> -> memref<1x16xf32, #tpu.memory_space<hbm>>
      %dma_start3A_404 = arith.constant 0 : i32
      %dma_start3A_405 = tpu.memref_slice %arg10[%add3A_397, %dma_start3A_404] : memref<128x16xf32, #tpu.memory_space<vmem>> -> memref<1x16xf32, #tpu.memory_space<vmem>>
      %dma_start3A_406 = arith.constant 0 : i32
      %dma_start3A_407 = tpu.memref_slice %arg4[%squeeze3A_399, %dma_start3A_406] : memref<1000000x16xf32, #tpu.memory_space<hbm>> -> memref<1x16xf32, #tpu.memory_space<hbm>>
      tpu.enqueue_dma source(%dma_start3A_407 : memref<1x16xf32, #tpu.memory_space<hbm>>) target(%dma_start3A_405 : memref<1x16xf32, #tpu.memory_space<vmem>>) target_semaphore(%arg14 : memref<!tpu.dma_semaphore, #tpu.memory_space<semaphore_mem>>)
      %slice3A_408 = vector.extract_strided_slice %get3A_107 {offsets = [12], sizes = [1], strides = [1]} : vector<16xi32> to vector<1xi32>
      %squeeze3A_409 = vector.extract %slice3A_408[0] : i32 from vector<1xi32>
      %dma_start3A_410 = arith.constant 0 : i32
      %dma_start3A_411 = tpu.memref_slice %arg11[%add3A_397, %dma_start3A_410] : memref<128x16xf32, #tpu.memory_space<vmem>> -> memref<1x16xf32, #tpu.memory_space<vmem>>
      %dma_start3A_412 = arith.constant 0 : i32
      %dma_start3A_413 = tpu.memref_slice %arg5[%squeeze3A_409, %dma_start3A_412] : memref<100000x16xf32, #tpu.memory_space<hbm>> -> memref<1x16xf32, #tpu.memory_space<hbm>>
      %dma_start3A_414 = arith.constant 0 : i32
      %dma_start3A_415 = tpu.memref_slice %arg11[%add3A_397, %dma_start3A_414] : memref<128x16xf32, #tpu.memory_space<vmem>> -> memref<1x16xf32, #tpu.memory_space<vmem>>
      %dma_start3A_416 = arith.constant 0 : i32
      %dma_start3A_417 = tpu.memref_slice %arg5[%squeeze3A_409, %dma_start3A_416] : memref<100000x16xf32, #tpu.memory_space<hbm>> -> memref<1x16xf32, #tpu.memory_space<hbm>>
      tpu.enqueue_dma source(%dma_start3A_417 : memref<1x16xf32, #tpu.memory_space<hbm>>) target(%dma_start3A_415 : memref<1x16xf32, #tpu.memory_space<vmem>>) target_semaphore(%arg15 : memref<!tpu.dma_semaphore, #tpu.memory_space<semaphore_mem>>)
      %mul3A_418 = arith.constant 16 : i32
      %mul3A_419 = arith.muli %scan3A_100, %mul3A_418 : i32
      %add3A_420 = arith.constant 13 : i32
      %add3A_421 = arith.addi %mul3A_419, %add3A_420 : i32
      %slice3A_422 = vector.extract_strided_slice %get3A_105 {offsets = [13], sizes = [1], strides = [1]} : vector<16xi32> to vector<1xi32>
      %squeeze3A_423 = vector.extract %slice3A_422[0] : i32 from vector<1xi32>
      %dma_start3A_424 = arith.constant 0 : i32
      %dma_start3A_425 = tpu.memref_slice %arg10[%add3A_421, %dma_start3A_424] : memref<128x16xf32, #tpu.memory_space<vmem>> -> memref<1x16xf32, #tpu.memory_space<vmem>>
      %dma_start3A_426 = arith.constant 0 : i32
      %dma_start3A_427 = tpu.memref_slice %arg4[%squeeze3A_423, %dma_start3A_426] : memref<1000000x16xf32, #tpu.memory_space<hbm>> -> memref<1x16xf32, #tpu.memory_space<hbm>>
      %dma_start3A_428 = arith.constant 0 : i32
      %dma_start3A_429 = tpu.memref_slice %arg10[%add3A_421, %dma_start3A_428] : memref<128x16xf32, #tpu.memory_space<vmem>> -> memref<1x16xf32, #tpu.memory_space<vmem>>
      %dma_start3A_430 = arith.constant 0 : i32
      %dma_start3A_431 = tpu.memref_slice %arg4[%squeeze3A_423, %dma_start3A_430] : memref<1000000x16xf32, #tpu.memory_space<hbm>> -> memref<1x16xf32, #tpu.memory_space<hbm>>
      tpu.enqueue_dma source(%dma_start3A_431 : memref<1x16xf32, #tpu.memory_space<hbm>>) target(%dma_start3A_429 : memref<1x16xf32, #tpu.memory_space<vmem>>) target_semaphore(%arg14 : memref<!tpu.dma_semaphore, #tpu.memory_space<semaphore_mem>>)
      %slice3A_432 = vector.extract_strided_slice %get3A_107 {offsets = [13], sizes = [1], strides = [1]} : vector<16xi32> to vector<1xi32>
      %squeeze3A_433 = vector.extract %slice3A_432[0] : i32 from vector<1xi32>
      %dma_start3A_434 = arith.constant 0 : i32
      %dma_start3A_435 = tpu.memref_slice %arg11[%add3A_421, %dma_start3A_434] : memref<128x16xf32, #tpu.memory_space<vmem>> -> memref<1x16xf32, #tpu.memory_space<vmem>>
      %dma_start3A_436 = arith.constant 0 : i32
      %dma_start3A_437 = tpu.memref_slice %arg5[%squeeze3A_433, %dma_start3A_436] : memref<100000x16xf32, #tpu.memory_space<hbm>> -> memref<1x16xf32, #tpu.memory_space<hbm>>
      %dma_start3A_438 = arith.constant 0 : i32
      %dma_start3A_439 = tpu.memref_slice %arg11[%add3A_421, %dma_start3A_438] : memref<128x16xf32, #tpu.memory_space<vmem>> -> memref<1x16xf32, #tpu.memory_space<vmem>>
      %dma_start3A_440 = arith.constant 0 : i32
      %dma_start3A_441 = tpu.memref_slice %arg5[%squeeze3A_433, %dma_start3A_440] : memref<100000x16xf32, #tpu.memory_space<hbm>> -> memref<1x16xf32, #tpu.memory_space<hbm>>
      tpu.enqueue_dma source(%dma_start3A_441 : memref<1x16xf32, #tpu.memory_space<hbm>>) target(%dma_start3A_439 : memref<1x16xf32, #tpu.memory_space<vmem>>) target_semaphore(%arg15 : memref<!tpu.dma_semaphore, #tpu.memory_space<semaphore_mem>>)
      %mul3A_442 = arith.constant 16 : i32
      %mul3A_443 = arith.muli %scan3A_100, %mul3A_442 : i32
      %add3A_444 = arith.constant 14 : i32
      %add3A_445 = arith.addi %mul3A_443, %add3A_444 : i32
      %slice3A_446 = vector.extract_strided_slice %get3A_105 {offsets = [14], sizes = [1], strides = [1]} : vector<16xi32> to vector<1xi32>
      %squeeze3A_447 = vector.extract %slice3A_446[0] : i32 from vector<1xi32>
      %dma_start3A_448 = arith.constant 0 : i32
      %dma_start3A_449 = tpu.memref_slice %arg10[%add3A_445, %dma_start3A_448] : memref<128x16xf32, #tpu.memory_space<vmem>> -> memref<1x16xf32, #tpu.memory_space<vmem>>
      %dma_start3A_450 = arith.constant 0 : i32
      %dma_start3A_451 = tpu.memref_slice %arg4[%squeeze3A_447, %dma_start3A_450] : memref<1000000x16xf32, #tpu.memory_space<hbm>> -> memref<1x16xf32, #tpu.memory_space<hbm>>
      %dma_start3A_452 = arith.constant 0 : i32
      %dma_start3A_453 = tpu.memref_slice %arg10[%add3A_445, %dma_start3A_452] : memref<128x16xf32, #tpu.memory_space<vmem>> -> memref<1x16xf32, #tpu.memory_space<vmem>>
      %dma_start3A_454 = arith.constant 0 : i32
      %dma_start3A_455 = tpu.memref_slice %arg4[%squeeze3A_447, %dma_start3A_454] : memref<1000000x16xf32, #tpu.memory_space<hbm>> -> memref<1x16xf32, #tpu.memory_space<hbm>>
      tpu.enqueue_dma source(%dma_start3A_455 : memref<1x16xf32, #tpu.memory_space<hbm>>) target(%dma_start3A_453 : memref<1x16xf32, #tpu.memory_space<vmem>>) target_semaphore(%arg14 : memref<!tpu.dma_semaphore, #tpu.memory_space<semaphore_mem>>)
      %slice3A_456 = vector.extract_strided_slice %get3A_107 {offsets = [14], sizes = [1], strides = [1]} : vector<16xi32> to vector<1xi32>
      %squeeze3A_457 = vector.extract %slice3A_456[0] : i32 from vector<1xi32>
      %dma_start3A_458 = arith.constant 0 : i32
      %dma_start3A_459 = tpu.memref_slice %arg11[%add3A_445, %dma_start3A_458] : memref<128x16xf32, #tpu.memory_space<vmem>> -> memref<1x16xf32, #tpu.memory_space<vmem>>
      %dma_start3A_460 = arith.constant 0 : i32
      %dma_start3A_461 = tpu.memref_slice %arg5[%squeeze3A_457, %dma_start3A_460] : memref<100000x16xf32, #tpu.memory_space<hbm>> -> memref<1x16xf32, #tpu.memory_space<hbm>>
      %dma_start3A_462 = arith.constant 0 : i32
      %dma_start3A_463 = tpu.memref_slice %arg11[%add3A_445, %dma_start3A_462] : memref<128x16xf32, #tpu.memory_space<vmem>> -> memref<1x16xf32, #tpu.memory_space<vmem>>
      %dma_start3A_464 = arith.constant 0 : i32
      %dma_start3A_465 = tpu.memref_slice %arg5[%squeeze3A_457, %dma_start3A_464] : memref<100000x16xf32, #tpu.memory_space<hbm>> -> memref<1x16xf32, #tpu.memory_space<hbm>>
      tpu.enqueue_dma source(%dma_start3A_465 : memref<1x16xf32, #tpu.memory_space<hbm>>) target(%dma_start3A_463 : memref<1x16xf32, #tpu.memory_space<vmem>>) target_semaphore(%arg15 : memref<!tpu.dma_semaphore, #tpu.memory_space<semaphore_mem>>)
      %mul3A_466 = arith.constant 16 : i32
      %mul3A_467 = arith.muli %scan3A_100, %mul3A_466 : i32
      %add3A_468 = arith.constant 15 : i32
      %add3A_469 = arith.addi %mul3A_467, %add3A_468 : i32
      %slice3A_470 = vector.extract_strided_slice %get3A_105 {offsets = [15], sizes = [1], strides = [1]} : vector<16xi32> to vector<1xi32>
      %squeeze3A_471 = vector.extract %slice3A_470[0] : i32 from vector<1xi32>
      %dma_start3A_472 = arith.constant 0 : i32
      %dma_start3A_473 = tpu.memref_slice %arg10[%add3A_469, %dma_start3A_472] : memref<128x16xf32, #tpu.memory_space<vmem>> -> memref<1x16xf32, #tpu.memory_space<vmem>>
      %dma_start3A_474 = arith.constant 0 : i32
      %dma_start3A_475 = tpu.memref_slice %arg4[%squeeze3A_471, %dma_start3A_474] : memref<1000000x16xf32, #tpu.memory_space<hbm>> -> memref<1x16xf32, #tpu.memory_space<hbm>>
      %dma_start3A_476 = arith.constant 0 : i32
      %dma_start3A_477 = tpu.memref_slice %arg10[%add3A_469, %dma_start3A_476] : memref<128x16xf32, #tpu.memory_space<vmem>> -> memref<1x16xf32, #tpu.memory_space<vmem>>
      %dma_start3A_478 = arith.constant 0 : i32
      %dma_start3A_479 = tpu.memref_slice %arg4[%squeeze3A_471, %dma_start3A_478] : memref<1000000x16xf32, #tpu.memory_space<hbm>> -> memref<1x16xf32, #tpu.memory_space<hbm>>
      tpu.enqueue_dma source(%dma_start3A_479 : memref<1x16xf32, #tpu.memory_space<hbm>>) target(%dma_start3A_477 : memref<1x16xf32, #tpu.memory_space<vmem>>) target_semaphore(%arg14 : memref<!tpu.dma_semaphore, #tpu.memory_space<semaphore_mem>>)
      %slice3A_480 = vector.extract_strided_slice %get3A_107 {offsets = [15], sizes = [1], strides = [1]} : vector<16xi32> to vector<1xi32>
      %squeeze3A_481 = vector.extract %slice3A_480[0] : i32 from vector<1xi32>
      %dma_start3A_482 = arith.constant 0 : i32
      %dma_start3A_483 = tpu.memref_slice %arg11[%add3A_469, %dma_start3A_482] : memref<128x16xf32, #tpu.memory_space<vmem>> -> memref<1x16xf32, #tpu.memory_space<vmem>>
      %dma_start3A_484 = arith.constant 0 : i32
      %dma_start3A_485 = tpu.memref_slice %arg5[%squeeze3A_481, %dma_start3A_484] : memref<100000x16xf32, #tpu.memory_space<hbm>> -> memref<1x16xf32, #tpu.memory_space<hbm>>
      %dma_start3A_486 = arith.constant 0 : i32
      %dma_start3A_487 = tpu.memref_slice %arg11[%add3A_469, %dma_start3A_486] : memref<128x16xf32, #tpu.memory_space<vmem>> -> memref<1x16xf32, #tpu.memory_space<vmem>>
      %dma_start3A_488 = arith.constant 0 : i32
      %dma_start3A_489 = tpu.memref_slice %arg5[%squeeze3A_481, %dma_start3A_488] : memref<100000x16xf32, #tpu.memory_space<hbm>> -> memref<1x16xf32, #tpu.memory_space<hbm>>
      tpu.enqueue_dma source(%dma_start3A_489 : memref<1x16xf32, #tpu.memory_space<hbm>>) target(%dma_start3A_487 : memref<1x16xf32, #tpu.memory_space<vmem>>) target_semaphore(%arg15 : memref<!tpu.dma_semaphore, #tpu.memory_space<semaphore_mem>>)
    }
    %scan3A_57 = arith.constant 8 : i32
    %dma_wait3A_58 = arith.constant 0 : i32
    %dma_wait3A_59 = arith.constant 0 : i32
    %dma_wait3A_60 = tpu.memref_slice %arg4[%dma_wait3A_58, %dma_wait3A_59] : memref<1000000x16xf32, #tpu.memory_space<hbm>> -> memref<128x16xf32, #tpu.memory_space<hbm>>
    %dma_wait3A_61 = arith.constant 0 : i32
    %dma_wait3A_62 = arith.constant 0 : i32
    %dma_wait3A_63 = tpu.memref_slice %arg4[%dma_wait3A_61, %dma_wait3A_62] : memref<1000000x16xf32, #tpu.memory_space<hbm>> -> memref<128x16xf32, #tpu.memory_space<hbm>>
    tpu.wait_dma2 semaphore(%arg14 : memref<!tpu.dma_semaphore, #tpu.memory_space<semaphore_mem>>) src(%dma_wait3A_63 : memref<128x16xf32, #tpu.memory_space<hbm>>) dst(%arg10 : memref<128x16xf32, #tpu.memory_space<vmem>>)
    %dma_wait3A_64 = arith.constant 0 : i32
    %dma_wait3A_65 = arith.constant 0 : i32
    %dma_wait3A_66 = tpu.memref_slice %arg5[%dma_wait3A_64, %dma_wait3A_65] : memref<100000x16xf32, #tpu.memory_space<hbm>> -> memref<128x16xf32, #tpu.memory_space<hbm>>
    %dma_wait3A_67 = arith.constant 0 : i32
    %dma_wait3A_68 = arith.constant 0 : i32
    %dma_wait3A_69 = tpu.memref_slice %arg5[%dma_wait3A_67, %dma_wait3A_68] : memref<100000x16xf32, #tpu.memory_space<hbm>> -> memref<128x16xf32, #tpu.memory_space<hbm>>
    tpu.wait_dma2 semaphore(%arg15 : memref<!tpu.dma_semaphore, #tpu.memory_space<semaphore_mem>>) src(%dma_wait3A_69 : memref<128x16xf32, #tpu.memory_space<hbm>>) dst(%arg11 : memref<128x16xf32, #tpu.memory_space<vmem>>)
    %scan3A_70 = arith.constant 0 : i32
    %scan3A_71 = arith.constant 0 : i32
    %scan3A_72 = arith.constant 8 : i32
    %scan3A_73 = arith.addi %scan3A_71, %scan3A_72 : i32
    %scan3A_74 = arith.constant 1 : i32
    scf.for %scan3A_100 = %scan3A_71 to %scan3A_73 step %scan3A_74  : i32 {
      %mul3A_101 = arith.constant 16 : i32
      %mul3A_102 = arith.muli %scan3A_100, %mul3A_101 : i32
      %add3A_103 = arith.constant 256 : i32
      %add3A_104 = arith.addi %add3A_103, %mul3A_102 : i32
      %multiple_of3A = tpu.assume_multiple %add3A_104, 16 : i32
      %mul3A_105 = arith.constant 16 : i32
      %mul3A_106 = arith.muli %scan3A_100, %mul3A_105 : i32
      %add3A_107 = vector.broadcast %mul3A_106 : i32 to vector<16xi32>
      %add3A_108 = arith.addi %add3A_107, %iota3A : vector<16xi32>
      %broadcast_in_dim3A = arith.constant 0.000000e+00 : f32
      %broadcast_in_dim3A_109 = vector.broadcast %broadcast_in_dim3A : f32 to vector<16xf32>
      %broadcast_in_dim3A_110 = arith.constant 0 : i32
      %broadcast_in_dim3A_111 = vector.broadcast %broadcast_in_dim3A_110 : i32 to vector<16xi32>
      %gather3A = tpu.vector_load_idx %arg10[%add3A_108, %broadcast_in_dim3A_111] : memref<128x16xf32, #tpu.memory_space<vmem>>[vector<16xi32>, vector<16xi32>], vector<16xf32>,
      %gather3A_112 = tpu.vector_load_idx %arg11[%add3A_108, %broadcast_in_dim3A_111] : memref<128x16xf32, #tpu.memory_space<vmem>>[vector<16xi32>, vector<16xi32>], vector<16xf32>,
      %mul3A_113 = arith.mulf %gather3A, %gather3A_112 : vector<16xf32>
      %add3A_114 = arith.addf %broadcast_in_dim3A_109, %mul3A_113 : vector<16xf32>
      %broadcast_in_dim3A_115 = arith.constant 1 : i32
      %broadcast_in_dim3A_116 = vector.broadcast %broadcast_in_dim3A_115 : i32 to vector<16xi32>
      %gather3A_117 = tpu.vector_load_idx %arg10[%add3A_108, %broadcast_in_dim3A_116] : memref<128x16xf32, #tpu.memory_space<vmem>>[vector<16xi32>, vector<16xi32>], vector<16xf32>,
      %gather3A_118 = tpu.vector_load_idx %arg11[%add3A_108, %broadcast_in_dim3A_116] : memref<128x16xf32, #tpu.memory_space<vmem>>[vector<16xi32>, vector<16xi32>], vector<16xf32>,
      %mul3A_119 = arith.mulf %gather3A_117, %gather3A_118 : vector<16xf32>
      %add3A_120 = arith.addf %add3A_114, %mul3A_119 : vector<16xf32>
      %broadcast_in_dim3A_121 = arith.constant 2 : i32
      %broadcast_in_dim3A_122 = vector.broadcast %broadcast_in_dim3A_121 : i32 to vector<16xi32>
      %gather3A_123 = tpu.vector_load_idx %arg10[%add3A_108, %broadcast_in_dim3A_122] : memref<128x16xf32, #tpu.memory_space<vmem>>[vector<16xi32>, vector<16xi32>], vector<16xf32>,
      %gather3A_124 = tpu.vector_load_idx %arg11[%add3A_108, %broadcast_in_dim3A_122] : memref<128x16xf32, #tpu.memory_space<vmem>>[vector<16xi32>, vector<16xi32>], vector<16xf32>,
      %mul3A_125 = arith.mulf %gather3A_123, %gather3A_124 : vector<16xf32>
      %add3A_126 = arith.addf %add3A_120, %mul3A_125 : vector<16xf32>
      %broadcast_in_dim3A_127 = arith.constant 3 : i32
      %broadcast_in_dim3A_128 = vector.broadcast %broadcast_in_dim3A_127 : i32 to vector<16xi32>
      %gather3A_129 = tpu.vector_load_idx %arg10[%add3A_108, %broadcast_in_dim3A_128] : memref<128x16xf32, #tpu.memory_space<vmem>>[vector<16xi32>, vector<16xi32>], vector<16xf32>,
      %gather3A_130 = tpu.vector_load_idx %arg11[%add3A_108, %broadcast_in_dim3A_128] : memref<128x16xf32, #tpu.memory_space<vmem>>[vector<16xi32>, vector<16xi32>], vector<16xf32>,
      %mul3A_131 = arith.mulf %gather3A_129, %gather3A_130 : vector<16xf32>
      %add3A_132 = arith.addf %add3A_126, %mul3A_131 : vector<16xf32>
      %broadcast_in_dim3A_133 = arith.constant 4 : i32
      %broadcast_in_dim3A_134 = vector.broadcast %broadcast_in_dim3A_133 : i32 to vector<16xi32>
      %gather3A_135 = tpu.vector_load_idx %arg10[%add3A_108, %broadcast_in_dim3A_134] : memref<128x16xf32, #tpu.memory_space<vmem>>[vector<16xi32>, vector<16xi32>], vector<16xf32>,
      %gather3A_136 = tpu.vector_load_idx %arg11[%add3A_108, %broadcast_in_dim3A_134] : memref<128x16xf32, #tpu.memory_space<vmem>>[vector<16xi32>, vector<16xi32>], vector<16xf32>,
      %mul3A_137 = arith.mulf %gather3A_135, %gather3A_136 : vector<16xf32>
      %add3A_138 = arith.addf %add3A_132, %mul3A_137 : vector<16xf32>
      %broadcast_in_dim3A_139 = arith.constant 5 : i32
      %broadcast_in_dim3A_140 = vector.broadcast %broadcast_in_dim3A_139 : i32 to vector<16xi32>
      %gather3A_141 = tpu.vector_load_idx %arg10[%add3A_108, %broadcast_in_dim3A_140] : memref<128x16xf32, #tpu.memory_space<vmem>>[vector<16xi32>, vector<16xi32>], vector<16xf32>,
      %gather3A_142 = tpu.vector_load_idx %arg11[%add3A_108, %broadcast_in_dim3A_140] : memref<128x16xf32, #tpu.memory_space<vmem>>[vector<16xi32>, vector<16xi32>], vector<16xf32>,
      %mul3A_143 = arith.mulf %gather3A_141, %gather3A_142 : vector<16xf32>
      %add3A_144 = arith.addf %add3A_138, %mul3A_143 : vector<16xf32>
      %broadcast_in_dim3A_145 = arith.constant 6 : i32
      %broadcast_in_dim3A_146 = vector.broadcast %broadcast_in_dim3A_145 : i32 to vector<16xi32>
      %gather3A_147 = tpu.vector_load_idx %arg10[%add3A_108, %broadcast_in_dim3A_146] : memref<128x16xf32, #tpu.memory_space<vmem>>[vector<16xi32>, vector<16xi32>], vector<16xf32>,
      %gather3A_148 = tpu.vector_load_idx %arg11[%add3A_108, %broadcast_in_dim3A_146] : memref<128x16xf32, #tpu.memory_space<vmem>>[vector<16xi32>, vector<16xi32>], vector<16xf32>,
      %mul3A_149 = arith.mulf %gather3A_147, %gather3A_148 : vector<16xf32>
      %add3A_150 = arith.addf %add3A_144, %mul3A_149 : vector<16xf32>
      %broadcast_in_dim3A_151 = arith.constant 7 : i32
      %broadcast_in_dim3A_152 = vector.broadcast %broadcast_in_dim3A_151 : i32 to vector<16xi32>
      %gather3A_153 = tpu.vector_load_idx %arg10[%add3A_108, %broadcast_in_dim3A_152] : memref<128x16xf32, #tpu.memory_space<vmem>>[vector<16xi32>, vector<16xi32>], vector<16xf32>,
      %gather3A_154 = tpu.vector_load_idx %arg11[%add3A_108, %broadcast_in_dim3A_152] : memref<128x16xf32, #tpu.memory_space<vmem>>[vector<16xi32>, vector<16xi32>], vector<16xf32>,
      %mul3A_155 = arith.mulf %gather3A_153, %gather3A_154 : vector<16xf32>
      %add3A_156 = arith.addf %add3A_150, %mul3A_155 : vector<16xf32>
      %broadcast_in_dim3A_157 = arith.constant 8 : i32
      %broadcast_in_dim3A_158 = vector.broadcast %broadcast_in_dim3A_157 : i32 to vector<16xi32>
      %gather3A_159 = tpu.vector_load_idx %arg10[%add3A_108, %broadcast_in_dim3A_158] : memref<128x16xf32, #tpu.memory_space<vmem>>[vector<16xi32>, vector<16xi32>], vector<16xf32>,
      %gather3A_160 = tpu.vector_load_idx %arg11[%add3A_108, %broadcast_in_dim3A_158] : memref<128x16xf32, #tpu.memory_space<vmem>>[vector<16xi32>, vector<16xi32>], vector<16xf32>,
      %mul3A_161 = arith.mulf %gather3A_159, %gather3A_160 : vector<16xf32>
      %add3A_162 = arith.addf %add3A_156, %mul3A_161 : vector<16xf32>
      %broadcast_in_dim3A_163 = arith.constant 9 : i32
      %broadcast_in_dim3A_164 = vector.broadcast %broadcast_in_dim3A_163 : i32 to vector<16xi32>
      %gather3A_165 = tpu.vector_load_idx %arg10[%add3A_108, %broadcast_in_dim3A_164] : memref<128x16xf32, #tpu.memory_space<vmem>>[vector<16xi32>, vector<16xi32>], vector<16xf32>,
      %gather3A_166 = tpu.vector_load_idx %arg11[%add3A_108, %broadcast_in_dim3A_164] : memref<128x16xf32, #tpu.memory_space<vmem>>[vector<16xi32>, vector<16xi32>], vector<16xf32>,
      %mul3A_167 = arith.mulf %gather3A_165, %gather3A_166 : vector<16xf32>
      %add3A_168 = arith.addf %add3A_162, %mul3A_167 : vector<16xf32>
      %broadcast_in_dim3A_169 = arith.constant 10 : i32
      %broadcast_in_dim3A_170 = vector.broadcast %broadcast_in_dim3A_169 : i32 to vector<16xi32>
      %gather3A_171 = tpu.vector_load_idx %arg10[%add3A_108, %broadcast_in_dim3A_170] : memref<128x16xf32, #tpu.memory_space<vmem>>[vector<16xi32>, vector<16xi32>], vector<16xf32>,
      %gather3A_172 = tpu.vector_load_idx %arg11[%add3A_108, %broadcast_in_dim3A_170] : memref<128x16xf32, #tpu.memory_space<vmem>>[vector<16xi32>, vector<16xi32>], vector<16xf32>,
      %mul3A_173 = arith.mulf %gather3A_171, %gather3A_172 : vector<16xf32>
      %add3A_174 = arith.addf %add3A_168, %mul3A_173 : vector<16xf32>
      %broadcast_in_dim3A_175 = arith.constant 11 : i32
      %broadcast_in_dim3A_176 = vector.broadcast %broadcast_in_dim3A_175 : i32 to vector<16xi32>
      %gather3A_177 = tpu.vector_load_idx %arg10[%add3A_108, %broadcast_in_dim3A_176] : memref<128x16xf32, #tpu.memory_space<vmem>>[vector<16xi32>, vector<16xi32>], vector<16xf32>,
      %gather3A_178 = tpu.vector_load_idx %arg11[%add3A_108, %broadcast_in_dim3A_176] : memref<128x16xf32, #tpu.memory_space<vmem>>[vector<16xi32>, vector<16xi32>], vector<16xf32>,
      %mul3A_179 = arith.mulf %gather3A_177, %gather3A_178 : vector<16xf32>
      %add3A_180 = arith.addf %add3A_174, %mul3A_179 : vector<16xf32>
      %broadcast_in_dim3A_181 = arith.constant 12 : i32
      %broadcast_in_dim3A_182 = vector.broadcast %broadcast_in_dim3A_181 : i32 to vector<16xi32>
      %gather3A_183 = tpu.vector_load_idx %arg10[%add3A_108, %broadcast_in_dim3A_182] : memref<128x16xf32, #tpu.memory_space<vmem>>[vector<16xi32>, vector<16xi32>], vector<16xf32>,
      %gather3A_184 = tpu.vector_load_idx %arg11[%add3A_108, %broadcast_in_dim3A_182] : memref<128x16xf32, #tpu.memory_space<vmem>>[vector<16xi32>, vector<16xi32>], vector<16xf32>,
      %mul3A_185 = arith.mulf %gather3A_183, %gather3A_184 : vector<16xf32>
      %add3A_186 = arith.addf %add3A_180, %mul3A_185 : vector<16xf32>
      %broadcast_in_dim3A_187 = arith.constant 13 : i32
      %broadcast_in_dim3A_188 = vector.broadcast %broadcast_in_dim3A_187 : i32 to vector<16xi32>
      %gather3A_189 = tpu.vector_load_idx %arg10[%add3A_108, %broadcast_in_dim3A_188] : memref<128x16xf32, #tpu.memory_space<vmem>>[vector<16xi32>, vector<16xi32>], vector<16xf32>,
      %gather3A_190 = tpu.vector_load_idx %arg11[%add3A_108, %broadcast_in_dim3A_188] : memref<128x16xf32, #tpu.memory_space<vmem>>[vector<16xi32>, vector<16xi32>], vector<16xf32>,
      %mul3A_191 = arith.mulf %gather3A_189, %gather3A_190 : vector<16xf32>
      %add3A_192 = arith.addf %add3A_186, %mul3A_191 : vector<16xf32>
      %broadcast_in_dim3A_193 = arith.constant 14 : i32
      %broadcast_in_dim3A_194 = vector.broadcast %broadcast_in_dim3A_193 : i32 to vector<16xi32>
      %gather3A_195 = tpu.vector_load_idx %arg10[%add3A_108, %broadcast_in_dim3A_194] : memref<128x16xf32, #tpu.memory_space<vmem>>[vector<16xi32>, vector<16xi32>], vector<16xf32>,
      %gather3A_196 = tpu.vector_load_idx %arg11[%add3A_108, %broadcast_in_dim3A_194] : memref<128x16xf32, #tpu.memory_space<vmem>>[vector<16xi32>, vector<16xi32>], vector<16xf32>,
      %mul3A_197 = arith.mulf %gather3A_195, %gather3A_196 : vector<16xf32>
      %add3A_198 = arith.addf %add3A_192, %mul3A_197 : vector<16xf32>
      %broadcast_in_dim3A_199 = arith.constant 15 : i32
      %broadcast_in_dim3A_200 = vector.broadcast %broadcast_in_dim3A_199 : i32 to vector<16xi32>
      %gather3A_201 = tpu.vector_load_idx %arg10[%add3A_108, %broadcast_in_dim3A_200] : memref<128x16xf32, #tpu.memory_space<vmem>>[vector<16xi32>, vector<16xi32>], vector<16xf32>,
      %gather3A_202 = tpu.vector_load_idx %arg11[%add3A_108, %broadcast_in_dim3A_200] : memref<128x16xf32, #tpu.memory_space<vmem>>[vector<16xi32>, vector<16xi32>], vector<16xf32>,
      %mul3A_203 = arith.mulf %gather3A_201, %gather3A_202 : vector<16xf32>
      %add3A_204 = arith.addf %add3A_198, %mul3A_203 : vector<16xf32>
      %get3A = arith.index_cast %multiple_of3A : i32 to index
      %get3A_205 = tpu.vector_load %arg12[%get3A] {strides = array<i32>} : memref<512xf32, #tpu.memory_space<vmem>>, vector<16xf32>,
      %sub3A = arith.subf %add3A_204, %get3A_205 : vector<16xf32>
      %neg3A = arith.constant 0.000000e+00 : f32
      %neg3A_206 = vector.broadcast %neg3A : f32 to vector<16xf32>
      %neg3A_207 = arith.subf %neg3A_206, %sub3A : vector<16xf32>
      %exp3A = math.exp %neg3A_207 : vector<16xf32>
      %add3A_208 = arith.constant 1.000000e+00 : f32
      %add3A_209 = vector.broadcast %add3A_208 : f32 to vector<16xf32>
      %add3A_210 = arith.addf %add3A_209, %exp3A : vector<16xf32>
      %div3A = arith.constant 1.000000e+00 : f32
      %div3A_211 = vector.broadcast %div3A : f32 to vector<16xf32>
      %div3A_212 = arith.divf %div3A_211, %add3A_210 : vector<16xf32>
      %swap3A = arith.index_cast %multiple_of3A : i32 to index
      %swap3A_213 = tpu.vector_load %arg13[%swap3A] {strides = array<i32>} : memref<512xf32, #tpu.memory_space<vmem>>, vector<16xf32>,
      tpu.vector_store %arg13[%swap3A], %div3A_212 {strides = array<i32>} : memref<512xf32, #tpu.memory_space<vmem>>, vector<16xf32>,
    }
    %scan3A_75 = arith.constant 8 : i32
    %scan3A_76 = arith.constant 0 : i32
    %scan3A_77 = arith.constant 0 : i32
    %scan3A_78 = arith.constant 8 : i32
    %scan3A_79 = arith.addi %scan3A_77, %scan3A_78 : i32
    %scan3A_80 = arith.constant 1 : i32
    scf.for %scan3A_100 = %scan3A_77 to %scan3A_79 step %scan3A_80  : i32 {
      %mul3A_101 = arith.constant 16 : i32
      %mul3A_102 = arith.muli %scan3A_100, %mul3A_101 : i32
      %add3A_103 = arith.constant 384 : i32
      %add3A_104 = arith.addi %add3A_103, %mul3A_102 : i32
      %multiple_of3A = tpu.assume_multiple %add3A_104, 16 : i32
      %get3A = arith.index_cast %multiple_of3A : i32 to index
      %get3A_105 = tpu.vector_load %arg8[%get3A] {strides = array<i32>} : memref<512xi32, #tpu.memory_space<vmem>>, vector<16xi32>,
      %get3A_106 = arith.index_cast %multiple_of3A : i32 to index
      %get3A_107 = tpu.vector_load %arg9[%get3A_106] {strides = array<i32>} : memref<512xi32, #tpu.memory_space<vmem>>, vector<16xi32>,
      %mul3A_108 = arith.constant 16 : i32
      %mul3A_109 = arith.muli %scan3A_100, %mul3A_108 : i32
      %add3A_110 = arith.constant 0 : i32
      %add3A_111 = arith.addi %mul3A_109, %add3A_110 : i32
      %slice3A = vector.extract_strided_slice %get3A_105 {offsets = [0], sizes = [1], strides = [1]} : vector<16xi32> to vector<1xi32>
      %squeeze3A = vector.extract %slice3A[0] : i32 from vector<1xi32>
      %dma_start3A_112 = arith.constant 0 : i32
      %dma_start3A_113 = tpu.memref_slice %arg10[%add3A_111, %dma_start3A_112] : memref<128x16xf32, #tpu.memory_space<vmem>> -> memref<1x16xf32, #tpu.memory_space<vmem>>
      %dma_start3A_114 = arith.constant 0 : i32
      %dma_start3A_115 = tpu.memref_slice %arg4[%squeeze3A, %dma_start3A_114] : memref<1000000x16xf32, #tpu.memory_space<hbm>> -> memref<1x16xf32, #tpu.memory_space<hbm>>
      %dma_start3A_116 = arith.constant 0 : i32
      %dma_start3A_117 = tpu.memref_slice %arg10[%add3A_111, %dma_start3A_116] : memref<128x16xf32, #tpu.memory_space<vmem>> -> memref<1x16xf32, #tpu.memory_space<vmem>>
      %dma_start3A_118 = arith.constant 0 : i32
      %dma_start3A_119 = tpu.memref_slice %arg4[%squeeze3A, %dma_start3A_118] : memref<1000000x16xf32, #tpu.memory_space<hbm>> -> memref<1x16xf32, #tpu.memory_space<hbm>>
      tpu.enqueue_dma source(%dma_start3A_119 : memref<1x16xf32, #tpu.memory_space<hbm>>) target(%dma_start3A_117 : memref<1x16xf32, #tpu.memory_space<vmem>>) target_semaphore(%arg14 : memref<!tpu.dma_semaphore, #tpu.memory_space<semaphore_mem>>)
      %slice3A_120 = vector.extract_strided_slice %get3A_107 {offsets = [0], sizes = [1], strides = [1]} : vector<16xi32> to vector<1xi32>
      %squeeze3A_121 = vector.extract %slice3A_120[0] : i32 from vector<1xi32>
      %dma_start3A_122 = arith.constant 0 : i32
      %dma_start3A_123 = tpu.memref_slice %arg11[%add3A_111, %dma_start3A_122] : memref<128x16xf32, #tpu.memory_space<vmem>> -> memref<1x16xf32, #tpu.memory_space<vmem>>
      %dma_start3A_124 = arith.constant 0 : i32
      %dma_start3A_125 = tpu.memref_slice %arg5[%squeeze3A_121, %dma_start3A_124] : memref<100000x16xf32, #tpu.memory_space<hbm>> -> memref<1x16xf32, #tpu.memory_space<hbm>>
      %dma_start3A_126 = arith.constant 0 : i32
      %dma_start3A_127 = tpu.memref_slice %arg11[%add3A_111, %dma_start3A_126] : memref<128x16xf32, #tpu.memory_space<vmem>> -> memref<1x16xf32, #tpu.memory_space<vmem>>
      %dma_start3A_128 = arith.constant 0 : i32
      %dma_start3A_129 = tpu.memref_slice %arg5[%squeeze3A_121, %dma_start3A_128] : memref<100000x16xf32, #tpu.memory_space<hbm>> -> memref<1x16xf32, #tpu.memory_space<hbm>>
      tpu.enqueue_dma source(%dma_start3A_129 : memref<1x16xf32, #tpu.memory_space<hbm>>) target(%dma_start3A_127 : memref<1x16xf32, #tpu.memory_space<vmem>>) target_semaphore(%arg15 : memref<!tpu.dma_semaphore, #tpu.memory_space<semaphore_mem>>)
      %mul3A_130 = arith.constant 16 : i32
      %mul3A_131 = arith.muli %scan3A_100, %mul3A_130 : i32
      %add3A_132 = arith.constant 1 : i32
      %add3A_133 = arith.addi %mul3A_131, %add3A_132 : i32
      %slice3A_134 = vector.extract_strided_slice %get3A_105 {offsets = [1], sizes = [1], strides = [1]} : vector<16xi32> to vector<1xi32>
      %squeeze3A_135 = vector.extract %slice3A_134[0] : i32 from vector<1xi32>
      %dma_start3A_136 = arith.constant 0 : i32
      %dma_start3A_137 = tpu.memref_slice %arg10[%add3A_133, %dma_start3A_136] : memref<128x16xf32, #tpu.memory_space<vmem>> -> memref<1x16xf32, #tpu.memory_space<vmem>>
      %dma_start3A_138 = arith.constant 0 : i32
      %dma_start3A_139 = tpu.memref_slice %arg4[%squeeze3A_135, %dma_start3A_138] : memref<1000000x16xf32, #tpu.memory_space<hbm>> -> memref<1x16xf32, #tpu.memory_space<hbm>>
      %dma_start3A_140 = arith.constant 0 : i32
      %dma_start3A_141 = tpu.memref_slice %arg10[%add3A_133, %dma_start3A_140] : memref<128x16xf32, #tpu.memory_space<vmem>> -> memref<1x16xf32, #tpu.memory_space<vmem>>
      %dma_start3A_142 = arith.constant 0 : i32
      %dma_start3A_143 = tpu.memref_slice %arg4[%squeeze3A_135, %dma_start3A_142] : memref<1000000x16xf32, #tpu.memory_space<hbm>> -> memref<1x16xf32, #tpu.memory_space<hbm>>
      tpu.enqueue_dma source(%dma_start3A_143 : memref<1x16xf32, #tpu.memory_space<hbm>>) target(%dma_start3A_141 : memref<1x16xf32, #tpu.memory_space<vmem>>) target_semaphore(%arg14 : memref<!tpu.dma_semaphore, #tpu.memory_space<semaphore_mem>>)
      %slice3A_144 = vector.extract_strided_slice %get3A_107 {offsets = [1], sizes = [1], strides = [1]} : vector<16xi32> to vector<1xi32>
      %squeeze3A_145 = vector.extract %slice3A_144[0] : i32 from vector<1xi32>
      %dma_start3A_146 = arith.constant 0 : i32
      %dma_start3A_147 = tpu.memref_slice %arg11[%add3A_133, %dma_start3A_146] : memref<128x16xf32, #tpu.memory_space<vmem>> -> memref<1x16xf32, #tpu.memory_space<vmem>>
      %dma_start3A_148 = arith.constant 0 : i32
      %dma_start3A_149 = tpu.memref_slice %arg5[%squeeze3A_145, %dma_start3A_148] : memref<100000x16xf32, #tpu.memory_space<hbm>> -> memref<1x16xf32, #tpu.memory_space<hbm>>
      %dma_start3A_150 = arith.constant 0 : i32
      %dma_start3A_151 = tpu.memref_slice %arg11[%add3A_133, %dma_start3A_150] : memref<128x16xf32, #tpu.memory_space<vmem>> -> memref<1x16xf32, #tpu.memory_space<vmem>>
      %dma_start3A_152 = arith.constant 0 : i32
      %dma_start3A_153 = tpu.memref_slice %arg5[%squeeze3A_145, %dma_start3A_152] : memref<100000x16xf32, #tpu.memory_space<hbm>> -> memref<1x16xf32, #tpu.memory_space<hbm>>
      tpu.enqueue_dma source(%dma_start3A_153 : memref<1x16xf32, #tpu.memory_space<hbm>>) target(%dma_start3A_151 : memref<1x16xf32, #tpu.memory_space<vmem>>) target_semaphore(%arg15 : memref<!tpu.dma_semaphore, #tpu.memory_space<semaphore_mem>>)
      %mul3A_154 = arith.constant 16 : i32
      %mul3A_155 = arith.muli %scan3A_100, %mul3A_154 : i32
      %add3A_156 = arith.constant 2 : i32
      %add3A_157 = arith.addi %mul3A_155, %add3A_156 : i32
      %slice3A_158 = vector.extract_strided_slice %get3A_105 {offsets = [2], sizes = [1], strides = [1]} : vector<16xi32> to vector<1xi32>
      %squeeze3A_159 = vector.extract %slice3A_158[0] : i32 from vector<1xi32>
      %dma_start3A_160 = arith.constant 0 : i32
      %dma_start3A_161 = tpu.memref_slice %arg10[%add3A_157, %dma_start3A_160] : memref<128x16xf32, #tpu.memory_space<vmem>> -> memref<1x16xf32, #tpu.memory_space<vmem>>
      %dma_start3A_162 = arith.constant 0 : i32
      %dma_start3A_163 = tpu.memref_slice %arg4[%squeeze3A_159, %dma_start3A_162] : memref<1000000x16xf32, #tpu.memory_space<hbm>> -> memref<1x16xf32, #tpu.memory_space<hbm>>
      %dma_start3A_164 = arith.constant 0 : i32
      %dma_start3A_165 = tpu.memref_slice %arg10[%add3A_157, %dma_start3A_164] : memref<128x16xf32, #tpu.memory_space<vmem>> -> memref<1x16xf32, #tpu.memory_space<vmem>>
      %dma_start3A_166 = arith.constant 0 : i32
      %dma_start3A_167 = tpu.memref_slice %arg4[%squeeze3A_159, %dma_start3A_166] : memref<1000000x16xf32, #tpu.memory_space<hbm>> -> memref<1x16xf32, #tpu.memory_space<hbm>>
      tpu.enqueue_dma source(%dma_start3A_167 : memref<1x16xf32, #tpu.memory_space<hbm>>) target(%dma_start3A_165 : memref<1x16xf32, #tpu.memory_space<vmem>>) target_semaphore(%arg14 : memref<!tpu.dma_semaphore, #tpu.memory_space<semaphore_mem>>)
      %slice3A_168 = vector.extract_strided_slice %get3A_107 {offsets = [2], sizes = [1], strides = [1]} : vector<16xi32> to vector<1xi32>
      %squeeze3A_169 = vector.extract %slice3A_168[0] : i32 from vector<1xi32>
      %dma_start3A_170 = arith.constant 0 : i32
      %dma_start3A_171 = tpu.memref_slice %arg11[%add3A_157, %dma_start3A_170] : memref<128x16xf32, #tpu.memory_space<vmem>> -> memref<1x16xf32, #tpu.memory_space<vmem>>
      %dma_start3A_172 = arith.constant 0 : i32
      %dma_start3A_173 = tpu.memref_slice %arg5[%squeeze3A_169, %dma_start3A_172] : memref<100000x16xf32, #tpu.memory_space<hbm>> -> memref<1x16xf32, #tpu.memory_space<hbm>>
      %dma_start3A_174 = arith.constant 0 : i32
      %dma_start3A_175 = tpu.memref_slice %arg11[%add3A_157, %dma_start3A_174] : memref<128x16xf32, #tpu.memory_space<vmem>> -> memref<1x16xf32, #tpu.memory_space<vmem>>
      %dma_start3A_176 = arith.constant 0 : i32
      %dma_start3A_177 = tpu.memref_slice %arg5[%squeeze3A_169, %dma_start3A_176] : memref<100000x16xf32, #tpu.memory_space<hbm>> -> memref<1x16xf32, #tpu.memory_space<hbm>>
      tpu.enqueue_dma source(%dma_start3A_177 : memref<1x16xf32, #tpu.memory_space<hbm>>) target(%dma_start3A_175 : memref<1x16xf32, #tpu.memory_space<vmem>>) target_semaphore(%arg15 : memref<!tpu.dma_semaphore, #tpu.memory_space<semaphore_mem>>)
      %mul3A_178 = arith.constant 16 : i32
      %mul3A_179 = arith.muli %scan3A_100, %mul3A_178 : i32
      %add3A_180 = arith.constant 3 : i32
      %add3A_181 = arith.addi %mul3A_179, %add3A_180 : i32
      %slice3A_182 = vector.extract_strided_slice %get3A_105 {offsets = [3], sizes = [1], strides = [1]} : vector<16xi32> to vector<1xi32>
      %squeeze3A_183 = vector.extract %slice3A_182[0] : i32 from vector<1xi32>
      %dma_start3A_184 = arith.constant 0 : i32
      %dma_start3A_185 = tpu.memref_slice %arg10[%add3A_181, %dma_start3A_184] : memref<128x16xf32, #tpu.memory_space<vmem>> -> memref<1x16xf32, #tpu.memory_space<vmem>>
      %dma_start3A_186 = arith.constant 0 : i32
      %dma_start3A_187 = tpu.memref_slice %arg4[%squeeze3A_183, %dma_start3A_186] : memref<1000000x16xf32, #tpu.memory_space<hbm>> -> memref<1x16xf32, #tpu.memory_space<hbm>>
      %dma_start3A_188 = arith.constant 0 : i32
      %dma_start3A_189 = tpu.memref_slice %arg10[%add3A_181, %dma_start3A_188] : memref<128x16xf32, #tpu.memory_space<vmem>> -> memref<1x16xf32, #tpu.memory_space<vmem>>
      %dma_start3A_190 = arith.constant 0 : i32
      %dma_start3A_191 = tpu.memref_slice %arg4[%squeeze3A_183, %dma_start3A_190] : memref<1000000x16xf32, #tpu.memory_space<hbm>> -> memref<1x16xf32, #tpu.memory_space<hbm>>
      tpu.enqueue_dma source(%dma_start3A_191 : memref<1x16xf32, #tpu.memory_space<hbm>>) target(%dma_start3A_189 : memref<1x16xf32, #tpu.memory_space<vmem>>) target_semaphore(%arg14 : memref<!tpu.dma_semaphore, #tpu.memory_space<semaphore_mem>>)
      %slice3A_192 = vector.extract_strided_slice %get3A_107 {offsets = [3], sizes = [1], strides = [1]} : vector<16xi32> to vector<1xi32>
      %squeeze3A_193 = vector.extract %slice3A_192[0] : i32 from vector<1xi32>
      %dma_start3A_194 = arith.constant 0 : i32
      %dma_start3A_195 = tpu.memref_slice %arg11[%add3A_181, %dma_start3A_194] : memref<128x16xf32, #tpu.memory_space<vmem>> -> memref<1x16xf32, #tpu.memory_space<vmem>>
      %dma_start3A_196 = arith.constant 0 : i32
      %dma_start3A_197 = tpu.memref_slice %arg5[%squeeze3A_193, %dma_start3A_196] : memref<100000x16xf32, #tpu.memory_space<hbm>> -> memref<1x16xf32, #tpu.memory_space<hbm>>
      %dma_start3A_198 = arith.constant 0 : i32
      %dma_start3A_199 = tpu.memref_slice %arg11[%add3A_181, %dma_start3A_198] : memref<128x16xf32, #tpu.memory_space<vmem>> -> memref<1x16xf32, #tpu.memory_space<vmem>>
      %dma_start3A_200 = arith.constant 0 : i32
      %dma_start3A_201 = tpu.memref_slice %arg5[%squeeze3A_193, %dma_start3A_200] : memref<100000x16xf32, #tpu.memory_space<hbm>> -> memref<1x16xf32, #tpu.memory_space<hbm>>
      tpu.enqueue_dma source(%dma_start3A_201 : memref<1x16xf32, #tpu.memory_space<hbm>>) target(%dma_start3A_199 : memref<1x16xf32, #tpu.memory_space<vmem>>) target_semaphore(%arg15 : memref<!tpu.dma_semaphore, #tpu.memory_space<semaphore_mem>>)
      %mul3A_202 = arith.constant 16 : i32
      %mul3A_203 = arith.muli %scan3A_100, %mul3A_202 : i32
      %add3A_204 = arith.constant 4 : i32
      %add3A_205 = arith.addi %mul3A_203, %add3A_204 : i32
      %slice3A_206 = vector.extract_strided_slice %get3A_105 {offsets = [4], sizes = [1], strides = [1]} : vector<16xi32> to vector<1xi32>
      %squeeze3A_207 = vector.extract %slice3A_206[0] : i32 from vector<1xi32>
      %dma_start3A_208 = arith.constant 0 : i32
      %dma_start3A_209 = tpu.memref_slice %arg10[%add3A_205, %dma_start3A_208] : memref<128x16xf32, #tpu.memory_space<vmem>> -> memref<1x16xf32, #tpu.memory_space<vmem>>
      %dma_start3A_210 = arith.constant 0 : i32
      %dma_start3A_211 = tpu.memref_slice %arg4[%squeeze3A_207, %dma_start3A_210] : memref<1000000x16xf32, #tpu.memory_space<hbm>> -> memref<1x16xf32, #tpu.memory_space<hbm>>
      %dma_start3A_212 = arith.constant 0 : i32
      %dma_start3A_213 = tpu.memref_slice %arg10[%add3A_205, %dma_start3A_212] : memref<128x16xf32, #tpu.memory_space<vmem>> -> memref<1x16xf32, #tpu.memory_space<vmem>>
      %dma_start3A_214 = arith.constant 0 : i32
      %dma_start3A_215 = tpu.memref_slice %arg4[%squeeze3A_207, %dma_start3A_214] : memref<1000000x16xf32, #tpu.memory_space<hbm>> -> memref<1x16xf32, #tpu.memory_space<hbm>>
      tpu.enqueue_dma source(%dma_start3A_215 : memref<1x16xf32, #tpu.memory_space<hbm>>) target(%dma_start3A_213 : memref<1x16xf32, #tpu.memory_space<vmem>>) target_semaphore(%arg14 : memref<!tpu.dma_semaphore, #tpu.memory_space<semaphore_mem>>)
      %slice3A_216 = vector.extract_strided_slice %get3A_107 {offsets = [4], sizes = [1], strides = [1]} : vector<16xi32> to vector<1xi32>
      %squeeze3A_217 = vector.extract %slice3A_216[0] : i32 from vector<1xi32>
      %dma_start3A_218 = arith.constant 0 : i32
      %dma_start3A_219 = tpu.memref_slice %arg11[%add3A_205, %dma_start3A_218] : memref<128x16xf32, #tpu.memory_space<vmem>> -> memref<1x16xf32, #tpu.memory_space<vmem>>
      %dma_start3A_220 = arith.constant 0 : i32
      %dma_start3A_221 = tpu.memref_slice %arg5[%squeeze3A_217, %dma_start3A_220] : memref<100000x16xf32, #tpu.memory_space<hbm>> -> memref<1x16xf32, #tpu.memory_space<hbm>>
      %dma_start3A_222 = arith.constant 0 : i32
      %dma_start3A_223 = tpu.memref_slice %arg11[%add3A_205, %dma_start3A_222] : memref<128x16xf32, #tpu.memory_space<vmem>> -> memref<1x16xf32, #tpu.memory_space<vmem>>
      %dma_start3A_224 = arith.constant 0 : i32
      %dma_start3A_225 = tpu.memref_slice %arg5[%squeeze3A_217, %dma_start3A_224] : memref<100000x16xf32, #tpu.memory_space<hbm>> -> memref<1x16xf32, #tpu.memory_space<hbm>>
      tpu.enqueue_dma source(%dma_start3A_225 : memref<1x16xf32, #tpu.memory_space<hbm>>) target(%dma_start3A_223 : memref<1x16xf32, #tpu.memory_space<vmem>>) target_semaphore(%arg15 : memref<!tpu.dma_semaphore, #tpu.memory_space<semaphore_mem>>)
      %mul3A_226 = arith.constant 16 : i32
      %mul3A_227 = arith.muli %scan3A_100, %mul3A_226 : i32
      %add3A_228 = arith.constant 5 : i32
      %add3A_229 = arith.addi %mul3A_227, %add3A_228 : i32
      %slice3A_230 = vector.extract_strided_slice %get3A_105 {offsets = [5], sizes = [1], strides = [1]} : vector<16xi32> to vector<1xi32>
      %squeeze3A_231 = vector.extract %slice3A_230[0] : i32 from vector<1xi32>
      %dma_start3A_232 = arith.constant 0 : i32
      %dma_start3A_233 = tpu.memref_slice %arg10[%add3A_229, %dma_start3A_232] : memref<128x16xf32, #tpu.memory_space<vmem>> -> memref<1x16xf32, #tpu.memory_space<vmem>>
      %dma_start3A_234 = arith.constant 0 : i32
      %dma_start3A_235 = tpu.memref_slice %arg4[%squeeze3A_231, %dma_start3A_234] : memref<1000000x16xf32, #tpu.memory_space<hbm>> -> memref<1x16xf32, #tpu.memory_space<hbm>>
      %dma_start3A_236 = arith.constant 0 : i32
      %dma_start3A_237 = tpu.memref_slice %arg10[%add3A_229, %dma_start3A_236] : memref<128x16xf32, #tpu.memory_space<vmem>> -> memref<1x16xf32, #tpu.memory_space<vmem>>
      %dma_start3A_238 = arith.constant 0 : i32
      %dma_start3A_239 = tpu.memref_slice %arg4[%squeeze3A_231, %dma_start3A_238] : memref<1000000x16xf32, #tpu.memory_space<hbm>> -> memref<1x16xf32, #tpu.memory_space<hbm>>
      tpu.enqueue_dma source(%dma_start3A_239 : memref<1x16xf32, #tpu.memory_space<hbm>>) target(%dma_start3A_237 : memref<1x16xf32, #tpu.memory_space<vmem>>) target_semaphore(%arg14 : memref<!tpu.dma_semaphore, #tpu.memory_space<semaphore_mem>>)
      %slice3A_240 = vector.extract_strided_slice %get3A_107 {offsets = [5], sizes = [1], strides = [1]} : vector<16xi32> to vector<1xi32>
      %squeeze3A_241 = vector.extract %slice3A_240[0] : i32 from vector<1xi32>
      %dma_start3A_242 = arith.constant 0 : i32
      %dma_start3A_243 = tpu.memref_slice %arg11[%add3A_229, %dma_start3A_242] : memref<128x16xf32, #tpu.memory_space<vmem>> -> memref<1x16xf32, #tpu.memory_space<vmem>>
      %dma_start3A_244 = arith.constant 0 : i32
      %dma_start3A_245 = tpu.memref_slice %arg5[%squeeze3A_241, %dma_start3A_244] : memref<100000x16xf32, #tpu.memory_space<hbm>> -> memref<1x16xf32, #tpu.memory_space<hbm>>
      %dma_start3A_246 = arith.constant 0 : i32
      %dma_start3A_247 = tpu.memref_slice %arg11[%add3A_229, %dma_start3A_246] : memref<128x16xf32, #tpu.memory_space<vmem>> -> memref<1x16xf32, #tpu.memory_space<vmem>>
      %dma_start3A_248 = arith.constant 0 : i32
      %dma_start3A_249 = tpu.memref_slice %arg5[%squeeze3A_241, %dma_start3A_248] : memref<100000x16xf32, #tpu.memory_space<hbm>> -> memref<1x16xf32, #tpu.memory_space<hbm>>
      tpu.enqueue_dma source(%dma_start3A_249 : memref<1x16xf32, #tpu.memory_space<hbm>>) target(%dma_start3A_247 : memref<1x16xf32, #tpu.memory_space<vmem>>) target_semaphore(%arg15 : memref<!tpu.dma_semaphore, #tpu.memory_space<semaphore_mem>>)
      %mul3A_250 = arith.constant 16 : i32
      %mul3A_251 = arith.muli %scan3A_100, %mul3A_250 : i32
      %add3A_252 = arith.constant 6 : i32
      %add3A_253 = arith.addi %mul3A_251, %add3A_252 : i32
      %slice3A_254 = vector.extract_strided_slice %get3A_105 {offsets = [6], sizes = [1], strides = [1]} : vector<16xi32> to vector<1xi32>
      %squeeze3A_255 = vector.extract %slice3A_254[0] : i32 from vector<1xi32>
      %dma_start3A_256 = arith.constant 0 : i32
      %dma_start3A_257 = tpu.memref_slice %arg10[%add3A_253, %dma_start3A_256] : memref<128x16xf32, #tpu.memory_space<vmem>> -> memref<1x16xf32, #tpu.memory_space<vmem>>
      %dma_start3A_258 = arith.constant 0 : i32
      %dma_start3A_259 = tpu.memref_slice %arg4[%squeeze3A_255, %dma_start3A_258] : memref<1000000x16xf32, #tpu.memory_space<hbm>> -> memref<1x16xf32, #tpu.memory_space<hbm>>
      %dma_start3A_260 = arith.constant 0 : i32
      %dma_start3A_261 = tpu.memref_slice %arg10[%add3A_253, %dma_start3A_260] : memref<128x16xf32, #tpu.memory_space<vmem>> -> memref<1x16xf32, #tpu.memory_space<vmem>>
      %dma_start3A_262 = arith.constant 0 : i32
      %dma_start3A_263 = tpu.memref_slice %arg4[%squeeze3A_255, %dma_start3A_262] : memref<1000000x16xf32, #tpu.memory_space<hbm>> -> memref<1x16xf32, #tpu.memory_space<hbm>>
      tpu.enqueue_dma source(%dma_start3A_263 : memref<1x16xf32, #tpu.memory_space<hbm>>) target(%dma_start3A_261 : memref<1x16xf32, #tpu.memory_space<vmem>>) target_semaphore(%arg14 : memref<!tpu.dma_semaphore, #tpu.memory_space<semaphore_mem>>)
      %slice3A_264 = vector.extract_strided_slice %get3A_107 {offsets = [6], sizes = [1], strides = [1]} : vector<16xi32> to vector<1xi32>
      %squeeze3A_265 = vector.extract %slice3A_264[0] : i32 from vector<1xi32>
      %dma_start3A_266 = arith.constant 0 : i32
      %dma_start3A_267 = tpu.memref_slice %arg11[%add3A_253, %dma_start3A_266] : memref<128x16xf32, #tpu.memory_space<vmem>> -> memref<1x16xf32, #tpu.memory_space<vmem>>
      %dma_start3A_268 = arith.constant 0 : i32
      %dma_start3A_269 = tpu.memref_slice %arg5[%squeeze3A_265, %dma_start3A_268] : memref<100000x16xf32, #tpu.memory_space<hbm>> -> memref<1x16xf32, #tpu.memory_space<hbm>>
      %dma_start3A_270 = arith.constant 0 : i32
      %dma_start3A_271 = tpu.memref_slice %arg11[%add3A_253, %dma_start3A_270] : memref<128x16xf32, #tpu.memory_space<vmem>> -> memref<1x16xf32, #tpu.memory_space<vmem>>
      %dma_start3A_272 = arith.constant 0 : i32
      %dma_start3A_273 = tpu.memref_slice %arg5[%squeeze3A_265, %dma_start3A_272] : memref<100000x16xf32, #tpu.memory_space<hbm>> -> memref<1x16xf32, #tpu.memory_space<hbm>>
      tpu.enqueue_dma source(%dma_start3A_273 : memref<1x16xf32, #tpu.memory_space<hbm>>) target(%dma_start3A_271 : memref<1x16xf32, #tpu.memory_space<vmem>>) target_semaphore(%arg15 : memref<!tpu.dma_semaphore, #tpu.memory_space<semaphore_mem>>)
      %mul3A_274 = arith.constant 16 : i32
      %mul3A_275 = arith.muli %scan3A_100, %mul3A_274 : i32
      %add3A_276 = arith.constant 7 : i32
      %add3A_277 = arith.addi %mul3A_275, %add3A_276 : i32
      %slice3A_278 = vector.extract_strided_slice %get3A_105 {offsets = [7], sizes = [1], strides = [1]} : vector<16xi32> to vector<1xi32>
      %squeeze3A_279 = vector.extract %slice3A_278[0] : i32 from vector<1xi32>
      %dma_start3A_280 = arith.constant 0 : i32
      %dma_start3A_281 = tpu.memref_slice %arg10[%add3A_277, %dma_start3A_280] : memref<128x16xf32, #tpu.memory_space<vmem>> -> memref<1x16xf32, #tpu.memory_space<vmem>>
      %dma_start3A_282 = arith.constant 0 : i32
      %dma_start3A_283 = tpu.memref_slice %arg4[%squeeze3A_279, %dma_start3A_282] : memref<1000000x16xf32, #tpu.memory_space<hbm>> -> memref<1x16xf32, #tpu.memory_space<hbm>>
      %dma_start3A_284 = arith.constant 0 : i32
      %dma_start3A_285 = tpu.memref_slice %arg10[%add3A_277, %dma_start3A_284] : memref<128x16xf32, #tpu.memory_space<vmem>> -> memref<1x16xf32, #tpu.memory_space<vmem>>
      %dma_start3A_286 = arith.constant 0 : i32
      %dma_start3A_287 = tpu.memref_slice %arg4[%squeeze3A_279, %dma_start3A_286] : memref<1000000x16xf32, #tpu.memory_space<hbm>> -> memref<1x16xf32, #tpu.memory_space<hbm>>
      tpu.enqueue_dma source(%dma_start3A_287 : memref<1x16xf32, #tpu.memory_space<hbm>>) target(%dma_start3A_285 : memref<1x16xf32, #tpu.memory_space<vmem>>) target_semaphore(%arg14 : memref<!tpu.dma_semaphore, #tpu.memory_space<semaphore_mem>>)
      %slice3A_288 = vector.extract_strided_slice %get3A_107 {offsets = [7], sizes = [1], strides = [1]} : vector<16xi32> to vector<1xi32>
      %squeeze3A_289 = vector.extract %slice3A_288[0] : i32 from vector<1xi32>
      %dma_start3A_290 = arith.constant 0 : i32
      %dma_start3A_291 = tpu.memref_slice %arg11[%add3A_277, %dma_start3A_290] : memref<128x16xf32, #tpu.memory_space<vmem>> -> memref<1x16xf32, #tpu.memory_space<vmem>>
      %dma_start3A_292 = arith.constant 0 : i32
      %dma_start3A_293 = tpu.memref_slice %arg5[%squeeze3A_289, %dma_start3A_292] : memref<100000x16xf32, #tpu.memory_space<hbm>> -> memref<1x16xf32, #tpu.memory_space<hbm>>
      %dma_start3A_294 = arith.constant 0 : i32
      %dma_start3A_295 = tpu.memref_slice %arg11[%add3A_277, %dma_start3A_294] : memref<128x16xf32, #tpu.memory_space<vmem>> -> memref<1x16xf32, #tpu.memory_space<vmem>>
      %dma_start3A_296 = arith.constant 0 : i32
      %dma_start3A_297 = tpu.memref_slice %arg5[%squeeze3A_289, %dma_start3A_296] : memref<100000x16xf32, #tpu.memory_space<hbm>> -> memref<1x16xf32, #tpu.memory_space<hbm>>
      tpu.enqueue_dma source(%dma_start3A_297 : memref<1x16xf32, #tpu.memory_space<hbm>>) target(%dma_start3A_295 : memref<1x16xf32, #tpu.memory_space<vmem>>) target_semaphore(%arg15 : memref<!tpu.dma_semaphore, #tpu.memory_space<semaphore_mem>>)
      %mul3A_298 = arith.constant 16 : i32
      %mul3A_299 = arith.muli %scan3A_100, %mul3A_298 : i32
      %add3A_300 = arith.constant 8 : i32
      %add3A_301 = arith.addi %mul3A_299, %add3A_300 : i32
      %slice3A_302 = vector.extract_strided_slice %get3A_105 {offsets = [8], sizes = [1], strides = [1]} : vector<16xi32> to vector<1xi32>
      %squeeze3A_303 = vector.extract %slice3A_302[0] : i32 from vector<1xi32>
      %dma_start3A_304 = arith.constant 0 : i32
      %dma_start3A_305 = tpu.memref_slice %arg10[%add3A_301, %dma_start3A_304] : memref<128x16xf32, #tpu.memory_space<vmem>> -> memref<1x16xf32, #tpu.memory_space<vmem>>
      %dma_start3A_306 = arith.constant 0 : i32
      %dma_start3A_307 = tpu.memref_slice %arg4[%squeeze3A_303, %dma_start3A_306] : memref<1000000x16xf32, #tpu.memory_space<hbm>> -> memref<1x16xf32, #tpu.memory_space<hbm>>
      %dma_start3A_308 = arith.constant 0 : i32
      %dma_start3A_309 = tpu.memref_slice %arg10[%add3A_301, %dma_start3A_308] : memref<128x16xf32, #tpu.memory_space<vmem>> -> memref<1x16xf32, #tpu.memory_space<vmem>>
      %dma_start3A_310 = arith.constant 0 : i32
      %dma_start3A_311 = tpu.memref_slice %arg4[%squeeze3A_303, %dma_start3A_310] : memref<1000000x16xf32, #tpu.memory_space<hbm>> -> memref<1x16xf32, #tpu.memory_space<hbm>>
      tpu.enqueue_dma source(%dma_start3A_311 : memref<1x16xf32, #tpu.memory_space<hbm>>) target(%dma_start3A_309 : memref<1x16xf32, #tpu.memory_space<vmem>>) target_semaphore(%arg14 : memref<!tpu.dma_semaphore, #tpu.memory_space<semaphore_mem>>)
      %slice3A_312 = vector.extract_strided_slice %get3A_107 {offsets = [8], sizes = [1], strides = [1]} : vector<16xi32> to vector<1xi32>
      %squeeze3A_313 = vector.extract %slice3A_312[0] : i32 from vector<1xi32>
      %dma_start3A_314 = arith.constant 0 : i32
      %dma_start3A_315 = tpu.memref_slice %arg11[%add3A_301, %dma_start3A_314] : memref<128x16xf32, #tpu.memory_space<vmem>> -> memref<1x16xf32, #tpu.memory_space<vmem>>
      %dma_start3A_316 = arith.constant 0 : i32
      %dma_start3A_317 = tpu.memref_slice %arg5[%squeeze3A_313, %dma_start3A_316] : memref<100000x16xf32, #tpu.memory_space<hbm>> -> memref<1x16xf32, #tpu.memory_space<hbm>>
      %dma_start3A_318 = arith.constant 0 : i32
      %dma_start3A_319 = tpu.memref_slice %arg11[%add3A_301, %dma_start3A_318] : memref<128x16xf32, #tpu.memory_space<vmem>> -> memref<1x16xf32, #tpu.memory_space<vmem>>
      %dma_start3A_320 = arith.constant 0 : i32
      %dma_start3A_321 = tpu.memref_slice %arg5[%squeeze3A_313, %dma_start3A_320] : memref<100000x16xf32, #tpu.memory_space<hbm>> -> memref<1x16xf32, #tpu.memory_space<hbm>>
      tpu.enqueue_dma source(%dma_start3A_321 : memref<1x16xf32, #tpu.memory_space<hbm>>) target(%dma_start3A_319 : memref<1x16xf32, #tpu.memory_space<vmem>>) target_semaphore(%arg15 : memref<!tpu.dma_semaphore, #tpu.memory_space<semaphore_mem>>)
      %mul3A_322 = arith.constant 16 : i32
      %mul3A_323 = arith.muli %scan3A_100, %mul3A_322 : i32
      %add3A_324 = arith.constant 9 : i32
      %add3A_325 = arith.addi %mul3A_323, %add3A_324 : i32
      %slice3A_326 = vector.extract_strided_slice %get3A_105 {offsets = [9], sizes = [1], strides = [1]} : vector<16xi32> to vector<1xi32>
      %squeeze3A_327 = vector.extract %slice3A_326[0] : i32 from vector<1xi32>
      %dma_start3A_328 = arith.constant 0 : i32
      %dma_start3A_329 = tpu.memref_slice %arg10[%add3A_325, %dma_start3A_328] : memref<128x16xf32, #tpu.memory_space<vmem>> -> memref<1x16xf32, #tpu.memory_space<vmem>>
      %dma_start3A_330 = arith.constant 0 : i32
      %dma_start3A_331 = tpu.memref_slice %arg4[%squeeze3A_327, %dma_start3A_330] : memref<1000000x16xf32, #tpu.memory_space<hbm>> -> memref<1x16xf32, #tpu.memory_space<hbm>>
      %dma_start3A_332 = arith.constant 0 : i32
      %dma_start3A_333 = tpu.memref_slice %arg10[%add3A_325, %dma_start3A_332] : memref<128x16xf32, #tpu.memory_space<vmem>> -> memref<1x16xf32, #tpu.memory_space<vmem>>
      %dma_start3A_334 = arith.constant 0 : i32
      %dma_start3A_335 = tpu.memref_slice %arg4[%squeeze3A_327, %dma_start3A_334] : memref<1000000x16xf32, #tpu.memory_space<hbm>> -> memref<1x16xf32, #tpu.memory_space<hbm>>
      tpu.enqueue_dma source(%dma_start3A_335 : memref<1x16xf32, #tpu.memory_space<hbm>>) target(%dma_start3A_333 : memref<1x16xf32, #tpu.memory_space<vmem>>) target_semaphore(%arg14 : memref<!tpu.dma_semaphore, #tpu.memory_space<semaphore_mem>>)
      %slice3A_336 = vector.extract_strided_slice %get3A_107 {offsets = [9], sizes = [1], strides = [1]} : vector<16xi32> to vector<1xi32>
      %squeeze3A_337 = vector.extract %slice3A_336[0] : i32 from vector<1xi32>
      %dma_start3A_338 = arith.constant 0 : i32
      %dma_start3A_339 = tpu.memref_slice %arg11[%add3A_325, %dma_start3A_338] : memref<128x16xf32, #tpu.memory_space<vmem>> -> memref<1x16xf32, #tpu.memory_space<vmem>>
      %dma_start3A_340 = arith.constant 0 : i32
      %dma_start3A_341 = tpu.memref_slice %arg5[%squeeze3A_337, %dma_start3A_340] : memref<100000x16xf32, #tpu.memory_space<hbm>> -> memref<1x16xf32, #tpu.memory_space<hbm>>
      %dma_start3A_342 = arith.constant 0 : i32
      %dma_start3A_343 = tpu.memref_slice %arg11[%add3A_325, %dma_start3A_342] : memref<128x16xf32, #tpu.memory_space<vmem>> -> memref<1x16xf32, #tpu.memory_space<vmem>>
      %dma_start3A_344 = arith.constant 0 : i32
      %dma_start3A_345 = tpu.memref_slice %arg5[%squeeze3A_337, %dma_start3A_344] : memref<100000x16xf32, #tpu.memory_space<hbm>> -> memref<1x16xf32, #tpu.memory_space<hbm>>
      tpu.enqueue_dma source(%dma_start3A_345 : memref<1x16xf32, #tpu.memory_space<hbm>>) target(%dma_start3A_343 : memref<1x16xf32, #tpu.memory_space<vmem>>) target_semaphore(%arg15 : memref<!tpu.dma_semaphore, #tpu.memory_space<semaphore_mem>>)
      %mul3A_346 = arith.constant 16 : i32
      %mul3A_347 = arith.muli %scan3A_100, %mul3A_346 : i32
      %add3A_348 = arith.constant 10 : i32
      %add3A_349 = arith.addi %mul3A_347, %add3A_348 : i32
      %slice3A_350 = vector.extract_strided_slice %get3A_105 {offsets = [10], sizes = [1], strides = [1]} : vector<16xi32> to vector<1xi32>
      %squeeze3A_351 = vector.extract %slice3A_350[0] : i32 from vector<1xi32>
      %dma_start3A_352 = arith.constant 0 : i32
      %dma_start3A_353 = tpu.memref_slice %arg10[%add3A_349, %dma_start3A_352] : memref<128x16xf32, #tpu.memory_space<vmem>> -> memref<1x16xf32, #tpu.memory_space<vmem>>
      %dma_start3A_354 = arith.constant 0 : i32
      %dma_start3A_355 = tpu.memref_slice %arg4[%squeeze3A_351, %dma_start3A_354] : memref<1000000x16xf32, #tpu.memory_space<hbm>> -> memref<1x16xf32, #tpu.memory_space<hbm>>
      %dma_start3A_356 = arith.constant 0 : i32
      %dma_start3A_357 = tpu.memref_slice %arg10[%add3A_349, %dma_start3A_356] : memref<128x16xf32, #tpu.memory_space<vmem>> -> memref<1x16xf32, #tpu.memory_space<vmem>>
      %dma_start3A_358 = arith.constant 0 : i32
      %dma_start3A_359 = tpu.memref_slice %arg4[%squeeze3A_351, %dma_start3A_358] : memref<1000000x16xf32, #tpu.memory_space<hbm>> -> memref<1x16xf32, #tpu.memory_space<hbm>>
      tpu.enqueue_dma source(%dma_start3A_359 : memref<1x16xf32, #tpu.memory_space<hbm>>) target(%dma_start3A_357 : memref<1x16xf32, #tpu.memory_space<vmem>>) target_semaphore(%arg14 : memref<!tpu.dma_semaphore, #tpu.memory_space<semaphore_mem>>)
      %slice3A_360 = vector.extract_strided_slice %get3A_107 {offsets = [10], sizes = [1], strides = [1]} : vector<16xi32> to vector<1xi32>
      %squeeze3A_361 = vector.extract %slice3A_360[0] : i32 from vector<1xi32>
      %dma_start3A_362 = arith.constant 0 : i32
      %dma_start3A_363 = tpu.memref_slice %arg11[%add3A_349, %dma_start3A_362] : memref<128x16xf32, #tpu.memory_space<vmem>> -> memref<1x16xf32, #tpu.memory_space<vmem>>
      %dma_start3A_364 = arith.constant 0 : i32
      %dma_start3A_365 = tpu.memref_slice %arg5[%squeeze3A_361, %dma_start3A_364] : memref<100000x16xf32, #tpu.memory_space<hbm>> -> memref<1x16xf32, #tpu.memory_space<hbm>>
      %dma_start3A_366 = arith.constant 0 : i32
      %dma_start3A_367 = tpu.memref_slice %arg11[%add3A_349, %dma_start3A_366] : memref<128x16xf32, #tpu.memory_space<vmem>> -> memref<1x16xf32, #tpu.memory_space<vmem>>
      %dma_start3A_368 = arith.constant 0 : i32
      %dma_start3A_369 = tpu.memref_slice %arg5[%squeeze3A_361, %dma_start3A_368] : memref<100000x16xf32, #tpu.memory_space<hbm>> -> memref<1x16xf32, #tpu.memory_space<hbm>>
      tpu.enqueue_dma source(%dma_start3A_369 : memref<1x16xf32, #tpu.memory_space<hbm>>) target(%dma_start3A_367 : memref<1x16xf32, #tpu.memory_space<vmem>>) target_semaphore(%arg15 : memref<!tpu.dma_semaphore, #tpu.memory_space<semaphore_mem>>)
      %mul3A_370 = arith.constant 16 : i32
      %mul3A_371 = arith.muli %scan3A_100, %mul3A_370 : i32
      %add3A_372 = arith.constant 11 : i32
      %add3A_373 = arith.addi %mul3A_371, %add3A_372 : i32
      %slice3A_374 = vector.extract_strided_slice %get3A_105 {offsets = [11], sizes = [1], strides = [1]} : vector<16xi32> to vector<1xi32>
      %squeeze3A_375 = vector.extract %slice3A_374[0] : i32 from vector<1xi32>
      %dma_start3A_376 = arith.constant 0 : i32
      %dma_start3A_377 = tpu.memref_slice %arg10[%add3A_373, %dma_start3A_376] : memref<128x16xf32, #tpu.memory_space<vmem>> -> memref<1x16xf32, #tpu.memory_space<vmem>>
      %dma_start3A_378 = arith.constant 0 : i32
      %dma_start3A_379 = tpu.memref_slice %arg4[%squeeze3A_375, %dma_start3A_378] : memref<1000000x16xf32, #tpu.memory_space<hbm>> -> memref<1x16xf32, #tpu.memory_space<hbm>>
      %dma_start3A_380 = arith.constant 0 : i32
      %dma_start3A_381 = tpu.memref_slice %arg10[%add3A_373, %dma_start3A_380] : memref<128x16xf32, #tpu.memory_space<vmem>> -> memref<1x16xf32, #tpu.memory_space<vmem>>
      %dma_start3A_382 = arith.constant 0 : i32
      %dma_start3A_383 = tpu.memref_slice %arg4[%squeeze3A_375, %dma_start3A_382] : memref<1000000x16xf32, #tpu.memory_space<hbm>> -> memref<1x16xf32, #tpu.memory_space<hbm>>
      tpu.enqueue_dma source(%dma_start3A_383 : memref<1x16xf32, #tpu.memory_space<hbm>>) target(%dma_start3A_381 : memref<1x16xf32, #tpu.memory_space<vmem>>) target_semaphore(%arg14 : memref<!tpu.dma_semaphore, #tpu.memory_space<semaphore_mem>>)
      %slice3A_384 = vector.extract_strided_slice %get3A_107 {offsets = [11], sizes = [1], strides = [1]} : vector<16xi32> to vector<1xi32>
      %squeeze3A_385 = vector.extract %slice3A_384[0] : i32 from vector<1xi32>
      %dma_start3A_386 = arith.constant 0 : i32
      %dma_start3A_387 = tpu.memref_slice %arg11[%add3A_373, %dma_start3A_386] : memref<128x16xf32, #tpu.memory_space<vmem>> -> memref<1x16xf32, #tpu.memory_space<vmem>>
      %dma_start3A_388 = arith.constant 0 : i32
      %dma_start3A_389 = tpu.memref_slice %arg5[%squeeze3A_385, %dma_start3A_388] : memref<100000x16xf32, #tpu.memory_space<hbm>> -> memref<1x16xf32, #tpu.memory_space<hbm>>
      %dma_start3A_390 = arith.constant 0 : i32
      %dma_start3A_391 = tpu.memref_slice %arg11[%add3A_373, %dma_start3A_390] : memref<128x16xf32, #tpu.memory_space<vmem>> -> memref<1x16xf32, #tpu.memory_space<vmem>>
      %dma_start3A_392 = arith.constant 0 : i32
      %dma_start3A_393 = tpu.memref_slice %arg5[%squeeze3A_385, %dma_start3A_392] : memref<100000x16xf32, #tpu.memory_space<hbm>> -> memref<1x16xf32, #tpu.memory_space<hbm>>
      tpu.enqueue_dma source(%dma_start3A_393 : memref<1x16xf32, #tpu.memory_space<hbm>>) target(%dma_start3A_391 : memref<1x16xf32, #tpu.memory_space<vmem>>) target_semaphore(%arg15 : memref<!tpu.dma_semaphore, #tpu.memory_space<semaphore_mem>>)
      %mul3A_394 = arith.constant 16 : i32
      %mul3A_395 = arith.muli %scan3A_100, %mul3A_394 : i32
      %add3A_396 = arith.constant 12 : i32
      %add3A_397 = arith.addi %mul3A_395, %add3A_396 : i32
      %slice3A_398 = vector.extract_strided_slice %get3A_105 {offsets = [12], sizes = [1], strides = [1]} : vector<16xi32> to vector<1xi32>
      %squeeze3A_399 = vector.extract %slice3A_398[0] : i32 from vector<1xi32>
      %dma_start3A_400 = arith.constant 0 : i32
      %dma_start3A_401 = tpu.memref_slice %arg10[%add3A_397, %dma_start3A_400] : memref<128x16xf32, #tpu.memory_space<vmem>> -> memref<1x16xf32, #tpu.memory_space<vmem>>
      %dma_start3A_402 = arith.constant 0 : i32
      %dma_start3A_403 = tpu.memref_slice %arg4[%squeeze3A_399, %dma_start3A_402] : memref<1000000x16xf32, #tpu.memory_space<hbm>> -> memref<1x16xf32, #tpu.memory_space<hbm>>
      %dma_start3A_404 = arith.constant 0 : i32
      %dma_start3A_405 = tpu.memref_slice %arg10[%add3A_397, %dma_start3A_404] : memref<128x16xf32, #tpu.memory_space<vmem>> -> memref<1x16xf32, #tpu.memory_space<vmem>>
      %dma_start3A_406 = arith.constant 0 : i32
      %dma_start3A_407 = tpu.memref_slice %arg4[%squeeze3A_399, %dma_start3A_406] : memref<1000000x16xf32, #tpu.memory_space<hbm>> -> memref<1x16xf32, #tpu.memory_space<hbm>>
      tpu.enqueue_dma source(%dma_start3A_407 : memref<1x16xf32, #tpu.memory_space<hbm>>) target(%dma_start3A_405 : memref<1x16xf32, #tpu.memory_space<vmem>>) target_semaphore(%arg14 : memref<!tpu.dma_semaphore, #tpu.memory_space<semaphore_mem>>)
      %slice3A_408 = vector.extract_strided_slice %get3A_107 {offsets = [12], sizes = [1], strides = [1]} : vector<16xi32> to vector<1xi32>
      %squeeze3A_409 = vector.extract %slice3A_408[0] : i32 from vector<1xi32>
      %dma_start3A_410 = arith.constant 0 : i32
      %dma_start3A_411 = tpu.memref_slice %arg11[%add3A_397, %dma_start3A_410] : memref<128x16xf32, #tpu.memory_space<vmem>> -> memref<1x16xf32, #tpu.memory_space<vmem>>
      %dma_start3A_412 = arith.constant 0 : i32
      %dma_start3A_413 = tpu.memref_slice %arg5[%squeeze3A_409, %dma_start3A_412] : memref<100000x16xf32, #tpu.memory_space<hbm>> -> memref<1x16xf32, #tpu.memory_space<hbm>>
      %dma_start3A_414 = arith.constant 0 : i32
      %dma_start3A_415 = tpu.memref_slice %arg11[%add3A_397, %dma_start3A_414] : memref<128x16xf32, #tpu.memory_space<vmem>> -> memref<1x16xf32, #tpu.memory_space<vmem>>
      %dma_start3A_416 = arith.constant 0 : i32
      %dma_start3A_417 = tpu.memref_slice %arg5[%squeeze3A_409, %dma_start3A_416] : memref<100000x16xf32, #tpu.memory_space<hbm>> -> memref<1x16xf32, #tpu.memory_space<hbm>>
      tpu.enqueue_dma source(%dma_start3A_417 : memref<1x16xf32, #tpu.memory_space<hbm>>) target(%dma_start3A_415 : memref<1x16xf32, #tpu.memory_space<vmem>>) target_semaphore(%arg15 : memref<!tpu.dma_semaphore, #tpu.memory_space<semaphore_mem>>)
      %mul3A_418 = arith.constant 16 : i32
      %mul3A_419 = arith.muli %scan3A_100, %mul3A_418 : i32
      %add3A_420 = arith.constant 13 : i32
      %add3A_421 = arith.addi %mul3A_419, %add3A_420 : i32
      %slice3A_422 = vector.extract_strided_slice %get3A_105 {offsets = [13], sizes = [1], strides = [1]} : vector<16xi32> to vector<1xi32>
      %squeeze3A_423 = vector.extract %slice3A_422[0] : i32 from vector<1xi32>
      %dma_start3A_424 = arith.constant 0 : i32
      %dma_start3A_425 = tpu.memref_slice %arg10[%add3A_421, %dma_start3A_424] : memref<128x16xf32, #tpu.memory_space<vmem>> -> memref<1x16xf32, #tpu.memory_space<vmem>>
      %dma_start3A_426 = arith.constant 0 : i32
      %dma_start3A_427 = tpu.memref_slice %arg4[%squeeze3A_423, %dma_start3A_426] : memref<1000000x16xf32, #tpu.memory_space<hbm>> -> memref<1x16xf32, #tpu.memory_space<hbm>>
      %dma_start3A_428 = arith.constant 0 : i32
      %dma_start3A_429 = tpu.memref_slice %arg10[%add3A_421, %dma_start3A_428] : memref<128x16xf32, #tpu.memory_space<vmem>> -> memref<1x16xf32, #tpu.memory_space<vmem>>
      %dma_start3A_430 = arith.constant 0 : i32
      %dma_start3A_431 = tpu.memref_slice %arg4[%squeeze3A_423, %dma_start3A_430] : memref<1000000x16xf32, #tpu.memory_space<hbm>> -> memref<1x16xf32, #tpu.memory_space<hbm>>
      tpu.enqueue_dma source(%dma_start3A_431 : memref<1x16xf32, #tpu.memory_space<hbm>>) target(%dma_start3A_429 : memref<1x16xf32, #tpu.memory_space<vmem>>) target_semaphore(%arg14 : memref<!tpu.dma_semaphore, #tpu.memory_space<semaphore_mem>>)
      %slice3A_432 = vector.extract_strided_slice %get3A_107 {offsets = [13], sizes = [1], strides = [1]} : vector<16xi32> to vector<1xi32>
      %squeeze3A_433 = vector.extract %slice3A_432[0] : i32 from vector<1xi32>
      %dma_start3A_434 = arith.constant 0 : i32
      %dma_start3A_435 = tpu.memref_slice %arg11[%add3A_421, %dma_start3A_434] : memref<128x16xf32, #tpu.memory_space<vmem>> -> memref<1x16xf32, #tpu.memory_space<vmem>>
      %dma_start3A_436 = arith.constant 0 : i32
      %dma_start3A_437 = tpu.memref_slice %arg5[%squeeze3A_433, %dma_start3A_436] : memref<100000x16xf32, #tpu.memory_space<hbm>> -> memref<1x16xf32, #tpu.memory_space<hbm>>
      %dma_start3A_438 = arith.constant 0 : i32
      %dma_start3A_439 = tpu.memref_slice %arg11[%add3A_421, %dma_start3A_438] : memref<128x16xf32, #tpu.memory_space<vmem>> -> memref<1x16xf32, #tpu.memory_space<vmem>>
      %dma_start3A_440 = arith.constant 0 : i32
      %dma_start3A_441 = tpu.memref_slice %arg5[%squeeze3A_433, %dma_start3A_440] : memref<100000x16xf32, #tpu.memory_space<hbm>> -> memref<1x16xf32, #tpu.memory_space<hbm>>
      tpu.enqueue_dma source(%dma_start3A_441 : memref<1x16xf32, #tpu.memory_space<hbm>>) target(%dma_start3A_439 : memref<1x16xf32, #tpu.memory_space<vmem>>) target_semaphore(%arg15 : memref<!tpu.dma_semaphore, #tpu.memory_space<semaphore_mem>>)
      %mul3A_442 = arith.constant 16 : i32
      %mul3A_443 = arith.muli %scan3A_100, %mul3A_442 : i32
      %add3A_444 = arith.constant 14 : i32
      %add3A_445 = arith.addi %mul3A_443, %add3A_444 : i32
      %slice3A_446 = vector.extract_strided_slice %get3A_105 {offsets = [14], sizes = [1], strides = [1]} : vector<16xi32> to vector<1xi32>
      %squeeze3A_447 = vector.extract %slice3A_446[0] : i32 from vector<1xi32>
      %dma_start3A_448 = arith.constant 0 : i32
      %dma_start3A_449 = tpu.memref_slice %arg10[%add3A_445, %dma_start3A_448] : memref<128x16xf32, #tpu.memory_space<vmem>> -> memref<1x16xf32, #tpu.memory_space<vmem>>
      %dma_start3A_450 = arith.constant 0 : i32
      %dma_start3A_451 = tpu.memref_slice %arg4[%squeeze3A_447, %dma_start3A_450] : memref<1000000x16xf32, #tpu.memory_space<hbm>> -> memref<1x16xf32, #tpu.memory_space<hbm>>
      %dma_start3A_452 = arith.constant 0 : i32
      %dma_start3A_453 = tpu.memref_slice %arg10[%add3A_445, %dma_start3A_452] : memref<128x16xf32, #tpu.memory_space<vmem>> -> memref<1x16xf32, #tpu.memory_space<vmem>>
      %dma_start3A_454 = arith.constant 0 : i32
      %dma_start3A_455 = tpu.memref_slice %arg4[%squeeze3A_447, %dma_start3A_454] : memref<1000000x16xf32, #tpu.memory_space<hbm>> -> memref<1x16xf32, #tpu.memory_space<hbm>>
      tpu.enqueue_dma source(%dma_start3A_455 : memref<1x16xf32, #tpu.memory_space<hbm>>) target(%dma_start3A_453 : memref<1x16xf32, #tpu.memory_space<vmem>>) target_semaphore(%arg14 : memref<!tpu.dma_semaphore, #tpu.memory_space<semaphore_mem>>)
      %slice3A_456 = vector.extract_strided_slice %get3A_107 {offsets = [14], sizes = [1], strides = [1]} : vector<16xi32> to vector<1xi32>
      %squeeze3A_457 = vector.extract %slice3A_456[0] : i32 from vector<1xi32>
      %dma_start3A_458 = arith.constant 0 : i32
      %dma_start3A_459 = tpu.memref_slice %arg11[%add3A_445, %dma_start3A_458] : memref<128x16xf32, #tpu.memory_space<vmem>> -> memref<1x16xf32, #tpu.memory_space<vmem>>
      %dma_start3A_460 = arith.constant 0 : i32
      %dma_start3A_461 = tpu.memref_slice %arg5[%squeeze3A_457, %dma_start3A_460] : memref<100000x16xf32, #tpu.memory_space<hbm>> -> memref<1x16xf32, #tpu.memory_space<hbm>>
      %dma_start3A_462 = arith.constant 0 : i32
      %dma_start3A_463 = tpu.memref_slice %arg11[%add3A_445, %dma_start3A_462] : memref<128x16xf32, #tpu.memory_space<vmem>> -> memref<1x16xf32, #tpu.memory_space<vmem>>
      %dma_start3A_464 = arith.constant 0 : i32
      %dma_start3A_465 = tpu.memref_slice %arg5[%squeeze3A_457, %dma_start3A_464] : memref<100000x16xf32, #tpu.memory_space<hbm>> -> memref<1x16xf32, #tpu.memory_space<hbm>>
      tpu.enqueue_dma source(%dma_start3A_465 : memref<1x16xf32, #tpu.memory_space<hbm>>) target(%dma_start3A_463 : memref<1x16xf32, #tpu.memory_space<vmem>>) target_semaphore(%arg15 : memref<!tpu.dma_semaphore, #tpu.memory_space<semaphore_mem>>)
      %mul3A_466 = arith.constant 16 : i32
      %mul3A_467 = arith.muli %scan3A_100, %mul3A_466 : i32
      %add3A_468 = arith.constant 15 : i32
      %add3A_469 = arith.addi %mul3A_467, %add3A_468 : i32
      %slice3A_470 = vector.extract_strided_slice %get3A_105 {offsets = [15], sizes = [1], strides = [1]} : vector<16xi32> to vector<1xi32>
      %squeeze3A_471 = vector.extract %slice3A_470[0] : i32 from vector<1xi32>
      %dma_start3A_472 = arith.constant 0 : i32
      %dma_start3A_473 = tpu.memref_slice %arg10[%add3A_469, %dma_start3A_472] : memref<128x16xf32, #tpu.memory_space<vmem>> -> memref<1x16xf32, #tpu.memory_space<vmem>>
      %dma_start3A_474 = arith.constant 0 : i32
      %dma_start3A_475 = tpu.memref_slice %arg4[%squeeze3A_471, %dma_start3A_474] : memref<1000000x16xf32, #tpu.memory_space<hbm>> -> memref<1x16xf32, #tpu.memory_space<hbm>>
      %dma_start3A_476 = arith.constant 0 : i32
      %dma_start3A_477 = tpu.memref_slice %arg10[%add3A_469, %dma_start3A_476] : memref<128x16xf32, #tpu.memory_space<vmem>> -> memref<1x16xf32, #tpu.memory_space<vmem>>
      %dma_start3A_478 = arith.constant 0 : i32
      %dma_start3A_479 = tpu.memref_slice %arg4[%squeeze3A_471, %dma_start3A_478] : memref<1000000x16xf32, #tpu.memory_space<hbm>> -> memref<1x16xf32, #tpu.memory_space<hbm>>
      tpu.enqueue_dma source(%dma_start3A_479 : memref<1x16xf32, #tpu.memory_space<hbm>>) target(%dma_start3A_477 : memref<1x16xf32, #tpu.memory_space<vmem>>) target_semaphore(%arg14 : memref<!tpu.dma_semaphore, #tpu.memory_space<semaphore_mem>>)
      %slice3A_480 = vector.extract_strided_slice %get3A_107 {offsets = [15], sizes = [1], strides = [1]} : vector<16xi32> to vector<1xi32>
      %squeeze3A_481 = vector.extract %slice3A_480[0] : i32 from vector<1xi32>
      %dma_start3A_482 = arith.constant 0 : i32
      %dma_start3A_483 = tpu.memref_slice %arg11[%add3A_469, %dma_start3A_482] : memref<128x16xf32, #tpu.memory_space<vmem>> -> memref<1x16xf32, #tpu.memory_space<vmem>>
      %dma_start3A_484 = arith.constant 0 : i32
      %dma_start3A_485 = tpu.memref_slice %arg5[%squeeze3A_481, %dma_start3A_484] : memref<100000x16xf32, #tpu.memory_space<hbm>> -> memref<1x16xf32, #tpu.memory_space<hbm>>
      %dma_start3A_486 = arith.constant 0 : i32
      %dma_start3A_487 = tpu.memref_slice %arg11[%add3A_469, %dma_start3A_486] : memref<128x16xf32, #tpu.memory_space<vmem>> -> memref<1x16xf32, #tpu.memory_space<vmem>>
      %dma_start3A_488 = arith.constant 0 : i32
      %dma_start3A_489 = tpu.memref_slice %arg5[%squeeze3A_481, %dma_start3A_488] : memref<100000x16xf32, #tpu.memory_space<hbm>> -> memref<1x16xf32, #tpu.memory_space<hbm>>
      tpu.enqueue_dma source(%dma_start3A_489 : memref<1x16xf32, #tpu.memory_space<hbm>>) target(%dma_start3A_487 : memref<1x16xf32, #tpu.memory_space<vmem>>) target_semaphore(%arg15 : memref<!tpu.dma_semaphore, #tpu.memory_space<semaphore_mem>>)
    }
    %scan3A_81 = arith.constant 8 : i32
    %dma_wait3A_82 = arith.constant 0 : i32
    %dma_wait3A_83 = arith.constant 0 : i32
    %dma_wait3A_84 = tpu.memref_slice %arg4[%dma_wait3A_82, %dma_wait3A_83] : memref<1000000x16xf32, #tpu.memory_space<hbm>> -> memref<128x16xf32, #tpu.memory_space<hbm>>
    %dma_wait3A_85 = arith.constant 0 : i32
    %dma_wait3A_86 = arith.constant 0 : i32
    %dma_wait3A_87 = tpu.memref_slice %arg4[%dma_wait3A_85, %dma_wait3A_86] : memref<1000000x16xf32, #tpu.memory_space<hbm>> -> memref<128x16xf32, #tpu.memory_space<hbm>>
    tpu.wait_dma2 semaphore(%arg14 : memref<!tpu.dma_semaphore, #tpu.memory_space<semaphore_mem>>) src(%dma_wait3A_87 : memref<128x16xf32, #tpu.memory_space<hbm>>) dst(%arg10 : memref<128x16xf32, #tpu.memory_space<vmem>>)
    %dma_wait3A_88 = arith.constant 0 : i32
    %dma_wait3A_89 = arith.constant 0 : i32
    %dma_wait3A_90 = tpu.memref_slice %arg5[%dma_wait3A_88, %dma_wait3A_89] : memref<100000x16xf32, #tpu.memory_space<hbm>> -> memref<128x16xf32, #tpu.memory_space<hbm>>
    %dma_wait3A_91 = arith.constant 0 : i32
    %dma_wait3A_92 = arith.constant 0 : i32
    %dma_wait3A_93 = tpu.memref_slice %arg5[%dma_wait3A_91, %dma_wait3A_92] : memref<100000x16xf32, #tpu.memory_space<hbm>> -> memref<128x16xf32, #tpu.memory_space<hbm>>
    tpu.wait_dma2 semaphore(%arg15 : memref<!tpu.dma_semaphore, #tpu.memory_space<semaphore_mem>>) src(%dma_wait3A_93 : memref<128x16xf32, #tpu.memory_space<hbm>>) dst(%arg11 : memref<128x16xf32, #tpu.memory_space<vmem>>)
    %scan3A_94 = arith.constant 0 : i32
    %scan3A_95 = arith.constant 0 : i32
    %scan3A_96 = arith.constant 8 : i32
    %scan3A_97 = arith.addi %scan3A_95, %scan3A_96 : i32
    %scan3A_98 = arith.constant 1 : i32
    scf.for %scan3A_100 = %scan3A_95 to %scan3A_97 step %scan3A_98  : i32 {
      %mul3A_101 = arith.constant 16 : i32
      %mul3A_102 = arith.muli %scan3A_100, %mul3A_101 : i32
      %add3A_103 = arith.constant 384 : i32
      %add3A_104 = arith.addi %add3A_103, %mul3A_102 : i32
      %multiple_of3A = tpu.assume_multiple %add3A_104, 16 : i32
      %mul3A_105 = arith.constant 16 : i32
      %mul3A_106 = arith.muli %scan3A_100, %mul3A_105 : i32
      %add3A_107 = vector.broadcast %mul3A_106 : i32 to vector<16xi32>
      %add3A_108 = arith.addi %add3A_107, %iota3A : vector<16xi32>
      %broadcast_in_dim3A = arith.constant 0.000000e+00 : f32
      %broadcast_in_dim3A_109 = vector.broadcast %broadcast_in_dim3A : f32 to vector<16xf32>
      %broadcast_in_dim3A_110 = arith.constant 0 : i32
      %broadcast_in_dim3A_111 = vector.broadcast %broadcast_in_dim3A_110 : i32 to vector<16xi32>
      %gather3A = tpu.vector_load_idx %arg10[%add3A_108, %broadcast_in_dim3A_111] : memref<128x16xf32, #tpu.memory_space<vmem>>[vector<16xi32>, vector<16xi32>], vector<16xf32>,
      %gather3A_112 = tpu.vector_load_idx %arg11[%add3A_108, %broadcast_in_dim3A_111] : memref<128x16xf32, #tpu.memory_space<vmem>>[vector<16xi32>, vector<16xi32>], vector<16xf32>,
      %mul3A_113 = arith.mulf %gather3A, %gather3A_112 : vector<16xf32>
      %add3A_114 = arith.addf %broadcast_in_dim3A_109, %mul3A_113 : vector<16xf32>
      %broadcast_in_dim3A_115 = arith.constant 1 : i32
      %broadcast_in_dim3A_116 = vector.broadcast %broadcast_in_dim3A_115 : i32 to vector<16xi32>
      %gather3A_117 = tpu.vector_load_idx %arg10[%add3A_108, %broadcast_in_dim3A_116] : memref<128x16xf32, #tpu.memory_space<vmem>>[vector<16xi32>, vector<16xi32>], vector<16xf32>,
      %gather3A_118 = tpu.vector_load_idx %arg11[%add3A_108, %broadcast_in_dim3A_116] : memref<128x16xf32, #tpu.memory_space<vmem>>[vector<16xi32>, vector<16xi32>], vector<16xf32>,
      %mul3A_119 = arith.mulf %gather3A_117, %gather3A_118 : vector<16xf32>
      %add3A_120 = arith.addf %add3A_114, %mul3A_119 : vector<16xf32>
      %broadcast_in_dim3A_121 = arith.constant 2 : i32
      %broadcast_in_dim3A_122 = vector.broadcast %broadcast_in_dim3A_121 : i32 to vector<16xi32>
      %gather3A_123 = tpu.vector_load_idx %arg10[%add3A_108, %broadcast_in_dim3A_122] : memref<128x16xf32, #tpu.memory_space<vmem>>[vector<16xi32>, vector<16xi32>], vector<16xf32>,
      %gather3A_124 = tpu.vector_load_idx %arg11[%add3A_108, %broadcast_in_dim3A_122] : memref<128x16xf32, #tpu.memory_space<vmem>>[vector<16xi32>, vector<16xi32>], vector<16xf32>,
      %mul3A_125 = arith.mulf %gather3A_123, %gather3A_124 : vector<16xf32>
      %add3A_126 = arith.addf %add3A_120, %mul3A_125 : vector<16xf32>
      %broadcast_in_dim3A_127 = arith.constant 3 : i32
      %broadcast_in_dim3A_128 = vector.broadcast %broadcast_in_dim3A_127 : i32 to vector<16xi32>
      %gather3A_129 = tpu.vector_load_idx %arg10[%add3A_108, %broadcast_in_dim3A_128] : memref<128x16xf32, #tpu.memory_space<vmem>>[vector<16xi32>, vector<16xi32>], vector<16xf32>,
      %gather3A_130 = tpu.vector_load_idx %arg11[%add3A_108, %broadcast_in_dim3A_128] : memref<128x16xf32, #tpu.memory_space<vmem>>[vector<16xi32>, vector<16xi32>], vector<16xf32>,
      %mul3A_131 = arith.mulf %gather3A_129, %gather3A_130 : vector<16xf32>
      %add3A_132 = arith.addf %add3A_126, %mul3A_131 : vector<16xf32>
      %broadcast_in_dim3A_133 = arith.constant 4 : i32
      %broadcast_in_dim3A_134 = vector.broadcast %broadcast_in_dim3A_133 : i32 to vector<16xi32>
      %gather3A_135 = tpu.vector_load_idx %arg10[%add3A_108, %broadcast_in_dim3A_134] : memref<128x16xf32, #tpu.memory_space<vmem>>[vector<16xi32>, vector<16xi32>], vector<16xf32>,
      %gather3A_136 = tpu.vector_load_idx %arg11[%add3A_108, %broadcast_in_dim3A_134] : memref<128x16xf32, #tpu.memory_space<vmem>>[vector<16xi32>, vector<16xi32>], vector<16xf32>,
      %mul3A_137 = arith.mulf %gather3A_135, %gather3A_136 : vector<16xf32>
      %add3A_138 = arith.addf %add3A_132, %mul3A_137 : vector<16xf32>
      %broadcast_in_dim3A_139 = arith.constant 5 : i32
      %broadcast_in_dim3A_140 = vector.broadcast %broadcast_in_dim3A_139 : i32 to vector<16xi32>
      %gather3A_141 = tpu.vector_load_idx %arg10[%add3A_108, %broadcast_in_dim3A_140] : memref<128x16xf32, #tpu.memory_space<vmem>>[vector<16xi32>, vector<16xi32>], vector<16xf32>,
      %gather3A_142 = tpu.vector_load_idx %arg11[%add3A_108, %broadcast_in_dim3A_140] : memref<128x16xf32, #tpu.memory_space<vmem>>[vector<16xi32>, vector<16xi32>], vector<16xf32>,
      %mul3A_143 = arith.mulf %gather3A_141, %gather3A_142 : vector<16xf32>
      %add3A_144 = arith.addf %add3A_138, %mul3A_143 : vector<16xf32>
      %broadcast_in_dim3A_145 = arith.constant 6 : i32
      %broadcast_in_dim3A_146 = vector.broadcast %broadcast_in_dim3A_145 : i32 to vector<16xi32>
      %gather3A_147 = tpu.vector_load_idx %arg10[%add3A_108, %broadcast_in_dim3A_146] : memref<128x16xf32, #tpu.memory_space<vmem>>[vector<16xi32>, vector<16xi32>], vector<16xf32>,
      %gather3A_148 = tpu.vector_load_idx %arg11[%add3A_108, %broadcast_in_dim3A_146] : memref<128x16xf32, #tpu.memory_space<vmem>>[vector<16xi32>, vector<16xi32>], vector<16xf32>,
      %mul3A_149 = arith.mulf %gather3A_147, %gather3A_148 : vector<16xf32>
      %add3A_150 = arith.addf %add3A_144, %mul3A_149 : vector<16xf32>
      %broadcast_in_dim3A_151 = arith.constant 7 : i32
      %broadcast_in_dim3A_152 = vector.broadcast %broadcast_in_dim3A_151 : i32 to vector<16xi32>
      %gather3A_153 = tpu.vector_load_idx %arg10[%add3A_108, %broadcast_in_dim3A_152] : memref<128x16xf32, #tpu.memory_space<vmem>>[vector<16xi32>, vector<16xi32>], vector<16xf32>,
      %gather3A_154 = tpu.vector_load_idx %arg11[%add3A_108, %broadcast_in_dim3A_152] : memref<128x16xf32, #tpu.memory_space<vmem>>[vector<16xi32>, vector<16xi32>], vector<16xf32>,
      %mul3A_155 = arith.mulf %gather3A_153, %gather3A_154 : vector<16xf32>
      %add3A_156 = arith.addf %add3A_150, %mul3A_155 : vector<16xf32>
      %broadcast_in_dim3A_157 = arith.constant 8 : i32
      %broadcast_in_dim3A_158 = vector.broadcast %broadcast_in_dim3A_157 : i32 to vector<16xi32>
      %gather3A_159 = tpu.vector_load_idx %arg10[%add3A_108, %broadcast_in_dim3A_158] : memref<128x16xf32, #tpu.memory_space<vmem>>[vector<16xi32>, vector<16xi32>], vector<16xf32>,
      %gather3A_160 = tpu.vector_load_idx %arg11[%add3A_108, %broadcast_in_dim3A_158] : memref<128x16xf32, #tpu.memory_space<vmem>>[vector<16xi32>, vector<16xi32>], vector<16xf32>,
      %mul3A_161 = arith.mulf %gather3A_159, %gather3A_160 : vector<16xf32>
      %add3A_162 = arith.addf %add3A_156, %mul3A_161 : vector<16xf32>
      %broadcast_in_dim3A_163 = arith.constant 9 : i32
      %broadcast_in_dim3A_164 = vector.broadcast %broadcast_in_dim3A_163 : i32 to vector<16xi32>
      %gather3A_165 = tpu.vector_load_idx %arg10[%add3A_108, %broadcast_in_dim3A_164] : memref<128x16xf32, #tpu.memory_space<vmem>>[vector<16xi32>, vector<16xi32>], vector<16xf32>,
      %gather3A_166 = tpu.vector_load_idx %arg11[%add3A_108, %broadcast_in_dim3A_164] : memref<128x16xf32, #tpu.memory_space<vmem>>[vector<16xi32>, vector<16xi32>], vector<16xf32>,
      %mul3A_167 = arith.mulf %gather3A_165, %gather3A_166 : vector<16xf32>
      %add3A_168 = arith.addf %add3A_162, %mul3A_167 : vector<16xf32>
      %broadcast_in_dim3A_169 = arith.constant 10 : i32
      %broadcast_in_dim3A_170 = vector.broadcast %broadcast_in_dim3A_169 : i32 to vector<16xi32>
      %gather3A_171 = tpu.vector_load_idx %arg10[%add3A_108, %broadcast_in_dim3A_170] : memref<128x16xf32, #tpu.memory_space<vmem>>[vector<16xi32>, vector<16xi32>], vector<16xf32>,
      %gather3A_172 = tpu.vector_load_idx %arg11[%add3A_108, %broadcast_in_dim3A_170] : memref<128x16xf32, #tpu.memory_space<vmem>>[vector<16xi32>, vector<16xi32>], vector<16xf32>,
      %mul3A_173 = arith.mulf %gather3A_171, %gather3A_172 : vector<16xf32>
      %add3A_174 = arith.addf %add3A_168, %mul3A_173 : vector<16xf32>
      %broadcast_in_dim3A_175 = arith.constant 11 : i32
      %broadcast_in_dim3A_176 = vector.broadcast %broadcast_in_dim3A_175 : i32 to vector<16xi32>
      %gather3A_177 = tpu.vector_load_idx %arg10[%add3A_108, %broadcast_in_dim3A_176] : memref<128x16xf32, #tpu.memory_space<vmem>>[vector<16xi32>, vector<16xi32>], vector<16xf32>,
      %gather3A_178 = tpu.vector_load_idx %arg11[%add3A_108, %broadcast_in_dim3A_176] : memref<128x16xf32, #tpu.memory_space<vmem>>[vector<16xi32>, vector<16xi32>], vector<16xf32>,
      %mul3A_179 = arith.mulf %gather3A_177, %gather3A_178 : vector<16xf32>
      %add3A_180 = arith.addf %add3A_174, %mul3A_179 : vector<16xf32>
      %broadcast_in_dim3A_181 = arith.constant 12 : i32
      %broadcast_in_dim3A_182 = vector.broadcast %broadcast_in_dim3A_181 : i32 to vector<16xi32>
      %gather3A_183 = tpu.vector_load_idx %arg10[%add3A_108, %broadcast_in_dim3A_182] : memref<128x16xf32, #tpu.memory_space<vmem>>[vector<16xi32>, vector<16xi32>], vector<16xf32>,
      %gather3A_184 = tpu.vector_load_idx %arg11[%add3A_108, %broadcast_in_dim3A_182] : memref<128x16xf32, #tpu.memory_space<vmem>>[vector<16xi32>, vector<16xi32>], vector<16xf32>,
      %mul3A_185 = arith.mulf %gather3A_183, %gather3A_184 : vector<16xf32>
      %add3A_186 = arith.addf %add3A_180, %mul3A_185 : vector<16xf32>
      %broadcast_in_dim3A_187 = arith.constant 13 : i32
      %broadcast_in_dim3A_188 = vector.broadcast %broadcast_in_dim3A_187 : i32 to vector<16xi32>
      %gather3A_189 = tpu.vector_load_idx %arg10[%add3A_108, %broadcast_in_dim3A_188] : memref<128x16xf32, #tpu.memory_space<vmem>>[vector<16xi32>, vector<16xi32>], vector<16xf32>,
      %gather3A_190 = tpu.vector_load_idx %arg11[%add3A_108, %broadcast_in_dim3A_188] : memref<128x16xf32, #tpu.memory_space<vmem>>[vector<16xi32>, vector<16xi32>], vector<16xf32>,
      %mul3A_191 = arith.mulf %gather3A_189, %gather3A_190 : vector<16xf32>
      %add3A_192 = arith.addf %add3A_186, %mul3A_191 : vector<16xf32>
      %broadcast_in_dim3A_193 = arith.constant 14 : i32
      %broadcast_in_dim3A_194 = vector.broadcast %broadcast_in_dim3A_193 : i32 to vector<16xi32>
      %gather3A_195 = tpu.vector_load_idx %arg10[%add3A_108, %broadcast_in_dim3A_194] : memref<128x16xf32, #tpu.memory_space<vmem>>[vector<16xi32>, vector<16xi32>], vector<16xf32>,
      %gather3A_196 = tpu.vector_load_idx %arg11[%add3A_108, %broadcast_in_dim3A_194] : memref<128x16xf32, #tpu.memory_space<vmem>>[vector<16xi32>, vector<16xi32>], vector<16xf32>,
      %mul3A_197 = arith.mulf %gather3A_195, %gather3A_196 : vector<16xf32>
      %add3A_198 = arith.addf %add3A_192, %mul3A_197 : vector<16xf32>
      %broadcast_in_dim3A_199 = arith.constant 15 : i32
      %broadcast_in_dim3A_200 = vector.broadcast %broadcast_in_dim3A_199 : i32 to vector<16xi32>
      %gather3A_201 = tpu.vector_load_idx %arg10[%add3A_108, %broadcast_in_dim3A_200] : memref<128x16xf32, #tpu.memory_space<vmem>>[vector<16xi32>, vector<16xi32>], vector<16xf32>,
      %gather3A_202 = tpu.vector_load_idx %arg11[%add3A_108, %broadcast_in_dim3A_200] : memref<128x16xf32, #tpu.memory_space<vmem>>[vector<16xi32>, vector<16xi32>], vector<16xf32>,
      %mul3A_203 = arith.mulf %gather3A_201, %gather3A_202 : vector<16xf32>
      %add3A_204 = arith.addf %add3A_198, %mul3A_203 : vector<16xf32>
      %get3A = arith.index_cast %multiple_of3A : i32 to index
      %get3A_205 = tpu.vector_load %arg12[%get3A] {strides = array<i32>} : memref<512xf32, #tpu.memory_space<vmem>>, vector<16xf32>,
      %sub3A = arith.subf %add3A_204, %get3A_205 : vector<16xf32>
      %neg3A = arith.constant 0.000000e+00 : f32
      %neg3A_206 = vector.broadcast %neg3A : f32 to vector<16xf32>
      %neg3A_207 = arith.subf %neg3A_206, %sub3A : vector<16xf32>
      %exp3A = math.exp %neg3A_207 : vector<16xf32>
      %add3A_208 = arith.constant 1.000000e+00 : f32
      %add3A_209 = vector.broadcast %add3A_208 : f32 to vector<16xf32>
      %add3A_210 = arith.addf %add3A_209, %exp3A : vector<16xf32>
      %div3A = arith.constant 1.000000e+00 : f32
      %div3A_211 = vector.broadcast %div3A : f32 to vector<16xf32>
      %div3A_212 = arith.divf %div3A_211, %add3A_210 : vector<16xf32>
      %swap3A = arith.index_cast %multiple_of3A : i32 to index
      %swap3A_213 = tpu.vector_load %arg13[%swap3A] {strides = array<i32>} : memref<512xf32, #tpu.memory_space<vmem>>, vector<16xf32>,
      tpu.vector_store %arg13[%swap3A], %div3A_212 {strides = array<i32>} : memref<512xf32, #tpu.memory_space<vmem>>, vector<16xf32>,
    }
    %scan3A_99 = arith.constant 8 : i32
    "tpu.region"() ({
      %run_scoped3A = tpu.sem_alloc : memref<!tpu.dma_semaphore, #tpu.memory_space<semaphore_mem>>
      %dma_start3A_100 = tpu.memref_slice %arg7[%mul3A_2] : memref<16384xf32, #tpu.memory_space<hbm>> -> memref<512xf32, #tpu.memory_space<hbm>>
      %dma_start3A_101 = tpu.memref_slice %arg7[%mul3A_2] : memref<16384xf32, #tpu.memory_space<hbm>> -> memref<512xf32, #tpu.memory_space<hbm>>
      tpu.enqueue_dma source(%arg13 : memref<512xf32, #tpu.memory_space<vmem>>) target(%dma_start3A_101 : memref<512xf32, #tpu.memory_space<hbm>>) target_semaphore(%run_scoped3A : memref<!tpu.dma_semaphore, #tpu.memory_space<semaphore_mem>>)
      %dma_wait3A_102 = tpu.memref_slice %arg7[%mul3A_2] : memref<16384xf32, #tpu.memory_space<hbm>> -> memref<512xf32, #tpu.memory_space<hbm>>
      %dma_wait3A_103 = tpu.memref_slice %arg7[%mul3A_2] : memref<16384xf32, #tpu.memory_space<hbm>> -> memref<512xf32, #tpu.memory_space<hbm>>
      tpu.wait_dma2 semaphore(%run_scoped3A : memref<!tpu.dma_semaphore, #tpu.memory_space<semaphore_mem>>) src(%arg13 : memref<512xf32, #tpu.memory_space<vmem>>) dst(%dma_wait3A_103 : memref<512xf32, #tpu.memory_space<hbm>>)
      tpu.yield
    }) : () -> ()
    return
  }
}

</mosaic_0001>

<sc_bundles>
// kernel: kernel.3.cloned.1.call-start
scs
__scs_entry_jumppad:
0x0: {  	(pc) =	sbr.rel $0x88, $3  }
0x1: {  	(tag) =	ssettag $0x0;
	lr =	simm.s32 $0x1  }
0x2: {  	[smem:$0x3F9C] =	sst lr;
	_ =	strace $0xD0000000  }
0x3: {  	_ = 	snop  }
0x4: {  	_ = 	snop  }
0x5: {  	_ = 	snop  }
0x6: {  	_ = 	snop  }
0x7: {  	_ = 	snop  }
__scs_overlays_trampoline_lowered:
0x8: {  	[smem:$0x3FAB] =	sst s0  }
0x9: {  	[smem:$0x3FAC] =	sst s1  }
0xa: {  	[smem:$0x3FAD] =	sst s2  }
0xb: {  	[smem:$0x3FAE] =	sst s3  }
0xc: {  	[smem:$0x3FAF] =	sst s4  }
0xd: {  	[smem:$0x3FB0] =	sst s5  }
0xe: {  	[smem:$0x3FB1] =	sst s6  }
0xf: {  	[smem:$0x3FB2] =	sst s7  }
0x10: {  	[smem:$0x3FB3] =	sst s8  }
0x11: {  	[smem:$0x3FB4] =	sst s9;
	s0 =	simm.s32 @!p0 $0x0  }
0x12: {  	s1 =	sld [smem:$0x3F9A];
	s0 =	simm.s32 @p0 $0x1  }
0x13: {  	[smem:$0x3FB5] =	sst s0;
	s0 =	simm.s32 @!p1 $0x0  }
0x14: {  	s2 =	sld [smem:$0x3F99];
	s0 =	simm.s32 @p1 $0x1  }
0x15: {  	[smem:$0x3FB6] =	sst s0;
	s0 =	simm.s32 @!p2 $0x0  }
0x16: {  	s3 =	sld [smem:$0x3FDB];
	s0 =	simm.s32 @p2 $0x1  }
0x17: {  	s4 =	simm.s32 $0x1BF5;
	[smem:$0x3FB8] =	sst s0  }
0x18: {  	s0 =	sld [smem:$0x3F9B];
	_ =	swait.ge [sflag:s4], $0x0  }
0x19: {  	s7 =	sld [smem:$0x3F9C]  }
0x1a: {  	s8 =	sadd.s32 $0xFFFFE003, lr  }
0x1b: {  	s9 =	sadd.s32 $0xFFFFFEF7, lr;
	s5 =	simm.s32 $0xFFFFFFFF;
	p2 =	slt.u32 s8, $0xFFFFF086  }
0x1c: {  	p1 =	slt.u32 s9, $0xF7A;
	s5 =	simm.s32 @!p2 $0x0  }
0x1d: {  	s5 =	simm.s32 @p1 $0x1;
	p0 =	seq.s32 s7, s2  }
0x1e: {  	s7 =	smul.u32 @!p0 $0xF7A, s2;
	p2 =	seq.s32 @!p0 s5, $0x0  }
0x1f: {  	s9 =	smul.u32 $0xF7A, s1;
	s8 =	simm.s32 @!p0 $0x1BF5;
	p2 =	por !p2, p0  }
0x20: {  	[sflag:s8] =	ssyncset.s32 @!p0 $0xFFFFF086;
	s6 =	sadd.s32 @!p0 s3, s7;
	s7 =	simm.s32 @!p0 $0x108  }
0x21: {  	s3 =	sadd.s32 s3, s9;
	s6 =	sadd.s32 @!p0 $0x88, s6;
	s7 =	simm.s32 @p2 $0x1082  }
0x22: {  	[simem:s7], [sflag:s8] =	dma.local @!p0 [hbm:s6], $0xF7A  }
0x23: {  	s9 =	sor.u32 $0xD0000000, s2;
	s6 =	simm.s32 $0x108;
	_ =	swait.ge @!p0 [sflag:s8], $0x0  }
0x24: {  	s3 =	sadd.s32 $0x88, s3;
	s6 =	simm.s32 @!p1 $0x1082;
	[sflag:s4] =	ssyncset.s32 $0xFFFFF086  }
0x25: {  	[simem:s6], [sflag:s4] =	dma.local [hbm:s3], $0xF7A  }
0x26: {  	[smem:$0x3F9C] =	sst s1;
	(tag) =	ssettag s2;
	_ =	strace s9  }
0x27: {  	s1 =	sld [smem:$0x3FAC]  }
0x28: {  	s2 =	sld [smem:$0x3FAD]  }
0x29: {  	s4 =	sld [smem:$0x3FAF]  }
0x2a: {  	p0 =	seq.s32 s5, $0x0;
	s5 =	sld [smem:$0x3FB0]  }
0x2b: {  	s6 =	sld [smem:$0x3FB1]  }
0x2c: {  	s7 =	sld [smem:$0x3FB2]  }
0x2d: {  	s3 =	simm.s32 $0x108;
	s8 =	sld [smem:$0x3FB3]  }
0x2e: {  	s3 =	simm.s32 @!p0 $0x1082;
	s9 =	sld [smem:$0x3FB4]  }
0x2f: {  	lr =	sadd.s32 s0, s3;
	s0 =	sld [smem:$0x3FAB]  }
0x30: {  	s3 =	sld [smem:$0x3FAE]  }
0x31: {  	[smem:$0x3FB7] =	sst s10  }
0x32: {  	s10 =	sld [smem:$0x3FB5];
	_ =	sdelay $0x3  }
0x33: {  	p0 =	seq.s32 s10, $0x1;
	s10 =	sld [smem:$0x3FB7];
	_ =	sdelay $0x3  }
0x34: {  	[smem:$0x3FB7] =	sst s10  }
0x35: {  	s10 =	sld [smem:$0x3FB6];
	_ =	sdelay $0x3  }
0x36: {  	p1 =	seq.s32 s10, $0x1;
	s10 =	sld [smem:$0x3FB7];
	_ =	sdelay $0x3  }
0x37: {  	[smem:$0x3FB7] =	sst s10  }
0x38: {  	s10 =	sld [smem:$0x3FB8]  }
0x39: {  	_ = 	snop;
	(pc) =	sbr.ind lr, $3  }
0x3a: {  	_ = 	snop  }
0x3b: {  	_ = 	snop  }
0x3c: {  	p2 =	seq.s32 s10, $0x1;
	s10 =	sld [smem:$0x3FB7]  }
0x3d: {  	_ =	shalt  }
0x3e: {  	_ =	shalt  }
0x3f: {  	_ =	shalt  }
0x40: {  	_ =	shalt  }
0x41: {  	_ =	shalt  }
0x42: {  	_ =	shalt  }
0x43: {  	_ =	shalt  }
0x44: {  	_ =	shalt  }
0x45: {  	_ =	shalt  }
0x46: {  	_ =	shalt  }
0x47: {  	_ =	shalt  }
0x48: {  	_ =	shalt  }
0x49: {  	_ =	shalt  }
0x4a: {  	_ =	shalt  }
0x4b: {  	_ =	shalt  }
0x4c: {  	_ =	shalt  }
0x4d: {  	_ =	shalt  }
0x4e: {  	_ =	shalt  }
0x4f: {  	_ =	shalt  }
0x50: {  	_ =	shalt  }
0x51: {  	_ =	shalt  }
0x52: {  	_ =	shalt  }
0x53: {  	_ =	shalt  }
0x54: {  	_ =	shalt  }
0x55: {  	_ =	shalt  }
0x56: {  	_ =	shalt  }
0x57: {  	_ =	shalt  }
0x58: {  	_ =	shalt  }
0x59: {  	_ =	shalt  }
0x5a: {  	_ =	shalt  }
0x5b: {  	_ =	shalt  }
0x5c: {  	_ =	shalt  }
0x5d: {  	_ =	shalt  }
0x5e: {  	_ =	shalt  }
0x5f: {  	_ =	shalt  }
0x60: {  	_ =	shalt  }
0x61: {  	_ =	shalt  }
0x62: {  	_ =	shalt  }
0x63: {  	_ =	shalt  }
0x64: {  	_ =	shalt  }
0x65: {  	_ =	shalt  }
0x66: {  	_ =	shalt  }
0x67: {  	_ =	shalt  }
0x68: {  	_ =	shalt  }
0x69: {  	_ =	shalt  }
0x6a: {  	_ =	shalt  }
0x6b: {  	_ =	shalt  }
0x6c: {  	_ =	shalt  }
0x6d: {  	_ =	shalt  }
0x6e: {  	_ =	shalt  }
0x6f: {  	_ =	shalt  }
0x70: {  	_ =	shalt  }
0x71: {  	_ =	shalt  }
0x72: {  	_ =	shalt  }
0x73: {  	_ =	shalt  }
0x74: {  	_ =	shalt  }
0x75: {  	_ =	shalt  }
0x76: {  	_ =	shalt  }
0x77: {  	_ =	shalt  }
0x78: {  	_ =	shalt  }
0x79: {  	_ =	shalt  }
0x7a: {  	_ =	shalt  }
0x7b: {  	_ =	shalt  }
0x7c: {  	_ =	shalt  }
0x7d: {  	_ =	shalt  }
0x7e: {  	_ =	shalt  }
0x7f: {  	_ =	shalt  }
0x80: {  	_ =	shalt  }
0x81: {  	_ =	shalt  }
0x82: {  	_ =	shalt  }
0x83: {  	_ =	shalt  }
0x84: {  	_ =	shalt  }
0x85: {  	_ =	shalt  }
0x86: {  	_ =	shalt  }
0x87: {  	_ =	shalt  }
.Lfunc_end0:
.L_simem_size_0:
called_computation_lowered:
.L_overlay_start_0:
0x88: {  	s2 =	sld [smem:$0x3FD9]  }
0x89: {  	s3 =	sld [smem:$0x3FFE];
	_ =	sdelay $0x1  }
0x8a: {  	s1 =	srdreg.scid  }
0x8b: {  	s0 =	sand.u32 $0x1, s1  }
0x8c: {  	s17 =	sshll.u32 s0, $0xA;
	s2 =	sadd.s32 s3, s2  }
0x8d: {  	s2 =	sadd.s32 s2, s17  }
0x8e: {  	[smem:$0x3FC3] =	sst s2  }
0x8f: {  	_ = 	snop  }
0x90: {  	s2 =	sld [smem:$0x3FC9]  }
0x91: {  	s18 =	sld [smem:$0x3FC8]  }
0x92: {  	s4 =	sld [smem:$0x3FD0];
	(tm) =	ssettm $0x1  }
0x93: {  	s5 =	sld [smem:$0x3FFB];
	_ =	sdelay $0x3  }
0x94: {  	_ =	strace s5  }
0x95: {  	s5 =	sld [smem:$0x3FFC];
	_ =	sdelay $0x3  }
0x96: {  	_ =	strace s5  }
0x97: {  	s5 =	sld [smem:$0x3FFD];
	_ =	sdelay $0x3  }
0x98: {  	_ =	strace s5  }
0x99: {  	_ =	strace $0x8FFFFFFF  }
0x9a: {  	s19 =	sld [smem:$0x3FDB];
	_ =	sdelay $0x1  }
0x9b: {  	s6 =	simm.s32 $_scs_section_size  }
0x9c: {  	s7 =	simm.s32 $_size__tile_overlayer_lowered;
	s8 =	simm.s32 $_tile_overlayer_lowered  }
0x9d: {  	s22 =	simm.s32 $0x1BFF;
	s21 =	sshll.u32 s8, $0x1;
	s5 =	sadd.s32 s6, s19  }
0x9e: {  	s9 =	simm.s32 $0x0;
	s20 =	sshll.u32 s7, $0x1;
	s7 =	sadd.s32 s21, s5  }
0x9f: {  	[timem:s9], [sflag:s22] =	dma.local [hbm:s7], s20  }
0xa0: {  	_ =	swait.ge [sflag:s22], s20  }
0xa1: {  	s6 =	ssub.s32 $0x0, s20;
	[sflag:s22] =	ssyncset.done $0x0  }
0xa2: {  	[sflag:s22] =	ssyncadd.s32 s6;
	_ =	sdelay $0x1  }
0xa3: {  	s23 =	simm.s32 $0x1B8B  }
0xa4: {  	_ =	swait.ge [sflag:s23], $0x1  }
0xa5: {  	[sflag:s23] =	ssyncset.done $0x0  }
0xa6: {  	s25 =	simm.s32 $0x1B8E;
	s24 =	sld [smem:$0x3FFE];
	[sflag:s23] =	ssyncadd.s32 $0xFFFFFFFF  }
0xa7: {  	s26 =	simm.s32 $execute0_lowered;
	[smem:$0x3FD2] =	sst s25  }
0xa8: {  	s7 =	sshll.u32 s26, $0x1;
	_ =	strace $0x80000046;
	[dreg:$0x1] =	wrdreg $0xFFFFFFFF  }
0xa9: {  	s28 =	simm.s32 $_size_execute0_lowered;
	s5 =	sadd.s32 s5, s7;
	[dreg:$0x0] =	wrdreg $0x0  }
0xaa: {  	s7 =	sshll.u32 s28, $0x1;
	[dreg:$0x2] =	wrdreg s5  }
0xab: {  	[dreg:$0x3] =	wrdreg s7  }
0xac: {  	[dreg:$0x4] =	wrdreg $0xC0  }
0xad: {  	_ =	task [dreg:s9], $0x5FFFF  }
0xae: {  	[dreg:$0x1] =	wrdreg $0xFFFFFFFF  }
0xaf: {  	[dreg:$0x0] =	wrdreg $0x60  }
0xb0: {  	[dreg:$0x2] =	wrdreg s2  }
0xb1: {  	[dreg:$0x3] =	wrdreg s18  }
0xb2: {  	[dreg:$0x4] =	wrdreg s24  }
0xb3: {  	[dreg:$0x5] =	wrdreg s4  }
0xb4: {  	[dreg:$0x6] =	wrdreg $0x9  }
0xb5: {  	_ =	task.clear_ibuf [dreg:s9], $0x7FFFF;
	_ =	strace $0x90000046  }
0xb6: {  	s29 =	simm.s32 $0x9;
	_ =	strace $0x80000048  }
0xb7: {  	_ =	swait.ge [sflag:s29], $0x1  }
0xb8: {  	[sflag:s29] =	ssyncadd.s32 $0xFFFFFFFF  }
0xb9: {  	_ =	strace $0x90000048  }
0xba: {  	_ =	sfence  }
0xbb: {  	s30 =	sld [smem:$0x0];
	_ =	sdelay $0x2  }
0xbc: {  	s31 =	sshll.u32 s1, $0xD;
	s1 =	sshrl.u32 s1, $0x2  }
0xbd: {  	s3 =	sand.u32 $0x4000, s31;
	s1 =	sadd.s32 s1, s30  }
0xbe: {  	s0 =	sor.u32 s3, s0;
	s1 =	sshll.u32 s1, $0x11  }
0xbf: {  	s0 =	sor.u32 s1, s0  }
0xc0: {  	s0 =	sadd.s32 $0x8F2B, s0  }
0xc1: {  	[sflag:s0] =	ssyncadd.remote.s32 $0x1  }
0xc2: {  	_ =	sfence.sel $0xFFFF  }
0xc3: {  	[dreg:$0x0] =	wrdreg $0xFFFFFFFF;
	(pc) =	sbr.abs _section_cstart, $3  }
0xc4: {  	[dreg:$0x1] =	wrdreg $0xFFFFFFFF  }
0xc5: {  	_ =	task.clear_ibuf [dreg:s9], $0x2FFFF;
	_ =	strace $0x9FFFFFFF  }
0xc6: {  	(tm) =	ssettm $0x7FFFFFFF  }
0xc7: {  	_ =	shalt  }
tec
execute0_lowered:
.L_overlay_start_1:
0x0: {  	(tag) =	ssettag $0x1  }
0x1: {  	s0 =	rddreg [dreg:$0x0]  }
0x2: {  	s2 =	rddreg [dreg:$0x1]  }
0x3: {  	s5 =	rddreg [dreg:$0x2]  }
0x4: {  	s6 =	rddreg [dreg:$0x3]  }
0x5: {  	s1 =	simm.s32 $0x0;
	s4 =	srdreg.scid;
	s8 =	stileid.u32  }
0x6: {  	[smem:$0x7FF] =	sst s1;
	s3 =	sadd.s32 $0x186C00, s5;
	s4 =	sand.u32 $0x1, s4  }
0x7: {  	s8 =	sshll.u32 s8, $0x7;
	s7 =	ssub.s32 $0x2, s4;
	s9 =	sshll.u32 s4, $0x6  }
0x8: {  	s4 =	sadd.s32 $0x200, s5;
	s5 =	sadd.s32 $0x10C9000, s5;
	s8 =	sor.u32 s9, s8  }
0x9: {  	_ =	strace $0x80000047;
	[smem:$0x7F9] =	sst s5;
	s0 =	sadd.s32 s0, s8  }
0xa: {  	s10 =	sshrl.u32 s7, $0x1;
	s29 =	sadd.s32 s2, s8;
	[smem:$0x7FA] =	sst s0  }
0xb: {  	v0 =	vlaneseq.u32;
	s28 =	ssub.s32 s7, s10;
	s30 =	sadd.s32 s6, s8;
	[smem:$0x7FB] =	sst s29  }
0xc: {  	v0 =	vmul.u32 $0x80, v0;
	[smem:$0x7FC] =	sst s30;
	s31 =	smax.u32 s28, $0x1  }
0xd: {  	s5 =	simm.s32 $0x4;
	s2 =	simm.s32 $0x0;
	[smem:$0x7FD] =	sst s31  }
.LBB2_1:
0xe: {  	s0 =	sld [smem:$0x7FA];
	_ =	sdelay $0x1  }
0xf: {  	[smem:$0x7F8] =	sst s2  }
0x10: {  	[tilespmem:s1], [sflag:$0x4] =	stream.linear.gather [hbm4b:s0+s1], $0x200, $0x38;
	[tilespmem:$0x8800] =	vst v63  }
0x11: {  	_ =	swait.ge [sflag:s5], $0x200  }
0x12: {  	s23 =	sld [smem:$0x7FB]  }
0x13: {  	[sflag:s5] =	ssyncset.done $0x0  }
0x14: {  	s22 =	simm.s32 $0x200;
	[sflag:s5] =	ssyncadd.s32 $0xFFFFFE00  }
0x15: {  	[tilespmem:s22], [sflag:$0x4] =	stream.linear.gather [hbm4b:s23+s1], $0x200, $0x38;
	[tilespmem:$0x8800] =	vst v63  }
0x16: {  	_ =	swait.ge [sflag:s5], $0x200  }
0x17: {  	s24 =	sld [smem:$0x7F9]  }
0x18: {  	[sflag:s5] =	ssyncset.done $0x0  }
0x19: {  	s25 =	simm.s32 $0x8400;
	[sflag:s5] =	ssyncadd.s32 $0xFFFFFE00  }
0x1a: {  	[tilespmem:s25], [sflag:$0x3] =	stream.indirect.gather [hbm4b:s24+s22], $0x1, s22, s22, $0xb8;
	[tilespmem:$0x8800] =	vst v63  }
0x1b: {  	v1 =	vld [tilespmem:s1+$0x0]  }
0x1c: {  	v3 =	vld [tilespmem:s22+$0x0];
	_ =	sdelay $0x3  }
0x1d: {  	v2 =	vshll.u32 v1, $0x4  }
0x1e: {  	v1 =	vshll.u32 v3, $0x4;
	(v2sf) =	vpush v2, $0x0  }
0x1f: {  	(v2sf) =	vpush v1, $0x0  }
0x20: {  	(v2sf) =	vpush v2, $0x1;
	_ =	sdelay $0x2  }
0x21: {  	(v2sf) =	vpush v1, $0x1;
	_ =	sdelay $0x1  }
0x22: {  	(v2sf) =	vpush v2, $0x2;
	_ =	sdelay $0x1  }
0x23: {  	(v2sf) =	vpush v1, $0x2;
	_ =	sdelay $0x1  }
0x24: {  	s20 =	simm.s32 $0x2000;
	(v2sf) =	vpush v2, $0x3  }
0x25: {  	s19 =	simm.s32 $0x0;
	s26 =	simm.s32 $0x4400;
	s6 =	simm.s32 $0x880  }
0x26: {  	s7 =	simm.s32 $0x400;
	s9 =	simm.s32 $0x600;
	s10 =	simm.s32 $0x580  }
0x27: {  	s15 =	simm.s32 $0x4480;
	s17 =	simm.s32 $0x500;
	s29 =	simm.s32 $0xA00  }
0x28: {  	s28 =	simm.s32 $0xB00;
	s0 =	simm.s32 $0x4900;
	s8 =	spop (v2sf);
	(v2sf) =	vpush v1, $0x3  }
0x29: {  	s5 =	simm.s32 $0x680;
	s8 =	sand.u32 $0x1FFFFFF0, s8;
	s11 =	spop (v2sf)  }
0x2a: {  	s22 =	simm.s32 $0x4500;
	s8 =	sadd.s32 s3, s8;
	s31 =	spop (v2sf)  }
0x2b: {  	(v2sf) =	vpush v2, $0x4;
	[tilespmem:s7], [sflag:$0x1] =	stream.linear.gather [hbm4b:s8+s1], $0x80, $0x38;
	[tilespmem:$0x8800] =	vst v63  }
0x2c: {  	(v2sf) =	vpush v1, $0x4;
	s30 =	sand.u32 $0x1FFFFFF0, s11;
	s7 =	simm.s32 $0x4580;
	s11 =	sand.u32 $0x1FFFFFF0, s31  }
0x2d: {  	s8 =	sadd.s32 s4, s30;
	s12 =	spop (v2sf);
	s13 =	sadd.s32 s3, s11  }
0x2e: {  	(v2sf) =	vpush v2, $0x5;
	[tilespmem:s26], [sflag:$0x2] =	stream.linear.gather [hbm4b:s8+s1], $0x80, $0x38;
	[tilespmem:$0x8800] =	vst v63  }
0x2f: {  	s14 =	sand.u32 $0x1FFFFFF0, s12;
	s16 =	spop (v2sf);
	s8 =	simm.s32 $0x480  }
0x30: {  	(v2sf) =	vpush v1, $0x5;
	[tilespmem:s8], [sflag:$0x1] =	stream.linear.gather [hbm4b:s13+s1], $0x80, $0x38;
	[tilespmem:$0x8800] =	vst v63  }
0x31: {  	s11 =	sadd.s32 s4, s14;
	s18 =	spop (v2sf);
	s8 =	sand.u32 $0x1FFFFFF0, s16  }
0x32: {  	(v2sf) =	vpush v2, $0x6;
	[tilespmem:s15], [sflag:$0x2] =	stream.linear.gather [hbm4b:s11+s1], $0x80, $0x38;
	[tilespmem:$0x8800] =	vst v63  }
0x33: {  	s21 =	spop (v2sf);
	s8 =	sadd.s32 s3, s8;
	s11 =	sand.u32 $0x1FFFFFF0, s18  }
0x34: {  	(v2sf) =	vpush v1, $0x6;
	[tilespmem:s17], [sflag:$0x1] =	stream.linear.gather [hbm4b:s8+s1], $0x80, $0x38;
	[tilespmem:$0x8800] =	vst v63  }
0x35: {  	s26 =	simm.s32 $0x4600;
	s12 =	sand.u32 $0x1FFFFFF0, s21;
	s23 =	sadd.s32 s4, s11  }
0x36: {  	[tilespmem:s22], [sflag:$0x2] =	stream.linear.gather [hbm4b:s23+s1], $0x80, $0x38;
	[tilespmem:$0x8800] =	vst v63  }
0x37: {  	s13 =	simm.s32 $0xA80;
	s25 =	sadd.s32 s3, s12;
	s24 =	spop (v2sf)  }
0x38: {  	(v2sf) =	vpush v2, $0x7;
	[tilespmem:s10], [sflag:$0x1] =	stream.linear.gather [hbm4b:s25+s1], $0x80, $0x38;
	[tilespmem:$0x8800] =	vst v63  }
0x39: {  	s16 =	simm.s32 $0x4680;
	s12 =	simm.s32 $0x4A80;
	s8 =	sand.u32 $0x1FFFFFF0, s24  }
0x3a: {  	s18 =	simm.s32 $0x700;
	s30 =	spop (v2sf);
	s8 =	sadd.s32 s4, s8  }
0x3b: {  	(v2sf) =	vpush v1, $0x7;
	s2 =	sand.u32 $0x1FFFFFF0, s30;
	s31 =	spop (v2sf);
	s30 =	simm.s32 $0x4700  }
0x3c: {  	(v2sf) =	vpush v2, $0x8;
	[tilespmem:s7], [sflag:$0x2] =	stream.linear.gather [hbm4b:s8+s1], $0x80, $0x38;
	[tilespmem:$0x8800] =	vst v63  }
0x3d: {  	s14 =	sadd.s32 s3, s2;
	s15 =	sand.u32 $0x1FFFFFF0, s31;
	s17 =	spop (v2sf)  }
0x3e: {  	(v2sf) =	vpush v1, $0x8;
	[tilespmem:s9], [sflag:$0x1] =	stream.linear.gather [hbm4b:s14+s1], $0x80, $0x38;
	[tilespmem:$0x8800] =	vst v63  }
0x3f: {  	s8 =	sadd.s32 s4, s15;
	s21 =	spop (v2sf);
	s9 =	sand.u32 $0x1FFFFFF0, s17  }
0x40: {  	(v2sf) =	vpush v2, $0x9;
	[tilespmem:s26], [sflag:$0x2] =	stream.linear.gather [hbm4b:s8+s1], $0x80, $0x38;
	[tilespmem:$0x8800] =	vst v63  }
0x41: {  	s10 =	sand.u32 $0x1FFFFFF0, s21;
	s22 =	spop (v2sf);
	s9 =	sadd.s32 s3, s9  }
0x42: {  	(v2sf) =	vpush v1, $0x9;
	[tilespmem:s5], [sflag:$0x1] =	stream.linear.gather [hbm4b:s9+s1], $0x80, $0x38;
	[tilespmem:$0x8800] =	vst v63  }
0x43: {  	s23 =	sadd.s32 s4, s10;
	s24 =	sand.u32 $0x1FFFFFF0, s22;
	s25 =	spop (v2sf)  }
0x44: {  	(v2sf) =	vpush v2, $0xA;
	[tilespmem:s16], [sflag:$0x2] =	stream.linear.gather [hbm4b:s23+s1], $0x80, $0x38;
	[tilespmem:$0x8800] =	vst v63  }
0x45: {  	s14 =	simm.s32 $0x780;
	s26 =	sadd.s32 s3, s24;
	s7 =	sand.u32 $0x1FFFFFF0, s25  }
0x46: {  	(v2sf) =	vpush v1, $0xA;
	[tilespmem:s18], [sflag:$0x1] =	stream.linear.gather [hbm4b:s26+s1], $0x80, $0x38;
	[tilespmem:$0x8800] =	vst v63  }
0x47: {  	s17 =	simm.s32 $0x4780;
	s7 =	sadd.s32 s4, s7;
	s31 =	spop (v2sf)  }
0x48: {  	(v2sf) =	vpush v2, $0xB;
	[tilespmem:s30], [sflag:$0x2] =	stream.linear.gather [hbm4b:s7+s1], $0x80, $0x38;
	[tilespmem:$0x8800] =	vst v63  }
0x49: {  	s21 =	simm.s32 $0x800;
	s24 =	simm.s32 $0x4800;
	s9 =	sand.u32 $0x1FFFFFF0, s31  }
0x4a: {  	s30 =	simm.s32 $0x4880;
	s2 =	spop (v2sf);
	(v2sf) =	vpush v1, $0xB;
	s15 =	sadd.s32 s3, s9  }
0x4b: {  	s16 =	sand.u32 $0x1FFFFFF0, s2;
	s18 =	spop (v2sf);
	s2 =	simm.s32 $0x900  }
0x4c: {  	[tilespmem:s14], [sflag:$0x1] =	stream.linear.gather [hbm4b:s15+s1], $0x80, $0x38;
	[tilespmem:$0x8800] =	vst v63  }
0x4d: {  	s9 =	sadd.s32 s4, s16;
	s8 =	sand.u32 $0x1FFFFFF0, s18;
	s22 =	spop (v2sf)  }
0x4e: {  	[tilespmem:s17], [sflag:$0x2] =	stream.linear.gather [hbm4b:s9+s1], $0x80, $0x38;
	[tilespmem:$0x8800] =	vst v63  }
0x4f: {  	(v2sf) =	vpush v2, $0xC;
	s8 =	sadd.s32 s3, s8;
	s23 =	spop (v2sf);
	s9 =	sand.u32 $0x1FFFFFF0, s22  }
0x50: {  	[tilespmem:s21], [sflag:$0x1] =	stream.linear.gather [hbm4b:s8+s1], $0x80, $0x38;
	[tilespmem:$0x8800] =	vst v63  }
0x51: {  	(v2sf) =	vpush v1, $0xC;
	s26 =	sand.u32 $0x1FFFFFF0, s23;
	s31 =	spop (v2sf);
	s25 =	sadd.s32 s4, s9  }
0x52: {  	[tilespmem:s24], [sflag:$0x2] =	stream.linear.gather [hbm4b:s25+s1], $0x80, $0x38;
	[tilespmem:$0x8800] =	vst v63  }
0x53: {  	s9 =	sadd.s32 s3, s26;
	s14 =	spop (v2sf);
	s8 =	sand.u32 $0x1FFFFFF0, s31  }
0x54: {  	[tilespmem:s6], [sflag:$0x1] =	stream.linear.gather [hbm4b:s9+s1], $0x80, $0x38;
	[tilespmem:$0x8800] =	vst v63  }
0x55: {  	s15 =	spop (v2sf);
	s8 =	sadd.s32 s4, s8;
	s9 =	sand.u32 $0x1FFFFFF0, s14  }
0x56: {  	[tilespmem:s30], [sflag:$0x2] =	stream.linear.gather [hbm4b:s8+s1], $0x80, $0x38;
	[tilespmem:$0x8800] =	vst v63  }
0x57: {  	s17 =	sand.u32 $0x1FFFFFF0, s15;
	s16 =	sadd.s32 s3, s9;
	s18 =	spop (v2sf)  }
0x58: {  	[tilespmem:s2], [sflag:$0x1] =	stream.linear.gather [hbm4b:s16+s1], $0x80, $0x38;
	[tilespmem:$0x8800] =	vst v63  }
0x59: {  	s11 =	simm.s32 $0x4A00;
	s21 =	sadd.s32 s4, s17;
	s23 =	spop (v2sf)  }
0x5a: {  	[tilespmem:s0], [sflag:$0x2] =	stream.linear.gather [hbm4b:s21+s1], $0x80, $0x38;
	[tilespmem:$0x8800] =	vst v63  }
0x5b: {  	s5 =	simm.s32 $0x4980;
	(v2sf) =	vpush v2, $0xD;
	s22 =	sand.u32 $0x1FFFFFF0, s18;
	s26 =	sand.u32 $0x1FFFFFF0, s23  }
0x5c: {  	s24 =	simm.s32 $0x980;
	(v2sf) =	vpush v1, $0xD;
	s25 =	sadd.s32 s3, s22;
	s30 =	sadd.s32 s4, s26  }
0x5d: {  	(v2sf) =	vpush v2, $0xE;
	[tilespmem:s24], [sflag:$0x1] =	stream.linear.gather [hbm4b:s25+s1], $0x80, $0x38;
	[tilespmem:$0x8800] =	vst v63  }
0x5e: {  	(v2sf) =	vpush v1, $0xE;
	s31 =	spop (v2sf);
	s26 =	simm.s32 $0x4B00;
	s24 =	simm.s32 $0x10  }
0x5f: {  	(v2sf) =	vpush v2, $0xF;
	[tilespmem:s5], [sflag:$0x2] =	stream.linear.gather [hbm4b:s30+s1], $0x80, $0x38;
	[tilespmem:$0x8800] =	vst v63  }
0x60: {  	s25 =	simm.s32 $0x210;
	s0 =	sand.u32 $0x1FFFFFF0, s31;
	(v2sf) =	vpush v1, $0xF;
	s5 =	spop (v2sf)  }
.LBB2_2:
0x61: {  	_ =	sdelay $0x4  }
0x62: {  	s0 =	sadd.s32 s3, s0;
	s5 =	sand.u32 $0x1FFFFFF0, s5  }
0x63: {  	[tilespmem:s29], [sflag:$0x1] =	stream.linear.gather [hbm4b:s0+s1], $0x80, $0x38;
	[tilespmem:$0x8800] =	vst v63  }
0x64: {  	s7 =	sadd.s32 s4, s5  }
0x65: {  	[tilespmem:s11], [sflag:$0x2] =	stream.linear.gather [hbm4b:s7+s1], $0x80, $0x38;
	[tilespmem:$0x8800] =	vst v63  }
0x66: {  	s6 =	spop (v2sf)  }
0x67: {  	s8 =	sand.u32 $0x1FFFFFF0, s6;
	s9 =	spop (v2sf)  }
0x68: {  	s10 =	sadd.s32 s3, s8;
	s2 =	sand.u32 $0x1FFFFFF0, s9;
	s11 =	spop (v2sf)  }
0x69: {  	[tilespmem:s13], [sflag:$0x1] =	stream.linear.gather [hbm4b:s10+s1], $0x80, $0x38;
	[tilespmem:$0x8800] =	vst v63  }
0x6a: {  	s14 =	sadd.s32 s4, s2;
	s15 =	sand.u32 $0x1FFFFFF0, s11;
	s16 =	spop (v2sf)  }
0x6b: {  	[tilespmem:s12], [sflag:$0x2] =	stream.linear.gather [hbm4b:s14+s1], $0x80, $0x38;
	[tilespmem:$0x8800] =	vst v63  }
0x6c: {  	s17 =	sadd.s32 s3, s15;
	s18 =	sand.u32 $0x1FFFFFF0, s16;
	s21 =	spop (v2sf)  }
0x6d: {  	[tilespmem:s28], [sflag:$0x1] =	stream.linear.gather [hbm4b:s17+s1], $0x80, $0x38;
	[tilespmem:$0x8800] =	vst v63  }
0x6e: {  	s22 =	sadd.s32 s4, s18;
	s23 =	sand.u32 $0x1FFFFFF0, s21;
	s30 =	spop (v2sf)  }
0x6f: {  	[tilespmem:s26], [sflag:$0x2] =	stream.linear.gather [hbm4b:s22+s1], $0x80, $0x38;
	[tilespmem:$0x8800] =	vst v63  }
0x70: {  	s31 =	sadd.s32 $0xB80, s19;
	s2 =	sadd.s32 s3, s23;
	s5 =	sand.u32 $0x1FFFFFF0, s30  }
0x71: {  	[tilespmem:s31], [sflag:$0x1] =	stream.linear.gather [hbm4b:s2+s1], $0x80, $0x38;
	[tilespmem:$0x8800] =	vst v63  }
0x72: {  	s5 =	sadd.s32 s4, s5;
	s2 =	sadd.s32 $0x4B80, s19  }
0x73: {  	[tilespmem:s2], [sflag:$0x2] =	stream.linear.gather [hbm4b:s5+s1], $0x80, $0x38;
	[tilespmem:$0x8800] =	vst v63  }
0x74: {  	v1 =	vld [tilespmem:s24+$0x0];
	_ =	sdelay $0x1  }
0x75: {  	v3 =	vld [tilespmem:s25+$0x0];
	_ =	sdelay $0x2  }
0x76: {  	v2 =	vshll.u32 v1, $0x4  }
0x77: {  	(v2sf) =	vpush v2, $0x0  }
0x78: {  	s6 =	smov.u32 s20;
	v1 =	vshll.u32 v3, $0x4  }
0x79: {  	s19 =	sshra.s32 s6, $0x2;
	(v2sf) =	vpush v1, $0x0  }
0x7a: {  	p0 =	sne.s32 s20, $0xE000;
	s20 =	sadd.s32 $0x2000, s20;
	s31 =	sadd.s32 $0x4400, s19;
	(v2sf) =	vpush v2, $0x1  }
0x7b: {  	s0 =	sadd.s32 $0x680, s19;
	s7 =	sadd.s32 $0x880, s19;
	s8 =	sadd.s32 $0x4900, s19  }
0x7c: {  	s16 =	sadd.s32 $0x580, s19;
	s15 =	sadd.s32 $0x4580, s19;
	s21 =	sadd.s32 $0x500, s19;
	(v2sf) =	vpush v1, $0x1  }
0x7d: {  	s18 =	sadd.s32 $0x4600, s19;
	s13 =	sadd.s32 $0xA80, s19;
	s30 =	sadd.s32 $0x4480, s19  }
0x7e: {  	s6 =	sadd.s32 $0x4680, s19;
	s10 =	sadd.s32 $0x700, s19;
	s12 =	sadd.s32 $0x4A80, s19;
	(v2sf) =	vpush v2, $0x2  }
0x7f: {  	s14 =	sadd.s32 $0x4700, s19;
	s9 =	sadd.s32 $0x4880, s19;
	s11 =	sadd.s32 $0x900, s19  }
0x80: {  	s17 =	sadd.s32 $0x4800, s19;
	s29 =	sadd.s32 $0xA00, s19;
	[smem:$0x7F6] =	sst s0;
	(v2sf) =	vpush v1, $0x2  }
0x81: {  	s28 =	sadd.s32 $0xB00, s19;
	s26 =	sadd.s32 $0x4B00, s19;
	[dreg:$0xd] =	wrdreg s7  }
0x82: {  	s2 =	sadd.s32 $0x400, s19;
	s5 =	sadd.s32 $0x600, s19;
	[dreg:$0x5] =	wrdreg s8;
	(v2sf) =	vpush v2, $0x3  }
0x83: {  	s7 =	sadd.s32 $0x4A00, s19;
	s0 =	sadd.s32 $0x4500, s19;
	[dreg:$0x15] =	wrdreg s9  }
0x84: {  	s8 =	sadd.s32 $0x4980, s19;
	[dreg:$0x11] =	wrdreg s11;
	s9 =	sadd.s32 $0x780, s19;
	(v2sf) =	vpush v1, $0x3  }
0x85: {  	[dreg:$0x1d] =	wrdreg s17;
	s11 =	sadd.s32 $0x480, s19;
	s17 =	sadd.s32 $0x800, s19  }
0x86: {  	[dreg:$0x9] =	wrdreg s8;
	s8 =	sadd.s32 $0x4780, s19;
	(v2sf) =	vpush v2, $0x4;
	s22 =	spop (v2sf)  }
0x87: {  	[smem:$0x7F7] =	sst s17;
	s17 =	sand.u32 $0x1FFFFFF0, s22;
	s22 =	sadd.s32 $0x980, s19  }
0x88: {  	s24 =	sadd.s32 $0x10, s24;
	s23 =	spop (v2sf);
	(v2sf) =	vpush v1, $0x4;
	[dreg:$0x19] =	wrdreg s22  }
0x89: {  	s17 =	sadd.s32 s3, s17;
	s22 =	sand.u32 $0x1FFFFFF0, s23;
	s23 =	spop (v2sf)  }
0x8a: {  	(v2sf) =	vpush v2, $0x5;
	[tilespmem:s2], [sflag:$0x1] =	stream.linear.gather [hbm4b:s17+s1], $0x80, $0x38;
	[tilespmem:$0x8800] =	vst v63  }
0x8b: {  	s17 =	sadd.s32 s4, s22;
	s22 =	sand.u32 $0x1FFFFFF0, s23;
	s23 =	spop (v2sf);
	(v2sf) =	vpush v1, $0x5  }
0x8c: {  	[tilespmem:s31], [sflag:$0x2] =	stream.linear.gather [hbm4b:s17+s1], $0x80, $0x38;
	[tilespmem:$0x8800] =	vst v63  }
0x8d: {  	s23 =	sand.u32 $0x1FFFFFF0, s23;
	s17 =	sadd.s32 s3, s22;
	s31 =	spop (v2sf);
	(v2sf) =	vpush v2, $0x6  }
0x8e: {  	[tilespmem:s11], [sflag:$0x1] =	stream.linear.gather [hbm4b:s17+s1], $0x80, $0x38;
	[tilespmem:$0x8800] =	vst v63  }
0x8f: {  	s22 =	spop (v2sf);
	(v2sf) =	vpush v1, $0x6;
	s11 =	sadd.s32 s4, s23;
	s17 =	sand.u32 $0x1FFFFFF0, s31  }
0x90: {  	[tilespmem:s30], [sflag:$0x2] =	stream.linear.gather [hbm4b:s11+s1], $0x80, $0x38;
	[tilespmem:$0x8800] =	vst v63  }
0x91: {  	s31 =	spop (v2sf);
	s23 =	sadd.s32 s3, s17;
	s30 =	sand.u32 $0x1FFFFFF0, s22  }
0x92: {  	(v2sf) =	vpush v2, $0x7;
	[tilespmem:s21], [sflag:$0x1] =	stream.linear.gather [hbm4b:s23+s1], $0x80, $0x38;
	[tilespmem:$0x8800] =	vst v63  }
0x93: {  	s22 =	spop (v2sf);
	s11 =	sadd.s32 s4, s30;
	s21 =	sand.u32 $0x1FFFFFF0, s31  }
0x94: {  	(v2sf) =	vpush v1, $0x7;
	[tilespmem:s0], [sflag:$0x2] =	stream.linear.gather [hbm4b:s11+s1], $0x80, $0x38;
	[tilespmem:$0x8800] =	vst v63  }
0x95: {  	s30 =	sand.u32 $0x1FFFFFF0, s22;
	s31 =	spop (v2sf);
	s23 =	sadd.s32 s3, s21  }
0x96: {  	(v2sf) =	vpush v2, $0x8;
	[tilespmem:s16], [sflag:$0x1] =	stream.linear.gather [hbm4b:s23+s1], $0x80, $0x38;
	[tilespmem:$0x8800] =	vst v63  }
0x97: {  	s25 =	sadd.s32 $0x10, s25;
	s17 =	sadd.s32 s4, s30;
	s22 =	spop (v2sf)  }
0x98: {  	[tilespmem:s15], [sflag:$0x2] =	stream.linear.gather [hbm4b:s17+s1], $0x80, $0x38;
	[tilespmem:$0x8800] =	vst v63  }
0x99: {  	s21 =	sand.u32 $0x1FFFFFF0, s31;
	s11 =	smov.u32 s7;
	s31 =	spop (v2sf)  }
0x9a: {  	s23 =	sadd.s32 s3, s21;
	(v2sf) =	vpush v1, $0x8;
	s30 =	sand.u32 $0x1FFFFFF0, s22;
	s17 =	spop (v2sf)  }
0x9b: {  	[tilespmem:s5], [sflag:$0x1] =	stream.linear.gather [hbm4b:s23+s1], $0x80, $0x38;
	[tilespmem:$0x8800] =	vst v63  }
0x9c: {  	(v2sf) =	vpush v2, $0x9;
	s15 =	sadd.s32 s4, s30;
	s23 =	sld [smem:$0x7F6];
	s22 =	spop (v2sf)  }
0x9d: {  	(v2sf) =	vpush v1, $0x9;
	[tilespmem:s18], [sflag:$0x2] =	stream.linear.gather [hbm4b:s15+s1], $0x80, $0x38;
	[tilespmem:$0x8800] =	vst v63  }
0x9e: {  	s16 =	sand.u32 $0x1FFFFFF0, s31;
	s21 =	sand.u32 $0x1FFFFFF0, s17;
	s5 =	spop (v2sf)  }
0x9f: {  	s30 =	sadd.s32 s4, s21;
	s18 =	sadd.s32 s3, s16;
	s7 =	sand.u32 $0x1FFFFFF0, s5  }
0xa0: {  	[tilespmem:s23], [sflag:$0x1] =	stream.linear.gather [hbm4b:s18+s1], $0x80, $0x38;
	[tilespmem:$0x8800] =	vst v63  }
0xa1: {  	(v2sf) =	vpush v2, $0xA;
	s31 =	sand.u32 $0x1FFFFFF0, s22;
	s15 =	spop (v2sf);
	s16 =	sadd.s32 s4, s7  }
0xa2: {  	[tilespmem:s6], [sflag:$0x2] =	stream.linear.gather [hbm4b:s30+s1], $0x80, $0x38;
	[tilespmem:$0x8800] =	vst v63  }
0xa3: {  	(v2sf) =	vpush v1, $0xA;
	s17 =	sand.u32 $0x1FFFFFF0, s15;
	s18 =	spop (v2sf);
	s6 =	sadd.s32 s3, s31  }
0xa4: {  	[tilespmem:s10], [sflag:$0x1] =	stream.linear.gather [hbm4b:s6+s1], $0x80, $0x38;
	[tilespmem:$0x8800] =	vst v63  }
0xa5: {  	s21 =	sadd.s32 s3, s17;
	s22 =	sand.u32 $0x1FFFFFF0, s18;
	s23 =	spop (v2sf)  }
0xa6: {  	[tilespmem:s14], [sflag:$0x2] =	stream.linear.gather [hbm4b:s16+s1], $0x80, $0x38;
	[tilespmem:$0x8800] =	vst v63  }
0xa7: {  	(v2sf) =	vpush v2, $0xB;
	s30 =	sadd.s32 s4, s22;
	s22 =	rddreg [dreg:$0xd];
	s31 =	sand.u32 $0x1FFFFFF0, s23  }
0xa8: {  	[tilespmem:s9], [sflag:$0x1] =	stream.linear.gather [hbm4b:s21+s1], $0x80, $0x38;
	[tilespmem:$0x8800] =	vst v63  }
0xa9: {  	(v2sf) =	vpush v1, $0xB;
	s6 =	sadd.s32 s3, s31;
	s5 =	spop (v2sf);
	s9 =	sld [smem:$0x7F7]  }
0xaa: {  	(v2sf) =	vpush v2, $0xC;
	[tilespmem:s8], [sflag:$0x2] =	stream.linear.gather [hbm4b:s30+s1], $0x80, $0x38;
	[tilespmem:$0x8800] =	vst v63  }
0xab: {  	s16 =	rddreg [dreg:$0x1d];
	s7 =	sand.u32 $0x1FFFFFF0, s5;
	s8 =	spop (v2sf)  }
0xac: {  	(v2sf) =	vpush v1, $0xC;
	s10 =	sadd.s32 s4, s7;
	s14 =	sand.u32 $0x1FFFFFF0, s8;
	s15 =	spop (v2sf)  }
0xad: {  	[tilespmem:s9], [sflag:$0x1] =	stream.linear.gather [hbm4b:s6+s1], $0x80, $0x38;
	[tilespmem:$0x8800] =	vst v63  }
0xae: {  	s7 =	rddreg [dreg:$0x15];
	s17 =	sadd.s32 s3, s14;
	s18 =	sand.u32 $0x1FFFFFF0, s15  }
0xaf: {  	[tilespmem:s16], [sflag:$0x2] =	stream.linear.gather [hbm4b:s10+s1], $0x80, $0x38;
	[tilespmem:$0x8800] =	vst v63  }
0xb0: {  	s21 =	spop (v2sf);
	s14 =	rddreg [dreg:$0x11];
	s23 =	sadd.s32 s4, s18  }
0xb1: {  	[tilespmem:s22], [sflag:$0x1] =	stream.linear.gather [hbm4b:s17+s1], $0x80, $0x38;
	[tilespmem:$0x8800] =	vst v63  }
0xb2: {  	s30 =	sand.u32 $0x1FFFFFF0, s21;
	s31 =	spop (v2sf);
	s18 =	rddreg [dreg:$0x5]  }
0xb3: {  	[tilespmem:s7], [sflag:$0x2] =	stream.linear.gather [hbm4b:s23+s1], $0x80, $0x38;
	[tilespmem:$0x8800] =	vst v63  }
0xb4: {  	s8 =	sadd.s32 s3, s30;
	s9 =	sand.u32 $0x1FFFFFF0, s31;
	s30 =	rddreg [dreg:$0x19]  }
0xb5: {  	[tilespmem:s14], [sflag:$0x1] =	stream.linear.gather [hbm4b:s8+s1], $0x80, $0x38;
	[tilespmem:$0x8800] =	vst v63  }
0xb6: {  	s10 =	spop (v2sf);
	s31 =	rddreg [dreg:$0x9];
	s15 =	sadd.s32 s4, s9  }
0xb7: {  	(v2sf) =	vpush v2, $0xD;
	[tilespmem:s18], [sflag:$0x2] =	stream.linear.gather [hbm4b:s15+s1], $0x80, $0x38;
	[tilespmem:$0x8800] =	vst v63  }
.Ltmp0:
0xb8: {  	(v2sf) =	vpush v1, $0xD;
	s16 =	sand.u32 $0x1FFFFFF0, s10;
	s17 =	spop (v2sf);
	(pc) =	sbr.rel @p0 .LBB2_2-.Ltmp0, $4  }
0xb9: {  	(v2sf) =	vpush v2, $0xE;
	s21 =	sadd.s32 s3, s16;
	s22 =	sand.u32 $0x1FFFFFF0, s17;
	s23 =	spop (v2sf)  }
0xba: {  	(v2sf) =	vpush v1, $0xE;
	[tilespmem:s30], [sflag:$0x1] =	stream.linear.gather [hbm4b:s21+s1], $0x80, $0x38;
	[tilespmem:$0x8800] =	vst v63  }
0xbb: {  	(v2sf) =	vpush v2, $0xF;
	s2 =	sadd.s32 s4, s22;
	s0 =	sand.u32 $0x1FFFFFF0, s23;
	s5 =	spop (v2sf)  }
0xbc: {  	(v2sf) =	vpush v1, $0xF;
	[tilespmem:s31], [sflag:$0x2] =	stream.linear.gather [hbm4b:s2+s1], $0x80, $0x38;
	[tilespmem:$0x8800] =	vst v63  }
0xbd: {  	_ =	sdelay $0x4  }
0xbe: {  	s0 =	sadd.s32 s3, s0;
	s2 =	sand.u32 $0x1FFFFFF0, s5  }
0xbf: {  	[tilespmem:s29], [sflag:$0x1] =	stream.linear.gather [hbm4b:s0+s1], $0x80, $0x38;
	[tilespmem:$0x8800] =	vst v63  }
0xc0: {  	s2 =	sadd.s32 s4, s2  }
0xc1: {  	[tilespmem:s11], [sflag:$0x2] =	stream.linear.gather [hbm4b:s2+s1], $0x80, $0x38;
	[tilespmem:$0x8800] =	vst v63  }
0xc2: {  	s31 =	spop (v2sf)  }
0xc3: {  	s5 =	sand.u32 $0x1FFFFFF0, s31;
	s6 =	spop (v2sf)  }
0xc4: {  	s7 =	sadd.s32 s3, s5;
	s8 =	sand.u32 $0x1FFFFFF0, s6;
	s9 =	spop (v2sf)  }
0xc5: {  	[tilespmem:s13], [sflag:$0x1] =	stream.linear.gather [hbm4b:s7+s1], $0x80, $0x38;
	[tilespmem:$0x8800] =	vst v63  }
0xc6: {  	s10 =	sadd.s32 s4, s8;
	s11 =	sand.u32 $0x1FFFFFF0, s9;
	s13 =	spop (v2sf)  }
0xc7: {  	[tilespmem:s12], [sflag:$0x2] =	stream.linear.gather [hbm4b:s10+s1], $0x80, $0x38;
	[tilespmem:$0x8800] =	vst v63  }
0xc8: {  	s14 =	sadd.s32 s3, s11;
	s15 =	sand.u32 $0x1FFFFFF0, s13;
	s16 =	spop (v2sf)  }
0xc9: {  	[tilespmem:s28], [sflag:$0x1] =	stream.linear.gather [hbm4b:s14+s1], $0x80, $0x38;
	[tilespmem:$0x8800] =	vst v63  }
0xca: {  	s17 =	sadd.s32 s4, s15;
	s18 =	sand.u32 $0x1FFFFFF0, s16;
	s20 =	spop (v2sf)  }
0xcb: {  	[tilespmem:s26], [sflag:$0x2] =	stream.linear.gather [hbm4b:s17+s1], $0x80, $0x38;
	[tilespmem:$0x8800] =	vst v63  }
0xcc: {  	s21 =	sadd.s32 $0xB80, s19;
	s2 =	sadd.s32 s3, s18;
	s5 =	sand.u32 $0x1FFFFFF0, s20  }
0xcd: {  	[tilespmem:s21], [sflag:$0x1] =	stream.linear.gather [hbm4b:s2+s1], $0x80, $0x38;
	[tilespmem:$0x8800] =	vst v63  }
0xce: {  	s22 =	sadd.s32 $0x4B80, s19;
	s24 =	simm.s32 $0x1;
	s23 =	sadd.s32 s4, s5  }
0xcf: {  	[tilespmem:s22], [sflag:$0x2] =	stream.linear.gather [hbm4b:s23+s1], $0x80, $0x38;
	[tilespmem:$0x8800] =	vst v63  }
0xd0: {  	_ =	swait.ge [sflag:s24], $0x4000  }
0xd1: {  	s25 =	simm.s32 $0x0;
	[sflag:s24] =	ssyncset.done $0x0  }
0xd2: {  	v1 =	vmov s25;
	s26 =	simm.s32 $0x2;
	[sflag:s24] =	ssyncadd.s32 $0xFFFFC000  }
0xd3: {  	v1 =	vshll.u32 v1, $0x7;
	_ =	swait.ge [sflag:s26], $0x4000  }
0xd4: {  	v1 =	vor.u32 v0, v1;
	[sflag:s26] =	ssyncset.done $0x0  }
0xd5: {  	s28 =	simm.s32 $0x3;
	[sflag:s26] =	ssyncadd.s32 $0xFFFFC000  }
0xd6: {  	v2 =	vor.u32 $0x1, v1;
	_ =	swait.ge [sflag:s28], $0x200  }
0xd7: {  	[sflag:s28] =	ssyncset.done $0x0  }
0xd8: {  	v3 =	vor.u32 $0x2, v1;
	s5 =	simm.s32 $0x4400;
	[sflag:s28] =	ssyncadd.s32 $0xFFFFFE00  }
0xd9: {  	s2 =	simm.s32 $0x400;
	v4 =	vld.idx.msk [tilespmem:v1+s5+$0x0], $0xffff  }
0xda: {  	v6 =	vor.u32 $0x3, v1;
	v5 =	vld.idx.msk [tilespmem:v1+s2+$0x0], $0xffff  }
0xdb: {  	v7 =	vld.idx.msk [tilespmem:v2+s2+$0x0], $0xffff  }
0xdc: {  	v8 =	vor.u32 $0x4, v1;
	v2 =	vld.idx.msk [tilespmem:v2+s5+$0x0], $0xffff  }
0xdd: {  	v9 =	vld.idx.msk [tilespmem:v3+s2+$0x0], $0xffff  }
0xde: {  	v10 =	vor.u32 $0x5, v1;
	v3 =	vld.idx.msk [tilespmem:v3+s5+$0x0], $0xffff  }
0xdf: {  	v11 =	vld.idx.msk [tilespmem:v6+s2+$0x0], $0xffff;
	v4 =	vmul.f32 v4, v5  }
0xe0: {  	v40 =	vor.u32 $0x6, v1;
	v39 =	vld.idx.msk [tilespmem:v6+s5+$0x0], $0xffff  }
0xe1: {  	v12 =	vld.idx.msk [tilespmem:v8+s2+$0x0], $0xffff;
	v2 =	vmul.f32 v2, v7;
	v4 =	vadd.f32 $0.0e+00, v4  }
0xe2: {  	v42 =	vor.u32 $0x7, v1;
	v41 =	vld.idx.msk [tilespmem:v8+s5+$0x0], $0xffff  }
0xe3: {  	v13 =	vld.idx.msk [tilespmem:v10+s2+$0x0], $0xffff;
	v3 =	vmul.f32 v3, v9;
	v2 =	vadd.f32 v2, v4  }
0xe4: {  	v44 =	vor.u32 $0x8, v1;
	v43 =	vld.idx.msk [tilespmem:v10+s5+$0x0], $0xffff  }
0xe5: {  	v45 =	vld.idx.msk [tilespmem:v40+s2+$0x0], $0xffff;
	v2 =	vadd.f32 v3, v2;
	v3 =	vmul.f32 v39, v11  }
0xe6: {  	v47 =	vor.u32 $0x9, v1;
	v46 =	vld.idx.msk [tilespmem:v40+s5+$0x0], $0xffff  }
0xe7: {  	v48 =	vld.idx.msk [tilespmem:v42+s2+$0x0], $0xffff;
	v2 =	vadd.f32 v3, v2;
	v3 =	vmul.f32 v41, v12  }
0xe8: {  	v50 =	vor.u32 $0xA, v1;
	v49 =	vld.idx.msk [tilespmem:v42+s5+$0x0], $0xffff  }
0xe9: {  	v51 =	vld.idx.msk [tilespmem:v44+s2+$0x0], $0xffff;
	v2 =	vadd.f32 v3, v2;
	v3 =	vmul.f32 v43, v13  }
0xea: {  	v53 =	vor.u32 $0xB, v1;
	v52 =	vld.idx.msk [tilespmem:v44+s5+$0x0], $0xffff  }
0xeb: {  	v54 =	vld.idx.msk [tilespmem:v47+s2+$0x0], $0xffff;
	v2 =	vadd.f32 v3, v2;
	v3 =	vmul.f32 v46, v45  }
0xec: {  	v56 =	vor.u32 $0xC, v1;
	v55 =	vld.idx.msk [tilespmem:v47+s5+$0x0], $0xffff  }
0xed: {  	v57 =	vld.idx.msk [tilespmem:v50+s2+$0x0], $0xffff;
	v2 =	vadd.f32 v3, v2;
	v3 =	vmul.f32 v49, v48  }
0xee: {  	v59 =	vor.u32 $0xD, v1;
	v58 =	vld.idx.msk [tilespmem:v50+s5+$0x0], $0xffff  }
0xef: {  	v60 =	vld.idx.msk [tilespmem:v53+s2+$0x0], $0xffff;
	v2 =	vadd.f32 v3, v2;
	v3 =	vmul.f32 v52, v51  }
0xf0: {  	v62 =	vor.u32 $0xE, v1;
	v61 =	vld.idx.msk [tilespmem:v53+s5+$0x0], $0xffff  }
0xf1: {  	v63 =	vld.idx.msk [tilespmem:v56+s2+$0x0], $0xffff;
	v2 =	vadd.f32 v3, v2;
	v3 =	vmul.f32 v55, v54  }
0xf2: {  	v15 =	vld.idx.msk [tilespmem:v56+s5+$0x0], $0xffff;
	v1 =	vor.u32 $0xF, v1  }
0xf3: {  	v16 =	vld.idx.msk [tilespmem:v59+s2+$0x0], $0xffff;
	v2 =	vadd.f32 v3, v2;
	v3 =	vmul.f32 v58, v57  }
0xf4: {  	v17 =	vld.idx.msk [tilespmem:v59+s5+$0x0], $0xffff  }
0xf5: {  	v18 =	vld.idx.msk [tilespmem:v62+s2+$0x0], $0xffff;
	v2 =	vadd.f32 v3, v2;
	v3 =	vmul.f32 v61, v60  }
0xf6: {  	v19 =	vld.idx.msk [tilespmem:v62+s5+$0x0], $0xffff  }
0xf7: {  	v20 =	vld.idx.msk [tilespmem:v1+s2+$0x0], $0xffff;
	v2 =	vadd.f32 v3, v2;
	v3 =	vmul.f32 v15, v63  }
0xf8: {  	v1 =	vld.idx.msk [tilespmem:v1+s5+$0x0], $0xffff  }
0xf9: {  	v2 =	vadd.f32 v3, v2;
	v3 =	vmul.f32 v17, v16;
	_ =	sdelay $0x1  }
0xfa: {  	s29 =	simm.s32 $0x8400;
	v2 =	vadd.f32 v3, v2;
	v3 =	vmul.f32 v19, v18  }
0xfb: {  	v21 =	vld [tilespmem:s29+$0x0]  }
0xfc: {  	v1 =	vmul.f32 v1, v20;
	v2 =	vadd.f32 v3, v2;
	_ =	sdelay $0x1  }
0xfd: {  	v1 =	vadd.f32 v1, v2;
	_ =	sdelay $0x1  }
0xfe: {  	v1 =	vsub.f32 v21, v1;
	_ =	sdelay $0x1  }
0xff: {  	v1 =	vadd.f32 $0.0e+00, v1;
	_ =	sdelay $0x1  }
0x100: {  	v1 =	vmul.f32 $1.442695020e+00, v1;
	_ =	sdelay $0x1  }
0x101: {  	(erf) = vpow2.f32 v1;
	_ =	sdelay $0x8  }
0x102: {  	v1 =	vpop (erf)  }
0x103: {  	v1 =	vadd.f32 $1.000000000e+00, v1;
	_ =	sdelay $0x1  }
0x104: {  	(erf) = vrcp.f32 v1;
	_ =	sdelay $0x2  }
0x105: {  	s30 =	simm.s32 $0x10  }
0x106: {  	v1 =	vmov s30  }
0x107: {  	v1 =	vshll.u32 v1, $0x7  }
0x108: {  	v1 =	vor.u32 v0, v1;
	_ =	sdelay $0x1  }
0x109: {  	v2 =	vor.u32 $0x1, v1  }
0x10a: {  	s19 =	simm.s32 $0x8600;
	v3 =	vpop (erf)  }
0x10b: {  	v22 =	vor.u32 $0x2, v1;
	[tilespmem:s19+$0x0] =	vst v3  }
0x10c: {  	v3 =	vld.idx.msk [tilespmem:v1+s5+$0x0], $0xffff  }
0x10d: {  	v24 =	vor.u32 $0x3, v1;
	v23 =	vld.idx.msk [tilespmem:v1+s2+$0x0], $0xffff  }
0x10e: {  	v25 =	vld.idx.msk [tilespmem:v2+s2+$0x0], $0xffff  }
0x10f: {  	v26 =	vor.u32 $0x4, v1;
	v2 =	vld.idx.msk [tilespmem:v2+s5+$0x0], $0xffff  }
0x110: {  	v27 =	vld.idx.msk [tilespmem:v22+s2+$0x0], $0xffff  }
0x111: {  	v28 =	vor.u32 $0x5, v1;
	v4 =	vld.idx.msk [tilespmem:v22+s5+$0x0], $0xffff  }
0x112: {  	v29 =	vld.idx.msk [tilespmem:v24+s2+$0x0], $0xffff;
	v3 =	vmul.f32 v3, v23  }
0x113: {  	v31 =	vor.u32 $0x6, v1;
	v30 =	vld.idx.msk [tilespmem:v24+s5+$0x0], $0xffff  }
0x114: {  	v32 =	vld.idx.msk [tilespmem:v26+s2+$0x0], $0xffff;
	v2 =	vmul.f32 v2, v25;
	v3 =	vadd.f32 $0.0e+00, v3  }
0x115: {  	v34 =	vor.u32 $0x7, v1;
	v33 =	vld.idx.msk [tilespmem:v26+s5+$0x0], $0xffff  }
0x116: {  	v35 =	vld.idx.msk [tilespmem:v28+s2+$0x0], $0xffff;
	v2 =	vadd.f32 v2, v3;
	v3 =	vmul.f32 v4, v27  }
0x117: {  	v37 =	vor.u32 $0x8, v1;
	v36 =	vld.idx.msk [tilespmem:v28+s5+$0x0], $0xffff  }
0x118: {  	v38 =	vld.idx.msk [tilespmem:v31+s2+$0x0], $0xffff;
	v2 =	vadd.f32 v3, v2;
	v3 =	vmul.f32 v30, v29  }
0x119: {  	v40 =	vor.u32 $0x9, v1;
	v39 =	vld.idx.msk [tilespmem:v31+s5+$0x0], $0xffff  }
0x11a: {  	v41 =	vld.idx.msk [tilespmem:v34+s2+$0x0], $0xffff;
	v2 =	vadd.f32 v3, v2;
	v3 =	vmul.f32 v33, v32  }
0x11b: {  	v43 =	vor.u32 $0xA, v1;
	v42 =	vld.idx.msk [tilespmem:v34+s5+$0x0], $0xffff  }
0x11c: {  	v44 =	vld.idx.msk [tilespmem:v37+s2+$0x0], $0xffff;
	v2 =	vadd.f32 v3, v2;
	v3 =	vmul.f32 v36, v35  }
0x11d: {  	v46 =	vor.u32 $0xB, v1;
	v45 =	vld.idx.msk [tilespmem:v37+s5+$0x0], $0xffff  }
0x11e: {  	v47 =	vld.idx.msk [tilespmem:v40+s2+$0x0], $0xffff;
	v2 =	vadd.f32 v3, v2;
	v3 =	vmul.f32 v39, v38  }
0x11f: {  	v49 =	vor.u32 $0xC, v1;
	v48 =	vld.idx.msk [tilespmem:v40+s5+$0x0], $0xffff  }
0x120: {  	v50 =	vld.idx.msk [tilespmem:v43+s2+$0x0], $0xffff;
	v2 =	vadd.f32 v3, v2;
	v3 =	vmul.f32 v42, v41  }
0x121: {  	v52 =	vor.u32 $0xD, v1;
	v51 =	vld.idx.msk [tilespmem:v43+s5+$0x0], $0xffff  }
0x122: {  	v53 =	vld.idx.msk [tilespmem:v46+s2+$0x0], $0xffff;
	v2 =	vadd.f32 v3, v2;
	v3 =	vmul.f32 v45, v44  }
0x123: {  	v55 =	vor.u32 $0xE, v1;
	v54 =	vld.idx.msk [tilespmem:v46+s5+$0x0], $0xffff  }
0x124: {  	v56 =	vld.idx.msk [tilespmem:v49+s2+$0x0], $0xffff;
	v2 =	vadd.f32 v3, v2;
	v3 =	vmul.f32 v48, v47  }
0x125: {  	v57 =	vld.idx.msk [tilespmem:v49+s5+$0x0], $0xffff;
	v1 =	vor.u32 $0xF, v1  }
0x126: {  	v58 =	vld.idx.msk [tilespmem:v52+s2+$0x0], $0xffff;
	v2 =	vadd.f32 v3, v2;
	v3 =	vmul.f32 v51, v50  }
0x127: {  	v59 =	vld.idx.msk [tilespmem:v52+s5+$0x0], $0xffff  }
0x128: {  	v60 =	vld.idx.msk [tilespmem:v55+s2+$0x0], $0xffff;
	v2 =	vadd.f32 v3, v2;
	v3 =	vmul.f32 v54, v53  }
0x129: {  	v61 =	vld.idx.msk [tilespmem:v55+s5+$0x0], $0xffff  }
0x12a: {  	v62 =	vld.idx.msk [tilespmem:v1+s2+$0x0], $0xffff;
	v2 =	vadd.f32 v3, v2;
	v3 =	vmul.f32 v57, v56  }
0x12b: {  	v1 =	vld.idx.msk [tilespmem:v1+s5+$0x0], $0xffff  }
0x12c: {  	v2 =	vadd.f32 v3, v2;
	v3 =	vmul.f32 v59, v58;
	_ =	sdelay $0x1  }
0x12d: {  	s20 =	simm.s32 $0x8410;
	v2 =	vadd.f32 v3, v2;
	v3 =	vmul.f32 v61, v60  }
0x12e: {  	v63 =	vld [tilespmem:s20+$0x0]  }
0x12f: {  	v1 =	vmul.f32 v1, v62;
	v2 =	vadd.f32 v3, v2;
	_ =	sdelay $0x1  }
0x130: {  	v1 =	vadd.f32 v1, v2;
	_ =	sdelay $0x1  }
0x131: {  	v1 =	vsub.f32 v63, v1;
	_ =	sdelay $0x1  }
0x132: {  	v1 =	vadd.f32 $0.0e+00, v1;
	_ =	sdelay $0x1  }
0x133: {  	v1 =	vmul.f32 $1.442695020e+00, v1;
	_ =	sdelay $0x1  }
0x134: {  	(erf) = vpow2.f32 v1;
	_ =	sdelay $0x8  }
0x135: {  	v1 =	vpop (erf)  }
0x136: {  	v1 =	vadd.f32 $1.000000000e+00, v1;
	_ =	sdelay $0x1  }
0x137: {  	(erf) = vrcp.f32 v1;
	_ =	sdelay $0x2  }
0x138: {  	s31 =	simm.s32 $0x20  }
0x139: {  	v2 =	vmov s31  }
0x13a: {  	s0 =	simm.s32 $0x30;
	v1 =	vshll.u32 v2, $0x7  }
.LBB2_4:
0x13b: {  	p0 =	sne.s32 s0, $0x70;
	v1 =	vor.u32 v0, v1;
	_ =	sdelay $0x1  }
0x13c: {  	v2 =	vor.u32 $0x1, v1  }
0x13d: {  	s19 =	sadd.s32 $0x10, s19;
	v3 =	vpop (erf)  }
0x13e: {  	v4 =	vor.u32 $0x2, v1;
	[tilespmem:s19+$0x0] =	vst v3  }
0x13f: {  	v3 =	vld.idx.msk [tilespmem:v1+s5+$0x0], $0xffff  }
0x140: {  	v6 =	vor.u32 $0x3, v1;
	v5 =	vld.idx.msk [tilespmem:v1+s2+$0x0], $0xffff  }
0x141: {  	v7 =	vld.idx.msk [tilespmem:v2+s2+$0x0], $0xffff  }
0x142: {  	v8 =	vor.u32 $0x4, v1;
	v2 =	vld.idx.msk [tilespmem:v2+s5+$0x0], $0xffff  }
0x143: {  	v9 =	vld.idx.msk [tilespmem:v4+s2+$0x0], $0xffff  }
0x144: {  	v10 =	vor.u32 $0x5, v1;
	v4 =	vld.idx.msk [tilespmem:v4+s5+$0x0], $0xffff  }
0x145: {  	v11 =	vld.idx.msk [tilespmem:v6+s2+$0x0], $0xffff  }
0x146: {  	v3 =	vmul.f32 v3, v5;
	v5 =	vld.idx.msk [tilespmem:v6+s5+$0x0], $0xffff;
	v6 =	vor.u32 $0x6, v1  }
0x147: {  	v12 =	vld.idx.msk [tilespmem:v8+s2+$0x0], $0xffff  }
0x148: {  	v3 =	vadd.f32 $0.0e+00, v3;
	v2 =	vmul.f32 v2, v7;
	v7 =	vld.idx.msk [tilespmem:v8+s5+$0x0], $0xffff;
	v8 =	vor.u32 $0x7, v1  }
0x149: {  	v13 =	vld.idx.msk [tilespmem:v10+s2+$0x0], $0xffff  }
0x14a: {  	v2 =	vadd.f32 v2, v3;
	v3 =	vmul.f32 v4, v9;
	v9 =	vor.u32 $0x8, v1;
	v4 =	vld.idx.msk [tilespmem:v10+s5+$0x0], $0xffff  }
0x14b: {  	v10 =	vld.idx.msk [tilespmem:v6+s2+$0x0], $0xffff  }
0x14c: {  	v2 =	vadd.f32 v3, v2;
	v3 =	vmul.f32 v5, v11;
	v5 =	vld.idx.msk [tilespmem:v6+s5+$0x0], $0xffff;
	v6 =	vor.u32 $0x9, v1  }
0x14d: {  	v11 =	vld.idx.msk [tilespmem:v8+s2+$0x0], $0xffff  }
0x14e: {  	v2 =	vadd.f32 v3, v2;
	v3 =	vmul.f32 v7, v12;
	v7 =	vld.idx.msk [tilespmem:v8+s5+$0x0], $0xffff;
	v8 =	vor.u32 $0xA, v1  }
0x14f: {  	v12 =	vld.idx.msk [tilespmem:v9+s2+$0x0], $0xffff  }
0x150: {  	v2 =	vadd.f32 v3, v2;
	v3 =	vmul.f32 v4, v13;
	v4 =	vld.idx.msk [tilespmem:v9+s5+$0x0], $0xffff;
	v9 =	vor.u32 $0xB, v1  }
0x151: {  	v13 =	vld.idx.msk [tilespmem:v6+s2+$0x0], $0xffff  }
0x152: {  	v2 =	vadd.f32 v3, v2;
	v3 =	vmul.f32 v5, v10;
	v5 =	vld.idx.msk [tilespmem:v6+s5+$0x0], $0xffff;
	v6 =	vor.u32 $0xC, v1  }
0x153: {  	v10 =	vld.idx.msk [tilespmem:v8+s2+$0x0], $0xffff  }
0x154: {  	v2 =	vadd.f32 v3, v2;
	v3 =	vmul.f32 v7, v11;
	v7 =	vld.idx.msk [tilespmem:v8+s5+$0x0], $0xffff;
	v8 =	vor.u32 $0xD, v1  }
0x155: {  	v11 =	vld.idx.msk [tilespmem:v9+s2+$0x0], $0xffff  }
0x156: {  	v2 =	vadd.f32 v3, v2;
	v3 =	vmul.f32 v4, v12;
	v4 =	vld.idx.msk [tilespmem:v9+s5+$0x0], $0xffff;
	v9 =	vor.u32 $0xE, v1  }
0x157: {  	v12 =	vld.idx.msk [tilespmem:v6+s2+$0x0], $0xffff  }
0x158: {  	v1 =	vor.u32 $0xF, v1;
	v2 =	vadd.f32 v3, v2;
	v3 =	vmul.f32 v5, v13;
	v5 =	vld.idx.msk [tilespmem:v6+s5+$0x0], $0xffff  }
0x159: {  	v6 =	vld.idx.msk [tilespmem:v8+s2+$0x0], $0xffff  }
0x15a: {  	v2 =	vadd.f32 v3, v2;
	v3 =	vmul.f32 v7, v10;
	v7 =	vld.idx.msk [tilespmem:v8+s5+$0x0], $0xffff  }
0x15b: {  	v8 =	vld.idx.msk [tilespmem:v9+s2+$0x0], $0xffff  }
0x15c: {  	v2 =	vadd.f32 v3, v2;
	v3 =	vmul.f32 v4, v11;
	v4 =	vld.idx.msk [tilespmem:v9+s5+$0x0], $0xffff  }
0x15d: {  	v9 =	vld.idx.msk [tilespmem:v1+s2+$0x0], $0xffff  }
0x15e: {  	v2 =	vadd.f32 v3, v2;
	v3 =	vmul.f32 v5, v12;
	v1 =	vld.idx.msk [tilespmem:v1+s5+$0x0], $0xffff;
	_ =	sdelay $0x1  }
0x15f: {  	v2 =	vadd.f32 v3, v2;
	v3 =	vmul.f32 v7, v6;
	_ =	sdelay $0x1  }
0x160: {  	s20 =	sadd.s32 $0x10, s20;
	v2 =	vadd.f32 v3, v2;
	v3 =	vmul.f32 v4, v8  }
0x161: {  	v4 =	vld [tilespmem:s20+$0x0]  }
0x162: {  	v2 =	vadd.f32 v3, v2;
	v1 =	vmul.f32 v1, v9;
	_ =	sdelay $0x1  }
0x163: {  	v1 =	vadd.f32 v1, v2;
	_ =	sdelay $0x1  }
0x164: {  	v1 =	vsub.f32 v4, v1;
	_ =	sdelay $0x1  }
0x165: {  	v1 =	vadd.f32 $0.0e+00, v1;
	_ =	sdelay $0x1  }
0x166: {  	v1 =	vmul.f32 $1.442695020e+00, v1;
	_ =	sdelay $0x1  }
0x167: {  	(erf) = vpow2.f32 v1;
	_ =	sdelay $0x8  }
0x168: {  	v1 =	vpop (erf)  }
0x169: {  	v1 =	vadd.f32 $1.000000000e+00, v1;
	_ =	sdelay $0x1  }
0x16a: {  	(erf) = vrcp.f32 v1  }
.Ltmp1:
0x16b: {  	(pc) =	sbr.rel @p0 .LBB2_4-.Ltmp1, $3  }
0x16c: {  	_ =	sdelay $0x1  }
0x16d: {  	v1 =	vmov s0  }
0x16e: {  	s0 =	sadd.s32 $0x10, s0;
	v1 =	vshll.u32 v1, $0x7  }
0x16f: {  	v1 =	vor.u32 v0, v1;
	_ =	sdelay $0x1  }
0x170: {  	v2 =	vor.u32 $0x1, v1  }
0x171: {  	s0 =	sadd.s32 $0x10, s19;
	v3 =	vpop (erf)  }
0x172: {  	v4 =	vor.u32 $0x2, v1;
	[tilespmem:s0+$0x0] =	vst v3  }
0x173: {  	v3 =	vld.idx.msk [tilespmem:v1+s5+$0x0], $0xffff  }
0x174: {  	v6 =	vor.u32 $0x3, v1;
	v5 =	vld.idx.msk [tilespmem:v1+s2+$0x0], $0xffff  }
0x175: {  	v7 =	vld.idx.msk [tilespmem:v2+s2+$0x0], $0xffff  }
0x176: {  	v8 =	vor.u32 $0x4, v1;
	v2 =	vld.idx.msk [tilespmem:v2+s5+$0x0], $0xffff  }
0x177: {  	v9 =	vld.idx.msk [tilespmem:v4+s2+$0x0], $0xffff  }
0x178: {  	v10 =	vor.u32 $0x5, v1;
	v4 =	vld.idx.msk [tilespmem:v4+s5+$0x0], $0xffff  }
0x179: {  	v11 =	vld.idx.msk [tilespmem:v6+s2+$0x0], $0xffff;
	v3 =	vmul.f32 v3, v5  }
0x17a: {  	v33 =	vor.u32 $0x6, v1;
	v32 =	vld.idx.msk [tilespmem:v6+s5+$0x0], $0xffff  }
0x17b: {  	v12 =	vld.idx.msk [tilespmem:v8+s2+$0x0], $0xffff;
	v2 =	vmul.f32 v2, v7;
	v3 =	vadd.f32 $0.0e+00, v3  }
0x17c: {  	v35 =	vor.u32 $0x7, v1;
	v34 =	vld.idx.msk [tilespmem:v8+s5+$0x0], $0xffff  }
0x17d: {  	v13 =	vld.idx.msk [tilespmem:v10+s2+$0x0], $0xffff;
	v2 =	vadd.f32 v2, v3;
	v3 =	vmul.f32 v4, v9  }
0x17e: {  	v37 =	vor.u32 $0x8, v1;
	v36 =	vld.idx.msk [tilespmem:v10+s5+$0x0], $0xffff  }
0x17f: {  	v38 =	vld.idx.msk [tilespmem:v33+s2+$0x0], $0xffff;
	v2 =	vadd.f32 v3, v2;
	v3 =	vmul.f32 v32, v11  }
0x180: {  	v40 =	vor.u32 $0x9, v1;
	v39 =	vld.idx.msk [tilespmem:v33+s5+$0x0], $0xffff  }
0x181: {  	v41 =	vld.idx.msk [tilespmem:v35+s2+$0x0], $0xffff;
	v2 =	vadd.f32 v3, v2;
	v3 =	vmul.f32 v34, v12  }
0x182: {  	v43 =	vor.u32 $0xA, v1;
	v42 =	vld.idx.msk [tilespmem:v35+s5+$0x0], $0xffff  }
0x183: {  	v44 =	vld.idx.msk [tilespmem:v37+s2+$0x0], $0xffff;
	v2 =	vadd.f32 v3, v2;
	v3 =	vmul.f32 v36, v13  }
0x184: {  	v46 =	vor.u32 $0xB, v1;
	v45 =	vld.idx.msk [tilespmem:v37+s5+$0x0], $0xffff  }
0x185: {  	v47 =	vld.idx.msk [tilespmem:v40+s2+$0x0], $0xffff;
	v2 =	vadd.f32 v3, v2;
	v3 =	vmul.f32 v39, v38  }
0x186: {  	v49 =	vor.u32 $0xC, v1;
	v48 =	vld.idx.msk [tilespmem:v40+s5+$0x0], $0xffff  }
0x187: {  	v50 =	vld.idx.msk [tilespmem:v43+s2+$0x0], $0xffff;
	v2 =	vadd.f32 v3, v2;
	v3 =	vmul.f32 v42, v41  }
0x188: {  	v52 =	vor.u32 $0xD, v1;
	v51 =	vld.idx.msk [tilespmem:v43+s5+$0x0], $0xffff  }
0x189: {  	v53 =	vld.idx.msk [tilespmem:v46+s2+$0x0], $0xffff;
	v2 =	vadd.f32 v3, v2;
	v3 =	vmul.f32 v45, v44  }
0x18a: {  	v55 =	vor.u32 $0xE, v1;
	v54 =	vld.idx.msk [tilespmem:v46+s5+$0x0], $0xffff  }
0x18b: {  	v56 =	vld.idx.msk [tilespmem:v49+s2+$0x0], $0xffff;
	v2 =	vadd.f32 v3, v2;
	v3 =	vmul.f32 v48, v47  }
0x18c: {  	v1 =	vor.u32 $0xF, v1;
	v57 =	vld.idx.msk [tilespmem:v49+s5+$0x0], $0xffff  }
0x18d: {  	v58 =	vld.idx.msk [tilespmem:v52+s2+$0x0], $0xffff;
	v2 =	vadd.f32 v3, v2;
	v3 =	vmul.f32 v51, v50  }
0x18e: {  	v59 =	vld.idx.msk [tilespmem:v52+s5+$0x0], $0xffff  }
0x18f: {  	v60 =	vld.idx.msk [tilespmem:v55+s2+$0x0], $0xffff;
	v2 =	vadd.f32 v3, v2;
	v3 =	vmul.f32 v54, v53  }
0x190: {  	v61 =	vld.idx.msk [tilespmem:v55+s5+$0x0], $0xffff  }
0x191: {  	v62 =	vld.idx.msk [tilespmem:v1+s2+$0x0], $0xffff;
	v2 =	vadd.f32 v3, v2;
	v3 =	vmul.f32 v57, v56  }
0x192: {  	v1 =	vld.idx.msk [tilespmem:v1+s5+$0x0], $0xffff  }
0x193: {  	v2 =	vadd.f32 v3, v2;
	v3 =	vmul.f32 v59, v58;
	_ =	sdelay $0x1  }
0x194: {  	s23 =	sadd.s32 $0x10, s20;
	v2 =	vadd.f32 v3, v2;
	v3 =	vmul.f32 v61, v60  }
0x195: {  	v63 =	vld [tilespmem:s23+$0x0]  }
0x196: {  	v1 =	vmul.f32 v1, v62;
	v2 =	vadd.f32 v3, v2;
	_ =	sdelay $0x1  }
0x197: {  	v1 =	vadd.f32 v1, v2;
	_ =	sdelay $0x1  }
0x198: {  	v1 =	vsub.f32 v63, v1;
	_ =	sdelay $0x1  }
0x199: {  	v1 =	vadd.f32 $0.0e+00, v1;
	_ =	sdelay $0x1  }
0x19a: {  	v1 =	vmul.f32 $1.442695020e+00, v1;
	_ =	sdelay $0x1  }
0x19b: {  	(erf) = vpow2.f32 v1;
	_ =	sdelay $0x8  }
0x19c: {  	v1 =	vpop (erf)  }
0x19d: {  	v1 =	vadd.f32 $1.000000000e+00, v1;
	_ =	sdelay $0x1  }
0x19e: {  	(erf) = vrcp.f32 v1;
	_ =	sdelay $0x8  }
0x19f: {  	s0 =	sadd.s32 $0x10, s0;
	v1 =	vpop (erf)  }
0x1a0: {  	s24 =	simm.s32 $0x80;
	[tilespmem:s0+$0x0] =	vst v1  }
0x1a1: {  	s25 =	simm.s32 $0x280;
	v1 =	vld [tilespmem:s24+$0x0]  }
0x1a2: {  	v3 =	vld [tilespmem:s25+$0x0];
	_ =	sdelay $0x3  }
0x1a3: {  	v2 =	vshll.u32 v1, $0x4  }
0x1a4: {  	v1 =	vshll.u32 v3, $0x4;
	(v2sf) =	vpush v2, $0x0  }
0x1a5: {  	(v2sf) =	vpush v1, $0x0  }
0x1a6: {  	(v2sf) =	vpush v2, $0x1;
	_ =	sdelay $0x2  }
0x1a7: {  	(v2sf) =	vpush v1, $0x1;
	_ =	sdelay $0x1  }
0x1a8: {  	(v2sf) =	vpush v2, $0x2;
	_ =	sdelay $0x1  }
0x1a9: {  	(v2sf) =	vpush v1, $0x2;
	_ =	sdelay $0x1  }
0x1aa: {  	s20 =	simm.s32 $0x2000;
	(v2sf) =	vpush v2, $0x3  }
0x1ab: {  	s19 =	simm.s32 $0x0;
	s26 =	simm.s32 $0x4400;
	s6 =	simm.s32 $0x880  }
0x1ac: {  	s7 =	simm.s32 $0x400;
	s9 =	simm.s32 $0x600;
	s10 =	simm.s32 $0x580  }
0x1ad: {  	s15 =	simm.s32 $0x4480;
	s17 =	simm.s32 $0x500;
	s22 =	simm.s32 $0x4500  }
0x1ae: {  	s29 =	simm.s32 $0xA00;
	s28 =	simm.s32 $0xB00;
	s8 =	spop (v2sf);
	(v2sf) =	vpush v1, $0x3  }
0x1af: {  	s5 =	simm.s32 $0x680;
	s8 =	sand.u32 $0x1FFFFFF0, s8;
	s11 =	spop (v2sf)  }
0x1b0: {  	s0 =	simm.s32 $0x4900;
	s8 =	sadd.s32 s3, s8;
	s31 =	spop (v2sf)  }
0x1b1: {  	(v2sf) =	vpush v2, $0x4;
	[tilespmem:s7], [sflag:$0x1] =	stream.linear.gather [hbm4b:s8+s1], $0x80, $0x38;
	[tilespmem:$0x8800] =	vst v63  }
0x1b2: {  	(v2sf) =	vpush v1, $0x4;
	s30 =	sand.u32 $0x1FFFFFF0, s11;
	s7 =	simm.s32 $0x4580;
	s11 =	sand.u32 $0x1FFFFFF0, s31  }
0x1b3: {  	s8 =	sadd.s32 s4, s30;
	s12 =	spop (v2sf);
	s13 =	sadd.s32 s3, s11  }
0x1b4: {  	(v2sf) =	vpush v2, $0x5;
	[tilespmem:s26], [sflag:$0x2] =	stream.linear.gather [hbm4b:s8+s1], $0x80, $0x38;
	[tilespmem:$0x8800] =	vst v63  }
0x1b5: {  	s14 =	sand.u32 $0x1FFFFFF0, s12;
	s16 =	spop (v2sf);
	s8 =	simm.s32 $0x480  }
0x1b6: {  	(v2sf) =	vpush v1, $0x5;
	[tilespmem:s8], [sflag:$0x1] =	stream.linear.gather [hbm4b:s13+s1], $0x80, $0x38;
	[tilespmem:$0x8800] =	vst v63  }
0x1b7: {  	s11 =	sadd.s32 s4, s14;
	s18 =	spop (v2sf);
	s8 =	sand.u32 $0x1FFFFFF0, s16  }
0x1b8: {  	(v2sf) =	vpush v2, $0x6;
	[tilespmem:s15], [sflag:$0x2] =	stream.linear.gather [hbm4b:s11+s1], $0x80, $0x38;
	[tilespmem:$0x8800] =	vst v63  }
0x1b9: {  	s21 =	spop (v2sf);
	s8 =	sadd.s32 s3, s8;
	s11 =	sand.u32 $0x1FFFFFF0, s18  }
0x1ba: {  	(v2sf) =	vpush v1, $0x6;
	[tilespmem:s17], [sflag:$0x1] =	stream.linear.gather [hbm4b:s8+s1], $0x80, $0x38;
	[tilespmem:$0x8800] =	vst v63  }
0x1bb: {  	s26 =	simm.s32 $0x4600;
	s12 =	sand.u32 $0x1FFFFFF0, s21;
	s23 =	sadd.s32 s4, s11  }
0x1bc: {  	[tilespmem:s22], [sflag:$0x2] =	stream.linear.gather [hbm4b:s23+s1], $0x80, $0x38;
	[tilespmem:$0x8800] =	vst v63  }
0x1bd: {  	s13 =	simm.s32 $0xA80;
	s25 =	sadd.s32 s3, s12;
	s24 =	spop (v2sf)  }
0x1be: {  	(v2sf) =	vpush v2, $0x7;
	[tilespmem:s10], [sflag:$0x1] =	stream.linear.gather [hbm4b:s25+s1], $0x80, $0x38;
	[tilespmem:$0x8800] =	vst v63  }
0x1bf: {  	s16 =	simm.s32 $0x4680;
	s12 =	simm.s32 $0x4A80;
	s8 =	sand.u32 $0x1FFFFFF0, s24  }
0x1c0: {  	s18 =	simm.s32 $0x700;
	s30 =	spop (v2sf);
	s8 =	sadd.s32 s4, s8  }
0x1c1: {  	(v2sf) =	vpush v1, $0x7;
	s2 =	sand.u32 $0x1FFFFFF0, s30;
	s31 =	spop (v2sf);
	s30 =	simm.s32 $0x4700  }
0x1c2: {  	(v2sf) =	vpush v2, $0x8;
	[tilespmem:s7], [sflag:$0x2] =	stream.linear.gather [hbm4b:s8+s1], $0x80, $0x38;
	[tilespmem:$0x8800] =	vst v63  }
0x1c3: {  	s14 =	sadd.s32 s3, s2;
	s15 =	sand.u32 $0x1FFFFFF0, s31;
	s17 =	spop (v2sf)  }
0x1c4: {  	(v2sf) =	vpush v1, $0x8;
	[tilespmem:s9], [sflag:$0x1] =	stream.linear.gather [hbm4b:s14+s1], $0x80, $0x38;
	[tilespmem:$0x8800] =	vst v63  }
0x1c5: {  	s8 =	sadd.s32 s4, s15;
	s21 =	spop (v2sf);
	s9 =	sand.u32 $0x1FFFFFF0, s17  }
0x1c6: {  	(v2sf) =	vpush v2, $0x9;
	[tilespmem:s26], [sflag:$0x2] =	stream.linear.gather [hbm4b:s8+s1], $0x80, $0x38;
	[tilespmem:$0x8800] =	vst v63  }
0x1c7: {  	s10 =	sand.u32 $0x1FFFFFF0, s21;
	s22 =	spop (v2sf);
	s9 =	sadd.s32 s3, s9  }
0x1c8: {  	(v2sf) =	vpush v1, $0x9;
	[tilespmem:s5], [sflag:$0x1] =	stream.linear.gather [hbm4b:s9+s1], $0x80, $0x38;
	[tilespmem:$0x8800] =	vst v63  }
0x1c9: {  	s23 =	sadd.s32 s4, s10;
	s24 =	sand.u32 $0x1FFFFFF0, s22;
	s25 =	spop (v2sf)  }
0x1ca: {  	(v2sf) =	vpush v2, $0xA;
	[tilespmem:s16], [sflag:$0x2] =	stream.linear.gather [hbm4b:s23+s1], $0x80, $0x38;
	[tilespmem:$0x8800] =	vst v63  }
0x1cb: {  	s14 =	simm.s32 $0x780;
	s26 =	sadd.s32 s3, s24;
	s7 =	sand.u32 $0x1FFFFFF0, s25  }
0x1cc: {  	(v2sf) =	vpush v1, $0xA;
	[tilespmem:s18], [sflag:$0x1] =	stream.linear.gather [hbm4b:s26+s1], $0x80, $0x38;
	[tilespmem:$0x8800] =	vst v63  }
0x1cd: {  	s17 =	simm.s32 $0x4780;
	s7 =	sadd.s32 s4, s7;
	s31 =	spop (v2sf)  }
0x1ce: {  	(v2sf) =	vpush v2, $0xB;
	[tilespmem:s30], [sflag:$0x2] =	stream.linear.gather [hbm4b:s7+s1], $0x80, $0x38;
	[tilespmem:$0x8800] =	vst v63  }
0x1cf: {  	s21 =	simm.s32 $0x800;
	s24 =	simm.s32 $0x4800;
	s9 =	sand.u32 $0x1FFFFFF0, s31  }
0x1d0: {  	s30 =	simm.s32 $0x4880;
	s2 =	spop (v2sf);
	(v2sf) =	vpush v1, $0xB;
	s15 =	sadd.s32 s3, s9  }
0x1d1: {  	s16 =	sand.u32 $0x1FFFFFF0, s2;
	s18 =	spop (v2sf);
	s2 =	simm.s32 $0x900  }
0x1d2: {  	[tilespmem:s14], [sflag:$0x1] =	stream.linear.gather [hbm4b:s15+s1], $0x80, $0x38;
	[tilespmem:$0x8800] =	vst v63  }
0x1d3: {  	s9 =	sadd.s32 s4, s16;
	s8 =	sand.u32 $0x1FFFFFF0, s18;
	s22 =	spop (v2sf)  }
0x1d4: {  	[tilespmem:s17], [sflag:$0x2] =	stream.linear.gather [hbm4b:s9+s1], $0x80, $0x38;
	[tilespmem:$0x8800] =	vst v63  }
0x1d5: {  	(v2sf) =	vpush v2, $0xC;
	s8 =	sadd.s32 s3, s8;
	s23 =	spop (v2sf);
	s9 =	sand.u32 $0x1FFFFFF0, s22  }
0x1d6: {  	[tilespmem:s21], [sflag:$0x1] =	stream.linear.gather [hbm4b:s8+s1], $0x80, $0x38;
	[tilespmem:$0x8800] =	vst v63  }
0x1d7: {  	(v2sf) =	vpush v1, $0xC;
	s26 =	sand.u32 $0x1FFFFFF0, s23;
	s31 =	spop (v2sf);
	s25 =	sadd.s32 s4, s9  }
0x1d8: {  	[tilespmem:s24], [sflag:$0x2] =	stream.linear.gather [hbm4b:s25+s1], $0x80, $0x38;
	[tilespmem:$0x8800] =	vst v63  }
0x1d9: {  	s9 =	sadd.s32 s3, s26;
	s14 =	spop (v2sf);
	s8 =	sand.u32 $0x1FFFFFF0, s31  }
0x1da: {  	[tilespmem:s6], [sflag:$0x1] =	stream.linear.gather [hbm4b:s9+s1], $0x80, $0x38;
	[tilespmem:$0x8800] =	vst v63  }
0x1db: {  	s15 =	spop (v2sf);
	s8 =	sadd.s32 s4, s8;
	s9 =	sand.u32 $0x1FFFFFF0, s14  }
0x1dc: {  	[tilespmem:s30], [sflag:$0x2] =	stream.linear.gather [hbm4b:s8+s1], $0x80, $0x38;
	[tilespmem:$0x8800] =	vst v63  }
0x1dd: {  	s17 =	sand.u32 $0x1FFFFFF0, s15;
	s16 =	sadd.s32 s3, s9;
	s18 =	spop (v2sf)  }
0x1de: {  	[tilespmem:s2], [sflag:$0x1] =	stream.linear.gather [hbm4b:s16+s1], $0x80, $0x38;
	[tilespmem:$0x8800] =	vst v63  }
0x1df: {  	s11 =	simm.s32 $0x4A00;
	s21 =	sadd.s32 s4, s17;
	s23 =	spop (v2sf)  }
0x1e0: {  	[tilespmem:s0], [sflag:$0x2] =	stream.linear.gather [hbm4b:s21+s1], $0x80, $0x38;
	[tilespmem:$0x8800] =	vst v63  }
0x1e1: {  	s5 =	simm.s32 $0x4980;
	(v2sf) =	vpush v2, $0xD;
	s22 =	sand.u32 $0x1FFFFFF0, s18;
	s26 =	sand.u32 $0x1FFFFFF0, s23  }
0x1e2: {  	s24 =	simm.s32 $0x980;
	(v2sf) =	vpush v1, $0xD;
	s25 =	sadd.s32 s3, s22;
	s30 =	sadd.s32 s4, s26  }
0x1e3: {  	(v2sf) =	vpush v2, $0xE;
	[tilespmem:s24], [sflag:$0x1] =	stream.linear.gather [hbm4b:s25+s1], $0x80, $0x38;
	[tilespmem:$0x8800] =	vst v63  }
0x1e4: {  	(v2sf) =	vpush v1, $0xE;
	s31 =	spop (v2sf);
	s26 =	simm.s32 $0x4B00;
	s24 =	simm.s32 $0x290  }
0x1e5: {  	(v2sf) =	vpush v2, $0xF;
	[tilespmem:s5], [sflag:$0x2] =	stream.linear.gather [hbm4b:s30+s1], $0x80, $0x38;
	[tilespmem:$0x8800] =	vst v63  }
0x1e6: {  	s25 =	simm.s32 $0x90;
	s0 =	sand.u32 $0x1FFFFFF0, s31;
	(v2sf) =	vpush v1, $0xF;
	s5 =	spop (v2sf)  }
.LBB2_6:
0x1e7: {  	_ =	sdelay $0x4  }
0x1e8: {  	s0 =	sadd.s32 s3, s0;
	s5 =	sand.u32 $0x1FFFFFF0, s5  }
0x1e9: {  	[tilespmem:s29], [sflag:$0x1] =	stream.linear.gather [hbm4b:s0+s1], $0x80, $0x38;
	[tilespmem:$0x8800] =	vst v63  }
0x1ea: {  	s7 =	sadd.s32 s4, s5  }
0x1eb: {  	[tilespmem:s11], [sflag:$0x2] =	stream.linear.gather [hbm4b:s7+s1], $0x80, $0x38;
	[tilespmem:$0x8800] =	vst v63  }
0x1ec: {  	s6 =	spop (v2sf)  }
0x1ed: {  	s8 =	sand.u32 $0x1FFFFFF0, s6;
	s9 =	spop (v2sf)  }
0x1ee: {  	s10 =	sadd.s32 s3, s8;
	s2 =	sand.u32 $0x1FFFFFF0, s9;
	s11 =	spop (v2sf)  }
0x1ef: {  	[tilespmem:s13], [sflag:$0x1] =	stream.linear.gather [hbm4b:s10+s1], $0x80, $0x38;
	[tilespmem:$0x8800] =	vst v63  }
0x1f0: {  	s14 =	sadd.s32 s4, s2;
	s15 =	sand.u32 $0x1FFFFFF0, s11;
	s16 =	spop (v2sf)  }
0x1f1: {  	[tilespmem:s12], [sflag:$0x2] =	stream.linear.gather [hbm4b:s14+s1], $0x80, $0x38;
	[tilespmem:$0x8800] =	vst v63  }
0x1f2: {  	s17 =	sadd.s32 s3, s15;
	s18 =	sand.u32 $0x1FFFFFF0, s16;
	s21 =	spop (v2sf)  }
0x1f3: {  	[tilespmem:s28], [sflag:$0x1] =	stream.linear.gather [hbm4b:s17+s1], $0x80, $0x38;
	[tilespmem:$0x8800] =	vst v63  }
0x1f4: {  	s22 =	sadd.s32 s4, s18;
	s23 =	sand.u32 $0x1FFFFFF0, s21;
	s30 =	spop (v2sf)  }
0x1f5: {  	[tilespmem:s26], [sflag:$0x2] =	stream.linear.gather [hbm4b:s22+s1], $0x80, $0x38;
	[tilespmem:$0x8800] =	vst v63  }
0x1f6: {  	s31 =	sadd.s32 $0xB80, s19;
	s2 =	sadd.s32 s3, s23;
	s5 =	sand.u32 $0x1FFFFFF0, s30  }
0x1f7: {  	[tilespmem:s31], [sflag:$0x1] =	stream.linear.gather [hbm4b:s2+s1], $0x80, $0x38;
	[tilespmem:$0x8800] =	vst v63  }
0x1f8: {  	s5 =	sadd.s32 s4, s5;
	s2 =	sadd.s32 $0x4B80, s19  }
0x1f9: {  	[tilespmem:s2], [sflag:$0x2] =	stream.linear.gather [hbm4b:s5+s1], $0x80, $0x38;
	[tilespmem:$0x8800] =	vst v63  }
0x1fa: {  	v1 =	vld [tilespmem:s25+$0x0];
	_ =	sdelay $0x1  }
0x1fb: {  	v3 =	vld [tilespmem:s24+$0x0];
	_ =	sdelay $0x2  }
0x1fc: {  	v2 =	vshll.u32 v1, $0x4  }
0x1fd: {  	(v2sf) =	vpush v2, $0x0  }
0x1fe: {  	s6 =	smov.u32 s20;
	v1 =	vshll.u32 v3, $0x4  }
0x1ff: {  	s19 =	sshra.s32 s6, $0x2;
	(v2sf) =	vpush v1, $0x0  }
0x200: {  	p0 =	sne.s32 s20, $0xE000;
	s20 =	sadd.s32 $0x2000, s20;
	s31 =	sadd.s32 $0x4400, s19;
	(v2sf) =	vpush v2, $0x1  }
0x201: {  	s0 =	sadd.s32 $0x680, s19;
	s7 =	sadd.s32 $0x880, s19;
	s8 =	sadd.s32 $0x4900, s19  }
0x202: {  	s16 =	sadd.s32 $0x580, s19;
	s15 =	sadd.s32 $0x4580, s19;
	s21 =	sadd.s32 $0x500, s19;
	(v2sf) =	vpush v1, $0x1  }
0x203: {  	s18 =	sadd.s32 $0x4600, s19;
	s13 =	sadd.s32 $0xA80, s19;
	s30 =	sadd.s32 $0x4480, s19  }
0x204: {  	s6 =	sadd.s32 $0x4680, s19;
	s10 =	sadd.s32 $0x700, s19;
	s12 =	sadd.s32 $0x4A80, s19;
	(v2sf) =	vpush v2, $0x2  }
0x205: {  	s14 =	sadd.s32 $0x4700, s19;
	s9 =	sadd.s32 $0x4880, s19;
	s11 =	sadd.s32 $0x900, s19  }
0x206: {  	s17 =	sadd.s32 $0x4800, s19;
	s29 =	sadd.s32 $0xA00, s19;
	[smem:$0x7F4] =	sst s0;
	(v2sf) =	vpush v1, $0x2  }
0x207: {  	s28 =	sadd.s32 $0xB00, s19;
	s26 =	sadd.s32 $0x4B00, s19;
	[dreg:$0xe] =	wrdreg s7  }
0x208: {  	s2 =	sadd.s32 $0x400, s19;
	s5 =	sadd.s32 $0x600, s19;
	[dreg:$0x6] =	wrdreg s8;
	(v2sf) =	vpush v2, $0x3  }
0x209: {  	s7 =	sadd.s32 $0x4A00, s19;
	s0 =	sadd.s32 $0x4500, s19;
	[dreg:$0x16] =	wrdreg s9  }
0x20a: {  	s8 =	sadd.s32 $0x4980, s19;
	[dreg:$0x12] =	wrdreg s11;
	s9 =	sadd.s32 $0x780, s19;
	(v2sf) =	vpush v1, $0x3  }
0x20b: {  	[dreg:$0x1e] =	wrdreg s17;
	s11 =	sadd.s32 $0x480, s19;
	s17 =	sadd.s32 $0x800, s19  }
0x20c: {  	[dreg:$0xa] =	wrdreg s8;
	s8 =	sadd.s32 $0x4780, s19;
	(v2sf) =	vpush v2, $0x4;
	s22 =	spop (v2sf)  }
0x20d: {  	[smem:$0x7F5] =	sst s17;
	s17 =	sand.u32 $0x1FFFFFF0, s22;
	s22 =	sadd.s32 $0x980, s19  }
0x20e: {  	s24 =	sadd.s32 $0x10, s24;
	s23 =	spop (v2sf);
	(v2sf) =	vpush v1, $0x4;
	[dreg:$0x1a] =	wrdreg s22  }
0x20f: {  	s17 =	sadd.s32 s3, s17;
	s22 =	sand.u32 $0x1FFFFFF0, s23;
	s23 =	spop (v2sf)  }
0x210: {  	(v2sf) =	vpush v2, $0x5;
	[tilespmem:s2], [sflag:$0x1] =	stream.linear.gather [hbm4b:s17+s1], $0x80, $0x38;
	[tilespmem:$0x8800] =	vst v63  }
0x211: {  	s17 =	sadd.s32 s4, s22;
	s22 =	sand.u32 $0x1FFFFFF0, s23;
	s23 =	spop (v2sf);
	(v2sf) =	vpush v1, $0x5  }
0x212: {  	[tilespmem:s31], [sflag:$0x2] =	stream.linear.gather [hbm4b:s17+s1], $0x80, $0x38;
	[tilespmem:$0x8800] =	vst v63  }
0x213: {  	s23 =	sand.u32 $0x1FFFFFF0, s23;
	s17 =	sadd.s32 s3, s22;
	s31 =	spop (v2sf);
	(v2sf) =	vpush v2, $0x6  }
0x214: {  	[tilespmem:s11], [sflag:$0x1] =	stream.linear.gather [hbm4b:s17+s1], $0x80, $0x38;
	[tilespmem:$0x8800] =	vst v63  }
0x215: {  	s22 =	spop (v2sf);
	(v2sf) =	vpush v1, $0x6;
	s11 =	sadd.s32 s4, s23;
	s17 =	sand.u32 $0x1FFFFFF0, s31  }
0x216: {  	[tilespmem:s30], [sflag:$0x2] =	stream.linear.gather [hbm4b:s11+s1], $0x80, $0x38;
	[tilespmem:$0x8800] =	vst v63  }
0x217: {  	s31 =	spop (v2sf);
	s23 =	sadd.s32 s3, s17;
	s30 =	sand.u32 $0x1FFFFFF0, s22  }
0x218: {  	(v2sf) =	vpush v2, $0x7;
	[tilespmem:s21], [sflag:$0x1] =	stream.linear.gather [hbm4b:s23+s1], $0x80, $0x38;
	[tilespmem:$0x8800] =	vst v63  }
0x219: {  	s22 =	spop (v2sf);
	s11 =	sadd.s32 s4, s30;
	s21 =	sand.u32 $0x1FFFFFF0, s31  }
0x21a: {  	(v2sf) =	vpush v1, $0x7;
	[tilespmem:s0], [sflag:$0x2] =	stream.linear.gather [hbm4b:s11+s1], $0x80, $0x38;
	[tilespmem:$0x8800] =	vst v63  }
0x21b: {  	s30 =	sand.u32 $0x1FFFFFF0, s22;
	s31 =	spop (v2sf);
	s23 =	sadd.s32 s3, s21  }
0x21c: {  	(v2sf) =	vpush v2, $0x8;
	[tilespmem:s16], [sflag:$0x1] =	stream.linear.gather [hbm4b:s23+s1], $0x80, $0x38;
	[tilespmem:$0x8800] =	vst v63  }
0x21d: {  	s25 =	sadd.s32 $0x10, s25;
	s17 =	sadd.s32 s4, s30;
	s22 =	spop (v2sf)  }
0x21e: {  	[tilespmem:s15], [sflag:$0x2] =	stream.linear.gather [hbm4b:s17+s1], $0x80, $0x38;
	[tilespmem:$0x8800] =	vst v63  }
0x21f: {  	s21 =	sand.u32 $0x1FFFFFF0, s31;
	s11 =	smov.u32 s7;
	s31 =	spop (v2sf)  }
0x220: {  	s23 =	sadd.s32 s3, s21;
	(v2sf) =	vpush v1, $0x8;
	s30 =	sand.u32 $0x1FFFFFF0, s22;
	s17 =	spop (v2sf)  }
0x221: {  	[tilespmem:s5], [sflag:$0x1] =	stream.linear.gather [hbm4b:s23+s1], $0x80, $0x38;
	[tilespmem:$0x8800] =	vst v63  }
0x222: {  	(v2sf) =	vpush v2, $0x9;
	s15 =	sadd.s32 s4, s30;
	s23 =	sld [smem:$0x7F4];
	s22 =	spop (v2sf)  }
0x223: {  	(v2sf) =	vpush v1, $0x9;
	[tilespmem:s18], [sflag:$0x2] =	stream.linear.gather [hbm4b:s15+s1], $0x80, $0x38;
	[tilespmem:$0x8800] =	vst v63  }
0x224: {  	s16 =	sand.u32 $0x1FFFFFF0, s31;
	s21 =	sand.u32 $0x1FFFFFF0, s17;
	s5 =	spop (v2sf)  }
0x225: {  	s30 =	sadd.s32 s4, s21;
	s18 =	sadd.s32 s3, s16;
	s7 =	sand.u32 $0x1FFFFFF0, s5  }
0x226: {  	[tilespmem:s23], [sflag:$0x1] =	stream.linear.gather [hbm4b:s18+s1], $0x80, $0x38;
	[tilespmem:$0x8800] =	vst v63  }
0x227: {  	(v2sf) =	vpush v2, $0xA;
	s31 =	sand.u32 $0x1FFFFFF0, s22;
	s15 =	spop (v2sf);
	s16 =	sadd.s32 s4, s7  }
0x228: {  	[tilespmem:s6], [sflag:$0x2] =	stream.linear.gather [hbm4b:s30+s1], $0x80, $0x38;
	[tilespmem:$0x8800] =	vst v63  }
0x229: {  	(v2sf) =	vpush v1, $0xA;
	s17 =	sand.u32 $0x1FFFFFF0, s15;
	s18 =	spop (v2sf);
	s6 =	sadd.s32 s3, s31  }
0x22a: {  	[tilespmem:s10], [sflag:$0x1] =	stream.linear.gather [hbm4b:s6+s1], $0x80, $0x38;
	[tilespmem:$0x8800] =	vst v63  }
0x22b: {  	s21 =	sadd.s32 s3, s17;
	s22 =	sand.u32 $0x1FFFFFF0, s18;
	s23 =	spop (v2sf)  }
0x22c: {  	[tilespmem:s14], [sflag:$0x2] =	stream.linear.gather [hbm4b:s16+s1], $0x80, $0x38;
	[tilespmem:$0x8800] =	vst v63  }
0x22d: {  	(v2sf) =	vpush v2, $0xB;
	s30 =	sadd.s32 s4, s22;
	s22 =	rddreg [dreg:$0xe];
	s31 =	sand.u32 $0x1FFFFFF0, s23  }
0x22e: {  	[tilespmem:s9], [sflag:$0x1] =	stream.linear.gather [hbm4b:s21+s1], $0x80, $0x38;
	[tilespmem:$0x8800] =	vst v63  }
0x22f: {  	(v2sf) =	vpush v1, $0xB;
	s6 =	sadd.s32 s3, s31;
	s5 =	spop (v2sf);
	s9 =	sld [smem:$0x7F5]  }
0x230: {  	(v2sf) =	vpush v2, $0xC;
	[tilespmem:s8], [sflag:$0x2] =	stream.linear.gather [hbm4b:s30+s1], $0x80, $0x38;
	[tilespmem:$0x8800] =	vst v63  }
0x231: {  	s16 =	rddreg [dreg:$0x1e];
	s7 =	sand.u32 $0x1FFFFFF0, s5;
	s8 =	spop (v2sf)  }
0x232: {  	(v2sf) =	vpush v1, $0xC;
	s10 =	sadd.s32 s4, s7;
	s14 =	sand.u32 $0x1FFFFFF0, s8;
	s15 =	spop (v2sf)  }
0x233: {  	[tilespmem:s9], [sflag:$0x1] =	stream.linear.gather [hbm4b:s6+s1], $0x80, $0x38;
	[tilespmem:$0x8800] =	vst v63  }
0x234: {  	s7 =	rddreg [dreg:$0x16];
	s17 =	sadd.s32 s3, s14;
	s18 =	sand.u32 $0x1FFFFFF0, s15  }
0x235: {  	[tilespmem:s16], [sflag:$0x2] =	stream.linear.gather [hbm4b:s10+s1], $0x80, $0x38;
	[tilespmem:$0x8800] =	vst v63  }
0x236: {  	s21 =	spop (v2sf);
	s14 =	rddreg [dreg:$0x12];
	s23 =	sadd.s32 s4, s18  }
0x237: {  	[tilespmem:s22], [sflag:$0x1] =	stream.linear.gather [hbm4b:s17+s1], $0x80, $0x38;
	[tilespmem:$0x8800] =	vst v63  }
0x238: {  	s30 =	sand.u32 $0x1FFFFFF0, s21;
	s31 =	spop (v2sf);
	s18 =	rddreg [dreg:$0x6]  }
0x239: {  	[tilespmem:s7], [sflag:$0x2] =	stream.linear.gather [hbm4b:s23+s1], $0x80, $0x38;
	[tilespmem:$0x8800] =	vst v63  }
0x23a: {  	s8 =	sadd.s32 s3, s30;
	s9 =	sand.u32 $0x1FFFFFF0, s31;
	s30 =	rddreg [dreg:$0x1a]  }
0x23b: {  	[tilespmem:s14], [sflag:$0x1] =	stream.linear.gather [hbm4b:s8+s1], $0x80, $0x38;
	[tilespmem:$0x8800] =	vst v63  }
0x23c: {  	s10 =	spop (v2sf);
	s31 =	rddreg [dreg:$0xa];
	s15 =	sadd.s32 s4, s9  }
0x23d: {  	(v2sf) =	vpush v2, $0xD;
	[tilespmem:s18], [sflag:$0x2] =	stream.linear.gather [hbm4b:s15+s1], $0x80, $0x38;
	[tilespmem:$0x8800] =	vst v63  }
.Ltmp2:
0x23e: {  	(v2sf) =	vpush v1, $0xD;
	s16 =	sand.u32 $0x1FFFFFF0, s10;
	s17 =	spop (v2sf);
	(pc) =	sbr.rel @p0 .LBB2_6-.Ltmp2, $4  }
0x23f: {  	(v2sf) =	vpush v2, $0xE;
	s21 =	sadd.s32 s3, s16;
	s22 =	sand.u32 $0x1FFFFFF0, s17;
	s23 =	spop (v2sf)  }
0x240: {  	(v2sf) =	vpush v1, $0xE;
	[tilespmem:s30], [sflag:$0x1] =	stream.linear.gather [hbm4b:s21+s1], $0x80, $0x38;
	[tilespmem:$0x8800] =	vst v63  }
0x241: {  	(v2sf) =	vpush v2, $0xF;
	s2 =	sadd.s32 s4, s22;
	s0 =	sand.u32 $0x1FFFFFF0, s23;
	s5 =	spop (v2sf)  }
0x242: {  	(v2sf) =	vpush v1, $0xF;
	[tilespmem:s31], [sflag:$0x2] =	stream.linear.gather [hbm4b:s2+s1], $0x80, $0x38;
	[tilespmem:$0x8800] =	vst v63  }
0x243: {  	_ =	sdelay $0x4  }
0x244: {  	s0 =	sadd.s32 s3, s0;
	s2 =	sand.u32 $0x1FFFFFF0, s5  }
0x245: {  	[tilespmem:s29], [sflag:$0x1] =	stream.linear.gather [hbm4b:s0+s1], $0x80, $0x38;
	[tilespmem:$0x8800] =	vst v63  }
0x246: {  	s2 =	sadd.s32 s4, s2  }
0x247: {  	[tilespmem:s11], [sflag:$0x2] =	stream.linear.gather [hbm4b:s2+s1], $0x80, $0x38;
	[tilespmem:$0x8800] =	vst v63  }
0x248: {  	s31 =	spop (v2sf)  }
0x249: {  	s22 =	sadd.s32 $0xB80, s19;
	s6 =	sand.u32 $0x1FFFFFF0, s31;
	s7 =	spop (v2sf)  }
0x24a: {  	s8 =	sadd.s32 s3, s6;
	s9 =	sand.u32 $0x1FFFFFF0, s7;
	s10 =	spop (v2sf)  }
0x24b: {  	[tilespmem:s13], [sflag:$0x1] =	stream.linear.gather [hbm4b:s8+s1], $0x80, $0x38;
	[tilespmem:$0x8800] =	vst v63  }
0x24c: {  	s11 =	sadd.s32 s4, s9;
	s13 =	sand.u32 $0x1FFFFFF0, s10;
	s14 =	spop (v2sf)  }
0x24d: {  	[tilespmem:s12], [sflag:$0x2] =	stream.linear.gather [hbm4b:s11+s1], $0x80, $0x38;
	[tilespmem:$0x8800] =	vst v63  }
0x24e: {  	s15 =	sadd.s32 s3, s13;
	s16 =	sand.u32 $0x1FFFFFF0, s14;
	s17 =	spop (v2sf)  }
0x24f: {  	[tilespmem:s28], [sflag:$0x1] =	stream.linear.gather [hbm4b:s15+s1], $0x80, $0x38;
	[tilespmem:$0x8800] =	vst v63  }
0x250: {  	s18 =	sadd.s32 s4, s16;
	s20 =	sand.u32 $0x1FFFFFF0, s17;
	s21 =	spop (v2sf)  }
0x251: {  	[tilespmem:s26], [sflag:$0x2] =	stream.linear.gather [hbm4b:s18+s1], $0x80, $0x38;
	[tilespmem:$0x8800] =	vst v63  }
0x252: {  	s23 =	sadd.s32 $0x4B80, s19;
	s2 =	sadd.s32 s3, s20;
	s5 =	sand.u32 $0x1FFFFFF0, s21  }
0x253: {  	[tilespmem:s22], [sflag:$0x1] =	stream.linear.gather [hbm4b:s2+s1], $0x80, $0x38;
	[tilespmem:$0x8800] =	vst v63  }
0x254: {  	s25 =	simm.s32 $0x0;
	s24 =	sadd.s32 s4, s5;
	s26 =	simm.s32 $0x1  }
0x255: {  	v1 =	vmov s25;
	[tilespmem:s23], [sflag:$0x2] =	stream.linear.gather [hbm4b:s24+s1], $0x80, $0x38;
	[tilespmem:$0x8800] =	vst v63  }
0x256: {  	v1 =	vshll.u32 v1, $0x7;
	_ =	swait.ge [sflag:s26], $0x4000  }
0x257: {  	v1 =	vor.u32 v0, v1;
	[sflag:s26] =	ssyncset.done $0x0  }
0x258: {  	s28 =	simm.s32 $0x2;
	[sflag:s26] =	ssyncadd.s32 $0xFFFFC000  }
0x259: {  	v2 =	vor.u32 $0x1, v1;
	_ =	swait.ge [sflag:s28], $0x4000  }
0x25a: {  	[sflag:s28] =	ssyncset.done $0x0  }
0x25b: {  	v3 =	vor.u32 $0x2, v1;
	s5 =	simm.s32 $0x4400;
	[sflag:s28] =	ssyncadd.s32 $0xFFFFC000  }
0x25c: {  	s2 =	simm.s32 $0x400;
	v4 =	vld.idx.msk [tilespmem:v1+s5+$0x0], $0xffff  }
0x25d: {  	v6 =	vor.u32 $0x3, v1;
	v5 =	vld.idx.msk [tilespmem:v1+s2+$0x0], $0xffff  }
0x25e: {  	v7 =	vld.idx.msk [tilespmem:v2+s2+$0x0], $0xffff  }
0x25f: {  	v8 =	vor.u32 $0x4, v1;
	v2 =	vld.idx.msk [tilespmem:v2+s5+$0x0], $0xffff  }
0x260: {  	v9 =	vld.idx.msk [tilespmem:v3+s2+$0x0], $0xffff  }
0x261: {  	v10 =	vor.u32 $0x5, v1;
	v3 =	vld.idx.msk [tilespmem:v3+s5+$0x0], $0xffff  }
0x262: {  	v11 =	vld.idx.msk [tilespmem:v6+s2+$0x0], $0xffff;
	v4 =	vmul.f32 v4, v5  }
0x263: {  	v40 =	vor.u32 $0x6, v1;
	v39 =	vld.idx.msk [tilespmem:v6+s5+$0x0], $0xffff  }
0x264: {  	v12 =	vld.idx.msk [tilespmem:v8+s2+$0x0], $0xffff;
	v2 =	vmul.f32 v2, v7;
	v4 =	vadd.f32 $0.0e+00, v4  }
0x265: {  	v42 =	vor.u32 $0x7, v1;
	v41 =	vld.idx.msk [tilespmem:v8+s5+$0x0], $0xffff  }
0x266: {  	v13 =	vld.idx.msk [tilespmem:v10+s2+$0x0], $0xffff;
	v3 =	vmul.f32 v3, v9;
	v2 =	vadd.f32 v2, v4  }
0x267: {  	v44 =	vor.u32 $0x8, v1;
	v43 =	vld.idx.msk [tilespmem:v10+s5+$0x0], $0xffff  }
0x268: {  	v45 =	vld.idx.msk [tilespmem:v40+s2+$0x0], $0xffff;
	v2 =	vadd.f32 v3, v2;
	v3 =	vmul.f32 v39, v11  }
0x269: {  	v47 =	vor.u32 $0x9, v1;
	v46 =	vld.idx.msk [tilespmem:v40+s5+$0x0], $0xffff  }
0x26a: {  	v48 =	vld.idx.msk [tilespmem:v42+s2+$0x0], $0xffff;
	v2 =	vadd.f32 v3, v2;
	v3 =	vmul.f32 v41, v12  }
0x26b: {  	v50 =	vor.u32 $0xA, v1;
	v49 =	vld.idx.msk [tilespmem:v42+s5+$0x0], $0xffff  }
0x26c: {  	v51 =	vld.idx.msk [tilespmem:v44+s2+$0x0], $0xffff;
	v2 =	vadd.f32 v3, v2;
	v3 =	vmul.f32 v43, v13  }
0x26d: {  	v53 =	vor.u32 $0xB, v1;
	v52 =	vld.idx.msk [tilespmem:v44+s5+$0x0], $0xffff  }
0x26e: {  	v54 =	vld.idx.msk [tilespmem:v47+s2+$0x0], $0xffff;
	v2 =	vadd.f32 v3, v2;
	v3 =	vmul.f32 v46, v45  }
0x26f: {  	v56 =	vor.u32 $0xC, v1;
	v55 =	vld.idx.msk [tilespmem:v47+s5+$0x0], $0xffff  }
0x270: {  	v57 =	vld.idx.msk [tilespmem:v50+s2+$0x0], $0xffff;
	v2 =	vadd.f32 v3, v2;
	v3 =	vmul.f32 v49, v48  }
0x271: {  	v59 =	vor.u32 $0xD, v1;
	v58 =	vld.idx.msk [tilespmem:v50+s5+$0x0], $0xffff  }
0x272: {  	v60 =	vld.idx.msk [tilespmem:v53+s2+$0x0], $0xffff;
	v2 =	vadd.f32 v3, v2;
	v3 =	vmul.f32 v52, v51  }
0x273: {  	v62 =	vor.u32 $0xE, v1;
	v61 =	vld.idx.msk [tilespmem:v53+s5+$0x0], $0xffff  }
0x274: {  	v63 =	vld.idx.msk [tilespmem:v56+s2+$0x0], $0xffff;
	v2 =	vadd.f32 v3, v2;
	v3 =	vmul.f32 v55, v54  }
0x275: {  	v15 =	vld.idx.msk [tilespmem:v56+s5+$0x0], $0xffff;
	v1 =	vor.u32 $0xF, v1  }
0x276: {  	v16 =	vld.idx.msk [tilespmem:v59+s2+$0x0], $0xffff;
	v2 =	vadd.f32 v3, v2;
	v3 =	vmul.f32 v58, v57  }
0x277: {  	v17 =	vld.idx.msk [tilespmem:v59+s5+$0x0], $0xffff  }
0x278: {  	v18 =	vld.idx.msk [tilespmem:v62+s2+$0x0], $0xffff;
	v2 =	vadd.f32 v3, v2;
	v3 =	vmul.f32 v61, v60  }
0x279: {  	v19 =	vld.idx.msk [tilespmem:v62+s5+$0x0], $0xffff  }
0x27a: {  	v20 =	vld.idx.msk [tilespmem:v1+s2+$0x0], $0xffff;
	v2 =	vadd.f32 v3, v2;
	v3 =	vmul.f32 v15, v63  }
0x27b: {  	v1 =	vld.idx.msk [tilespmem:v1+s5+$0x0], $0xffff  }
0x27c: {  	v2 =	vadd.f32 v3, v2;
	v3 =	vmul.f32 v17, v16;
	_ =	sdelay $0x1  }
0x27d: {  	s29 =	simm.s32 $0x8480;
	v2 =	vadd.f32 v3, v2;
	v3 =	vmul.f32 v19, v18  }
0x27e: {  	v21 =	vld [tilespmem:s29+$0x0]  }
0x27f: {  	v1 =	vmul.f32 v1, v20;
	v2 =	vadd.f32 v3, v2;
	_ =	sdelay $0x1  }
0x280: {  	v1 =	vadd.f32 v1, v2;
	_ =	sdelay $0x1  }
0x281: {  	v1 =	vsub.f32 v21, v1;
	_ =	sdelay $0x1  }
0x282: {  	v1 =	vadd.f32 $0.0e+00, v1;
	_ =	sdelay $0x1  }
0x283: {  	v1 =	vmul.f32 $1.442695020e+00, v1;
	_ =	sdelay $0x1  }
0x284: {  	(erf) = vpow2.f32 v1;
	_ =	sdelay $0x8  }
0x285: {  	v1 =	vpop (erf)  }
0x286: {  	v1 =	vadd.f32 $1.000000000e+00, v1;
	_ =	sdelay $0x1  }
0x287: {  	(erf) = vrcp.f32 v1;
	_ =	sdelay $0x2  }
0x288: {  	s30 =	simm.s32 $0x10  }
0x289: {  	v1 =	vmov s30  }
0x28a: {  	v1 =	vshll.u32 v1, $0x7  }
0x28b: {  	v1 =	vor.u32 v0, v1;
	_ =	sdelay $0x1  }
0x28c: {  	v2 =	vor.u32 $0x1, v1  }
0x28d: {  	s19 =	simm.s32 $0x8680;
	v3 =	vpop (erf)  }
0x28e: {  	v22 =	vor.u32 $0x2, v1;
	[tilespmem:s19+$0x0] =	vst v3  }
0x28f: {  	v3 =	vld.idx.msk [tilespmem:v1+s5+$0x0], $0xffff  }
0x290: {  	v24 =	vor.u32 $0x3, v1;
	v23 =	vld.idx.msk [tilespmem:v1+s2+$0x0], $0xffff  }
0x291: {  	v25 =	vld.idx.msk [tilespmem:v2+s2+$0x0], $0xffff  }
0x292: {  	v26 =	vor.u32 $0x4, v1;
	v2 =	vld.idx.msk [tilespmem:v2+s5+$0x0], $0xffff  }
0x293: {  	v27 =	vld.idx.msk [tilespmem:v22+s2+$0x0], $0xffff  }
0x294: {  	v28 =	vor.u32 $0x5, v1;
	v4 =	vld.idx.msk [tilespmem:v22+s5+$0x0], $0xffff  }
0x295: {  	v29 =	vld.idx.msk [tilespmem:v24+s2+$0x0], $0xffff;
	v3 =	vmul.f32 v3, v23  }
0x296: {  	v31 =	vor.u32 $0x6, v1;
	v30 =	vld.idx.msk [tilespmem:v24+s5+$0x0], $0xffff  }
0x297: {  	v32 =	vld.idx.msk [tilespmem:v26+s2+$0x0], $0xffff;
	v2 =	vmul.f32 v2, v25;
	v3 =	vadd.f32 $0.0e+00, v3  }
0x298: {  	v34 =	vor.u32 $0x7, v1;
	v33 =	vld.idx.msk [tilespmem:v26+s5+$0x0], $0xffff  }
0x299: {  	v35 =	vld.idx.msk [tilespmem:v28+s2+$0x0], $0xffff;
	v2 =	vadd.f32 v2, v3;
	v3 =	vmul.f32 v4, v27  }
0x29a: {  	v37 =	vor.u32 $0x8, v1;
	v36 =	vld.idx.msk [tilespmem:v28+s5+$0x0], $0xffff  }
0x29b: {  	v38 =	vld.idx.msk [tilespmem:v31+s2+$0x0], $0xffff;
	v2 =	vadd.f32 v3, v2;
	v3 =	vmul.f32 v30, v29  }
0x29c: {  	v40 =	vor.u32 $0x9, v1;
	v39 =	vld.idx.msk [tilespmem:v31+s5+$0x0], $0xffff  }
0x29d: {  	v41 =	vld.idx.msk [tilespmem:v34+s2+$0x0], $0xffff;
	v2 =	vadd.f32 v3, v2;
	v3 =	vmul.f32 v33, v32  }
0x29e: {  	v43 =	vor.u32 $0xA, v1;
	v42 =	vld.idx.msk [tilespmem:v34+s5+$0x0], $0xffff  }
0x29f: {  	v44 =	vld.idx.msk [tilespmem:v37+s2+$0x0], $0xffff;
	v2 =	vadd.f32 v3, v2;
	v3 =	vmul.f32 v36, v35  }
0x2a0: {  	v46 =	vor.u32 $0xB, v1;
	v45 =	vld.idx.msk [tilespmem:v37+s5+$0x0], $0xffff  }
0x2a1: {  	v47 =	vld.idx.msk [tilespmem:v40+s2+$0x0], $0xffff;
	v2 =	vadd.f32 v3, v2;
	v3 =	vmul.f32 v39, v38  }
0x2a2: {  	v49 =	vor.u32 $0xC, v1;
	v48 =	vld.idx.msk [tilespmem:v40+s5+$0x0], $0xffff  }
0x2a3: {  	v50 =	vld.idx.msk [tilespmem:v43+s2+$0x0], $0xffff;
	v2 =	vadd.f32 v3, v2;
	v3 =	vmul.f32 v42, v41  }
0x2a4: {  	v52 =	vor.u32 $0xD, v1;
	v51 =	vld.idx.msk [tilespmem:v43+s5+$0x0], $0xffff  }
0x2a5: {  	v53 =	vld.idx.msk [tilespmem:v46+s2+$0x0], $0xffff;
	v2 =	vadd.f32 v3, v2;
	v3 =	vmul.f32 v45, v44  }
0x2a6: {  	v55 =	vor.u32 $0xE, v1;
	v54 =	vld.idx.msk [tilespmem:v46+s5+$0x0], $0xffff  }
0x2a7: {  	v56 =	vld.idx.msk [tilespmem:v49+s2+$0x0], $0xffff;
	v2 =	vadd.f32 v3, v2;
	v3 =	vmul.f32 v48, v47  }
0x2a8: {  	v57 =	vld.idx.msk [tilespmem:v49+s5+$0x0], $0xffff;
	v1 =	vor.u32 $0xF, v1  }
0x2a9: {  	v58 =	vld.idx.msk [tilespmem:v52+s2+$0x0], $0xffff;
	v2 =	vadd.f32 v3, v2;
	v3 =	vmul.f32 v51, v50  }
0x2aa: {  	v59 =	vld.idx.msk [tilespmem:v52+s5+$0x0], $0xffff  }
0x2ab: {  	v60 =	vld.idx.msk [tilespmem:v55+s2+$0x0], $0xffff;
	v2 =	vadd.f32 v3, v2;
	v3 =	vmul.f32 v54, v53  }
0x2ac: {  	v61 =	vld.idx.msk [tilespmem:v55+s5+$0x0], $0xffff  }
0x2ad: {  	v62 =	vld.idx.msk [tilespmem:v1+s2+$0x0], $0xffff;
	v2 =	vadd.f32 v3, v2;
	v3 =	vmul.f32 v57, v56  }
0x2ae: {  	v1 =	vld.idx.msk [tilespmem:v1+s5+$0x0], $0xffff  }
0x2af: {  	v2 =	vadd.f32 v3, v2;
	v3 =	vmul.f32 v59, v58;
	_ =	sdelay $0x1  }
0x2b0: {  	s20 =	simm.s32 $0x8490;
	v2 =	vadd.f32 v3, v2;
	v3 =	vmul.f32 v61, v60  }
0x2b1: {  	v63 =	vld [tilespmem:s20+$0x0]  }
0x2b2: {  	v1 =	vmul.f32 v1, v62;
	v2 =	vadd.f32 v3, v2;
	_ =	sdelay $0x1  }
0x2b3: {  	v1 =	vadd.f32 v1, v2;
	_ =	sdelay $0x1  }
0x2b4: {  	v1 =	vsub.f32 v63, v1;
	_ =	sdelay $0x1  }
0x2b5: {  	v1 =	vadd.f32 $0.0e+00, v1;
	_ =	sdelay $0x1  }
0x2b6: {  	v1 =	vmul.f32 $1.442695020e+00, v1;
	_ =	sdelay $0x1  }
0x2b7: {  	(erf) = vpow2.f32 v1;
	_ =	sdelay $0x8  }
0x2b8: {  	v1 =	vpop (erf)  }
0x2b9: {  	v1 =	vadd.f32 $1.000000000e+00, v1;
	_ =	sdelay $0x1  }
0x2ba: {  	(erf) = vrcp.f32 v1;
	_ =	sdelay $0x2  }
0x2bb: {  	s31 =	simm.s32 $0x20  }
0x2bc: {  	v2 =	vmov s31  }
0x2bd: {  	s0 =	simm.s32 $0x30;
	v1 =	vshll.u32 v2, $0x7  }
.LBB2_8:
0x2be: {  	p0 =	sne.s32 s0, $0x70;
	v1 =	vor.u32 v0, v1;
	_ =	sdelay $0x1  }
0x2bf: {  	v2 =	vor.u32 $0x1, v1  }
0x2c0: {  	s19 =	sadd.s32 $0x10, s19;
	v3 =	vpop (erf)  }
0x2c1: {  	v4 =	vor.u32 $0x2, v1;
	[tilespmem:s19+$0x0] =	vst v3  }
0x2c2: {  	v3 =	vld.idx.msk [tilespmem:v1+s5+$0x0], $0xffff  }
0x2c3: {  	v6 =	vor.u32 $0x3, v1;
	v5 =	vld.idx.msk [tilespmem:v1+s2+$0x0], $0xffff  }
0x2c4: {  	v7 =	vld.idx.msk [tilespmem:v2+s2+$0x0], $0xffff  }
0x2c5: {  	v8 =	vor.u32 $0x4, v1;
	v2 =	vld.idx.msk [tilespmem:v2+s5+$0x0], $0xffff  }
0x2c6: {  	v9 =	vld.idx.msk [tilespmem:v4+s2+$0x0], $0xffff  }
0x2c7: {  	v10 =	vor.u32 $0x5, v1;
	v4 =	vld.idx.msk [tilespmem:v4+s5+$0x0], $0xffff  }
0x2c8: {  	v11 =	vld.idx.msk [tilespmem:v6+s2+$0x0], $0xffff  }
0x2c9: {  	v3 =	vmul.f32 v3, v5;
	v5 =	vld.idx.msk [tilespmem:v6+s5+$0x0], $0xffff;
	v6 =	vor.u32 $0x6, v1  }
0x2ca: {  	v12 =	vld.idx.msk [tilespmem:v8+s2+$0x0], $0xffff  }
0x2cb: {  	v3 =	vadd.f32 $0.0e+00, v3;
	v2 =	vmul.f32 v2, v7;
	v7 =	vld.idx.msk [tilespmem:v8+s5+$0x0], $0xffff;
	v8 =	vor.u32 $0x7, v1  }
0x2cc: {  	v13 =	vld.idx.msk [tilespmem:v10+s2+$0x0], $0xffff  }
0x2cd: {  	v2 =	vadd.f32 v2, v3;
	v3 =	vmul.f32 v4, v9;
	v9 =	vor.u32 $0x8, v1;
	v4 =	vld.idx.msk [tilespmem:v10+s5+$0x0], $0xffff  }
0x2ce: {  	v10 =	vld.idx.msk [tilespmem:v6+s2+$0x0], $0xffff  }
0x2cf: {  	v2 =	vadd.f32 v3, v2;
	v3 =	vmul.f32 v5, v11;
	v5 =	vld.idx.msk [tilespmem:v6+s5+$0x0], $0xffff;
	v6 =	vor.u32 $0x9, v1  }
0x2d0: {  	v11 =	vld.idx.msk [tilespmem:v8+s2+$0x0], $0xffff  }
0x2d1: {  	v2 =	vadd.f32 v3, v2;
	v3 =	vmul.f32 v7, v12;
	v7 =	vld.idx.msk [tilespmem:v8+s5+$0x0], $0xffff;
	v8 =	vor.u32 $0xA, v1  }
0x2d2: {  	v12 =	vld.idx.msk [tilespmem:v9+s2+$0x0], $0xffff  }
0x2d3: {  	v2 =	vadd.f32 v3, v2;
	v3 =	vmul.f32 v4, v13;
	v4 =	vld.idx.msk [tilespmem:v9+s5+$0x0], $0xffff;
	v9 =	vor.u32 $0xB, v1  }
0x2d4: {  	v13 =	vld.idx.msk [tilespmem:v6+s2+$0x0], $0xffff  }
0x2d5: {  	v2 =	vadd.f32 v3, v2;
	v3 =	vmul.f32 v5, v10;
	v5 =	vld.idx.msk [tilespmem:v6+s5+$0x0], $0xffff;
	v6 =	vor.u32 $0xC, v1  }
0x2d6: {  	v10 =	vld.idx.msk [tilespmem:v8+s2+$0x0], $0xffff  }
0x2d7: {  	v2 =	vadd.f32 v3, v2;
	v3 =	vmul.f32 v7, v11;
	v7 =	vld.idx.msk [tilespmem:v8+s5+$0x0], $0xffff;
	v8 =	vor.u32 $0xD, v1  }
0x2d8: {  	v11 =	vld.idx.msk [tilespmem:v9+s2+$0x0], $0xffff  }
0x2d9: {  	v2 =	vadd.f32 v3, v2;
	v3 =	vmul.f32 v4, v12;
	v4 =	vld.idx.msk [tilespmem:v9+s5+$0x0], $0xffff;
	v9 =	vor.u32 $0xE, v1  }
0x2da: {  	v12 =	vld.idx.msk [tilespmem:v6+s2+$0x0], $0xffff  }
0x2db: {  	v1 =	vor.u32 $0xF, v1;
	v2 =	vadd.f32 v3, v2;
	v3 =	vmul.f32 v5, v13;
	v5 =	vld.idx.msk [tilespmem:v6+s5+$0x0], $0xffff  }
0x2dc: {  	v6 =	vld.idx.msk [tilespmem:v8+s2+$0x0], $0xffff  }
0x2dd: {  	v2 =	vadd.f32 v3, v2;
	v3 =	vmul.f32 v7, v10;
	v7 =	vld.idx.msk [tilespmem:v8+s5+$0x0], $0xffff  }
0x2de: {  	v8 =	vld.idx.msk [tilespmem:v9+s2+$0x0], $0xffff  }
0x2df: {  	v2 =	vadd.f32 v3, v2;
	v3 =	vmul.f32 v4, v11;
	v4 =	vld.idx.msk [tilespmem:v9+s5+$0x0], $0xffff  }
0x2e0: {  	v9 =	vld.idx.msk [tilespmem:v1+s2+$0x0], $0xffff  }
0x2e1: {  	v2 =	vadd.f32 v3, v2;
	v3 =	vmul.f32 v5, v12;
	v1 =	vld.idx.msk [tilespmem:v1+s5+$0x0], $0xffff;
	_ =	sdelay $0x1  }
0x2e2: {  	v2 =	vadd.f32 v3, v2;
	v3 =	vmul.f32 v7, v6;
	_ =	sdelay $0x1  }
0x2e3: {  	s20 =	sadd.s32 $0x10, s20;
	v2 =	vadd.f32 v3, v2;
	v3 =	vmul.f32 v4, v8  }
0x2e4: {  	v4 =	vld [tilespmem:s20+$0x0]  }
0x2e5: {  	v2 =	vadd.f32 v3, v2;
	v1 =	vmul.f32 v1, v9;
	_ =	sdelay $0x1  }
0x2e6: {  	v1 =	vadd.f32 v1, v2;
	_ =	sdelay $0x1  }
0x2e7: {  	v1 =	vsub.f32 v4, v1;
	_ =	sdelay $0x1  }
0x2e8: {  	v1 =	vadd.f32 $0.0e+00, v1;
	_ =	sdelay $0x1  }
0x2e9: {  	v1 =	vmul.f32 $1.442695020e+00, v1;
	_ =	sdelay $0x1  }
0x2ea: {  	(erf) = vpow2.f32 v1;
	_ =	sdelay $0x8  }
0x2eb: {  	v1 =	vpop (erf)  }
0x2ec: {  	v1 =	vadd.f32 $1.000000000e+00, v1;
	_ =	sdelay $0x1  }
0x2ed: {  	(erf) = vrcp.f32 v1  }
.Ltmp3:
0x2ee: {  	(pc) =	sbr.rel @p0 .LBB2_8-.Ltmp3, $3  }
0x2ef: {  	_ =	sdelay $0x1  }
0x2f0: {  	v1 =	vmov s0  }
0x2f1: {  	s0 =	sadd.s32 $0x10, s0;
	v1 =	vshll.u32 v1, $0x7  }
0x2f2: {  	v1 =	vor.u32 v0, v1;
	_ =	sdelay $0x1  }
0x2f3: {  	v2 =	vor.u32 $0x1, v1  }
0x2f4: {  	s0 =	sadd.s32 $0x10, s19;
	v3 =	vpop (erf)  }
0x2f5: {  	v4 =	vor.u32 $0x2, v1;
	[tilespmem:s0+$0x0] =	vst v3  }
0x2f6: {  	v3 =	vld.idx.msk [tilespmem:v1+s5+$0x0], $0xffff  }
0x2f7: {  	v6 =	vor.u32 $0x3, v1;
	v5 =	vld.idx.msk [tilespmem:v1+s2+$0x0], $0xffff  }
0x2f8: {  	v7 =	vld.idx.msk [tilespmem:v2+s2+$0x0], $0xffff  }
0x2f9: {  	v8 =	vor.u32 $0x4, v1;
	v2 =	vld.idx.msk [tilespmem:v2+s5+$0x0], $0xffff  }
0x2fa: {  	v9 =	vld.idx.msk [tilespmem:v4+s2+$0x0], $0xffff  }
0x2fb: {  	v10 =	vor.u32 $0x5, v1;
	v4 =	vld.idx.msk [tilespmem:v4+s5+$0x0], $0xffff  }
0x2fc: {  	v11 =	vld.idx.msk [tilespmem:v6+s2+$0x0], $0xffff;
	v3 =	vmul.f32 v3, v5  }
0x2fd: {  	v33 =	vor.u32 $0x6, v1;
	v32 =	vld.idx.msk [tilespmem:v6+s5+$0x0], $0xffff  }
0x2fe: {  	v12 =	vld.idx.msk [tilespmem:v8+s2+$0x0], $0xffff;
	v2 =	vmul.f32 v2, v7;
	v3 =	vadd.f32 $0.0e+00, v3  }
0x2ff: {  	v35 =	vor.u32 $0x7, v1;
	v34 =	vld.idx.msk [tilespmem:v8+s5+$0x0], $0xffff  }
0x300: {  	v13 =	vld.idx.msk [tilespmem:v10+s2+$0x0], $0xffff;
	v2 =	vadd.f32 v2, v3;
	v3 =	vmul.f32 v4, v9  }
0x301: {  	v37 =	vor.u32 $0x8, v1;
	v36 =	vld.idx.msk [tilespmem:v10+s5+$0x0], $0xffff  }
0x302: {  	v38 =	vld.idx.msk [tilespmem:v33+s2+$0x0], $0xffff;
	v2 =	vadd.f32 v3, v2;
	v3 =	vmul.f32 v32, v11  }
0x303: {  	v40 =	vor.u32 $0x9, v1;
	v39 =	vld.idx.msk [tilespmem:v33+s5+$0x0], $0xffff  }
0x304: {  	v41 =	vld.idx.msk [tilespmem:v35+s2+$0x0], $0xffff;
	v2 =	vadd.f32 v3, v2;
	v3 =	vmul.f32 v34, v12  }
0x305: {  	v43 =	vor.u32 $0xA, v1;
	v42 =	vld.idx.msk [tilespmem:v35+s5+$0x0], $0xffff  }
0x306: {  	v44 =	vld.idx.msk [tilespmem:v37+s2+$0x0], $0xffff;
	v2 =	vadd.f32 v3, v2;
	v3 =	vmul.f32 v36, v13  }
0x307: {  	v46 =	vor.u32 $0xB, v1;
	v45 =	vld.idx.msk [tilespmem:v37+s5+$0x0], $0xffff  }
0x308: {  	v47 =	vld.idx.msk [tilespmem:v40+s2+$0x0], $0xffff;
	v2 =	vadd.f32 v3, v2;
	v3 =	vmul.f32 v39, v38  }
0x309: {  	v49 =	vor.u32 $0xC, v1;
	v48 =	vld.idx.msk [tilespmem:v40+s5+$0x0], $0xffff  }
0x30a: {  	v50 =	vld.idx.msk [tilespmem:v43+s2+$0x0], $0xffff;
	v2 =	vadd.f32 v3, v2;
	v3 =	vmul.f32 v42, v41  }
0x30b: {  	v52 =	vor.u32 $0xD, v1;
	v51 =	vld.idx.msk [tilespmem:v43+s5+$0x0], $0xffff  }
0x30c: {  	v53 =	vld.idx.msk [tilespmem:v46+s2+$0x0], $0xffff;
	v2 =	vadd.f32 v3, v2;
	v3 =	vmul.f32 v45, v44  }
0x30d: {  	v55 =	vor.u32 $0xE, v1;
	v54 =	vld.idx.msk [tilespmem:v46+s5+$0x0], $0xffff  }
0x30e: {  	v56 =	vld.idx.msk [tilespmem:v49+s2+$0x0], $0xffff;
	v2 =	vadd.f32 v3, v2;
	v3 =	vmul.f32 v48, v47  }
0x30f: {  	v1 =	vor.u32 $0xF, v1;
	v57 =	vld.idx.msk [tilespmem:v49+s5+$0x0], $0xffff  }
0x310: {  	v58 =	vld.idx.msk [tilespmem:v52+s2+$0x0], $0xffff;
	v2 =	vadd.f32 v3, v2;
	v3 =	vmul.f32 v51, v50  }
0x311: {  	v59 =	vld.idx.msk [tilespmem:v52+s5+$0x0], $0xffff  }
0x312: {  	v60 =	vld.idx.msk [tilespmem:v55+s2+$0x0], $0xffff;
	v2 =	vadd.f32 v3, v2;
	v3 =	vmul.f32 v54, v53  }
0x313: {  	v61 =	vld.idx.msk [tilespmem:v55+s5+$0x0], $0xffff  }
0x314: {  	v62 =	vld.idx.msk [tilespmem:v1+s2+$0x0], $0xffff;
	v2 =	vadd.f32 v3, v2;
	v3 =	vmul.f32 v57, v56  }
0x315: {  	v1 =	vld.idx.msk [tilespmem:v1+s5+$0x0], $0xffff  }
0x316: {  	v2 =	vadd.f32 v3, v2;
	v3 =	vmul.f32 v59, v58;
	_ =	sdelay $0x1  }
0x317: {  	s23 =	sadd.s32 $0x10, s20;
	v2 =	vadd.f32 v3, v2;
	v3 =	vmul.f32 v61, v60  }
0x318: {  	v63 =	vld [tilespmem:s23+$0x0]  }
0x319: {  	v1 =	vmul.f32 v1, v62;
	v2 =	vadd.f32 v3, v2;
	_ =	sdelay $0x1  }
0x31a: {  	v1 =	vadd.f32 v1, v2;
	_ =	sdelay $0x1  }
0x31b: {  	v1 =	vsub.f32 v63, v1;
	_ =	sdelay $0x1  }
0x31c: {  	v1 =	vadd.f32 $0.0e+00, v1;
	_ =	sdelay $0x1  }
0x31d: {  	v1 =	vmul.f32 $1.442695020e+00, v1;
	_ =	sdelay $0x1  }
0x31e: {  	(erf) = vpow2.f32 v1;
	_ =	sdelay $0x8  }
0x31f: {  	v1 =	vpop (erf)  }
0x320: {  	v1 =	vadd.f32 $1.000000000e+00, v1;
	_ =	sdelay $0x1  }
0x321: {  	(erf) = vrcp.f32 v1;
	_ =	sdelay $0x8  }
0x322: {  	s0 =	sadd.s32 $0x10, s0;
	v1 =	vpop (erf)  }
0x323: {  	s24 =	simm.s32 $0x100;
	[tilespmem:s0+$0x0] =	vst v1  }
0x324: {  	s25 =	simm.s32 $0x300;
	v1 =	vld [tilespmem:s24+$0x0]  }
0x325: {  	v3 =	vld [tilespmem:s25+$0x0];
	_ =	sdelay $0x3  }
0x326: {  	v2 =	vshll.u32 v1, $0x4  }
0x327: {  	v1 =	vshll.u32 v3, $0x4;
	(v2sf) =	vpush v2, $0x0  }
0x328: {  	(v2sf) =	vpush v1, $0x0  }
0x329: {  	(v2sf) =	vpush v2, $0x1;
	_ =	sdelay $0x2  }
0x32a: {  	(v2sf) =	vpush v1, $0x1;
	_ =	sdelay $0x1  }
0x32b: {  	(v2sf) =	vpush v2, $0x2;
	_ =	sdelay $0x1  }
0x32c: {  	(v2sf) =	vpush v1, $0x2;
	_ =	sdelay $0x1  }
0x32d: {  	s20 =	simm.s32 $0x2000;
	(v2sf) =	vpush v2, $0x3  }
0x32e: {  	s19 =	simm.s32 $0x0;
	s26 =	simm.s32 $0x4400;
	s6 =	simm.s32 $0x880  }
0x32f: {  	s7 =	simm.s32 $0x400;
	s9 =	simm.s32 $0x600;
	s10 =	simm.s32 $0x580  }
0x330: {  	s15 =	simm.s32 $0x4480;
	s17 =	simm.s32 $0x500;
	s22 =	simm.s32 $0x4500  }
0x331: {  	s29 =	simm.s32 $0xA00;
	s28 =	simm.s32 $0xB00;
	s8 =	spop (v2sf);
	(v2sf) =	vpush v1, $0x3  }
0x332: {  	s5 =	simm.s32 $0x680;
	s8 =	sand.u32 $0x1FFFFFF0, s8;
	s11 =	spop (v2sf)  }
0x333: {  	s0 =	simm.s32 $0x4900;
	s8 =	sadd.s32 s3, s8;
	s31 =	spop (v2sf)  }
0x334: {  	(v2sf) =	vpush v2, $0x4;
	[tilespmem:s7], [sflag:$0x1] =	stream.linear.gather [hbm4b:s8+s1], $0x80, $0x38;
	[tilespmem:$0x8800] =	vst v63  }
0x335: {  	(v2sf) =	vpush v1, $0x4;
	s30 =	sand.u32 $0x1FFFFFF0, s11;
	s7 =	simm.s32 $0x4580;
	s11 =	sand.u32 $0x1FFFFFF0, s31  }
0x336: {  	s8 =	sadd.s32 s4, s30;
	s12 =	spop (v2sf);
	s13 =	sadd.s32 s3, s11  }
0x337: {  	(v2sf) =	vpush v2, $0x5;
	[tilespmem:s26], [sflag:$0x2] =	stream.linear.gather [hbm4b:s8+s1], $0x80, $0x38;
	[tilespmem:$0x8800] =	vst v63  }
0x338: {  	s14 =	sand.u32 $0x1FFFFFF0, s12;
	s16 =	spop (v2sf);
	s8 =	simm.s32 $0x480  }
0x339: {  	(v2sf) =	vpush v1, $0x5;
	[tilespmem:s8], [sflag:$0x1] =	stream.linear.gather [hbm4b:s13+s1], $0x80, $0x38;
	[tilespmem:$0x8800] =	vst v63  }
0x33a: {  	s11 =	sadd.s32 s4, s14;
	s18 =	spop (v2sf);
	s8 =	sand.u32 $0x1FFFFFF0, s16  }
0x33b: {  	(v2sf) =	vpush v2, $0x6;
	[tilespmem:s15], [sflag:$0x2] =	stream.linear.gather [hbm4b:s11+s1], $0x80, $0x38;
	[tilespmem:$0x8800] =	vst v63  }
0x33c: {  	s21 =	spop (v2sf);
	s8 =	sadd.s32 s3, s8;
	s11 =	sand.u32 $0x1FFFFFF0, s18  }
0x33d: {  	(v2sf) =	vpush v1, $0x6;
	[tilespmem:s17], [sflag:$0x1] =	stream.linear.gather [hbm4b:s8+s1], $0x80, $0x38;
	[tilespmem:$0x8800] =	vst v63  }
0x33e: {  	s26 =	simm.s32 $0x4600;
	s12 =	sand.u32 $0x1FFFFFF0, s21;
	s23 =	sadd.s32 s4, s11  }
0x33f: {  	[tilespmem:s22], [sflag:$0x2] =	stream.linear.gather [hbm4b:s23+s1], $0x80, $0x38;
	[tilespmem:$0x8800] =	vst v63  }
0x340: {  	s13 =	simm.s32 $0xA80;
	s25 =	sadd.s32 s3, s12;
	s24 =	spop (v2sf)  }
0x341: {  	(v2sf) =	vpush v2, $0x7;
	[tilespmem:s10], [sflag:$0x1] =	stream.linear.gather [hbm4b:s25+s1], $0x80, $0x38;
	[tilespmem:$0x8800] =	vst v63  }
0x342: {  	s16 =	simm.s32 $0x4680;
	s12 =	simm.s32 $0x4A80;
	s8 =	sand.u32 $0x1FFFFFF0, s24  }
0x343: {  	s18 =	simm.s32 $0x700;
	s30 =	spop (v2sf);
	s8 =	sadd.s32 s4, s8  }
0x344: {  	(v2sf) =	vpush v1, $0x7;
	s2 =	sand.u32 $0x1FFFFFF0, s30;
	s31 =	spop (v2sf);
	s30 =	simm.s32 $0x4700  }
0x345: {  	(v2sf) =	vpush v2, $0x8;
	[tilespmem:s7], [sflag:$0x2] =	stream.linear.gather [hbm4b:s8+s1], $0x80, $0x38;
	[tilespmem:$0x8800] =	vst v63  }
0x346: {  	s14 =	sadd.s32 s3, s2;
	s15 =	sand.u32 $0x1FFFFFF0, s31;
	s17 =	spop (v2sf)  }
0x347: {  	(v2sf) =	vpush v1, $0x8;
	[tilespmem:s9], [sflag:$0x1] =	stream.linear.gather [hbm4b:s14+s1], $0x80, $0x38;
	[tilespmem:$0x8800] =	vst v63  }
0x348: {  	s8 =	sadd.s32 s4, s15;
	s21 =	spop (v2sf);
	s9 =	sand.u32 $0x1FFFFFF0, s17  }
0x349: {  	(v2sf) =	vpush v2, $0x9;
	[tilespmem:s26], [sflag:$0x2] =	stream.linear.gather [hbm4b:s8+s1], $0x80, $0x38;
	[tilespmem:$0x8800] =	vst v63  }
0x34a: {  	s10 =	sand.u32 $0x1FFFFFF0, s21;
	s22 =	spop (v2sf);
	s9 =	sadd.s32 s3, s9  }
0x34b: {  	(v2sf) =	vpush v1, $0x9;
	[tilespmem:s5], [sflag:$0x1] =	stream.linear.gather [hbm4b:s9+s1], $0x80, $0x38;
	[tilespmem:$0x8800] =	vst v63  }
0x34c: {  	s23 =	sadd.s32 s4, s10;
	s24 =	sand.u32 $0x1FFFFFF0, s22;
	s25 =	spop (v2sf)  }
0x34d: {  	(v2sf) =	vpush v2, $0xA;
	[tilespmem:s16], [sflag:$0x2] =	stream.linear.gather [hbm4b:s23+s1], $0x80, $0x38;
	[tilespmem:$0x8800] =	vst v63  }
0x34e: {  	s14 =	simm.s32 $0x780;
	s26 =	sadd.s32 s3, s24;
	s7 =	sand.u32 $0x1FFFFFF0, s25  }
0x34f: {  	(v2sf) =	vpush v1, $0xA;
	[tilespmem:s18], [sflag:$0x1] =	stream.linear.gather [hbm4b:s26+s1], $0x80, $0x38;
	[tilespmem:$0x8800] =	vst v63  }
0x350: {  	s17 =	simm.s32 $0x4780;
	s7 =	sadd.s32 s4, s7;
	s31 =	spop (v2sf)  }
0x351: {  	(v2sf) =	vpush v2, $0xB;
	[tilespmem:s30], [sflag:$0x2] =	stream.linear.gather [hbm4b:s7+s1], $0x80, $0x38;
	[tilespmem:$0x8800] =	vst v63  }
0x352: {  	s21 =	simm.s32 $0x800;
	s24 =	simm.s32 $0x4800;
	s9 =	sand.u32 $0x1FFFFFF0, s31  }
0x353: {  	s30 =	simm.s32 $0x4880;
	s2 =	spop (v2sf);
	(v2sf) =	vpush v1, $0xB;
	s15 =	sadd.s32 s3, s9  }
0x354: {  	s16 =	sand.u32 $0x1FFFFFF0, s2;
	s18 =	spop (v2sf);
	s2 =	simm.s32 $0x900  }
0x355: {  	[tilespmem:s14], [sflag:$0x1] =	stream.linear.gather [hbm4b:s15+s1], $0x80, $0x38;
	[tilespmem:$0x8800] =	vst v63  }
0x356: {  	s9 =	sadd.s32 s4, s16;
	s8 =	sand.u32 $0x1FFFFFF0, s18;
	s22 =	spop (v2sf)  }
0x357: {  	[tilespmem:s17], [sflag:$0x2] =	stream.linear.gather [hbm4b:s9+s1], $0x80, $0x38;
	[tilespmem:$0x8800] =	vst v63  }
0x358: {  	(v2sf) =	vpush v2, $0xC;
	s8 =	sadd.s32 s3, s8;
	s23 =	spop (v2sf);
	s9 =	sand.u32 $0x1FFFFFF0, s22  }
0x359: {  	[tilespmem:s21], [sflag:$0x1] =	stream.linear.gather [hbm4b:s8+s1], $0x80, $0x38;
	[tilespmem:$0x8800] =	vst v63  }
0x35a: {  	(v2sf) =	vpush v1, $0xC;
	s26 =	sand.u32 $0x1FFFFFF0, s23;
	s31 =	spop (v2sf);
	s25 =	sadd.s32 s4, s9  }
0x35b: {  	[tilespmem:s24], [sflag:$0x2] =	stream.linear.gather [hbm4b:s25+s1], $0x80, $0x38;
	[tilespmem:$0x8800] =	vst v63  }
0x35c: {  	s9 =	sadd.s32 s3, s26;
	s14 =	spop (v2sf);
	s8 =	sand.u32 $0x1FFFFFF0, s31  }
0x35d: {  	[tilespmem:s6], [sflag:$0x1] =	stream.linear.gather [hbm4b:s9+s1], $0x80, $0x38;
	[tilespmem:$0x8800] =	vst v63  }
0x35e: {  	s15 =	spop (v2sf);
	s8 =	sadd.s32 s4, s8;
	s9 =	sand.u32 $0x1FFFFFF0, s14  }
0x35f: {  	[tilespmem:s30], [sflag:$0x2] =	stream.linear.gather [hbm4b:s8+s1], $0x80, $0x38;
	[tilespmem:$0x8800] =	vst v63  }
0x360: {  	s17 =	sand.u32 $0x1FFFFFF0, s15;
	s16 =	sadd.s32 s3, s9;
	s18 =	spop (v2sf)  }
0x361: {  	[tilespmem:s2], [sflag:$0x1] =	stream.linear.gather [hbm4b:s16+s1], $0x80, $0x38;
	[tilespmem:$0x8800] =	vst v63  }
0x362: {  	s11 =	simm.s32 $0x4A00;
	s21 =	sadd.s32 s4, s17;
	s23 =	spop (v2sf)  }
0x363: {  	[tilespmem:s0], [sflag:$0x2] =	stream.linear.gather [hbm4b:s21+s1], $0x80, $0x38;
	[tilespmem:$0x8800] =	vst v63  }
0x364: {  	s5 =	simm.s32 $0x4980;
	(v2sf) =	vpush v2, $0xD;
	s22 =	sand.u32 $0x1FFFFFF0, s18;
	s26 =	sand.u32 $0x1FFFFFF0, s23  }
0x365: {  	s24 =	simm.s32 $0x980;
	(v2sf) =	vpush v1, $0xD;
	s25 =	sadd.s32 s3, s22;
	s30 =	sadd.s32 s4, s26  }
0x366: {  	(v2sf) =	vpush v2, $0xE;
	[tilespmem:s24], [sflag:$0x1] =	stream.linear.gather [hbm4b:s25+s1], $0x80, $0x38;
	[tilespmem:$0x8800] =	vst v63  }
0x367: {  	(v2sf) =	vpush v1, $0xE;
	s31 =	spop (v2sf);
	s26 =	simm.s32 $0x4B00;
	s24 =	simm.s32 $0x310  }
0x368: {  	(v2sf) =	vpush v2, $0xF;
	[tilespmem:s5], [sflag:$0x2] =	stream.linear.gather [hbm4b:s30+s1], $0x80, $0x38;
	[tilespmem:$0x8800] =	vst v63  }
0x369: {  	s25 =	simm.s32 $0x110;
	s0 =	sand.u32 $0x1FFFFFF0, s31;
	(v2sf) =	vpush v1, $0xF;
	s5 =	spop (v2sf)  }
.LBB2_10:
0x36a: {  	_ =	sdelay $0x4  }
0x36b: {  	s0 =	sadd.s32 s3, s0;
	s5 =	sand.u32 $0x1FFFFFF0, s5  }
0x36c: {  	[tilespmem:s29], [sflag:$0x1] =	stream.linear.gather [hbm4b:s0+s1], $0x80, $0x38;
	[tilespmem:$0x8800] =	vst v63  }
0x36d: {  	s7 =	sadd.s32 s4, s5  }
0x36e: {  	[tilespmem:s11], [sflag:$0x2] =	stream.linear.gather [hbm4b:s7+s1], $0x80, $0x38;
	[tilespmem:$0x8800] =	vst v63  }
0x36f: {  	s6 =	spop (v2sf)  }
0x370: {  	s8 =	sand.u32 $0x1FFFFFF0, s6;
	s9 =	spop (v2sf)  }
0x371: {  	s10 =	sadd.s32 s3, s8;
	s2 =	sand.u32 $0x1FFFFFF0, s9;
	s11 =	spop (v2sf)  }
0x372: {  	[tilespmem:s13], [sflag:$0x1] =	stream.linear.gather [hbm4b:s10+s1], $0x80, $0x38;
	[tilespmem:$0x8800] =	vst v63  }
0x373: {  	s14 =	sadd.s32 s4, s2;
	s15 =	sand.u32 $0x1FFFFFF0, s11;
	s16 =	spop (v2sf)  }
0x374: {  	[tilespmem:s12], [sflag:$0x2] =	stream.linear.gather [hbm4b:s14+s1], $0x80, $0x38;
	[tilespmem:$0x8800] =	vst v63  }
0x375: {  	s17 =	sadd.s32 s3, s15;
	s18 =	sand.u32 $0x1FFFFFF0, s16;
	s21 =	spop (v2sf)  }
0x376: {  	[tilespmem:s28], [sflag:$0x1] =	stream.linear.gather [hbm4b:s17+s1], $0x80, $0x38;
	[tilespmem:$0x8800] =	vst v63  }
0x377: {  	s22 =	sadd.s32 s4, s18;
	s23 =	sand.u32 $0x1FFFFFF0, s21;
	s30 =	spop (v2sf)  }
0x378: {  	[tilespmem:s26], [sflag:$0x2] =	stream.linear.gather [hbm4b:s22+s1], $0x80, $0x38;
	[tilespmem:$0x8800] =	vst v63  }
0x379: {  	s31 =	sadd.s32 $0xB80, s19;
	s2 =	sadd.s32 s3, s23;
	s5 =	sand.u32 $0x1FFFFFF0, s30  }
0x37a: {  	[tilespmem:s31], [sflag:$0x1] =	stream.linear.gather [hbm4b:s2+s1], $0x80, $0x38;
	[tilespmem:$0x8800] =	vst v63  }
0x37b: {  	s5 =	sadd.s32 s4, s5;
	s2 =	sadd.s32 $0x4B80, s19  }
0x37c: {  	[tilespmem:s2], [sflag:$0x2] =	stream.linear.gather [hbm4b:s5+s1], $0x80, $0x38;
	[tilespmem:$0x8800] =	vst v63  }
0x37d: {  	v1 =	vld [tilespmem:s25+$0x0];
	_ =	sdelay $0x1  }
0x37e: {  	v3 =	vld [tilespmem:s24+$0x0];
	_ =	sdelay $0x2  }
0x37f: {  	v2 =	vshll.u32 v1, $0x4  }
0x380: {  	(v2sf) =	vpush v2, $0x0  }
0x381: {  	s6 =	smov.u32 s20;
	v1 =	vshll.u32 v3, $0x4  }
0x382: {  	s19 =	sshra.s32 s6, $0x2;
	(v2sf) =	vpush v1, $0x0  }
0x383: {  	p0 =	sne.s32 s20, $0xE000;
	s20 =	sadd.s32 $0x2000, s20;
	s31 =	sadd.s32 $0x4400, s19;
	(v2sf) =	vpush v2, $0x1  }
0x384: {  	s0 =	sadd.s32 $0x680, s19;
	s7 =	sadd.s32 $0x880, s19;
	s8 =	sadd.s32 $0x4900, s19  }
0x385: {  	s16 =	sadd.s32 $0x580, s19;
	s15 =	sadd.s32 $0x4580, s19;
	s21 =	sadd.s32 $0x500, s19;
	(v2sf) =	vpush v1, $0x1  }
0x386: {  	s18 =	sadd.s32 $0x4600, s19;
	s13 =	sadd.s32 $0xA80, s19;
	s30 =	sadd.s32 $0x4480, s19  }
0x387: {  	s6 =	sadd.s32 $0x4680, s19;
	s10 =	sadd.s32 $0x700, s19;
	s12 =	sadd.s32 $0x4A80, s19;
	(v2sf) =	vpush v2, $0x2  }
0x388: {  	s14 =	sadd.s32 $0x4700, s19;
	s9 =	sadd.s32 $0x4880, s19;
	s11 =	sadd.s32 $0x900, s19  }
0x389: {  	s17 =	sadd.s32 $0x4800, s19;
	s29 =	sadd.s32 $0xA00, s19;
	[smem:$0x7F2] =	sst s0;
	(v2sf) =	vpush v1, $0x2  }
0x38a: {  	s28 =	sadd.s32 $0xB00, s19;
	s26 =	sadd.s32 $0x4B00, s19;
	[dreg:$0xf] =	wrdreg s7  }
0x38b: {  	s2 =	sadd.s32 $0x400, s19;
	s5 =	sadd.s32 $0x600, s19;
	[dreg:$0x7] =	wrdreg s8;
	(v2sf) =	vpush v2, $0x3  }
0x38c: {  	s7 =	sadd.s32 $0x4A00, s19;
	s0 =	sadd.s32 $0x4500, s19;
	[dreg:$0x17] =	wrdreg s9  }
0x38d: {  	s8 =	sadd.s32 $0x4980, s19;
	[dreg:$0x13] =	wrdreg s11;
	s9 =	sadd.s32 $0x780, s19;
	(v2sf) =	vpush v1, $0x3  }
0x38e: {  	[dreg:$0x1f] =	wrdreg s17;
	s11 =	sadd.s32 $0x480, s19;
	s17 =	sadd.s32 $0x800, s19  }
0x38f: {  	[dreg:$0xb] =	wrdreg s8;
	s8 =	sadd.s32 $0x4780, s19;
	(v2sf) =	vpush v2, $0x4;
	s22 =	spop (v2sf)  }
0x390: {  	[smem:$0x7F3] =	sst s17;
	s17 =	sand.u32 $0x1FFFFFF0, s22;
	s22 =	sadd.s32 $0x980, s19  }
0x391: {  	s24 =	sadd.s32 $0x10, s24;
	s23 =	spop (v2sf);
	(v2sf) =	vpush v1, $0x4;
	[dreg:$0x1b] =	wrdreg s22  }
0x392: {  	s17 =	sadd.s32 s3, s17;
	s22 =	sand.u32 $0x1FFFFFF0, s23;
	s23 =	spop (v2sf)  }
0x393: {  	(v2sf) =	vpush v2, $0x5;
	[tilespmem:s2], [sflag:$0x1] =	stream.linear.gather [hbm4b:s17+s1], $0x80, $0x38;
	[tilespmem:$0x8800] =	vst v63  }
0x394: {  	s17 =	sadd.s32 s4, s22;
	s22 =	sand.u32 $0x1FFFFFF0, s23;
	s23 =	spop (v2sf);
	(v2sf) =	vpush v1, $0x5  }
0x395: {  	[tilespmem:s31], [sflag:$0x2] =	stream.linear.gather [hbm4b:s17+s1], $0x80, $0x38;
	[tilespmem:$0x8800] =	vst v63  }
0x396: {  	s23 =	sand.u32 $0x1FFFFFF0, s23;
	s17 =	sadd.s32 s3, s22;
	s31 =	spop (v2sf);
	(v2sf) =	vpush v2, $0x6  }
0x397: {  	[tilespmem:s11], [sflag:$0x1] =	stream.linear.gather [hbm4b:s17+s1], $0x80, $0x38;
	[tilespmem:$0x8800] =	vst v63  }
0x398: {  	s22 =	spop (v2sf);
	(v2sf) =	vpush v1, $0x6;
	s11 =	sadd.s32 s4, s23;
	s17 =	sand.u32 $0x1FFFFFF0, s31  }
0x399: {  	[tilespmem:s30], [sflag:$0x2] =	stream.linear.gather [hbm4b:s11+s1], $0x80, $0x38;
	[tilespmem:$0x8800] =	vst v63  }
0x39a: {  	s31 =	spop (v2sf);
	s23 =	sadd.s32 s3, s17;
	s30 =	sand.u32 $0x1FFFFFF0, s22  }
0x39b: {  	(v2sf) =	vpush v2, $0x7;
	[tilespmem:s21], [sflag:$0x1] =	stream.linear.gather [hbm4b:s23+s1], $0x80, $0x38;
	[tilespmem:$0x8800] =	vst v63  }
0x39c: {  	s22 =	spop (v2sf);
	s11 =	sadd.s32 s4, s30;
	s21 =	sand.u32 $0x1FFFFFF0, s31  }
0x39d: {  	(v2sf) =	vpush v1, $0x7;
	[tilespmem:s0], [sflag:$0x2] =	stream.linear.gather [hbm4b:s11+s1], $0x80, $0x38;
	[tilespmem:$0x8800] =	vst v63  }
0x39e: {  	s30 =	sand.u32 $0x1FFFFFF0, s22;
	s31 =	spop (v2sf);
	s23 =	sadd.s32 s3, s21  }
0x39f: {  	(v2sf) =	vpush v2, $0x8;
	[tilespmem:s16], [sflag:$0x1] =	stream.linear.gather [hbm4b:s23+s1], $0x80, $0x38;
	[tilespmem:$0x8800] =	vst v63  }
0x3a0: {  	s25 =	sadd.s32 $0x10, s25;
	s17 =	sadd.s32 s4, s30;
	s22 =	spop (v2sf)  }
0x3a1: {  	[tilespmem:s15], [sflag:$0x2] =	stream.linear.gather [hbm4b:s17+s1], $0x80, $0x38;
	[tilespmem:$0x8800] =	vst v63  }
0x3a2: {  	s21 =	sand.u32 $0x1FFFFFF0, s31;
	s11 =	smov.u32 s7;
	s31 =	spop (v2sf)  }
0x3a3: {  	s23 =	sadd.s32 s3, s21;
	(v2sf) =	vpush v1, $0x8;
	s30 =	sand.u32 $0x1FFFFFF0, s22;
	s17 =	spop (v2sf)  }
0x3a4: {  	[tilespmem:s5], [sflag:$0x1] =	stream.linear.gather [hbm4b:s23+s1], $0x80, $0x38;
	[tilespmem:$0x8800] =	vst v63  }
0x3a5: {  	(v2sf) =	vpush v2, $0x9;
	s15 =	sadd.s32 s4, s30;
	s23 =	sld [smem:$0x7F2];
	s22 =	spop (v2sf)  }
0x3a6: {  	(v2sf) =	vpush v1, $0x9;
	[tilespmem:s18], [sflag:$0x2] =	stream.linear.gather [hbm4b:s15+s1], $0x80, $0x38;
	[tilespmem:$0x8800] =	vst v63  }
0x3a7: {  	s16 =	sand.u32 $0x1FFFFFF0, s31;
	s21 =	sand.u32 $0x1FFFFFF0, s17;
	s5 =	spop (v2sf)  }
0x3a8: {  	s30 =	sadd.s32 s4, s21;
	s18 =	sadd.s32 s3, s16;
	s7 =	sand.u32 $0x1FFFFFF0, s5  }
0x3a9: {  	[tilespmem:s23], [sflag:$0x1] =	stream.linear.gather [hbm4b:s18+s1], $0x80, $0x38;
	[tilespmem:$0x8800] =	vst v63  }
0x3aa: {  	(v2sf) =	vpush v2, $0xA;
	s31 =	sand.u32 $0x1FFFFFF0, s22;
	s15 =	spop (v2sf);
	s16 =	sadd.s32 s4, s7  }
0x3ab: {  	[tilespmem:s6], [sflag:$0x2] =	stream.linear.gather [hbm4b:s30+s1], $0x80, $0x38;
	[tilespmem:$0x8800] =	vst v63  }
0x3ac: {  	(v2sf) =	vpush v1, $0xA;
	s17 =	sand.u32 $0x1FFFFFF0, s15;
	s18 =	spop (v2sf);
	s6 =	sadd.s32 s3, s31  }
0x3ad: {  	[tilespmem:s10], [sflag:$0x1] =	stream.linear.gather [hbm4b:s6+s1], $0x80, $0x38;
	[tilespmem:$0x8800] =	vst v63  }
0x3ae: {  	s21 =	sadd.s32 s3, s17;
	s22 =	sand.u32 $0x1FFFFFF0, s18;
	s23 =	spop (v2sf)  }
0x3af: {  	[tilespmem:s14], [sflag:$0x2] =	stream.linear.gather [hbm4b:s16+s1], $0x80, $0x38;
	[tilespmem:$0x8800] =	vst v63  }
0x3b0: {  	(v2sf) =	vpush v2, $0xB;
	s30 =	sadd.s32 s4, s22;
	s22 =	rddreg [dreg:$0xf];
	s31 =	sand.u32 $0x1FFFFFF0, s23  }
0x3b1: {  	[tilespmem:s9], [sflag:$0x1] =	stream.linear.gather [hbm4b:s21+s1], $0x80, $0x38;
	[tilespmem:$0x8800] =	vst v63  }
0x3b2: {  	(v2sf) =	vpush v1, $0xB;
	s6 =	sadd.s32 s3, s31;
	s5 =	spop (v2sf);
	s9 =	sld [smem:$0x7F3]  }
0x3b3: {  	(v2sf) =	vpush v2, $0xC;
	[tilespmem:s8], [sflag:$0x2] =	stream.linear.gather [hbm4b:s30+s1], $0x80, $0x38;
	[tilespmem:$0x8800] =	vst v63  }
0x3b4: {  	s16 =	rddreg [dreg:$0x1f];
	s7 =	sand.u32 $0x1FFFFFF0, s5;
	s8 =	spop (v2sf)  }
0x3b5: {  	(v2sf) =	vpush v1, $0xC;
	s10 =	sadd.s32 s4, s7;
	s14 =	sand.u32 $0x1FFFFFF0, s8;
	s15 =	spop (v2sf)  }
0x3b6: {  	[tilespmem:s9], [sflag:$0x1] =	stream.linear.gather [hbm4b:s6+s1], $0x80, $0x38;
	[tilespmem:$0x8800] =	vst v63  }
0x3b7: {  	s7 =	rddreg [dreg:$0x17];
	s17 =	sadd.s32 s3, s14;
	s18 =	sand.u32 $0x1FFFFFF0, s15  }
0x3b8: {  	[tilespmem:s16], [sflag:$0x2] =	stream.linear.gather [hbm4b:s10+s1], $0x80, $0x38;
	[tilespmem:$0x8800] =	vst v63  }
0x3b9: {  	s21 =	spop (v2sf);
	s14 =	rddreg [dreg:$0x13];
	s23 =	sadd.s32 s4, s18  }
0x3ba: {  	[tilespmem:s22], [sflag:$0x1] =	stream.linear.gather [hbm4b:s17+s1], $0x80, $0x38;
	[tilespmem:$0x8800] =	vst v63  }
0x3bb: {  	s30 =	sand.u32 $0x1FFFFFF0, s21;
	s31 =	spop (v2sf);
	s18 =	rddreg [dreg:$0x7]  }
0x3bc: {  	[tilespmem:s7], [sflag:$0x2] =	stream.linear.gather [hbm4b:s23+s1], $0x80, $0x38;
	[tilespmem:$0x8800] =	vst v63  }
0x3bd: {  	s8 =	sadd.s32 s3, s30;
	s9 =	sand.u32 $0x1FFFFFF0, s31;
	s30 =	rddreg [dreg:$0x1b]  }
0x3be: {  	[tilespmem:s14], [sflag:$0x1] =	stream.linear.gather [hbm4b:s8+s1], $0x80, $0x38;
	[tilespmem:$0x8800] =	vst v63  }
0x3bf: {  	s10 =	spop (v2sf);
	s31 =	rddreg [dreg:$0xb];
	s15 =	sadd.s32 s4, s9  }
0x3c0: {  	(v2sf) =	vpush v2, $0xD;
	[tilespmem:s18], [sflag:$0x2] =	stream.linear.gather [hbm4b:s15+s1], $0x80, $0x38;
	[tilespmem:$0x8800] =	vst v63  }
.Ltmp4:
0x3c1: {  	(v2sf) =	vpush v1, $0xD;
	s16 =	sand.u32 $0x1FFFFFF0, s10;
	s17 =	spop (v2sf);
	(pc) =	sbr.rel @p0 .LBB2_10-.Ltmp4, $4  }
0x3c2: {  	(v2sf) =	vpush v2, $0xE;
	s21 =	sadd.s32 s3, s16;
	s22 =	sand.u32 $0x1FFFFFF0, s17;
	s23 =	spop (v2sf)  }
0x3c3: {  	(v2sf) =	vpush v1, $0xE;
	[tilespmem:s30], [sflag:$0x1] =	stream.linear.gather [hbm4b:s21+s1], $0x80, $0x38;
	[tilespmem:$0x8800] =	vst v63  }
0x3c4: {  	(v2sf) =	vpush v2, $0xF;
	s2 =	sadd.s32 s4, s22;
	s0 =	sand.u32 $0x1FFFFFF0, s23;
	s5 =	spop (v2sf)  }
0x3c5: {  	(v2sf) =	vpush v1, $0xF;
	[tilespmem:s31], [sflag:$0x2] =	stream.linear.gather [hbm4b:s2+s1], $0x80, $0x38;
	[tilespmem:$0x8800] =	vst v63  }
0x3c6: {  	_ =	sdelay $0x4  }
0x3c7: {  	s0 =	sadd.s32 s3, s0;
	s2 =	sand.u32 $0x1FFFFFF0, s5  }
0x3c8: {  	[tilespmem:s29], [sflag:$0x1] =	stream.linear.gather [hbm4b:s0+s1], $0x80, $0x38;
	[tilespmem:$0x8800] =	vst v63  }
0x3c9: {  	s2 =	sadd.s32 s4, s2  }
0x3ca: {  	[tilespmem:s11], [sflag:$0x2] =	stream.linear.gather [hbm4b:s2+s1], $0x80, $0x38;
	[tilespmem:$0x8800] =	vst v63  }
0x3cb: {  	s31 =	spop (v2sf)  }
0x3cc: {  	s22 =	sadd.s32 $0xB80, s19;
	s6 =	sand.u32 $0x1FFFFFF0, s31;
	s7 =	spop (v2sf)  }
0x3cd: {  	s8 =	sadd.s32 s3, s6;
	s9 =	sand.u32 $0x1FFFFFF0, s7;
	s10 =	spop (v2sf)  }
0x3ce: {  	[tilespmem:s13], [sflag:$0x1] =	stream.linear.gather [hbm4b:s8+s1], $0x80, $0x38;
	[tilespmem:$0x8800] =	vst v63  }
0x3cf: {  	s11 =	sadd.s32 s4, s9;
	s13 =	sand.u32 $0x1FFFFFF0, s10;
	s14 =	spop (v2sf)  }
0x3d0: {  	[tilespmem:s12], [sflag:$0x2] =	stream.linear.gather [hbm4b:s11+s1], $0x80, $0x38;
	[tilespmem:$0x8800] =	vst v63  }
0x3d1: {  	s15 =	sadd.s32 s3, s13;
	s16 =	sand.u32 $0x1FFFFFF0, s14;
	s17 =	spop (v2sf)  }
0x3d2: {  	[tilespmem:s28], [sflag:$0x1] =	stream.linear.gather [hbm4b:s15+s1], $0x80, $0x38;
	[tilespmem:$0x8800] =	vst v63  }
0x3d3: {  	s18 =	sadd.s32 s4, s16;
	s20 =	sand.u32 $0x1FFFFFF0, s17;
	s21 =	spop (v2sf)  }
0x3d4: {  	[tilespmem:s26], [sflag:$0x2] =	stream.linear.gather [hbm4b:s18+s1], $0x80, $0x38;
	[tilespmem:$0x8800] =	vst v63  }
0x3d5: {  	s23 =	sadd.s32 $0x4B80, s19;
	s2 =	sadd.s32 s3, s20;
	s5 =	sand.u32 $0x1FFFFFF0, s21  }
0x3d6: {  	[tilespmem:s22], [sflag:$0x1] =	stream.linear.gather [hbm4b:s2+s1], $0x80, $0x38;
	[tilespmem:$0x8800] =	vst v63  }
0x3d7: {  	s25 =	simm.s32 $0x0;
	s24 =	sadd.s32 s4, s5;
	s26 =	simm.s32 $0x1  }
0x3d8: {  	v1 =	vmov s25;
	[tilespmem:s23], [sflag:$0x2] =	stream.linear.gather [hbm4b:s24+s1], $0x80, $0x38;
	[tilespmem:$0x8800] =	vst v63  }
0x3d9: {  	v1 =	vshll.u32 v1, $0x7;
	_ =	swait.ge [sflag:s26], $0x4000  }
0x3da: {  	v1 =	vor.u32 v0, v1;
	[sflag:s26] =	ssyncset.done $0x0  }
0x3db: {  	s28 =	simm.s32 $0x2;
	[sflag:s26] =	ssyncadd.s32 $0xFFFFC000  }
0x3dc: {  	v2 =	vor.u32 $0x1, v1;
	_ =	swait.ge [sflag:s28], $0x4000  }
0x3dd: {  	[sflag:s28] =	ssyncset.done $0x0  }
0x3de: {  	v3 =	vor.u32 $0x2, v1;
	s5 =	simm.s32 $0x4400;
	[sflag:s28] =	ssyncadd.s32 $0xFFFFC000  }
0x3df: {  	s2 =	simm.s32 $0x400;
	v4 =	vld.idx.msk [tilespmem:v1+s5+$0x0], $0xffff  }
0x3e0: {  	v6 =	vor.u32 $0x3, v1;
	v5 =	vld.idx.msk [tilespmem:v1+s2+$0x0], $0xffff  }
0x3e1: {  	v7 =	vld.idx.msk [tilespmem:v2+s2+$0x0], $0xffff  }
0x3e2: {  	v8 =	vor.u32 $0x4, v1;
	v2 =	vld.idx.msk [tilespmem:v2+s5+$0x0], $0xffff  }
0x3e3: {  	v9 =	vld.idx.msk [tilespmem:v3+s2+$0x0], $0xffff  }
0x3e4: {  	v10 =	vor.u32 $0x5, v1;
	v3 =	vld.idx.msk [tilespmem:v3+s5+$0x0], $0xffff  }
0x3e5: {  	v11 =	vld.idx.msk [tilespmem:v6+s2+$0x0], $0xffff;
	v4 =	vmul.f32 v4, v5  }
0x3e6: {  	v40 =	vor.u32 $0x6, v1;
	v39 =	vld.idx.msk [tilespmem:v6+s5+$0x0], $0xffff  }
0x3e7: {  	v12 =	vld.idx.msk [tilespmem:v8+s2+$0x0], $0xffff;
	v2 =	vmul.f32 v2, v7;
	v4 =	vadd.f32 $0.0e+00, v4  }
0x3e8: {  	v42 =	vor.u32 $0x7, v1;
	v41 =	vld.idx.msk [tilespmem:v8+s5+$0x0], $0xffff  }
0x3e9: {  	v13 =	vld.idx.msk [tilespmem:v10+s2+$0x0], $0xffff;
	v3 =	vmul.f32 v3, v9;
	v2 =	vadd.f32 v2, v4  }
0x3ea: {  	v44 =	vor.u32 $0x8, v1;
	v43 =	vld.idx.msk [tilespmem:v10+s5+$0x0], $0xffff  }
0x3eb: {  	v45 =	vld.idx.msk [tilespmem:v40+s2+$0x0], $0xffff;
	v2 =	vadd.f32 v3, v2;
	v3 =	vmul.f32 v39, v11  }
0x3ec: {  	v47 =	vor.u32 $0x9, v1;
	v46 =	vld.idx.msk [tilespmem:v40+s5+$0x0], $0xffff  }
0x3ed: {  	v48 =	vld.idx.msk [tilespmem:v42+s2+$0x0], $0xffff;
	v2 =	vadd.f32 v3, v2;
	v3 =	vmul.f32 v41, v12  }
0x3ee: {  	v50 =	vor.u32 $0xA, v1;
	v49 =	vld.idx.msk [tilespmem:v42+s5+$0x0], $0xffff  }
0x3ef: {  	v51 =	vld.idx.msk [tilespmem:v44+s2+$0x0], $0xffff;
	v2 =	vadd.f32 v3, v2;
	v3 =	vmul.f32 v43, v13  }
0x3f0: {  	v53 =	vor.u32 $0xB, v1;
	v52 =	vld.idx.msk [tilespmem:v44+s5+$0x0], $0xffff  }
0x3f1: {  	v54 =	vld.idx.msk [tilespmem:v47+s2+$0x0], $0xffff;
	v2 =	vadd.f32 v3, v2;
	v3 =	vmul.f32 v46, v45  }
0x3f2: {  	v56 =	vor.u32 $0xC, v1;
	v55 =	vld.idx.msk [tilespmem:v47+s5+$0x0], $0xffff  }
0x3f3: {  	v57 =	vld.idx.msk [tilespmem:v50+s2+$0x0], $0xffff;
	v2 =	vadd.f32 v3, v2;
	v3 =	vmul.f32 v49, v48  }
0x3f4: {  	v59 =	vor.u32 $0xD, v1;
	v58 =	vld.idx.msk [tilespmem:v50+s5+$0x0], $0xffff  }
0x3f5: {  	v60 =	vld.idx.msk [tilespmem:v53+s2+$0x0], $0xffff;
	v2 =	vadd.f32 v3, v2;
	v3 =	vmul.f32 v52, v51  }
0x3f6: {  	v62 =	vor.u32 $0xE, v1;
	v61 =	vld.idx.msk [tilespmem:v53+s5+$0x0], $0xffff  }
0x3f7: {  	v63 =	vld.idx.msk [tilespmem:v56+s2+$0x0], $0xffff;
	v2 =	vadd.f32 v3, v2;
	v3 =	vmul.f32 v55, v54  }
0x3f8: {  	v15 =	vld.idx.msk [tilespmem:v56+s5+$0x0], $0xffff;
	v1 =	vor.u32 $0xF, v1  }
0x3f9: {  	v16 =	vld.idx.msk [tilespmem:v59+s2+$0x0], $0xffff;
	v2 =	vadd.f32 v3, v2;
	v3 =	vmul.f32 v58, v57  }
0x3fa: {  	v17 =	vld.idx.msk [tilespmem:v59+s5+$0x0], $0xffff  }
0x3fb: {  	v18 =	vld.idx.msk [tilespmem:v62+s2+$0x0], $0xffff;
	v2 =	vadd.f32 v3, v2;
	v3 =	vmul.f32 v61, v60  }
0x3fc: {  	v19 =	vld.idx.msk [tilespmem:v62+s5+$0x0], $0xffff  }
0x3fd: {  	v20 =	vld.idx.msk [tilespmem:v1+s2+$0x0], $0xffff;
	v2 =	vadd.f32 v3, v2;
	v3 =	vmul.f32 v15, v63  }
0x3fe: {  	v1 =	vld.idx.msk [tilespmem:v1+s5+$0x0], $0xffff  }
0x3ff: {  	v2 =	vadd.f32 v3, v2;
	v3 =	vmul.f32 v17, v16;
	_ =	sdelay $0x1  }
0x400: {  	s29 =	simm.s32 $0x8500;
	v2 =	vadd.f32 v3, v2;
	v3 =	vmul.f32 v19, v18  }
0x401: {  	v21 =	vld [tilespmem:s29+$0x0]  }
0x402: {  	v1 =	vmul.f32 v1, v20;
	v2 =	vadd.f32 v3, v2;
	_ =	sdelay $0x1  }
0x403: {  	v1 =	vadd.f32 v1, v2;
	_ =	sdelay $0x1  }
0x404: {  	v1 =	vsub.f32 v21, v1;
	_ =	sdelay $0x1  }
0x405: {  	v1 =	vadd.f32 $0.0e+00, v1;
	_ =	sdelay $0x1  }
0x406: {  	v1 =	vmul.f32 $1.442695020e+00, v1;
	_ =	sdelay $0x1  }
0x407: {  	(erf) = vpow2.f32 v1;
	_ =	sdelay $0x8  }
0x408: {  	v1 =	vpop (erf)  }
0x409: {  	v1 =	vadd.f32 $1.000000000e+00, v1;
	_ =	sdelay $0x1  }
0x40a: {  	(erf) = vrcp.f32 v1;
	_ =	sdelay $0x2  }
0x40b: {  	s30 =	simm.s32 $0x10  }
0x40c: {  	v1 =	vmov s30  }
0x40d: {  	v1 =	vshll.u32 v1, $0x7  }
0x40e: {  	v1 =	vor.u32 v0, v1;
	_ =	sdelay $0x1  }
0x40f: {  	v2 =	vor.u32 $0x1, v1  }
0x410: {  	s19 =	simm.s32 $0x8700;
	v3 =	vpop (erf)  }
0x411: {  	v22 =	vor.u32 $0x2, v1;
	[tilespmem:s19+$0x0] =	vst v3  }
0x412: {  	v3 =	vld.idx.msk [tilespmem:v1+s5+$0x0], $0xffff  }
0x413: {  	v24 =	vor.u32 $0x3, v1;
	v23 =	vld.idx.msk [tilespmem:v1+s2+$0x0], $0xffff  }
0x414: {  	v25 =	vld.idx.msk [tilespmem:v2+s2+$0x0], $0xffff  }
0x415: {  	v26 =	vor.u32 $0x4, v1;
	v2 =	vld.idx.msk [tilespmem:v2+s5+$0x0], $0xffff  }
0x416: {  	v27 =	vld.idx.msk [tilespmem:v22+s2+$0x0], $0xffff  }
0x417: {  	v28 =	vor.u32 $0x5, v1;
	v4 =	vld.idx.msk [tilespmem:v22+s5+$0x0], $0xffff  }
0x418: {  	v29 =	vld.idx.msk [tilespmem:v24+s2+$0x0], $0xffff;
	v3 =	vmul.f32 v3, v23  }
0x419: {  	v31 =	vor.u32 $0x6, v1;
	v30 =	vld.idx.msk [tilespmem:v24+s5+$0x0], $0xffff  }
0x41a: {  	v32 =	vld.idx.msk [tilespmem:v26+s2+$0x0], $0xffff;
	v2 =	vmul.f32 v2, v25;
	v3 =	vadd.f32 $0.0e+00, v3  }
0x41b: {  	v34 =	vor.u32 $0x7, v1;
	v33 =	vld.idx.msk [tilespmem:v26+s5+$0x0], $0xffff  }
0x41c: {  	v35 =	vld.idx.msk [tilespmem:v28+s2+$0x0], $0xffff;
	v2 =	vadd.f32 v2, v3;
	v3 =	vmul.f32 v4, v27  }
0x41d: {  	v37 =	vor.u32 $0x8, v1;
	v36 =	vld.idx.msk [tilespmem:v28+s5+$0x0], $0xffff  }
0x41e: {  	v38 =	vld.idx.msk [tilespmem:v31+s2+$0x0], $0xffff;
	v2 =	vadd.f32 v3, v2;
	v3 =	vmul.f32 v30, v29  }
0x41f: {  	v40 =	vor.u32 $0x9, v1;
	v39 =	vld.idx.msk [tilespmem:v31+s5+$0x0], $0xffff  }
0x420: {  	v41 =	vld.idx.msk [tilespmem:v34+s2+$0x0], $0xffff;
	v2 =	vadd.f32 v3, v2;
	v3 =	vmul.f32 v33, v32  }
0x421: {  	v43 =	vor.u32 $0xA, v1;
	v42 =	vld.idx.msk [tilespmem:v34+s5+$0x0], $0xffff  }
0x422: {  	v44 =	vld.idx.msk [tilespmem:v37+s2+$0x0], $0xffff;
	v2 =	vadd.f32 v3, v2;
	v3 =	vmul.f32 v36, v35  }
0x423: {  	v46 =	vor.u32 $0xB, v1;
	v45 =	vld.idx.msk [tilespmem:v37+s5+$0x0], $0xffff  }
0x424: {  	v47 =	vld.idx.msk [tilespmem:v40+s2+$0x0], $0xffff;
	v2 =	vadd.f32 v3, v2;
	v3 =	vmul.f32 v39, v38  }
0x425: {  	v49 =	vor.u32 $0xC, v1;
	v48 =	vld.idx.msk [tilespmem:v40+s5+$0x0], $0xffff  }
0x426: {  	v50 =	vld.idx.msk [tilespmem:v43+s2+$0x0], $0xffff;
	v2 =	vadd.f32 v3, v2;
	v3 =	vmul.f32 v42, v41  }
0x427: {  	v52 =	vor.u32 $0xD, v1;
	v51 =	vld.idx.msk [tilespmem:v43+s5+$0x0], $0xffff  }
0x428: {  	v53 =	vld.idx.msk [tilespmem:v46+s2+$0x0], $0xffff;
	v2 =	vadd.f32 v3, v2;
	v3 =	vmul.f32 v45, v44  }
0x429: {  	v55 =	vor.u32 $0xE, v1;
	v54 =	vld.idx.msk [tilespmem:v46+s5+$0x0], $0xffff  }
0x42a: {  	v56 =	vld.idx.msk [tilespmem:v49+s2+$0x0], $0xffff;
	v2 =	vadd.f32 v3, v2;
	v3 =	vmul.f32 v48, v47  }
0x42b: {  	v57 =	vld.idx.msk [tilespmem:v49+s5+$0x0], $0xffff;
	v1 =	vor.u32 $0xF, v1  }
0x42c: {  	v58 =	vld.idx.msk [tilespmem:v52+s2+$0x0], $0xffff;
	v2 =	vadd.f32 v3, v2;
	v3 =	vmul.f32 v51, v50  }
0x42d: {  	v59 =	vld.idx.msk [tilespmem:v52+s5+$0x0], $0xffff  }
0x42e: {  	v60 =	vld.idx.msk [tilespmem:v55+s2+$0x0], $0xffff;
	v2 =	vadd.f32 v3, v2;
	v3 =	vmul.f32 v54, v53  }
0x42f: {  	v61 =	vld.idx.msk [tilespmem:v55+s5+$0x0], $0xffff  }
0x430: {  	v62 =	vld.idx.msk [tilespmem:v1+s2+$0x0], $0xffff;
	v2 =	vadd.f32 v3, v2;
	v3 =	vmul.f32 v57, v56  }
0x431: {  	v1 =	vld.idx.msk [tilespmem:v1+s5+$0x0], $0xffff  }
0x432: {  	v2 =	vadd.f32 v3, v2;
	v3 =	vmul.f32 v59, v58;
	_ =	sdelay $0x1  }
0x433: {  	s20 =	simm.s32 $0x8510;
	v2 =	vadd.f32 v3, v2;
	v3 =	vmul.f32 v61, v60  }
0x434: {  	v63 =	vld [tilespmem:s20+$0x0]  }
0x435: {  	v1 =	vmul.f32 v1, v62;
	v2 =	vadd.f32 v3, v2;
	_ =	sdelay $0x1  }
0x436: {  	v1 =	vadd.f32 v1, v2;
	_ =	sdelay $0x1  }
0x437: {  	v1 =	vsub.f32 v63, v1;
	_ =	sdelay $0x1  }
0x438: {  	v1 =	vadd.f32 $0.0e+00, v1;
	_ =	sdelay $0x1  }
0x439: {  	v1 =	vmul.f32 $1.442695020e+00, v1;
	_ =	sdelay $0x1  }
0x43a: {  	(erf) = vpow2.f32 v1;
	_ =	sdelay $0x8  }
0x43b: {  	v1 =	vpop (erf)  }
0x43c: {  	v1 =	vadd.f32 $1.000000000e+00, v1;
	_ =	sdelay $0x1  }
0x43d: {  	(erf) = vrcp.f32 v1;
	_ =	sdelay $0x2  }
0x43e: {  	s31 =	simm.s32 $0x20  }
0x43f: {  	v2 =	vmov s31  }
0x440: {  	s0 =	simm.s32 $0x30;
	v1 =	vshll.u32 v2, $0x7  }
.LBB2_12:
0x441: {  	p0 =	sne.s32 s0, $0x70;
	v1 =	vor.u32 v0, v1;
	_ =	sdelay $0x1  }
0x442: {  	v2 =	vor.u32 $0x1, v1  }
0x443: {  	s19 =	sadd.s32 $0x10, s19;
	v3 =	vpop (erf)  }
0x444: {  	v4 =	vor.u32 $0x2, v1;
	[tilespmem:s19+$0x0] =	vst v3  }
0x445: {  	v3 =	vld.idx.msk [tilespmem:v1+s5+$0x0], $0xffff  }
0x446: {  	v6 =	vor.u32 $0x3, v1;
	v5 =	vld.idx.msk [tilespmem:v1+s2+$0x0], $0xffff  }
0x447: {  	v7 =	vld.idx.msk [tilespmem:v2+s2+$0x0], $0xffff  }
0x448: {  	v8 =	vor.u32 $0x4, v1;
	v2 =	vld.idx.msk [tilespmem:v2+s5+$0x0], $0xffff  }
0x449: {  	v9 =	vld.idx.msk [tilespmem:v4+s2+$0x0], $0xffff  }
0x44a: {  	v10 =	vor.u32 $0x5, v1;
	v4 =	vld.idx.msk [tilespmem:v4+s5+$0x0], $0xffff  }
0x44b: {  	v11 =	vld.idx.msk [tilespmem:v6+s2+$0x0], $0xffff  }
0x44c: {  	v3 =	vmul.f32 v3, v5;
	v5 =	vld.idx.msk [tilespmem:v6+s5+$0x0], $0xffff;
	v6 =	vor.u32 $0x6, v1  }
0x44d: {  	v12 =	vld.idx.msk [tilespmem:v8+s2+$0x0], $0xffff  }
0x44e: {  	v3 =	vadd.f32 $0.0e+00, v3;
	v2 =	vmul.f32 v2, v7;
	v7 =	vld.idx.msk [tilespmem:v8+s5+$0x0], $0xffff;
	v8 =	vor.u32 $0x7, v1  }
0x44f: {  	v13 =	vld.idx.msk [tilespmem:v10+s2+$0x0], $0xffff  }
0x450: {  	v2 =	vadd.f32 v2, v3;
	v3 =	vmul.f32 v4, v9;
	v9 =	vor.u32 $0x8, v1;
	v4 =	vld.idx.msk [tilespmem:v10+s5+$0x0], $0xffff  }
0x451: {  	v10 =	vld.idx.msk [tilespmem:v6+s2+$0x0], $0xffff  }
0x452: {  	v2 =	vadd.f32 v3, v2;
	v3 =	vmul.f32 v5, v11;
	v5 =	vld.idx.msk [tilespmem:v6+s5+$0x0], $0xffff;
	v6 =	vor.u32 $0x9, v1  }
0x453: {  	v11 =	vld.idx.msk [tilespmem:v8+s2+$0x0], $0xffff  }
0x454: {  	v2 =	vadd.f32 v3, v2;
	v3 =	vmul.f32 v7, v12;
	v7 =	vld.idx.msk [tilespmem:v8+s5+$0x0], $0xffff;
	v8 =	vor.u32 $0xA, v1  }
0x455: {  	v12 =	vld.idx.msk [tilespmem:v9+s2+$0x0], $0xffff  }
0x456: {  	v2 =	vadd.f32 v3, v2;
	v3 =	vmul.f32 v4, v13;
	v4 =	vld.idx.msk [tilespmem:v9+s5+$0x0], $0xffff;
	v9 =	vor.u32 $0xB, v1  }
0x457: {  	v13 =	vld.idx.msk [tilespmem:v6+s2+$0x0], $0xffff  }
0x458: {  	v2 =	vadd.f32 v3, v2;
	v3 =	vmul.f32 v5, v10;
	v5 =	vld.idx.msk [tilespmem:v6+s5+$0x0], $0xffff;
	v6 =	vor.u32 $0xC, v1  }
0x459: {  	v10 =	vld.idx.msk [tilespmem:v8+s2+$0x0], $0xffff  }
0x45a: {  	v2 =	vadd.f32 v3, v2;
	v3 =	vmul.f32 v7, v11;
	v7 =	vld.idx.msk [tilespmem:v8+s5+$0x0], $0xffff;
	v8 =	vor.u32 $0xD, v1  }
0x45b: {  	v11 =	vld.idx.msk [tilespmem:v9+s2+$0x0], $0xffff  }
0x45c: {  	v2 =	vadd.f32 v3, v2;
	v3 =	vmul.f32 v4, v12;
	v4 =	vld.idx.msk [tilespmem:v9+s5+$0x0], $0xffff;
	v9 =	vor.u32 $0xE, v1  }
0x45d: {  	v12 =	vld.idx.msk [tilespmem:v6+s2+$0x0], $0xffff  }
0x45e: {  	v1 =	vor.u32 $0xF, v1;
	v2 =	vadd.f32 v3, v2;
	v3 =	vmul.f32 v5, v13;
	v5 =	vld.idx.msk [tilespmem:v6+s5+$0x0], $0xffff  }
0x45f: {  	v6 =	vld.idx.msk [tilespmem:v8+s2+$0x0], $0xffff  }
0x460: {  	v2 =	vadd.f32 v3, v2;
	v3 =	vmul.f32 v7, v10;
	v7 =	vld.idx.msk [tilespmem:v8+s5+$0x0], $0xffff  }
0x461: {  	v8 =	vld.idx.msk [tilespmem:v9+s2+$0x0], $0xffff  }
0x462: {  	v2 =	vadd.f32 v3, v2;
	v3 =	vmul.f32 v4, v11;
	v4 =	vld.idx.msk [tilespmem:v9+s5+$0x0], $0xffff  }
0x463: {  	v9 =	vld.idx.msk [tilespmem:v1+s2+$0x0], $0xffff  }
0x464: {  	v2 =	vadd.f32 v3, v2;
	v3 =	vmul.f32 v5, v12;
	v1 =	vld.idx.msk [tilespmem:v1+s5+$0x0], $0xffff;
	_ =	sdelay $0x1  }
0x465: {  	v2 =	vadd.f32 v3, v2;
	v3 =	vmul.f32 v7, v6;
	_ =	sdelay $0x1  }
0x466: {  	s20 =	sadd.s32 $0x10, s20;
	v2 =	vadd.f32 v3, v2;
	v3 =	vmul.f32 v4, v8  }
0x467: {  	v4 =	vld [tilespmem:s20+$0x0]  }
0x468: {  	v2 =	vadd.f32 v3, v2;
	v1 =	vmul.f32 v1, v9;
	_ =	sdelay $0x1  }
0x469: {  	v1 =	vadd.f32 v1, v2;
	_ =	sdelay $0x1  }
0x46a: {  	v1 =	vsub.f32 v4, v1;
	_ =	sdelay $0x1  }
0x46b: {  	v1 =	vadd.f32 $0.0e+00, v1;
	_ =	sdelay $0x1  }
0x46c: {  	v1 =	vmul.f32 $1.442695020e+00, v1;
	_ =	sdelay $0x1  }
0x46d: {  	(erf) = vpow2.f32 v1;
	_ =	sdelay $0x8  }
0x46e: {  	v1 =	vpop (erf)  }
0x46f: {  	v1 =	vadd.f32 $1.000000000e+00, v1;
	_ =	sdelay $0x1  }
0x470: {  	(erf) = vrcp.f32 v1  }
.Ltmp5:
0x471: {  	(pc) =	sbr.rel @p0 .LBB2_12-.Ltmp5, $3  }
0x472: {  	_ =	sdelay $0x1  }
0x473: {  	v1 =	vmov s0  }
0x474: {  	s0 =	sadd.s32 $0x10, s0;
	v1 =	vshll.u32 v1, $0x7  }
0x475: {  	v1 =	vor.u32 v0, v1;
	_ =	sdelay $0x1  }
0x476: {  	v2 =	vor.u32 $0x1, v1  }
0x477: {  	s0 =	sadd.s32 $0x10, s19;
	v3 =	vpop (erf)  }
0x478: {  	v4 =	vor.u32 $0x2, v1;
	[tilespmem:s0+$0x0] =	vst v3  }
0x479: {  	v3 =	vld.idx.msk [tilespmem:v1+s5+$0x0], $0xffff  }
0x47a: {  	v6 =	vor.u32 $0x3, v1;
	v5 =	vld.idx.msk [tilespmem:v1+s2+$0x0], $0xffff  }
0x47b: {  	v7 =	vld.idx.msk [tilespmem:v2+s2+$0x0], $0xffff  }
0x47c: {  	v8 =	vor.u32 $0x4, v1;
	v2 =	vld.idx.msk [tilespmem:v2+s5+$0x0], $0xffff  }
0x47d: {  	v9 =	vld.idx.msk [tilespmem:v4+s2+$0x0], $0xffff  }
0x47e: {  	v10 =	vor.u32 $0x5, v1;
	v4 =	vld.idx.msk [tilespmem:v4+s5+$0x0], $0xffff  }
0x47f: {  	v11 =	vld.idx.msk [tilespmem:v6+s2+$0x0], $0xffff;
	v3 =	vmul.f32 v3, v5  }
0x480: {  	v33 =	vor.u32 $0x6, v1;
	v32 =	vld.idx.msk [tilespmem:v6+s5+$0x0], $0xffff  }
0x481: {  	v12 =	vld.idx.msk [tilespmem:v8+s2+$0x0], $0xffff;
	v2 =	vmul.f32 v2, v7;
	v3 =	vadd.f32 $0.0e+00, v3  }
0x482: {  	v35 =	vor.u32 $0x7, v1;
	v34 =	vld.idx.msk [tilespmem:v8+s5+$0x0], $0xffff  }
0x483: {  	v13 =	vld.idx.msk [tilespmem:v10+s2+$0x0], $0xffff;
	v2 =	vadd.f32 v2, v3;
	v3 =	vmul.f32 v4, v9  }
0x484: {  	v37 =	vor.u32 $0x8, v1;
	v36 =	vld.idx.msk [tilespmem:v10+s5+$0x0], $0xffff  }
0x485: {  	v38 =	vld.idx.msk [tilespmem:v33+s2+$0x0], $0xffff;
	v2 =	vadd.f32 v3, v2;
	v3 =	vmul.f32 v32, v11  }
0x486: {  	v40 =	vor.u32 $0x9, v1;
	v39 =	vld.idx.msk [tilespmem:v33+s5+$0x0], $0xffff  }
0x487: {  	v41 =	vld.idx.msk [tilespmem:v35+s2+$0x0], $0xffff;
	v2 =	vadd.f32 v3, v2;
	v3 =	vmul.f32 v34, v12  }
0x488: {  	v43 =	vor.u32 $0xA, v1;
	v42 =	vld.idx.msk [tilespmem:v35+s5+$0x0], $0xffff  }
0x489: {  	v44 =	vld.idx.msk [tilespmem:v37+s2+$0x0], $0xffff;
	v2 =	vadd.f32 v3, v2;
	v3 =	vmul.f32 v36, v13  }
0x48a: {  	v46 =	vor.u32 $0xB, v1;
	v45 =	vld.idx.msk [tilespmem:v37+s5+$0x0], $0xffff  }
0x48b: {  	v47 =	vld.idx.msk [tilespmem:v40+s2+$0x0], $0xffff;
	v2 =	vadd.f32 v3, v2;
	v3 =	vmul.f32 v39, v38  }
0x48c: {  	v49 =	vor.u32 $0xC, v1;
	v48 =	vld.idx.msk [tilespmem:v40+s5+$0x0], $0xffff  }
0x48d: {  	v50 =	vld.idx.msk [tilespmem:v43+s2+$0x0], $0xffff;
	v2 =	vadd.f32 v3, v2;
	v3 =	vmul.f32 v42, v41  }
0x48e: {  	v52 =	vor.u32 $0xD, v1;
	v51 =	vld.idx.msk [tilespmem:v43+s5+$0x0], $0xffff  }
0x48f: {  	v53 =	vld.idx.msk [tilespmem:v46+s2+$0x0], $0xffff;
	v2 =	vadd.f32 v3, v2;
	v3 =	vmul.f32 v45, v44  }
0x490: {  	v55 =	vor.u32 $0xE, v1;
	v54 =	vld.idx.msk [tilespmem:v46+s5+$0x0], $0xffff  }
0x491: {  	v56 =	vld.idx.msk [tilespmem:v49+s2+$0x0], $0xffff;
	v2 =	vadd.f32 v3, v2;
	v3 =	vmul.f32 v48, v47  }
0x492: {  	v1 =	vor.u32 $0xF, v1;
	v57 =	vld.idx.msk [tilespmem:v49+s5+$0x0], $0xffff  }
0x493: {  	v58 =	vld.idx.msk [tilespmem:v52+s2+$0x0], $0xffff;
	v2 =	vadd.f32 v3, v2;
	v3 =	vmul.f32 v51, v50  }
0x494: {  	v59 =	vld.idx.msk [tilespmem:v52+s5+$0x0], $0xffff  }
0x495: {  	v60 =	vld.idx.msk [tilespmem:v55+s2+$0x0], $0xffff;
	v2 =	vadd.f32 v3, v2;
	v3 =	vmul.f32 v54, v53  }
0x496: {  	v61 =	vld.idx.msk [tilespmem:v55+s5+$0x0], $0xffff  }
0x497: {  	v62 =	vld.idx.msk [tilespmem:v1+s2+$0x0], $0xffff;
	v2 =	vadd.f32 v3, v2;
	v3 =	vmul.f32 v57, v56  }
0x498: {  	v1 =	vld.idx.msk [tilespmem:v1+s5+$0x0], $0xffff  }
0x499: {  	v2 =	vadd.f32 v3, v2;
	v3 =	vmul.f32 v59, v58;
	_ =	sdelay $0x1  }
0x49a: {  	s23 =	sadd.s32 $0x10, s20;
	v2 =	vadd.f32 v3, v2;
	v3 =	vmul.f32 v61, v60  }
0x49b: {  	v63 =	vld [tilespmem:s23+$0x0]  }
0x49c: {  	v1 =	vmul.f32 v1, v62;
	v2 =	vadd.f32 v3, v2;
	_ =	sdelay $0x1  }
0x49d: {  	v1 =	vadd.f32 v1, v2;
	_ =	sdelay $0x1  }
0x49e: {  	v1 =	vsub.f32 v63, v1;
	_ =	sdelay $0x1  }
0x49f: {  	v1 =	vadd.f32 $0.0e+00, v1;
	_ =	sdelay $0x1  }
0x4a0: {  	v1 =	vmul.f32 $1.442695020e+00, v1;
	_ =	sdelay $0x1  }
0x4a1: {  	(erf) = vpow2.f32 v1;
	_ =	sdelay $0x8  }
0x4a2: {  	v1 =	vpop (erf)  }
0x4a3: {  	v1 =	vadd.f32 $1.000000000e+00, v1;
	_ =	sdelay $0x1  }
0x4a4: {  	(erf) = vrcp.f32 v1;
	_ =	sdelay $0x8  }
0x4a5: {  	s0 =	sadd.s32 $0x10, s0;
	v1 =	vpop (erf)  }
0x4a6: {  	s24 =	simm.s32 $0x180;
	[tilespmem:s0+$0x0] =	vst v1  }
0x4a7: {  	s25 =	simm.s32 $0x380;
	v1 =	vld [tilespmem:s24+$0x0]  }
0x4a8: {  	v3 =	vld [tilespmem:s25+$0x0];
	_ =	sdelay $0x3  }
0x4a9: {  	v2 =	vshll.u32 v1, $0x4  }
0x4aa: {  	v1 =	vshll.u32 v3, $0x4;
	(v2sf) =	vpush v2, $0x0  }
0x4ab: {  	(v2sf) =	vpush v1, $0x0  }
0x4ac: {  	(v2sf) =	vpush v2, $0x1;
	_ =	sdelay $0x2  }
0x4ad: {  	(v2sf) =	vpush v1, $0x1;
	_ =	sdelay $0x1  }
0x4ae: {  	(v2sf) =	vpush v2, $0x2;
	_ =	sdelay $0x1  }
0x4af: {  	(v2sf) =	vpush v1, $0x2;
	_ =	sdelay $0x1  }
0x4b0: {  	s20 =	simm.s32 $0x2000;
	(v2sf) =	vpush v2, $0x3  }
0x4b1: {  	s19 =	simm.s32 $0x0;
	s26 =	simm.s32 $0x4400;
	s6 =	simm.s32 $0x880  }
0x4b2: {  	s7 =	simm.s32 $0x400;
	s9 =	simm.s32 $0x600;
	s10 =	simm.s32 $0x580  }
0x4b3: {  	s15 =	simm.s32 $0x4480;
	s17 =	simm.s32 $0x500;
	s22 =	simm.s32 $0x4500  }
0x4b4: {  	s29 =	simm.s32 $0xA00;
	s28 =	simm.s32 $0xB00;
	s8 =	spop (v2sf);
	(v2sf) =	vpush v1, $0x3  }
0x4b5: {  	s5 =	simm.s32 $0x680;
	s8 =	sand.u32 $0x1FFFFFF0, s8;
	s11 =	spop (v2sf)  }
0x4b6: {  	s0 =	simm.s32 $0x4900;
	s8 =	sadd.s32 s3, s8;
	s31 =	spop (v2sf)  }
0x4b7: {  	(v2sf) =	vpush v2, $0x4;
	[tilespmem:s7], [sflag:$0x1] =	stream.linear.gather [hbm4b:s8+s1], $0x80, $0x38;
	[tilespmem:$0x8800] =	vst v63  }
0x4b8: {  	(v2sf) =	vpush v1, $0x4;
	s30 =	sand.u32 $0x1FFFFFF0, s11;
	s7 =	simm.s32 $0x4580;
	s11 =	sand.u32 $0x1FFFFFF0, s31  }
0x4b9: {  	s8 =	sadd.s32 s4, s30;
	s12 =	spop (v2sf);
	s13 =	sadd.s32 s3, s11  }
0x4ba: {  	(v2sf) =	vpush v2, $0x5;
	[tilespmem:s26], [sflag:$0x2] =	stream.linear.gather [hbm4b:s8+s1], $0x80, $0x38;
	[tilespmem:$0x8800] =	vst v63  }
0x4bb: {  	s14 =	sand.u32 $0x1FFFFFF0, s12;
	s16 =	spop (v2sf);
	s8 =	simm.s32 $0x480  }
0x4bc: {  	(v2sf) =	vpush v1, $0x5;
	[tilespmem:s8], [sflag:$0x1] =	stream.linear.gather [hbm4b:s13+s1], $0x80, $0x38;
	[tilespmem:$0x8800] =	vst v63  }
0x4bd: {  	s11 =	sadd.s32 s4, s14;
	s18 =	spop (v2sf);
	s8 =	sand.u32 $0x1FFFFFF0, s16  }
0x4be: {  	(v2sf) =	vpush v2, $0x6;
	[tilespmem:s15], [sflag:$0x2] =	stream.linear.gather [hbm4b:s11+s1], $0x80, $0x38;
	[tilespmem:$0x8800] =	vst v63  }
0x4bf: {  	s21 =	spop (v2sf);
	s8 =	sadd.s32 s3, s8;
	s11 =	sand.u32 $0x1FFFFFF0, s18  }
0x4c0: {  	(v2sf) =	vpush v1, $0x6;
	[tilespmem:s17], [sflag:$0x1] =	stream.linear.gather [hbm4b:s8+s1], $0x80, $0x38;
	[tilespmem:$0x8800] =	vst v63  }
0x4c1: {  	s26 =	simm.s32 $0x4600;
	s12 =	sand.u32 $0x1FFFFFF0, s21;
	s23 =	sadd.s32 s4, s11  }
0x4c2: {  	[tilespmem:s22], [sflag:$0x2] =	stream.linear.gather [hbm4b:s23+s1], $0x80, $0x38;
	[tilespmem:$0x8800] =	vst v63  }
0x4c3: {  	s13 =	simm.s32 $0xA80;
	s25 =	sadd.s32 s3, s12;
	s24 =	spop (v2sf)  }
0x4c4: {  	(v2sf) =	vpush v2, $0x7;
	[tilespmem:s10], [sflag:$0x1] =	stream.linear.gather [hbm4b:s25+s1], $0x80, $0x38;
	[tilespmem:$0x8800] =	vst v63  }
0x4c5: {  	s16 =	simm.s32 $0x4680;
	s12 =	simm.s32 $0x4A80;
	s8 =	sand.u32 $0x1FFFFFF0, s24  }
0x4c6: {  	s18 =	simm.s32 $0x700;
	s30 =	spop (v2sf);
	s8 =	sadd.s32 s4, s8  }
0x4c7: {  	(v2sf) =	vpush v1, $0x7;
	s2 =	sand.u32 $0x1FFFFFF0, s30;
	s31 =	spop (v2sf);
	s30 =	simm.s32 $0x4700  }
0x4c8: {  	(v2sf) =	vpush v2, $0x8;
	[tilespmem:s7], [sflag:$0x2] =	stream.linear.gather [hbm4b:s8+s1], $0x80, $0x38;
	[tilespmem:$0x8800] =	vst v63  }
0x4c9: {  	s14 =	sadd.s32 s3, s2;
	s15 =	sand.u32 $0x1FFFFFF0, s31;
	s17 =	spop (v2sf)  }
0x4ca: {  	(v2sf) =	vpush v1, $0x8;
	[tilespmem:s9], [sflag:$0x1] =	stream.linear.gather [hbm4b:s14+s1], $0x80, $0x38;
	[tilespmem:$0x8800] =	vst v63  }
0x4cb: {  	s8 =	sadd.s32 s4, s15;
	s21 =	spop (v2sf);
	s9 =	sand.u32 $0x1FFFFFF0, s17  }
0x4cc: {  	(v2sf) =	vpush v2, $0x9;
	[tilespmem:s26], [sflag:$0x2] =	stream.linear.gather [hbm4b:s8+s1], $0x80, $0x38;
	[tilespmem:$0x8800] =	vst v63  }
0x4cd: {  	s10 =	sand.u32 $0x1FFFFFF0, s21;
	s22 =	spop (v2sf);
	s9 =	sadd.s32 s3, s9  }
0x4ce: {  	(v2sf) =	vpush v1, $0x9;
	[tilespmem:s5], [sflag:$0x1] =	stream.linear.gather [hbm4b:s9+s1], $0x80, $0x38;
	[tilespmem:$0x8800] =	vst v63  }
0x4cf: {  	s23 =	sadd.s32 s4, s10;
	s24 =	sand.u32 $0x1FFFFFF0, s22;
	s25 =	spop (v2sf)  }
0x4d0: {  	(v2sf) =	vpush v2, $0xA;
	[tilespmem:s16], [sflag:$0x2] =	stream.linear.gather [hbm4b:s23+s1], $0x80, $0x38;
	[tilespmem:$0x8800] =	vst v63  }
0x4d1: {  	s14 =	simm.s32 $0x780;
	s26 =	sadd.s32 s3, s24;
	s7 =	sand.u32 $0x1FFFFFF0, s25  }
0x4d2: {  	(v2sf) =	vpush v1, $0xA;
	[tilespmem:s18], [sflag:$0x1] =	stream.linear.gather [hbm4b:s26+s1], $0x80, $0x38;
	[tilespmem:$0x8800] =	vst v63  }
0x4d3: {  	s17 =	simm.s32 $0x4780;
	s7 =	sadd.s32 s4, s7;
	s31 =	spop (v2sf)  }
0x4d4: {  	(v2sf) =	vpush v2, $0xB;
	[tilespmem:s30], [sflag:$0x2] =	stream.linear.gather [hbm4b:s7+s1], $0x80, $0x38;
	[tilespmem:$0x8800] =	vst v63  }
0x4d5: {  	s21 =	simm.s32 $0x800;
	s24 =	simm.s32 $0x4800;
	s9 =	sand.u32 $0x1FFFFFF0, s31  }
0x4d6: {  	s30 =	simm.s32 $0x4880;
	s2 =	spop (v2sf);
	(v2sf) =	vpush v1, $0xB;
	s15 =	sadd.s32 s3, s9  }
0x4d7: {  	s16 =	sand.u32 $0x1FFFFFF0, s2;
	s18 =	spop (v2sf);
	s2 =	simm.s32 $0x900  }
0x4d8: {  	[tilespmem:s14], [sflag:$0x1] =	stream.linear.gather [hbm4b:s15+s1], $0x80, $0x38;
	[tilespmem:$0x8800] =	vst v63  }
0x4d9: {  	s9 =	sadd.s32 s4, s16;
	s8 =	sand.u32 $0x1FFFFFF0, s18;
	s22 =	spop (v2sf)  }
0x4da: {  	[tilespmem:s17], [sflag:$0x2] =	stream.linear.gather [hbm4b:s9+s1], $0x80, $0x38;
	[tilespmem:$0x8800] =	vst v63  }
0x4db: {  	(v2sf) =	vpush v2, $0xC;
	s8 =	sadd.s32 s3, s8;
	s23 =	spop (v2sf);
	s9 =	sand.u32 $0x1FFFFFF0, s22  }
0x4dc: {  	[tilespmem:s21], [sflag:$0x1] =	stream.linear.gather [hbm4b:s8+s1], $0x80, $0x38;
	[tilespmem:$0x8800] =	vst v63  }
0x4dd: {  	(v2sf) =	vpush v1, $0xC;
	s26 =	sand.u32 $0x1FFFFFF0, s23;
	s31 =	spop (v2sf);
	s25 =	sadd.s32 s4, s9  }
0x4de: {  	[tilespmem:s24], [sflag:$0x2] =	stream.linear.gather [hbm4b:s25+s1], $0x80, $0x38;
	[tilespmem:$0x8800] =	vst v63  }
0x4df: {  	s9 =	sadd.s32 s3, s26;
	s14 =	spop (v2sf);
	s8 =	sand.u32 $0x1FFFFFF0, s31  }
0x4e0: {  	[tilespmem:s6], [sflag:$0x1] =	stream.linear.gather [hbm4b:s9+s1], $0x80, $0x38;
	[tilespmem:$0x8800] =	vst v63  }
0x4e1: {  	s15 =	spop (v2sf);
	s8 =	sadd.s32 s4, s8;
	s9 =	sand.u32 $0x1FFFFFF0, s14  }
0x4e2: {  	[tilespmem:s30], [sflag:$0x2] =	stream.linear.gather [hbm4b:s8+s1], $0x80, $0x38;
	[tilespmem:$0x8800] =	vst v63  }
0x4e3: {  	s17 =	sand.u32 $0x1FFFFFF0, s15;
	s16 =	sadd.s32 s3, s9;
	s18 =	spop (v2sf)  }
0x4e4: {  	[tilespmem:s2], [sflag:$0x1] =	stream.linear.gather [hbm4b:s16+s1], $0x80, $0x38;
	[tilespmem:$0x8800] =	vst v63  }
0x4e5: {  	s11 =	simm.s32 $0x4A00;
	s21 =	sadd.s32 s4, s17;
	s23 =	spop (v2sf)  }
0x4e6: {  	[tilespmem:s0], [sflag:$0x2] =	stream.linear.gather [hbm4b:s21+s1], $0x80, $0x38;
	[tilespmem:$0x8800] =	vst v63  }
0x4e7: {  	s5 =	simm.s32 $0x4980;
	(v2sf) =	vpush v2, $0xD;
	s22 =	sand.u32 $0x1FFFFFF0, s18;
	s26 =	sand.u32 $0x1FFFFFF0, s23  }
0x4e8: {  	s24 =	simm.s32 $0x980;
	(v2sf) =	vpush v1, $0xD;
	s25 =	sadd.s32 s3, s22;
	s30 =	sadd.s32 s4, s26  }
0x4e9: {  	(v2sf) =	vpush v2, $0xE;
	[tilespmem:s24], [sflag:$0x1] =	stream.linear.gather [hbm4b:s25+s1], $0x80, $0x38;
	[tilespmem:$0x8800] =	vst v63  }
0x4ea: {  	(v2sf) =	vpush v1, $0xE;
	s31 =	spop (v2sf);
	s26 =	simm.s32 $0x4B00;
	s24 =	simm.s32 $0x390  }
0x4eb: {  	(v2sf) =	vpush v2, $0xF;
	[tilespmem:s5], [sflag:$0x2] =	stream.linear.gather [hbm4b:s30+s1], $0x80, $0x38;
	[tilespmem:$0x8800] =	vst v63  }
0x4ec: {  	s25 =	simm.s32 $0x190;
	s0 =	sand.u32 $0x1FFFFFF0, s31;
	(v2sf) =	vpush v1, $0xF;
	s5 =	spop (v2sf)  }
.LBB2_14:
0x4ed: {  	_ =	sdelay $0x4  }
0x4ee: {  	s0 =	sadd.s32 s3, s0;
	s5 =	sand.u32 $0x1FFFFFF0, s5  }
0x4ef: {  	[tilespmem:s29], [sflag:$0x1] =	stream.linear.gather [hbm4b:s0+s1], $0x80, $0x38;
	[tilespmem:$0x8800] =	vst v63  }
0x4f0: {  	s7 =	sadd.s32 s4, s5  }
0x4f1: {  	[tilespmem:s11], [sflag:$0x2] =	stream.linear.gather [hbm4b:s7+s1], $0x80, $0x38;
	[tilespmem:$0x8800] =	vst v63  }
0x4f2: {  	s6 =	spop (v2sf)  }
0x4f3: {  	s8 =	sand.u32 $0x1FFFFFF0, s6;
	s9 =	spop (v2sf)  }
0x4f4: {  	s10 =	sadd.s32 s3, s8;
	s2 =	sand.u32 $0x1FFFFFF0, s9;
	s11 =	spop (v2sf)  }
0x4f5: {  	[tilespmem:s13], [sflag:$0x1] =	stream.linear.gather [hbm4b:s10+s1], $0x80, $0x38;
	[tilespmem:$0x8800] =	vst v63  }
0x4f6: {  	s14 =	sadd.s32 s4, s2;
	s15 =	sand.u32 $0x1FFFFFF0, s11;
	s16 =	spop (v2sf)  }
0x4f7: {  	[tilespmem:s12], [sflag:$0x2] =	stream.linear.gather [hbm4b:s14+s1], $0x80, $0x38;
	[tilespmem:$0x8800] =	vst v63  }
0x4f8: {  	s17 =	sadd.s32 s3, s15;
	s18 =	sand.u32 $0x1FFFFFF0, s16;
	s21 =	spop (v2sf)  }
0x4f9: {  	[tilespmem:s28], [sflag:$0x1] =	stream.linear.gather [hbm4b:s17+s1], $0x80, $0x38;
	[tilespmem:$0x8800] =	vst v63  }
0x4fa: {  	s22 =	sadd.s32 s4, s18;
	s23 =	sand.u32 $0x1FFFFFF0, s21;
	s30 =	spop (v2sf)  }
0x4fb: {  	[tilespmem:s26], [sflag:$0x2] =	stream.linear.gather [hbm4b:s22+s1], $0x80, $0x38;
	[tilespmem:$0x8800] =	vst v63  }
0x4fc: {  	s31 =	sadd.s32 $0xB80, s19;
	s2 =	sadd.s32 s3, s23;
	s5 =	sand.u32 $0x1FFFFFF0, s30  }
0x4fd: {  	[tilespmem:s31], [sflag:$0x1] =	stream.linear.gather [hbm4b:s2+s1], $0x80, $0x38;
	[tilespmem:$0x8800] =	vst v63  }
0x4fe: {  	s5 =	sadd.s32 s4, s5;
	s2 =	sadd.s32 $0x4B80, s19  }
0x4ff: {  	[tilespmem:s2], [sflag:$0x2] =	stream.linear.gather [hbm4b:s5+s1], $0x80, $0x38;
	[tilespmem:$0x8800] =	vst v63  }
0x500: {  	v1 =	vld [tilespmem:s25+$0x0];
	_ =	sdelay $0x1  }
0x501: {  	v3 =	vld [tilespmem:s24+$0x0];
	_ =	sdelay $0x2  }
0x502: {  	v2 =	vshll.u32 v1, $0x4  }
0x503: {  	(v2sf) =	vpush v2, $0x0  }
0x504: {  	s6 =	smov.u32 s20;
	v1 =	vshll.u32 v3, $0x4  }
0x505: {  	s19 =	sshra.s32 s6, $0x2;
	(v2sf) =	vpush v1, $0x0  }
0x506: {  	p0 =	sne.s32 s20, $0xE000;
	s20 =	sadd.s32 $0x2000, s20;
	s31 =	sadd.s32 $0x4400, s19;
	(v2sf) =	vpush v2, $0x1  }
0x507: {  	s0 =	sadd.s32 $0x680, s19;
	s7 =	sadd.s32 $0x880, s19;
	s8 =	sadd.s32 $0x4900, s19  }
0x508: {  	s16 =	sadd.s32 $0x580, s19;
	s15 =	sadd.s32 $0x4580, s19;
	s21 =	sadd.s32 $0x500, s19;
	(v2sf) =	vpush v1, $0x1  }
0x509: {  	s18 =	sadd.s32 $0x4600, s19;
	s13 =	sadd.s32 $0xA80, s19;
	s30 =	sadd.s32 $0x4480, s19  }
0x50a: {  	s6 =	sadd.s32 $0x4680, s19;
	s10 =	sadd.s32 $0x700, s19;
	s12 =	sadd.s32 $0x4A80, s19;
	(v2sf) =	vpush v2, $0x2  }
0x50b: {  	s14 =	sadd.s32 $0x4700, s19;
	s9 =	sadd.s32 $0x4880, s19;
	s11 =	sadd.s32 $0x900, s19  }
0x50c: {  	s17 =	sadd.s32 $0x4800, s19;
	s29 =	sadd.s32 $0xA00, s19;
	[smem:$0x7EF] =	sst s0;
	(v2sf) =	vpush v1, $0x2  }
0x50d: {  	s28 =	sadd.s32 $0xB00, s19;
	s26 =	sadd.s32 $0x4B00, s19;
	[dreg:$0x10] =	wrdreg s7  }
0x50e: {  	s2 =	sadd.s32 $0x400, s19;
	s5 =	sadd.s32 $0x600, s19;
	[dreg:$0x8] =	wrdreg s8;
	(v2sf) =	vpush v2, $0x3  }
0x50f: {  	s7 =	sadd.s32 $0x4A00, s19;
	s0 =	sadd.s32 $0x4500, s19;
	[dreg:$0x18] =	wrdreg s9  }
0x510: {  	s8 =	sadd.s32 $0x4980, s19;
	[dreg:$0x14] =	wrdreg s11;
	s9 =	sadd.s32 $0x780, s19;
	(v2sf) =	vpush v1, $0x3  }
0x511: {  	[smem:$0x7F1] =	sst s17;
	s11 =	sadd.s32 $0x480, s19;
	s17 =	sadd.s32 $0x800, s19  }
0x512: {  	[dreg:$0xc] =	wrdreg s8;
	s8 =	sadd.s32 $0x4780, s19;
	(v2sf) =	vpush v2, $0x4;
	s22 =	spop (v2sf)  }
0x513: {  	[smem:$0x7F0] =	sst s17;
	s17 =	sand.u32 $0x1FFFFFF0, s22;
	s22 =	sadd.s32 $0x980, s19  }
0x514: {  	s24 =	sadd.s32 $0x10, s24;
	s23 =	spop (v2sf);
	(v2sf) =	vpush v1, $0x4;
	[dreg:$0x1c] =	wrdreg s22  }
0x515: {  	s17 =	sadd.s32 s3, s17;
	s22 =	sand.u32 $0x1FFFFFF0, s23;
	s23 =	spop (v2sf)  }
0x516: {  	(v2sf) =	vpush v2, $0x5;
	[tilespmem:s2], [sflag:$0x1] =	stream.linear.gather [hbm4b:s17+s1], $0x80, $0x38;
	[tilespmem:$0x8800] =	vst v63  }
0x517: {  	s17 =	sadd.s32 s4, s22;
	s22 =	sand.u32 $0x1FFFFFF0, s23;
	s23 =	spop (v2sf);
	(v2sf) =	vpush v1, $0x5  }
0x518: {  	[tilespmem:s31], [sflag:$0x2] =	stream.linear.gather [hbm4b:s17+s1], $0x80, $0x38;
	[tilespmem:$0x8800] =	vst v63  }
0x519: {  	s23 =	sand.u32 $0x1FFFFFF0, s23;
	s17 =	sadd.s32 s3, s22;
	s31 =	spop (v2sf);
	(v2sf) =	vpush v2, $0x6  }
0x51a: {  	[tilespmem:s11], [sflag:$0x1] =	stream.linear.gather [hbm4b:s17+s1], $0x80, $0x38;
	[tilespmem:$0x8800] =	vst v63  }
0x51b: {  	s22 =	spop (v2sf);
	(v2sf) =	vpush v1, $0x6;
	s11 =	sadd.s32 s4, s23;
	s17 =	sand.u32 $0x1FFFFFF0, s31  }
0x51c: {  	[tilespmem:s30], [sflag:$0x2] =	stream.linear.gather [hbm4b:s11+s1], $0x80, $0x38;
	[tilespmem:$0x8800] =	vst v63  }
0x51d: {  	s31 =	spop (v2sf);
	s23 =	sadd.s32 s3, s17;
	s30 =	sand.u32 $0x1FFFFFF0, s22  }
0x51e: {  	(v2sf) =	vpush v2, $0x7;
	[tilespmem:s21], [sflag:$0x1] =	stream.linear.gather [hbm4b:s23+s1], $0x80, $0x38;
	[tilespmem:$0x8800] =	vst v63  }
0x51f: {  	s22 =	spop (v2sf);
	s11 =	sadd.s32 s4, s30;
	s21 =	sand.u32 $0x1FFFFFF0, s31  }
0x520: {  	(v2sf) =	vpush v1, $0x7;
	[tilespmem:s0], [sflag:$0x2] =	stream.linear.gather [hbm4b:s11+s1], $0x80, $0x38;
	[tilespmem:$0x8800] =	vst v63  }
0x521: {  	s30 =	sand.u32 $0x1FFFFFF0, s22;
	s31 =	spop (v2sf);
	s23 =	sadd.s32 s3, s21  }
0x522: {  	(v2sf) =	vpush v2, $0x8;
	[tilespmem:s16], [sflag:$0x1] =	stream.linear.gather [hbm4b:s23+s1], $0x80, $0x38;
	[tilespmem:$0x8800] =	vst v63  }
0x523: {  	s25 =	sadd.s32 $0x10, s25;
	s17 =	sadd.s32 s4, s30;
	s22 =	spop (v2sf)  }
0x524: {  	[tilespmem:s15], [sflag:$0x2] =	stream.linear.gather [hbm4b:s17+s1], $0x80, $0x38;
	[tilespmem:$0x8800] =	vst v63  }
0x525: {  	s21 =	sand.u32 $0x1FFFFFF0, s31;
	s11 =	smov.u32 s7;
	s31 =	spop (v2sf)  }
0x526: {  	s23 =	sadd.s32 s3, s21;
	(v2sf) =	vpush v1, $0x8;
	s30 =	sand.u32 $0x1FFFFFF0, s22;
	s17 =	spop (v2sf)  }
0x527: {  	[tilespmem:s5], [sflag:$0x1] =	stream.linear.gather [hbm4b:s23+s1], $0x80, $0x38;
	[tilespmem:$0x8800] =	vst v63  }
0x528: {  	(v2sf) =	vpush v2, $0x9;
	s15 =	sadd.s32 s4, s30;
	s23 =	sld [smem:$0x7EF];
	s22 =	spop (v2sf)  }
0x529: {  	(v2sf) =	vpush v1, $0x9;
	[tilespmem:s18], [sflag:$0x2] =	stream.linear.gather [hbm4b:s15+s1], $0x80, $0x38;
	[tilespmem:$0x8800] =	vst v63  }
0x52a: {  	s16 =	sand.u32 $0x1FFFFFF0, s31;
	s21 =	sand.u32 $0x1FFFFFF0, s17;
	s5 =	spop (v2sf)  }
0x52b: {  	s30 =	sadd.s32 s4, s21;
	s18 =	sadd.s32 s3, s16;
	s7 =	sand.u32 $0x1FFFFFF0, s5  }
0x52c: {  	[tilespmem:s23], [sflag:$0x1] =	stream.linear.gather [hbm4b:s18+s1], $0x80, $0x38;
	[tilespmem:$0x8800] =	vst v63  }
0x52d: {  	(v2sf) =	vpush v2, $0xA;
	s31 =	sand.u32 $0x1FFFFFF0, s22;
	s15 =	spop (v2sf);
	s16 =	sadd.s32 s4, s7  }
0x52e: {  	[tilespmem:s6], [sflag:$0x2] =	stream.linear.gather [hbm4b:s30+s1], $0x80, $0x38;
	[tilespmem:$0x8800] =	vst v63  }
0x52f: {  	(v2sf) =	vpush v1, $0xA;
	s17 =	sand.u32 $0x1FFFFFF0, s15;
	s18 =	spop (v2sf);
	s6 =	sadd.s32 s3, s31  }
0x530: {  	[tilespmem:s10], [sflag:$0x1] =	stream.linear.gather [hbm4b:s6+s1], $0x80, $0x38;
	[tilespmem:$0x8800] =	vst v63  }
0x531: {  	s21 =	sadd.s32 s3, s17;
	s22 =	sand.u32 $0x1FFFFFF0, s18;
	s23 =	spop (v2sf)  }
0x532: {  	[tilespmem:s14], [sflag:$0x2] =	stream.linear.gather [hbm4b:s16+s1], $0x80, $0x38;
	[tilespmem:$0x8800] =	vst v63  }
0x533: {  	(v2sf) =	vpush v2, $0xB;
	s30 =	sadd.s32 s4, s22;
	s22 =	rddreg [dreg:$0x10];
	s31 =	sand.u32 $0x1FFFFFF0, s23  }
0x534: {  	[tilespmem:s9], [sflag:$0x1] =	stream.linear.gather [hbm4b:s21+s1], $0x80, $0x38;
	[tilespmem:$0x8800] =	vst v63  }
0x535: {  	(v2sf) =	vpush v1, $0xB;
	s6 =	sadd.s32 s3, s31;
	s5 =	spop (v2sf);
	s9 =	sld [smem:$0x7F0]  }
0x536: {  	(v2sf) =	vpush v2, $0xC;
	[tilespmem:s8], [sflag:$0x2] =	stream.linear.gather [hbm4b:s30+s1], $0x80, $0x38;
	[tilespmem:$0x8800] =	vst v63  }
0x537: {  	s16 =	sld [smem:$0x7F1];
	s7 =	sand.u32 $0x1FFFFFF0, s5;
	s8 =	spop (v2sf)  }
0x538: {  	(v2sf) =	vpush v1, $0xC;
	s10 =	sadd.s32 s4, s7;
	s14 =	sand.u32 $0x1FFFFFF0, s8;
	s15 =	spop (v2sf)  }
0x539: {  	[tilespmem:s9], [sflag:$0x1] =	stream.linear.gather [hbm4b:s6+s1], $0x80, $0x38;
	[tilespmem:$0x8800] =	vst v63  }
0x53a: {  	s7 =	rddreg [dreg:$0x18];
	s17 =	sadd.s32 s3, s14;
	s18 =	sand.u32 $0x1FFFFFF0, s15  }
0x53b: {  	[tilespmem:s16], [sflag:$0x2] =	stream.linear.gather [hbm4b:s10+s1], $0x80, $0x38;
	[tilespmem:$0x8800] =	vst v63  }
0x53c: {  	s21 =	spop (v2sf);
	s14 =	rddreg [dreg:$0x14];
	s23 =	sadd.s32 s4, s18  }
0x53d: {  	[tilespmem:s22], [sflag:$0x1] =	stream.linear.gather [hbm4b:s17+s1], $0x80, $0x38;
	[tilespmem:$0x8800] =	vst v63  }
0x53e: {  	s30 =	sand.u32 $0x1FFFFFF0, s21;
	s31 =	spop (v2sf);
	s18 =	rddreg [dreg:$0x8]  }
0x53f: {  	[tilespmem:s7], [sflag:$0x2] =	stream.linear.gather [hbm4b:s23+s1], $0x80, $0x38;
	[tilespmem:$0x8800] =	vst v63  }
0x540: {  	s8 =	sadd.s32 s3, s30;
	s9 =	sand.u32 $0x1FFFFFF0, s31;
	s30 =	rddreg [dreg:$0x1c]  }
0x541: {  	[tilespmem:s14], [sflag:$0x1] =	stream.linear.gather [hbm4b:s8+s1], $0x80, $0x38;
	[tilespmem:$0x8800] =	vst v63  }
0x542: {  	s10 =	spop (v2sf);
	s31 =	rddreg [dreg:$0xc];
	s15 =	sadd.s32 s4, s9  }
0x543: {  	(v2sf) =	vpush v2, $0xD;
	[tilespmem:s18], [sflag:$0x2] =	stream.linear.gather [hbm4b:s15+s1], $0x80, $0x38;
	[tilespmem:$0x8800] =	vst v63  }
.Ltmp6:
0x544: {  	(v2sf) =	vpush v1, $0xD;
	s16 =	sand.u32 $0x1FFFFFF0, s10;
	s17 =	spop (v2sf);
	(pc) =	sbr.rel @p0 .LBB2_14-.Ltmp6, $4  }
0x545: {  	(v2sf) =	vpush v2, $0xE;
	s21 =	sadd.s32 s3, s16;
	s22 =	sand.u32 $0x1FFFFFF0, s17;
	s23 =	spop (v2sf)  }
0x546: {  	(v2sf) =	vpush v1, $0xE;
	[tilespmem:s30], [sflag:$0x1] =	stream.linear.gather [hbm4b:s21+s1], $0x80, $0x38;
	[tilespmem:$0x8800] =	vst v63  }
0x547: {  	(v2sf) =	vpush v2, $0xF;
	s2 =	sadd.s32 s4, s22;
	s0 =	sand.u32 $0x1FFFFFF0, s23;
	s5 =	spop (v2sf)  }
0x548: {  	(v2sf) =	vpush v1, $0xF;
	[tilespmem:s31], [sflag:$0x2] =	stream.linear.gather [hbm4b:s2+s1], $0x80, $0x38;
	[tilespmem:$0x8800] =	vst v63  }
0x549: {  	_ =	sdelay $0x4  }
0x54a: {  	s0 =	sadd.s32 s3, s0;
	s2 =	sand.u32 $0x1FFFFFF0, s5  }
0x54b: {  	[tilespmem:s29], [sflag:$0x1] =	stream.linear.gather [hbm4b:s0+s1], $0x80, $0x38;
	[tilespmem:$0x8800] =	vst v63  }
0x54c: {  	s2 =	sadd.s32 s4, s2  }
0x54d: {  	[tilespmem:s11], [sflag:$0x2] =	stream.linear.gather [hbm4b:s2+s1], $0x80, $0x38;
	[tilespmem:$0x8800] =	vst v63  }
0x54e: {  	s31 =	spop (v2sf)  }
0x54f: {  	s22 =	sadd.s32 $0xB80, s19;
	s6 =	sand.u32 $0x1FFFFFF0, s31;
	s7 =	spop (v2sf)  }
0x550: {  	s8 =	sadd.s32 s3, s6;
	s9 =	sand.u32 $0x1FFFFFF0, s7;
	s10 =	spop (v2sf)  }
0x551: {  	[tilespmem:s13], [sflag:$0x1] =	stream.linear.gather [hbm4b:s8+s1], $0x80, $0x38;
	[tilespmem:$0x8800] =	vst v63  }
0x552: {  	s11 =	sadd.s32 s4, s9;
	s13 =	sand.u32 $0x1FFFFFF0, s10;
	s14 =	spop (v2sf)  }
0x553: {  	[tilespmem:s12], [sflag:$0x2] =	stream.linear.gather [hbm4b:s11+s1], $0x80, $0x38;
	[tilespmem:$0x8800] =	vst v63  }
0x554: {  	s15 =	sadd.s32 s3, s13;
	s16 =	sand.u32 $0x1FFFFFF0, s14;
	s17 =	spop (v2sf)  }
0x555: {  	[tilespmem:s28], [sflag:$0x1] =	stream.linear.gather [hbm4b:s15+s1], $0x80, $0x38;
	[tilespmem:$0x8800] =	vst v63  }
0x556: {  	s18 =	sadd.s32 s4, s16;
	s20 =	sand.u32 $0x1FFFFFF0, s17;
	s21 =	spop (v2sf)  }
0x557: {  	[tilespmem:s26], [sflag:$0x2] =	stream.linear.gather [hbm4b:s18+s1], $0x80, $0x38;
	[tilespmem:$0x8800] =	vst v63  }
0x558: {  	s23 =	sadd.s32 $0x4B80, s19;
	s2 =	sadd.s32 s3, s20;
	s5 =	sand.u32 $0x1FFFFFF0, s21  }
0x559: {  	[tilespmem:s22], [sflag:$0x1] =	stream.linear.gather [hbm4b:s2+s1], $0x80, $0x38;
	[tilespmem:$0x8800] =	vst v63  }
0x55a: {  	s25 =	simm.s32 $0x0;
	s24 =	sadd.s32 s4, s5;
	s26 =	simm.s32 $0x1  }
0x55b: {  	v1 =	vmov s25;
	[tilespmem:s23], [sflag:$0x2] =	stream.linear.gather [hbm4b:s24+s1], $0x80, $0x38;
	[tilespmem:$0x8800] =	vst v63  }
0x55c: {  	v1 =	vshll.u32 v1, $0x7;
	_ =	swait.ge [sflag:s26], $0x4000  }
0x55d: {  	v1 =	vor.u32 v0, v1;
	[sflag:s26] =	ssyncset.done $0x0  }
0x55e: {  	s28 =	simm.s32 $0x2;
	[sflag:s26] =	ssyncadd.s32 $0xFFFFC000  }
0x55f: {  	v2 =	vor.u32 $0x1, v1;
	_ =	swait.ge [sflag:s28], $0x4000  }
0x560: {  	[sflag:s28] =	ssyncset.done $0x0  }
0x561: {  	v3 =	vor.u32 $0x2, v1;
	s5 =	simm.s32 $0x4400;
	[sflag:s28] =	ssyncadd.s32 $0xFFFFC000  }
0x562: {  	s2 =	simm.s32 $0x400;
	v4 =	vld.idx.msk [tilespmem:v1+s5+$0x0], $0xffff  }
0x563: {  	v6 =	vor.u32 $0x3, v1;
	v5 =	vld.idx.msk [tilespmem:v1+s2+$0x0], $0xffff  }
0x564: {  	v7 =	vld.idx.msk [tilespmem:v2+s2+$0x0], $0xffff  }
0x565: {  	v8 =	vor.u32 $0x4, v1;
	v2 =	vld.idx.msk [tilespmem:v2+s5+$0x0], $0xffff  }
0x566: {  	v9 =	vld.idx.msk [tilespmem:v3+s2+$0x0], $0xffff  }
0x567: {  	v10 =	vor.u32 $0x5, v1;
	v3 =	vld.idx.msk [tilespmem:v3+s5+$0x0], $0xffff  }
0x568: {  	v11 =	vld.idx.msk [tilespmem:v6+s2+$0x0], $0xffff;
	v4 =	vmul.f32 v4, v5  }
0x569: {  	v40 =	vor.u32 $0x6, v1;
	v39 =	vld.idx.msk [tilespmem:v6+s5+$0x0], $0xffff  }
0x56a: {  	v12 =	vld.idx.msk [tilespmem:v8+s2+$0x0], $0xffff;
	v2 =	vmul.f32 v2, v7;
	v4 =	vadd.f32 $0.0e+00, v4  }
0x56b: {  	v42 =	vor.u32 $0x7, v1;
	v41 =	vld.idx.msk [tilespmem:v8+s5+$0x0], $0xffff  }
0x56c: {  	v13 =	vld.idx.msk [tilespmem:v10+s2+$0x0], $0xffff;
	v3 =	vmul.f32 v3, v9;
	v2 =	vadd.f32 v2, v4  }
0x56d: {  	v44 =	vor.u32 $0x8, v1;
	v43 =	vld.idx.msk [tilespmem:v10+s5+$0x0], $0xffff  }
0x56e: {  	v45 =	vld.idx.msk [tilespmem:v40+s2+$0x0], $0xffff;
	v2 =	vadd.f32 v3, v2;
	v3 =	vmul.f32 v39, v11  }
0x56f: {  	v47 =	vor.u32 $0x9, v1;
	v46 =	vld.idx.msk [tilespmem:v40+s5+$0x0], $0xffff  }
0x570: {  	v48 =	vld.idx.msk [tilespmem:v42+s2+$0x0], $0xffff;
	v2 =	vadd.f32 v3, v2;
	v3 =	vmul.f32 v41, v12  }
0x571: {  	v50 =	vor.u32 $0xA, v1;
	v49 =	vld.idx.msk [tilespmem:v42+s5+$0x0], $0xffff  }
0x572: {  	v51 =	vld.idx.msk [tilespmem:v44+s2+$0x0], $0xffff;
	v2 =	vadd.f32 v3, v2;
	v3 =	vmul.f32 v43, v13  }
0x573: {  	v53 =	vor.u32 $0xB, v1;
	v52 =	vld.idx.msk [tilespmem:v44+s5+$0x0], $0xffff  }
0x574: {  	v54 =	vld.idx.msk [tilespmem:v47+s2+$0x0], $0xffff;
	v2 =	vadd.f32 v3, v2;
	v3 =	vmul.f32 v46, v45  }
0x575: {  	v56 =	vor.u32 $0xC, v1;
	v55 =	vld.idx.msk [tilespmem:v47+s5+$0x0], $0xffff  }
0x576: {  	v57 =	vld.idx.msk [tilespmem:v50+s2+$0x0], $0xffff;
	v2 =	vadd.f32 v3, v2;
	v3 =	vmul.f32 v49, v48  }
0x577: {  	v59 =	vor.u32 $0xD, v1;
	v58 =	vld.idx.msk [tilespmem:v50+s5+$0x0], $0xffff  }
0x578: {  	v60 =	vld.idx.msk [tilespmem:v53+s2+$0x0], $0xffff;
	v2 =	vadd.f32 v3, v2;
	v3 =	vmul.f32 v52, v51  }
0x579: {  	v62 =	vor.u32 $0xE, v1;
	v61 =	vld.idx.msk [tilespmem:v53+s5+$0x0], $0xffff  }
0x57a: {  	v63 =	vld.idx.msk [tilespmem:v56+s2+$0x0], $0xffff;
	v2 =	vadd.f32 v3, v2;
	v3 =	vmul.f32 v55, v54  }
0x57b: {  	v15 =	vld.idx.msk [tilespmem:v56+s5+$0x0], $0xffff;
	v1 =	vor.u32 $0xF, v1  }
0x57c: {  	v16 =	vld.idx.msk [tilespmem:v59+s2+$0x0], $0xffff;
	v2 =	vadd.f32 v3, v2;
	v3 =	vmul.f32 v58, v57  }
0x57d: {  	v17 =	vld.idx.msk [tilespmem:v59+s5+$0x0], $0xffff  }
0x57e: {  	v18 =	vld.idx.msk [tilespmem:v62+s2+$0x0], $0xffff;
	v2 =	vadd.f32 v3, v2;
	v3 =	vmul.f32 v61, v60  }
0x57f: {  	v19 =	vld.idx.msk [tilespmem:v62+s5+$0x0], $0xffff  }
0x580: {  	v20 =	vld.idx.msk [tilespmem:v1+s2+$0x0], $0xffff;
	v2 =	vadd.f32 v3, v2;
	v3 =	vmul.f32 v15, v63  }
0x581: {  	v1 =	vld.idx.msk [tilespmem:v1+s5+$0x0], $0xffff  }
0x582: {  	v2 =	vadd.f32 v3, v2;
	v3 =	vmul.f32 v17, v16;
	_ =	sdelay $0x1  }
0x583: {  	s29 =	simm.s32 $0x8580;
	v2 =	vadd.f32 v3, v2;
	v3 =	vmul.f32 v19, v18  }
0x584: {  	v21 =	vld [tilespmem:s29+$0x0]  }
0x585: {  	v1 =	vmul.f32 v1, v20;
	v2 =	vadd.f32 v3, v2;
	_ =	sdelay $0x1  }
0x586: {  	v1 =	vadd.f32 v1, v2;
	_ =	sdelay $0x1  }
0x587: {  	v1 =	vsub.f32 v21, v1;
	_ =	sdelay $0x1  }
0x588: {  	v1 =	vadd.f32 $0.0e+00, v1;
	_ =	sdelay $0x1  }
0x589: {  	v1 =	vmul.f32 $1.442695020e+00, v1;
	_ =	sdelay $0x1  }
0x58a: {  	(erf) = vpow2.f32 v1;
	_ =	sdelay $0x8  }
0x58b: {  	v1 =	vpop (erf)  }
0x58c: {  	v1 =	vadd.f32 $1.000000000e+00, v1;
	_ =	sdelay $0x1  }
0x58d: {  	(erf) = vrcp.f32 v1;
	_ =	sdelay $0x2  }
0x58e: {  	s30 =	simm.s32 $0x10  }
0x58f: {  	v1 =	vmov s30  }
0x590: {  	v1 =	vshll.u32 v1, $0x7  }
0x591: {  	v1 =	vor.u32 v0, v1;
	_ =	sdelay $0x1  }
0x592: {  	v2 =	vor.u32 $0x1, v1  }
0x593: {  	s19 =	simm.s32 $0x8780;
	v3 =	vpop (erf)  }
0x594: {  	v22 =	vor.u32 $0x2, v1;
	[tilespmem:s19+$0x0] =	vst v3  }
0x595: {  	v3 =	vld.idx.msk [tilespmem:v1+s5+$0x0], $0xffff  }
0x596: {  	v24 =	vor.u32 $0x3, v1;
	v23 =	vld.idx.msk [tilespmem:v1+s2+$0x0], $0xffff  }
0x597: {  	v25 =	vld.idx.msk [tilespmem:v2+s2+$0x0], $0xffff  }
0x598: {  	v26 =	vor.u32 $0x4, v1;
	v2 =	vld.idx.msk [tilespmem:v2+s5+$0x0], $0xffff  }
0x599: {  	v27 =	vld.idx.msk [tilespmem:v22+s2+$0x0], $0xffff  }
0x59a: {  	v28 =	vor.u32 $0x5, v1;
	v4 =	vld.idx.msk [tilespmem:v22+s5+$0x0], $0xffff  }
0x59b: {  	v29 =	vld.idx.msk [tilespmem:v24+s2+$0x0], $0xffff;
	v3 =	vmul.f32 v3, v23  }
0x59c: {  	v31 =	vor.u32 $0x6, v1;
	v30 =	vld.idx.msk [tilespmem:v24+s5+$0x0], $0xffff  }
0x59d: {  	v32 =	vld.idx.msk [tilespmem:v26+s2+$0x0], $0xffff;
	v2 =	vmul.f32 v2, v25;
	v3 =	vadd.f32 $0.0e+00, v3  }
0x59e: {  	v34 =	vor.u32 $0x7, v1;
	v33 =	vld.idx.msk [tilespmem:v26+s5+$0x0], $0xffff  }
0x59f: {  	v35 =	vld.idx.msk [tilespmem:v28+s2+$0x0], $0xffff;
	v2 =	vadd.f32 v2, v3;
	v3 =	vmul.f32 v4, v27  }
0x5a0: {  	v37 =	vor.u32 $0x8, v1;
	v36 =	vld.idx.msk [tilespmem:v28+s5+$0x0], $0xffff  }
0x5a1: {  	v38 =	vld.idx.msk [tilespmem:v31+s2+$0x0], $0xffff;
	v2 =	vadd.f32 v3, v2;
	v3 =	vmul.f32 v30, v29  }
0x5a2: {  	v40 =	vor.u32 $0x9, v1;
	v39 =	vld.idx.msk [tilespmem:v31+s5+$0x0], $0xffff  }
0x5a3: {  	v41 =	vld.idx.msk [tilespmem:v34+s2+$0x0], $0xffff;
	v2 =	vadd.f32 v3, v2;
	v3 =	vmul.f32 v33, v32  }
0x5a4: {  	v43 =	vor.u32 $0xA, v1;
	v42 =	vld.idx.msk [tilespmem:v34+s5+$0x0], $0xffff  }
0x5a5: {  	v44 =	vld.idx.msk [tilespmem:v37+s2+$0x0], $0xffff;
	v2 =	vadd.f32 v3, v2;
	v3 =	vmul.f32 v36, v35  }
0x5a6: {  	v46 =	vor.u32 $0xB, v1;
	v45 =	vld.idx.msk [tilespmem:v37+s5+$0x0], $0xffff  }
0x5a7: {  	v47 =	vld.idx.msk [tilespmem:v40+s2+$0x0], $0xffff;
	v2 =	vadd.f32 v3, v2;
	v3 =	vmul.f32 v39, v38  }
0x5a8: {  	v49 =	vor.u32 $0xC, v1;
	v48 =	vld.idx.msk [tilespmem:v40+s5+$0x0], $0xffff  }
0x5a9: {  	v50 =	vld.idx.msk [tilespmem:v43+s2+$0x0], $0xffff;
	v2 =	vadd.f32 v3, v2;
	v3 =	vmul.f32 v42, v41  }
0x5aa: {  	v52 =	vor.u32 $0xD, v1;
	v51 =	vld.idx.msk [tilespmem:v43+s5+$0x0], $0xffff  }
0x5ab: {  	v53 =	vld.idx.msk [tilespmem:v46+s2+$0x0], $0xffff;
	v2 =	vadd.f32 v3, v2;
	v3 =	vmul.f32 v45, v44  }
0x5ac: {  	v55 =	vor.u32 $0xE, v1;
	v54 =	vld.idx.msk [tilespmem:v46+s5+$0x0], $0xffff  }
0x5ad: {  	v56 =	vld.idx.msk [tilespmem:v49+s2+$0x0], $0xffff;
	v2 =	vadd.f32 v3, v2;
	v3 =	vmul.f32 v48, v47  }
0x5ae: {  	v57 =	vld.idx.msk [tilespmem:v49+s5+$0x0], $0xffff;
	v1 =	vor.u32 $0xF, v1  }
0x5af: {  	v58 =	vld.idx.msk [tilespmem:v52+s2+$0x0], $0xffff;
	v2 =	vadd.f32 v3, v2;
	v3 =	vmul.f32 v51, v50  }
0x5b0: {  	v59 =	vld.idx.msk [tilespmem:v52+s5+$0x0], $0xffff  }
0x5b1: {  	v60 =	vld.idx.msk [tilespmem:v55+s2+$0x0], $0xffff;
	v2 =	vadd.f32 v3, v2;
	v3 =	vmul.f32 v54, v53  }
0x5b2: {  	v61 =	vld.idx.msk [tilespmem:v55+s5+$0x0], $0xffff  }
0x5b3: {  	v62 =	vld.idx.msk [tilespmem:v1+s2+$0x0], $0xffff;
	v2 =	vadd.f32 v3, v2;
	v3 =	vmul.f32 v57, v56  }
0x5b4: {  	v1 =	vld.idx.msk [tilespmem:v1+s5+$0x0], $0xffff  }
0x5b5: {  	v2 =	vadd.f32 v3, v2;
	v3 =	vmul.f32 v59, v58;
	_ =	sdelay $0x1  }
0x5b6: {  	s20 =	simm.s32 $0x8590;
	v2 =	vadd.f32 v3, v2;
	v3 =	vmul.f32 v61, v60  }
0x5b7: {  	v63 =	vld [tilespmem:s20+$0x0]  }
0x5b8: {  	v1 =	vmul.f32 v1, v62;
	v2 =	vadd.f32 v3, v2;
	_ =	sdelay $0x1  }
0x5b9: {  	v1 =	vadd.f32 v1, v2;
	_ =	sdelay $0x1  }
0x5ba: {  	v1 =	vsub.f32 v63, v1;
	_ =	sdelay $0x1  }
0x5bb: {  	v1 =	vadd.f32 $0.0e+00, v1;
	_ =	sdelay $0x1  }
0x5bc: {  	v1 =	vmul.f32 $1.442695020e+00, v1;
	_ =	sdelay $0x1  }
0x5bd: {  	(erf) = vpow2.f32 v1;
	_ =	sdelay $0x8  }
0x5be: {  	v1 =	vpop (erf)  }
0x5bf: {  	v1 =	vadd.f32 $1.000000000e+00, v1;
	_ =	sdelay $0x1  }
0x5c0: {  	(erf) = vrcp.f32 v1;
	_ =	sdelay $0x2  }
0x5c1: {  	s31 =	simm.s32 $0x20  }
0x5c2: {  	v2 =	vmov s31  }
0x5c3: {  	s0 =	simm.s32 $0x30;
	v1 =	vshll.u32 v2, $0x7  }
.LBB2_16:
0x5c4: {  	p0 =	sne.s32 s0, $0x70;
	v1 =	vor.u32 v0, v1;
	_ =	sdelay $0x1  }
0x5c5: {  	v2 =	vor.u32 $0x1, v1  }
0x5c6: {  	s19 =	sadd.s32 $0x10, s19;
	v3 =	vpop (erf)  }
0x5c7: {  	v4 =	vor.u32 $0x2, v1;
	[tilespmem:s19+$0x0] =	vst v3  }
0x5c8: {  	v3 =	vld.idx.msk [tilespmem:v1+s5+$0x0], $0xffff  }
0x5c9: {  	v6 =	vor.u32 $0x3, v1;
	v5 =	vld.idx.msk [tilespmem:v1+s2+$0x0], $0xffff  }
0x5ca: {  	v7 =	vld.idx.msk [tilespmem:v2+s2+$0x0], $0xffff  }
0x5cb: {  	v8 =	vor.u32 $0x4, v1;
	v2 =	vld.idx.msk [tilespmem:v2+s5+$0x0], $0xffff  }
0x5cc: {  	v9 =	vld.idx.msk [tilespmem:v4+s2+$0x0], $0xffff  }
0x5cd: {  	v10 =	vor.u32 $0x5, v1;
	v4 =	vld.idx.msk [tilespmem:v4+s5+$0x0], $0xffff  }
0x5ce: {  	v11 =	vld.idx.msk [tilespmem:v6+s2+$0x0], $0xffff  }
0x5cf: {  	v3 =	vmul.f32 v3, v5;
	v5 =	vld.idx.msk [tilespmem:v6+s5+$0x0], $0xffff;
	v6 =	vor.u32 $0x6, v1  }
0x5d0: {  	v12 =	vld.idx.msk [tilespmem:v8+s2+$0x0], $0xffff  }
0x5d1: {  	v3 =	vadd.f32 $0.0e+00, v3;
	v2 =	vmul.f32 v2, v7;
	v7 =	vld.idx.msk [tilespmem:v8+s5+$0x0], $0xffff;
	v8 =	vor.u32 $0x7, v1  }
0x5d2: {  	v13 =	vld.idx.msk [tilespmem:v10+s2+$0x0], $0xffff  }
0x5d3: {  	v2 =	vadd.f32 v2, v3;
	v3 =	vmul.f32 v4, v9;
	v9 =	vor.u32 $0x8, v1;
	v4 =	vld.idx.msk [tilespmem:v10+s5+$0x0], $0xffff  }
0x5d4: {  	v10 =	vld.idx.msk [tilespmem:v6+s2+$0x0], $0xffff  }
0x5d5: {  	v2 =	vadd.f32 v3, v2;
	v3 =	vmul.f32 v5, v11;
	v5 =	vld.idx.msk [tilespmem:v6+s5+$0x0], $0xffff;
	v6 =	vor.u32 $0x9, v1  }
0x5d6: {  	v11 =	vld.idx.msk [tilespmem:v8+s2+$0x0], $0xffff  }
0x5d7: {  	v2 =	vadd.f32 v3, v2;
	v3 =	vmul.f32 v7, v12;
	v7 =	vld.idx.msk [tilespmem:v8+s5+$0x0], $0xffff;
	v8 =	vor.u32 $0xA, v1  }
0x5d8: {  	v12 =	vld.idx.msk [tilespmem:v9+s2+$0x0], $0xffff  }
0x5d9: {  	v2 =	vadd.f32 v3, v2;
	v3 =	vmul.f32 v4, v13;
	v4 =	vld.idx.msk [tilespmem:v9+s5+$0x0], $0xffff;
	v9 =	vor.u32 $0xB, v1  }
0x5da: {  	v13 =	vld.idx.msk [tilespmem:v6+s2+$0x0], $0xffff  }
0x5db: {  	v2 =	vadd.f32 v3, v2;
	v3 =	vmul.f32 v5, v10;
	v5 =	vld.idx.msk [tilespmem:v6+s5+$0x0], $0xffff;
	v6 =	vor.u32 $0xC, v1  }
0x5dc: {  	v10 =	vld.idx.msk [tilespmem:v8+s2+$0x0], $0xffff  }
0x5dd: {  	v2 =	vadd.f32 v3, v2;
	v3 =	vmul.f32 v7, v11;
	v7 =	vld.idx.msk [tilespmem:v8+s5+$0x0], $0xffff;
	v8 =	vor.u32 $0xD, v1  }
0x5de: {  	v11 =	vld.idx.msk [tilespmem:v9+s2+$0x0], $0xffff  }
0x5df: {  	v2 =	vadd.f32 v3, v2;
	v3 =	vmul.f32 v4, v12;
	v4 =	vld.idx.msk [tilespmem:v9+s5+$0x0], $0xffff;
	v9 =	vor.u32 $0xE, v1  }
0x5e0: {  	v12 =	vld.idx.msk [tilespmem:v6+s2+$0x0], $0xffff  }
0x5e1: {  	v1 =	vor.u32 $0xF, v1;
	v2 =	vadd.f32 v3, v2;
	v3 =	vmul.f32 v5, v13;
	v5 =	vld.idx.msk [tilespmem:v6+s5+$0x0], $0xffff  }
0x5e2: {  	v6 =	vld.idx.msk [tilespmem:v8+s2+$0x0], $0xffff  }
0x5e3: {  	v2 =	vadd.f32 v3, v2;
	v3 =	vmul.f32 v7, v10;
	v7 =	vld.idx.msk [tilespmem:v8+s5+$0x0], $0xffff  }
0x5e4: {  	v8 =	vld.idx.msk [tilespmem:v9+s2+$0x0], $0xffff  }
0x5e5: {  	v2 =	vadd.f32 v3, v2;
	v3 =	vmul.f32 v4, v11;
	v4 =	vld.idx.msk [tilespmem:v9+s5+$0x0], $0xffff  }
0x5e6: {  	v9 =	vld.idx.msk [tilespmem:v1+s2+$0x0], $0xffff  }
0x5e7: {  	v2 =	vadd.f32 v3, v2;
	v3 =	vmul.f32 v5, v12;
	v1 =	vld.idx.msk [tilespmem:v1+s5+$0x0], $0xffff;
	_ =	sdelay $0x1  }
0x5e8: {  	v2 =	vadd.f32 v3, v2;
	v3 =	vmul.f32 v7, v6;
	_ =	sdelay $0x1  }
0x5e9: {  	s20 =	sadd.s32 $0x10, s20;
	v2 =	vadd.f32 v3, v2;
	v3 =	vmul.f32 v4, v8  }
0x5ea: {  	v4 =	vld [tilespmem:s20+$0x0]  }
0x5eb: {  	v2 =	vadd.f32 v3, v2;
	v1 =	vmul.f32 v1, v9;
	_ =	sdelay $0x1  }
0x5ec: {  	v1 =	vadd.f32 v1, v2;
	_ =	sdelay $0x1  }
0x5ed: {  	v1 =	vsub.f32 v4, v1;
	_ =	sdelay $0x1  }
0x5ee: {  	v1 =	vadd.f32 $0.0e+00, v1;
	_ =	sdelay $0x1  }
0x5ef: {  	v1 =	vmul.f32 $1.442695020e+00, v1;
	_ =	sdelay $0x1  }
0x5f0: {  	(erf) = vpow2.f32 v1;
	_ =	sdelay $0x8  }
0x5f1: {  	v1 =	vpop (erf)  }
0x5f2: {  	v1 =	vadd.f32 $1.000000000e+00, v1;
	_ =	sdelay $0x1  }
0x5f3: {  	(erf) = vrcp.f32 v1  }
.Ltmp7:
0x5f4: {  	(pc) =	sbr.rel @p0 .LBB2_16-.Ltmp7, $3  }
0x5f5: {  	_ =	sdelay $0x1  }
0x5f6: {  	v1 =	vmov s0  }
0x5f7: {  	s0 =	sadd.s32 $0x10, s0;
	v1 =	vshll.u32 v1, $0x7  }
0x5f8: {  	v1 =	vor.u32 v0, v1;
	_ =	sdelay $0x1  }
0x5f9: {  	v2 =	vor.u32 $0x1, v1  }
0x5fa: {  	s0 =	sadd.s32 $0x10, s19;
	v3 =	vpop (erf)  }
0x5fb: {  	v4 =	vor.u32 $0x2, v1;
	[tilespmem:s0+$0x0] =	vst v3  }
0x5fc: {  	v3 =	vld.idx.msk [tilespmem:v1+s5+$0x0], $0xffff  }
0x5fd: {  	v6 =	vor.u32 $0x3, v1;
	v5 =	vld.idx.msk [tilespmem:v1+s2+$0x0], $0xffff  }
0x5fe: {  	v7 =	vld.idx.msk [tilespmem:v2+s2+$0x0], $0xffff  }
0x5ff: {  	v8 =	vor.u32 $0x4, v1;
	v2 =	vld.idx.msk [tilespmem:v2+s5+$0x0], $0xffff  }
0x600: {  	v9 =	vld.idx.msk [tilespmem:v4+s2+$0x0], $0xffff  }
0x601: {  	v10 =	vor.u32 $0x5, v1;
	v4 =	vld.idx.msk [tilespmem:v4+s5+$0x0], $0xffff  }
0x602: {  	v11 =	vld.idx.msk [tilespmem:v6+s2+$0x0], $0xffff;
	v3 =	vmul.f32 v3, v5  }
0x603: {  	v33 =	vor.u32 $0x6, v1;
	v32 =	vld.idx.msk [tilespmem:v6+s5+$0x0], $0xffff  }
0x604: {  	v12 =	vld.idx.msk [tilespmem:v8+s2+$0x0], $0xffff;
	v2 =	vmul.f32 v2, v7;
	v3 =	vadd.f32 $0.0e+00, v3  }
0x605: {  	v35 =	vor.u32 $0x7, v1;
	v34 =	vld.idx.msk [tilespmem:v8+s5+$0x0], $0xffff  }
0x606: {  	v13 =	vld.idx.msk [tilespmem:v10+s2+$0x0], $0xffff;
	v2 =	vadd.f32 v2, v3;
	v3 =	vmul.f32 v4, v9  }
0x607: {  	v37 =	vor.u32 $0x8, v1;
	v36 =	vld.idx.msk [tilespmem:v10+s5+$0x0], $0xffff  }
0x608: {  	v38 =	vld.idx.msk [tilespmem:v33+s2+$0x0], $0xffff;
	v2 =	vadd.f32 v3, v2;
	v3 =	vmul.f32 v32, v11  }
0x609: {  	v40 =	vor.u32 $0x9, v1;
	v39 =	vld.idx.msk [tilespmem:v33+s5+$0x0], $0xffff  }
0x60a: {  	v41 =	vld.idx.msk [tilespmem:v35+s2+$0x0], $0xffff;
	v2 =	vadd.f32 v3, v2;
	v3 =	vmul.f32 v34, v12  }
0x60b: {  	v43 =	vor.u32 $0xA, v1;
	v42 =	vld.idx.msk [tilespmem:v35+s5+$0x0], $0xffff  }
0x60c: {  	v44 =	vld.idx.msk [tilespmem:v37+s2+$0x0], $0xffff;
	v2 =	vadd.f32 v3, v2;
	v3 =	vmul.f32 v36, v13  }
0x60d: {  	v46 =	vor.u32 $0xB, v1;
	v45 =	vld.idx.msk [tilespmem:v37+s5+$0x0], $0xffff  }
0x60e: {  	v47 =	vld.idx.msk [tilespmem:v40+s2+$0x0], $0xffff;
	v2 =	vadd.f32 v3, v2;
	v3 =	vmul.f32 v39, v38  }
0x60f: {  	v49 =	vor.u32 $0xC, v1;
	v48 =	vld.idx.msk [tilespmem:v40+s5+$0x0], $0xffff  }
0x610: {  	v50 =	vld.idx.msk [tilespmem:v43+s2+$0x0], $0xffff;
	v2 =	vadd.f32 v3, v2;
	v3 =	vmul.f32 v42, v41  }
0x611: {  	v52 =	vor.u32 $0xD, v1;
	v51 =	vld.idx.msk [tilespmem:v43+s5+$0x0], $0xffff  }
0x612: {  	v53 =	vld.idx.msk [tilespmem:v46+s2+$0x0], $0xffff;
	v2 =	vadd.f32 v3, v2;
	v3 =	vmul.f32 v45, v44  }
0x613: {  	v55 =	vor.u32 $0xE, v1;
	v54 =	vld.idx.msk [tilespmem:v46+s5+$0x0], $0xffff  }
0x614: {  	v56 =	vld.idx.msk [tilespmem:v49+s2+$0x0], $0xffff;
	v2 =	vadd.f32 v3, v2;
	v3 =	vmul.f32 v48, v47  }
0x615: {  	v1 =	vor.u32 $0xF, v1;
	v57 =	vld.idx.msk [tilespmem:v49+s5+$0x0], $0xffff  }
0x616: {  	v58 =	vld.idx.msk [tilespmem:v52+s2+$0x0], $0xffff;
	v2 =	vadd.f32 v3, v2;
	v3 =	vmul.f32 v51, v50  }
0x617: {  	v59 =	vld.idx.msk [tilespmem:v52+s5+$0x0], $0xffff  }
0x618: {  	v60 =	vld.idx.msk [tilespmem:v55+s2+$0x0], $0xffff;
	v2 =	vadd.f32 v3, v2;
	v3 =	vmul.f32 v54, v53  }
0x619: {  	v61 =	vld.idx.msk [tilespmem:v55+s5+$0x0], $0xffff  }
0x61a: {  	v62 =	vld.idx.msk [tilespmem:v1+s2+$0x0], $0xffff;
	v2 =	vadd.f32 v3, v2;
	v3 =	vmul.f32 v57, v56  }
0x61b: {  	v1 =	vld.idx.msk [tilespmem:v1+s5+$0x0], $0xffff  }
0x61c: {  	v2 =	vadd.f32 v3, v2;
	v3 =	vmul.f32 v59, v58;
	_ =	sdelay $0x1  }
0x61d: {  	s26 =	sadd.s32 $0x10, s20;
	v2 =	vadd.f32 v3, v2;
	v3 =	vmul.f32 v61, v60  }
0x61e: {  	v63 =	vld [tilespmem:s26+$0x0]  }
0x61f: {  	v1 =	vmul.f32 v1, v62;
	v2 =	vadd.f32 v3, v2;
	_ =	sdelay $0x1  }
0x620: {  	v1 =	vadd.f32 v1, v2;
	_ =	sdelay $0x1  }
0x621: {  	v1 =	vsub.f32 v63, v1;
	_ =	sdelay $0x1  }
0x622: {  	v1 =	vadd.f32 $0.0e+00, v1;
	_ =	sdelay $0x1  }
0x623: {  	v1 =	vmul.f32 $1.442695020e+00, v1;
	_ =	sdelay $0x1  }
0x624: {  	(erf) = vpow2.f32 v1;
	_ =	sdelay $0x8  }
0x625: {  	v1 =	vpop (erf)  }
0x626: {  	v1 =	vadd.f32 $1.000000000e+00, v1;
	_ =	sdelay $0x1  }
0x627: {  	(erf) = vrcp.f32 v1;
	_ =	sdelay $0x7  }
0x628: {  	s28 =	sld [smem:$0x7FC]  }
0x629: {  	s0 =	sadd.s32 $0x10, s0;
	v1 =	vpop (erf)  }
0x62a: {  	s29 =	simm.s32 $0x8600;
	s5 =	simm.s32 $0x4;
	[tilespmem:s0+$0x0] =	vst v1  }
0x62b: {  	[hbm4b:s28+s1] =	stream.linear.scatter [tilespmem:s29], [sflag:$0x4], $0x200, $0x38;
	[tilespmem:$0x8800] =	vst v63  }
0x62c: {  	_ =	swait.ge [sflag:s5], $0x200  }
0x62d: {  	s30 =	sld [smem:$0x7F8]  }
0x62e: {  	s31 =	sld [smem:$0x7FD];
	_ =	sdelay $0x1  }
0x62f: {  	s2 =	sadd.s32 $0x1, s30  }
0x630: {  	p0 =	sne.s32 s2, s31  }
.Ltmp8:
0x631: {  	_ = 	snop;
	(pc) =	sbr.rel @p0 .LBB2_1-.Ltmp8, $3  }
0x632: {  	_ =	sdelay $0x1  }
0x633: {  	[sflag:s5] =	ssyncset.done $0x0  }
0x634: {  	[sflag:s5] =	ssyncadd.s32 $0xFFFFFE00  }
0x635: {  	_ =	sfence.sel $0x180000  }
0x636: {  	[bflag:$0x0] =	sbarrier.arrive $0xFFFF  }
0x637: {  	_ =	strace $0x90000047  }
0x638: {  	s0 =	stileid.u32;
	[bflag:$0x2] =	sbarrier.arrive $0xFFFF  }
0x639: {  	p0 =	sne.s32 s0, $0x0;
	s0 =	rddreg [dreg:$0x4]  }
0x63a: {  	s0 =	sadd.s32 @!p0 $0x100000, s0  }
0x63b: {  	[sflag:s0] =	ssyncadd.tile.s32 @!p0 $0x1;
	_ =	shalt  }
.Lfunc_end2:
_tile_overlayer_lowered:
.L_overlay_start_2:
0x63c: {  	(tag) =	ssettag $0x2  }
0x63d: {  	s0 =	rddreg [dreg:$0x0];
	s2 =	stileid.u32  }
0x63e: {  	s1 =	rddreg [dreg:$0x1];
	p0 =	sne.s32 s2, $0x0  }
0x63f: {  	s3 =	rddreg [dreg:$0x2];
	[bflag:$0x3] =	sbarrier.arrive $0xFFFF;
	s2 =	simm.s32 @!p0 $0x1C04  }
0x640: {  	[timem:s3], [sflag:s2] =	dma.local @!p0 [hbm:s0], s1  }
0x641: {  	s0 =	simm.s32 @!p0 $0x4  }
0x642: {  	_ =	swait.ge @!p0 [sflag:s0], s1  }
0x643: {  	s1 =	ssub.s32 @!p0 $0x0, s1;
	[sflag:s0] =	ssyncset.done @!p0 $0x0  }
0x644: {  	[sflag:s0] =	ssyncadd.s32 @!p0 s1  }
0x645: {  	[bflag:$0x3] =	sbarrier.arrive $0xFFFF  }
0x646: {  	_ =	shalt  }

</sc_bundles>
